<compile_context>
chip_gen: v7x
topology: tpu7x:2x2x1
jax: 0.10.2.dev20260603
libtpu: 0.0.44.dev20260713+nightly
codegen_flags: <defaults>
</compile_context>

<pallas_src>
import functools

import jax
import jax.numpy as jnp
from jax import lax
from jax.experimental import pallas as pl
from jax.experimental.pallas import tpu as pltpu
from jax.experimental.pallas import tpu_sc as plsc

F32 = jnp.float32
BF16 = jnp.bfloat16



def _prep_body(x_ref, wea_ref, web_ref, be1_ref, w1a_ref, b1_ref,
               pa_ref, pb_ref, q_ref):
    xb = x_ref[...]
    pa_ref[...] = jnp.dot(xb, wea_ref[...], preferred_element_type=F32) + be1_ref[...]
    pb_ref[...] = jnp.dot(xb, web_ref[...], preferred_element_type=F32)
    q = jnp.dot(xb, w1a_ref[...], preferred_element_type=F32) + b1_ref[...]
    q_ref[...] = q


def _edge_body(eb, d, ed, a_ref, ea_ref, qr_hbm, bd1_ref, bd2_ref,
               be2p_ref, bdw_ref, ean_ref, hn_ref, qrv, sem):
    i = pl.program_id(0)
    b = lax.rem(i, 2)

    def issue(step, buf):
        pltpu.make_async_copy(qr_hbm.at[pl.ds(step * eb, eb)], qrv.at[buf],
                              sem).start()

    @pl.when(i == 0)
    def _():
        issue(0, 0)

    @pl.when(i + 1 < pl.num_programs(0))
    def _():
        issue(i + 1, 1 - b)

    pltpu.make_async_copy(qr_hbm.at[pl.ds(i * eb, eb)], qrv.at[b], sem).wait()
    t_p = a_ref[...] + jnp.dot(ea_ref[...], bd1_ref[...],
                               preferred_element_type=F32)
    he_p = jax.nn.softplus(t_p)
    ean_p = jnp.dot(he_p, bd2_ref[...],
                    preferred_element_type=F32) + be2p_ref[...]
    ean_ref[...] = ean_p
    v = jnp.dot(ean_p, bdw_ref[...],
                preferred_element_type=F32).reshape(eb, d)
    u = qrv[b] + v
    hn_ref[...] = jax.nn.softplus(u)


def _final_body(n, s_ref, c_ref, w2_ref, b2_ref, out_ref):
    sacc = s_ref[...]
    cnt = lax.dot_general(c_ref[...], b2_ref[...], (((0,), (0,)), ((), ())),
                          preferred_element_type=F32)
    out_ref[...] = jnp.dot(sacc, w2_ref[...], preferred_element_type=F32) + cnt



def _make_gather(n, e, d, ed):
    g = 128
    ng = e // g
    nt = 32
    jmax = (ng + nt - 1) // nt
    mesh = plsc.VectorSubcoreMesh(core_axis_name="c", subcore_axis_name="s",
                                  num_cores=2, num_subcores=16)

    @functools.partial(
        pl.kernel,
        out_type=[jax.ShapeDtypeStruct((e * ed // 128, 128), F32),
                  jax.ShapeDtypeStruct((e, d), F32)],
        mesh=mesh,
        compiler_params=pltpu.CompilerParams(use_tc_tiling_on_sc=False, needs_layout_passes=False),
        scratch_types=[pltpu.VMEM((2, g), jnp.int32),
                       pltpu.VMEM((2, g), jnp.int32),
                       pltpu.VMEM((2, g, ed), F32),
                       pltpu.VMEM((2, g, ed), F32),
                       pltpu.VMEM((2, g * ed // 128, 128), F32),
                       pltpu.VMEM((2, g, d), F32),
                       pltpu.SemaphoreType.DMA,
                       pltpu.SemaphoreType.DMA,
                       pltpu.SemaphoreType.DMA,
                       pltpu.SemaphoreType.DMA],
    )
    def gather(pa_hbm, pb_hbm, q_hbm, row_hbm, col_hbm, a_hbm, qr_hbm,
               ir, ic, bpa, bpb, ba, bq, sidx, sp, sq, sout):
        wid = lax.axis_index("s") * 2 + lax.axis_index("c")

        def valid(j):
            return wid + nt * j < ng

        def issue_idx(j, b):
            @pl.when(valid(j))
            def _():
                base = (wid + nt * j) * g
                pltpu.async_copy(row_hbm.at[pl.ds(base, g)], ir.at[b], sidx)
                pltpu.async_copy(col_hbm.at[pl.ds(base, g)], ic.at[b], sidx)

        def wait_idx(j, b):
            @pl.when(valid(j))
            def _():
                base = (wid + nt * j) * g
                pltpu.make_async_copy(row_hbm.at[pl.ds(base, g)], ir.at[b],
                                      sidx).wait()
                pltpu.make_async_copy(col_hbm.at[pl.ds(base, g)], ic.at[b],
                                      sidx).wait()

        def issue_gathers(j, b):
            @pl.when(valid(j))
            def _():
                pltpu.async_copy(pa_hbm.at[ir.at[b]], bpa.at[b], sp)
                pltpu.async_copy(pb_hbm.at[ic.at[b]], bpb.at[b], sp)
                pltpu.async_copy(q_hbm.at[ir.at[b]], bq.at[b], sq)

        def drain_out(j, b):
            @pl.when(valid(j))
            def _():
                pltpu.make_async_copy(ba.at[b],
                                      a_hbm.at[pl.ds(0, g * ed // 128)],
                                      sout).wait()
                pltpu.make_async_copy(bq.at[b], qr_hbm.at[pl.ds(0, g)],
                                      sout).wait()

        issue_idx(0, 0)
        wait_idx(0, 0)
        issue_gathers(0, 0)

        @pl.loop(0, jmax)
        def _(j):
            b = lax.rem(j, 2)
            nb = 1 - b

            issue_idx(j + 1, nb)

            @pl.when(j >= 1)
            def _():
                drain_out(j - 1, nb)

            wait_idx(j + 1, nb)
            issue_gathers(j + 1, nb)

            @pl.when(valid(j))
            def _():
                base = (wid + nt * j) * g
                pltpu.make_async_copy(pa_hbm.at[ir.at[b]], bpa.at[b],
                                      sp).wait()
                pltpu.make_async_copy(pb_hbm.at[ic.at[b]], bpb.at[b],
                                      sp).wait()
                for i in range(g):
                    ba[b, i // 8, pl.ds((i % 8) * ed, ed)] = (
                        bpa[b, i, :] + bpb[b, i, :])
                pltpu.make_async_copy(q_hbm.at[ir.at[b]], bq.at[b], sq).wait()
                pltpu.async_copy(
                    ba.at[b],
                    a_hbm.at[pl.ds((wid + nt * j) * (g * ed // 128),
                                   g * ed // 128)], sout)
                pltpu.async_copy(bq.at[b], qr_hbm.at[pl.ds(base, g)], sout)

        drain_out(jmax - 1, (jmax - 1) % 2)

    return gather


def _make_scatter(n, e, d, ed):
    g = 128
    ng = e // g
    nt = 32
    h = d // 2
    jmax = (ng + 16 - 1) // 16
    rpt = n // 16
    rb = rpt // 5
    mesh = plsc.VectorSubcoreMesh(core_axis_name="c", subcore_axis_name="s",
                                  num_cores=2, num_subcores=16)

    @functools.partial(
        pl.kernel,
        out_type=[jax.ShapeDtypeStruct((n, d), F32),
                  jax.ShapeDtypeStruct((nt, n), F32)],
        mesh=mesh,
        compiler_params=pltpu.CompilerParams(use_tc_tiling_on_sc=False, needs_layout_passes=False),
        scratch_types=[pltpu.VMEM((2, g), jnp.int32),
                       pltpu.VMEM((2, g, h), F32),
                       pltpu.VMEM((n,), F32),
                       pltpu.VMEM((rb, h), F32),
                       pltpu.VMEM_SHARED((n, h), F32),
                       pltpu.SemaphoreType.DMA,
                       pltpu.SemaphoreType.DMA],
    )
    def scatter(hn_hbm, col_hbm, s_hbm, c2_hbm,
                ic, bh, cl, zb, s_sh, sidx, shn):
        cid = lax.axis_index("c")
        sid = lax.axis_index("s")
        wid = sid * 2 + cid
        c0 = cid * h

        zvec = jnp.zeros((16,), F32)
        onev = jnp.ones((16,), F32)

        @pl.loop(0, rb)
        def _(i):
            for k in range(h // 16):
                zb[i, pl.ds(k * 16, 16)] = zvec

        @pl.loop(0, n // 16)
        def _(i):
            cl[pl.ds(i * 16, 16)] = zvec

        r0 = sid * rpt

        @pl.loop(0, rpt // rb)
        def _(k):
            pltpu.sync_copy(zb, s_sh.at[pl.ds(r0 + k * rb, rb)])

        plsc.subcore_barrier()

        def issue(j, b):
            grp = sid + 16 * j

            @pl.when(grp < ng)
            def _():
                base = grp * g
                pltpu.async_copy(col_hbm.at[pl.ds(base, g)], ic.at[b], sidx)
                pltpu.async_copy(hn_hbm.at[pl.ds(base, g), pl.ds(c0, h)],
                                 bh.at[b], shn)

        issue(0, 0)

        @pl.loop(0, jmax)
        def _(j):
            b = lax.rem(j, 2)
            grp = sid + 16 * j
            issue(j + 1, 1 - b)

            @pl.when(grp < ng)
            def _():
                base = grp * g
                pltpu.make_async_copy(col_hbm.at[pl.ds(base, g)], ic.at[b],
                                      sidx).wait()
                pltpu.make_async_copy(hn_hbm.at[pl.ds(base, g), pl.ds(c0, h)],
                                      bh.at[b], shn).wait()
                pltpu.sync_copy(bh.at[b], s_sh.at[ic.at[b]], add=True)

                @pl.when(cid == 0)
                def _():
                    for k in range(g // 16):
                        idxv = ic[b, pl.ds(k * 16, 16)]
                        plsc.addupdate_scatter(cl, [idxv], onev)

        plsc.subcore_barrier()

        @pl.loop(0, rpt // rb)
        def _(k):
            r = r0 + k * rb
            pltpu.sync_copy(s_sh.at[pl.ds(r, rb)], zb)
            pltpu.sync_copy(zb, s_hbm.at[pl.ds(r, rb), pl.ds(c0, h)])

        pltpu.sync_copy(cl, c2_hbm.at[wid])

    return scatter



def kernel(x, edge_index, edge_attr, W1, b1, W2, b2, We1, be1, We2, be2):
    n, d = x.shape
    e, ed = edge_attr.shape
    nt = 32
    row = edge_index[0]
    col = edge_index[1]

    we1a = We1[:d]
    we1b = We1[d:2 * d]
    we1c = We1[2 * d:]
    w1a = W1[:d]
    w1b = W1[d:]

    nb = 5
    bn = n // nb
    pa, pb, q = pl.pallas_call(
        _prep_body,
        grid=(nb,),
        in_specs=[pl.BlockSpec((bn, d), lambda i: (i, 0)),
                  pl.BlockSpec((d, ed), lambda i: (0, 0)),
                  pl.BlockSpec((d, ed), lambda i: (0, 0)),
                  pl.BlockSpec((1, ed), lambda i: (0, 0)),
                  pl.BlockSpec((d, d), lambda i: (0, 0)),
                  pl.BlockSpec((1, d), lambda i: (0, 0))],
        out_specs=[pl.BlockSpec((bn, ed), lambda i: (i, 0)),
                   pl.BlockSpec((bn, ed), lambda i: (i, 0)),
                   pl.BlockSpec((bn, d), lambda i: (i, 0))],
        out_shape=[jax.ShapeDtypeStruct((n, ed), F32),
                   jax.ShapeDtypeStruct((n, ed), F32),
                   jax.ShapeDtypeStruct((n, d), F32)],
    )(x, we1a, we1b, be1.reshape(1, ed), w1a, b1.reshape(1, d))

    a_sum, qr = _make_gather(n, e, d, ed)(pa, pb, q, row, col)

    eb = 2560
    ebp = eb * ed // 128
    neb = e // eb
    ep = e * ed // 128

    eye8 = jnp.eye(8, dtype=F32)
    bd1 = jnp.einsum("pq,kj->pkqj", eye8, we1c).reshape(8 * ed, 8 * ed)
    bd2 = jnp.einsum("pq,kj->pkqj", eye8, We2).reshape(8 * ed, 8 * ed)
    bdw = jnp.einsum("pq,kj->pkqj", eye8, w1b).reshape(8 * ed, 8 * d)
    be2p = jnp.tile(be2, 8).reshape(1, 8 * ed)
    ea_p = edge_attr.reshape(ep, 128)

    ean_p, hn = pl.pallas_call(
        functools.partial(_edge_body, eb, d, ed),
        grid=(neb,),
        in_specs=[pl.BlockSpec((ebp, 128), lambda i: (i, 0)),
                  pl.BlockSpec((ebp, 128), lambda i: (i, 0)),
                  pl.BlockSpec(memory_space=pl.ANY),
                  pl.BlockSpec((8 * ed, 8 * ed), lambda i: (0, 0)),
                  pl.BlockSpec((8 * ed, 8 * ed), lambda i: (0, 0)),
                  pl.BlockSpec((1, 8 * ed), lambda i: (0, 0)),
                  pl.BlockSpec((8 * ed, 8 * d), lambda i: (0, 0))],
        out_specs=[pl.BlockSpec((ebp, 128), lambda i: (i, 0)),
                   pl.BlockSpec((eb, d), lambda i: (i, 0))],
        out_shape=[jax.ShapeDtypeStruct((ep, 128), F32),
                   jax.ShapeDtypeStruct((e, d), F32)],
        scratch_shapes=[pltpu.VMEM((2, eb, d), F32),
                        pltpu.SemaphoreType.DMA],
    )(a_sum, ea_p, qr, bd1, bd2, be2p, bdw)
    ean = ean_p.reshape(e, ed)

    s_acc, c2 = _make_scatter(n, e, d, ed)(hn, col)

    b2m = jnp.ones((nt, 1), F32) * b2.reshape(1, d)

    x_new = pl.pallas_call(
        functools.partial(_final_body, n),
        in_specs=[pl.BlockSpec((n, d), lambda: (0, 0)),
                  pl.BlockSpec((nt, n), lambda: (0, 0)),
                  pl.BlockSpec((d, d), lambda: (0, 0)),
                  pl.BlockSpec((nt, d), lambda: (0, 0))],
        out_specs=pl.BlockSpec((n, d), lambda: (0, 0)),
        out_shape=jax.ShapeDtypeStruct((n, d), F32),
    )(s_acc, c2, W2, b2m)

    return (x_new, ean)

# --- scband reference (transcript-rebuilt; emitter-appended) ---
"""Pipeline reference for scband-cgcnnconv-simple-74637941670346 (READ-ONLY COPY).

The authoritative reference and input builder live on the scoring server;
editing this copy changes nothing except your own understanding.
"""

import jax, jax.numpy as jnp
import numpy as np

N = 10000
E = 320000
NODE_DIM = 128
EDGE_DIM = 16


def setup_inputs(seed: int = 0) -> dict:
    key = jax.random.key(seed)
    ks = jax.random.split(key, 12)
    x = jax.random.normal(ks[0], (N, NODE_DIM), dtype=jnp.float32)
    edge_index = jax.random.randint(ks[1], (2, E), 0, N, dtype=jnp.int32)
    edge_attr = jax.random.normal(ks[2], (E, EDGE_DIM), dtype=jnp.float32)
    # node_update: Linear(node_dim+edge_dim -> node_dim), Softplus, Linear(node_dim -> node_dim)
    W1 = jax.random.normal(ks[3], (NODE_DIM + EDGE_DIM, NODE_DIM), dtype=jnp.float32) * 0.05
    b1 = jnp.zeros((NODE_DIM,), dtype=jnp.float32)
    W2 = jax.random.normal(ks[4], (NODE_DIM, NODE_DIM), dtype=jnp.float32) * 0.05
    b2 = jnp.zeros((NODE_DIM,), dtype=jnp.float32)
    # edge_update_net: Linear(2*node_dim+edge_dim -> edge_dim), Softplus, Linear(edge_dim -> edge_dim)
    We1 = jax.random.normal(ks[5], (2 * NODE_DIM + EDGE_DIM, EDGE_DIM), dtype=jnp.float32) * 0.05
    be1 = jnp.zeros((EDGE_DIM,), dtype=jnp.float32)
    We2 = jax.random.normal(ks[6], (EDGE_DIM, EDGE_DIM), dtype=jnp.float32) * 0.05
    be2 = jnp.zeros((EDGE_DIM,), dtype=jnp.float32)
    return {"x": x, "edge_index": edge_index, "edge_attr": edge_attr,
            "W1": W1, "b1": b1, "W2": W2, "b2": b2,
            "We1": We1, "be1": be1, "We2": We2, "be2": be2}


def reference(x, edge_index, edge_attr, W1, b1, W2, b2, We1, be1, We2, be2):
    row = edge_index[0]
    col = edge_index[1]
    x_row = jnp.take(x, row, axis=0)
    x_col = jnp.take(x, col, axis=0)
    # edge update
    edge_input = jnp.concatenate([x_row, x_col, edge_attr], axis=1)
    h_e = jax.nn.softplus(edge_input @ We1 + be1)
    edge_attr_new = h_e @ We2 + be2
    # node update (messages)
    msg_input = jnp.concatenate([x_row, edge_attr_new], axis=1)
    h_n = jax.nn.softplus(msg_input @ W1 + b1)
    messages = h_n @ W2 + b2
    # scatter-add into destination nodes
    x_new = jnp.zeros_like(x).at[col].add(messages)
    return (x_new, edge_attr_new)

if __name__ == "__main__":
    import jax
    _d = setup_inputs()
    print(jax.jit(kernel)(*tuple(_d.values())))

</pallas_src>

<mosaic_0001>
#map = affine_map<(d0, d1) -> (0, 0)>
#map1 = affine_map<(d0, d1) -> (0)>
module attributes {stable_mosaic.version = 14 : i64} {
  func.func @gather(%arg0: i32, %arg1: i32, %arg2: memref<10000x16xf32, #tpu.memory_space<hbm>>, %arg3: memref<10000x16xf32, #tpu.memory_space<hbm>>, %arg4: memref<10000x128xf32, #tpu.memory_space<hbm>>, %arg5: memref<320000xi32, #tpu.memory_space<hbm>>, %arg6: memref<320000xi32, #tpu.memory_space<hbm>>, %arg7: memref<40000x128xf32, #tpu.memory_space<hbm>>, %arg8: memref<320000x128xf32, #tpu.memory_space<hbm>>, %arg9: memref<2x128xi32, #tpu.memory_space<vmem>>, %arg10: memref<2x128xi32, #tpu.memory_space<vmem>>, %arg11: memref<2x128x16xf32, #tpu.memory_space<vmem>>, %arg12: memref<2x128x16xf32, #tpu.memory_space<vmem>>, %arg13: memref<2x16x128xf32, #tpu.memory_space<vmem>>, %arg14: memref<2x128x128xf32, #tpu.memory_space<vmem>>, %arg15: memref<!tpu.dma_semaphore, #tpu.memory_space<semaphore_mem>>, %arg16: memref<!tpu.dma_semaphore, #tpu.memory_space<semaphore_mem>>, %arg17: memref<!tpu.dma_semaphore, #tpu.memory_space<semaphore_mem>>, %arg18: memref<!tpu.dma_semaphore, #tpu.memory_space<semaphore_mem>>) attributes {dimension_semantics = [#tpu.dimension_semantics<core_parallel>, #tpu.dimension_semantics<subcore_parallel>], iteration_bounds = array<i64: 2, 16>, scalar_prefetch = 0 : i64, scratch_operands = 10 : i64, tpu.core_type = #tpu.core_type<sc_vector_subcore>, window_params = [{transform_indices = #map}, {transform_indices = #map}, {transform_indices = #map}, {transform_indices = #map1}, {transform_indices = #map1}, {transform_indices = #map}, {transform_indices = #map}]} {
    %mul3A = arith.constant 2 : i32
    %mul3A_0 = arith.muli %arg1, %mul3A : i32
    %add3A = arith.addi %mul3A_0, %arg0 : i32
    %add3A_1 = arith.constant 0 : i32
    %add3A_2 = arith.addi %add3A, %add3A_1 : i32
    %lt3A = arith.constant 2500 : i32
    %lt3A_3 = arith.cmpi slt, %add3A_2, %lt3A : i32
    %convert_element_type3A = arith.extui %lt3A_3 : i1 to i32
    %cond3A = arith.constant 0 : i32
    %cond3A_4 = arith.cmpi ne, %convert_element_type3A, %cond3A : i32
    scf.if %cond3A_4 {
      %add3A_30 = arith.constant 0 : i32
      %add3A_31 = arith.addi %add3A, %add3A_30 : i32
      %mul3A_32 = arith.constant 128 : i32
      %mul3A_33 = arith.muli %add3A_31, %mul3A_32 : i32
      %dma_start3A = arith.constant 0 : i32
      %dma_start3A_34 = arith.constant 0 : i32
      %dma_start3A_35 = tpu.memref_slice %arg9[%dma_start3A, %dma_start3A_34] : memref<2x128xi32, #tpu.memory_space<vmem>> -> memref<1x128xi32, #tpu.memory_space<vmem>>
      %dma_start3A_36 = tpu.memref_squeeze %dma_start3A_35 : memref<1x128xi32, #tpu.memory_space<vmem>> -> memref<128xi32, #tpu.memory_space<vmem>>
      %dma_start3A_37 = tpu.memref_slice %arg5[%mul3A_33] : memref<320000xi32, #tpu.memory_space<hbm>> -> memref<128xi32, #tpu.memory_space<hbm>>
      %dma_start3A_38 = arith.constant 0 : i32
      %dma_start3A_39 = tpu.memref_slice %arg9[%dma_start3A, %dma_start3A_38] : memref<2x128xi32, #tpu.memory_space<vmem>> -> memref<1x128xi32, #tpu.memory_space<vmem>>
      %dma_start3A_40 = tpu.memref_squeeze %dma_start3A_39 : memref<1x128xi32, #tpu.memory_space<vmem>> -> memref<128xi32, #tpu.memory_space<vmem>>
      %dma_start3A_41 = tpu.memref_slice %arg5[%mul3A_33] : memref<320000xi32, #tpu.memory_space<hbm>> -> memref<128xi32, #tpu.memory_space<hbm>>
      tpu.enqueue_dma source(%dma_start3A_41 : memref<128xi32, #tpu.memory_space<hbm>>) target(%dma_start3A_40 : memref<128xi32, #tpu.memory_space<vmem>>) target_semaphore(%arg15 : memref<!tpu.dma_semaphore, #tpu.memory_space<semaphore_mem>>)
      %dma_start3A_42 = arith.constant 0 : i32
      %dma_start3A_43 = arith.constant 0 : i32
      %dma_start3A_44 = tpu.memref_slice %arg10[%dma_start3A_42, %dma_start3A_43] : memref<2x128xi32, #tpu.memory_space<vmem>> -> memref<1x128xi32, #tpu.memory_space<vmem>>
      %dma_start3A_45 = tpu.memref_squeeze %dma_start3A_44 : memref<1x128xi32, #tpu.memory_space<vmem>> -> memref<128xi32, #tpu.memory_space<vmem>>
      %dma_start3A_46 = tpu.memref_slice %arg6[%mul3A_33] : memref<320000xi32, #tpu.memory_space<hbm>> -> memref<128xi32, #tpu.memory_space<hbm>>
      %dma_start3A_47 = arith.constant 0 : i32
      %dma_start3A_48 = tpu.memref_slice %arg10[%dma_start3A_42, %dma_start3A_47] : memref<2x128xi32, #tpu.memory_space<vmem>> -> memref<1x128xi32, #tpu.memory_space<vmem>>
      %dma_start3A_49 = tpu.memref_squeeze %dma_start3A_48 : memref<1x128xi32, #tpu.memory_space<vmem>> -> memref<128xi32, #tpu.memory_space<vmem>>
      %dma_start3A_50 = tpu.memref_slice %arg6[%mul3A_33] : memref<320000xi32, #tpu.memory_space<hbm>> -> memref<128xi32, #tpu.memory_space<hbm>>
      tpu.enqueue_dma source(%dma_start3A_50 : memref<128xi32, #tpu.memory_space<hbm>>) target(%dma_start3A_49 : memref<128xi32, #tpu.memory_space<vmem>>) target_semaphore(%arg15 : memref<!tpu.dma_semaphore, #tpu.memory_space<semaphore_mem>>)
    } else {
    }
    %add3A_5 = arith.constant 0 : i32
    %add3A_6 = arith.addi %add3A, %add3A_5 : i32
    %lt3A_7 = arith.constant 2500 : i32
    %lt3A_8 = arith.cmpi slt, %add3A_6, %lt3A_7 : i32
    %convert_element_type3A_9 = arith.extui %lt3A_8 : i1 to i32
    %cond3A_10 = arith.constant 0 : i32
    %cond3A_11 = arith.cmpi ne, %convert_element_type3A_9, %cond3A_10 : i32
    scf.if %cond3A_11 {
      %add3A_30 = arith.constant 0 : i32
      %add3A_31 = arith.addi %add3A, %add3A_30 : i32
      %mul3A_32 = arith.constant 128 : i32
      %mul3A_33 = arith.muli %add3A_31, %mul3A_32 : i32
      %dma_wait3A = arith.constant 0 : i32
      %dma_wait3A_34 = arith.constant 0 : i32
      %dma_wait3A_35 = tpu.memref_slice %arg9[%dma_wait3A, %dma_wait3A_34] : memref<2x128xi32, #tpu.memory_space<vmem>> -> memref<1x128xi32, #tpu.memory_space<vmem>>
      %dma_wait3A_36 = tpu.memref_squeeze %dma_wait3A_35 : memref<1x128xi32, #tpu.memory_space<vmem>> -> memref<128xi32, #tpu.memory_space<vmem>>
      %dma_wait3A_37 = tpu.memref_slice %arg5[%mul3A_33] : memref<320000xi32, #tpu.memory_space<hbm>> -> memref<128xi32, #tpu.memory_space<hbm>>
      %dma_wait3A_38 = arith.constant 0 : i32
      %dma_wait3A_39 = tpu.memref_slice %arg9[%dma_wait3A, %dma_wait3A_38] : memref<2x128xi32, #tpu.memory_space<vmem>> -> memref<1x128xi32, #tpu.memory_space<vmem>>
      %dma_wait3A_40 = tpu.memref_squeeze %dma_wait3A_39 : memref<1x128xi32, #tpu.memory_space<vmem>> -> memref<128xi32, #tpu.memory_space<vmem>>
      %dma_wait3A_41 = tpu.memref_slice %arg5[%mul3A_33] : memref<320000xi32, #tpu.memory_space<hbm>> -> memref<128xi32, #tpu.memory_space<hbm>>
      tpu.wait_dma2 semaphore(%arg15 : memref<!tpu.dma_semaphore, #tpu.memory_space<semaphore_mem>>) src(%dma_wait3A_41 : memref<128xi32, #tpu.memory_space<hbm>>) dst(%dma_wait3A_40 : memref<128xi32, #tpu.memory_space<vmem>>)
      %dma_wait3A_42 = arith.constant 0 : i32
      %dma_wait3A_43 = arith.constant 0 : i32
      %dma_wait3A_44 = tpu.memref_slice %arg10[%dma_wait3A_42, %dma_wait3A_43] : memref<2x128xi32, #tpu.memory_space<vmem>> -> memref<1x128xi32, #tpu.memory_space<vmem>>
      %dma_wait3A_45 = tpu.memref_squeeze %dma_wait3A_44 : memref<1x128xi32, #tpu.memory_space<vmem>> -> memref<128xi32, #tpu.memory_space<vmem>>
      %dma_wait3A_46 = tpu.memref_slice %arg6[%mul3A_33] : memref<320000xi32, #tpu.memory_space<hbm>> -> memref<128xi32, #tpu.memory_space<hbm>>
      %dma_wait3A_47 = arith.constant 0 : i32
      %dma_wait3A_48 = tpu.memref_slice %arg10[%dma_wait3A_42, %dma_wait3A_47] : memref<2x128xi32, #tpu.memory_space<vmem>> -> memref<1x128xi32, #tpu.memory_space<vmem>>
      %dma_wait3A_49 = tpu.memref_squeeze %dma_wait3A_48 : memref<1x128xi32, #tpu.memory_space<vmem>> -> memref<128xi32, #tpu.memory_space<vmem>>
      %dma_wait3A_50 = tpu.memref_slice %arg6[%mul3A_33] : memref<320000xi32, #tpu.memory_space<hbm>> -> memref<128xi32, #tpu.memory_space<hbm>>
      tpu.wait_dma2 semaphore(%arg15 : memref<!tpu.dma_semaphore, #tpu.memory_space<semaphore_mem>>) src(%dma_wait3A_50 : memref<128xi32, #tpu.memory_space<hbm>>) dst(%dma_wait3A_49 : memref<128xi32, #tpu.memory_space<vmem>>)
    } else {
    }
    %add3A_12 = arith.constant 0 : i32
    %add3A_13 = arith.addi %add3A, %add3A_12 : i32
    %lt3A_14 = arith.constant 2500 : i32
    %lt3A_15 = arith.cmpi slt, %add3A_13, %lt3A_14 : i32
    %convert_element_type3A_16 = arith.extui %lt3A_15 : i1 to i32
    %cond3A_17 = arith.constant 0 : i32
    %cond3A_18 = arith.cmpi ne, %convert_element_type3A_16, %cond3A_17 : i32
    scf.if %cond3A_18 {
      %dma_start3A = arith.constant 0 : i32
      %dma_start3A_30 = arith.constant 0 : i32
      %dma_start3A_31 = arith.constant 0 : i32
      %dma_start3A_32 = arith.constant 0 : i32
      %dma_start3A_33 = tpu.memref_slice %arg11[%dma_start3A_30, %dma_start3A_31, %dma_start3A_32] : memref<2x128x16xf32, #tpu.memory_space<vmem>> -> memref<1x128x16xf32, #tpu.memory_space<vmem>>
      %dma_start3A_34 = tpu.memref_squeeze %dma_start3A_33 : memref<1x128x16xf32, #tpu.memory_space<vmem>> -> memref<128x16xf32, #tpu.memory_space<vmem>>
      %dma_start3A_35 = arith.constant 0 : i32
      %dma_start3A_36 = tpu.memref_slice %arg9[%dma_start3A, %dma_start3A_35] : memref<2x128xi32, #tpu.memory_space<vmem>> -> memref<1x128xi32, #tpu.memory_space<vmem>>
      %dma_start3A_37 = tpu.memref_squeeze %dma_start3A_36 : memref<1x128xi32, #tpu.memory_space<vmem>> -> memref<128xi32, #tpu.memory_space<vmem>>
      %dma_start3A_38 = arith.constant 0 : i32
      %dma_start3A_39 = arith.constant 0 : i32
      %dma_start3A_40 = tpu.memref_slice %arg2[%dma_start3A_38, %dma_start3A_39] : memref<10000x16xf32, #tpu.memory_space<hbm>> -> memref<10000x16xf32, #tpu.memory_space<hbm>>
      tpu.enqueue_indirect_dma source(%dma_start3A_40 : memref<10000x16xf32, #tpu.memory_space<hbm>>) target(%dma_start3A_34 : memref<128x16xf32, #tpu.memory_space<vmem>>) offsets(%dma_start3A_37 : memref<128xi32, #tpu.memory_space<vmem>>) semaphore(%arg16 : memref<!tpu.dma_semaphore, #tpu.memory_space<semaphore_mem>>)
      %dma_start3A_41 = arith.constant 0 : i32
      %dma_start3A_42 = arith.constant 0 : i32
      %dma_start3A_43 = arith.constant 0 : i32
      %dma_start3A_44 = arith.constant 0 : i32
      %dma_start3A_45 = tpu.memref_slice %arg12[%dma_start3A_42, %dma_start3A_43, %dma_start3A_44] : memref<2x128x16xf32, #tpu.memory_space<vmem>> -> memref<1x128x16xf32, #tpu.memory_space<vmem>>
      %dma_start3A_46 = tpu.memref_squeeze %dma_start3A_45 : memref<1x128x16xf32, #tpu.memory_space<vmem>> -> memref<128x16xf32, #tpu.memory_space<vmem>>
      %dma_start3A_47 = arith.constant 0 : i32
      %dma_start3A_48 = tpu.memref_slice %arg10[%dma_start3A_41, %dma_start3A_47] : memref<2x128xi32, #tpu.memory_space<vmem>> -> memref<1x128xi32, #tpu.memory_space<vmem>>
      %dma_start3A_49 = tpu.memref_squeeze %dma_start3A_48 : memref<1x128xi32, #tpu.memory_space<vmem>> -> memref<128xi32, #tpu.memory_space<vmem>>
      %dma_start3A_50 = arith.constant 0 : i32
      %dma_start3A_51 = arith.constant 0 : i32
      %dma_start3A_52 = tpu.memref_slice %arg3[%dma_start3A_50, %dma_start3A_51] : memref<10000x16xf32, #tpu.memory_space<hbm>> -> memref<10000x16xf32, #tpu.memory_space<hbm>>
      tpu.enqueue_indirect_dma source(%dma_start3A_52 : memref<10000x16xf32, #tpu.memory_space<hbm>>) target(%dma_start3A_46 : memref<128x16xf32, #tpu.memory_space<vmem>>) offsets(%dma_start3A_49 : memref<128xi32, #tpu.memory_space<vmem>>) semaphore(%arg16 : memref<!tpu.dma_semaphore, #tpu.memory_space<semaphore_mem>>)
      %dma_start3A_53 = arith.constant 0 : i32
      %dma_start3A_54 = arith.constant 0 : i32
      %dma_start3A_55 = arith.constant 0 : i32
      %dma_start3A_56 = arith.constant 0 : i32
      %dma_start3A_57 = tpu.memref_slice %arg14[%dma_start3A_54, %dma_start3A_55, %dma_start3A_56] : memref<2x128x128xf32, #tpu.memory_space<vmem>> -> memref<1x128x128xf32, #tpu.memory_space<vmem>>
      %dma_start3A_58 = tpu.memref_squeeze %dma_start3A_57 : memref<1x128x128xf32, #tpu.memory_space<vmem>> -> memref<128x128xf32, #tpu.memory_space<vmem>>
      %dma_start3A_59 = arith.constant 0 : i32
      %dma_start3A_60 = tpu.memref_slice %arg9[%dma_start3A_53, %dma_start3A_59] : memref<2x128xi32, #tpu.memory_space<vmem>> -> memref<1x128xi32, #tpu.memory_space<vmem>>
      %dma_start3A_61 = tpu.memref_squeeze %dma_start3A_60 : memref<1x128xi32, #tpu.memory_space<vmem>> -> memref<128xi32, #tpu.memory_space<vmem>>
      %dma_start3A_62 = arith.constant 0 : i32
      %dma_start3A_63 = arith.constant 0 : i32
      %dma_start3A_64 = tpu.memref_slice %arg4[%dma_start3A_62, %dma_start3A_63] : memref<10000x128xf32, #tpu.memory_space<hbm>> -> memref<10000x128xf32, #tpu.memory_space<hbm>>
      tpu.enqueue_indirect_dma source(%dma_start3A_64 : memref<10000x128xf32, #tpu.memory_space<hbm>>) target(%dma_start3A_58 : memref<128x128xf32, #tpu.memory_space<vmem>>) offsets(%dma_start3A_61 : memref<128xi32, #tpu.memory_space<vmem>>) semaphore(%arg17 : memref<!tpu.dma_semaphore, #tpu.memory_space<semaphore_mem>>)
    } else {
    }
    %scan3A = arith.constant 0 : i32
    %scan3A_19 = arith.constant 79 : i32
    %scan3A_20 = arith.addi %scan3A, %scan3A_19 : i32
    %scan3A_21 = arith.constant 1 : i32
    scf.for %scan3A_30 = %scan3A to %scan3A_20 step %scan3A_21  : i32 {
      %mul3A_31 = arith.constant 1 : i32
      %mul3A_32 = arith.muli %scan3A_30, %mul3A_31 : i32
      %add3A_33 = arith.constant 0 : i32
      %add3A_34 = arith.addi %add3A_33, %mul3A_32 : i32
      %rem3A = arith.constant 2 : i32
      %rem3A_35 = arith.remsi %add3A_34, %rem3A : i32
      %sub3A = arith.constant 1 : i32
      %sub3A_36 = arith.subi %sub3A, %rem3A_35 : i32
      %add3A_37 = arith.constant 1 : i32
      %add3A_38 = arith.addi %add3A_34, %add3A_37 : i32
      %mul3A_39 = arith.constant 32 : i32
      %mul3A_40 = arith.muli %mul3A_39, %add3A_38 : i32
      %add3A_41 = arith.addi %add3A, %mul3A_40 : i32
      %lt3A_42 = arith.constant 2500 : i32
      %lt3A_43 = arith.cmpi slt, %add3A_41, %lt3A_42 : i32
      %convert_element_type3A_44 = arith.extui %lt3A_43 : i1 to i32
      %cond3A_45 = arith.constant 0 : i32
      %cond3A_46 = arith.cmpi ne, %convert_element_type3A_44, %cond3A_45 : i32
      scf.if %cond3A_46 {
        %mul3A_79 = arith.constant 32 : i32
        %mul3A_80 = arith.muli %mul3A_79, %add3A_38 : i32
        %add3A_81 = arith.addi %add3A, %mul3A_80 : i32
        %mul3A_82 = arith.constant 128 : i32
        %mul3A_83 = arith.muli %add3A_81, %mul3A_82 : i32
        %dma_start3A = arith.constant 0 : i32
        %dma_start3A_84 = tpu.memref_slice %arg9[%sub3A_36, %dma_start3A] : memref<2x128xi32, #tpu.memory_space<vmem>> -> memref<1x128xi32, #tpu.memory_space<vmem>>
        %dma_start3A_85 = tpu.memref_squeeze %dma_start3A_84 : memref<1x128xi32, #tpu.memory_space<vmem>> -> memref<128xi32, #tpu.memory_space<vmem>>
        %dma_start3A_86 = tpu.memref_slice %arg5[%mul3A_83] : memref<320000xi32, #tpu.memory_space<hbm>> -> memref<128xi32, #tpu.memory_space<hbm>>
        %dma_start3A_87 = arith.constant 0 : i32
        %dma_start3A_88 = tpu.memref_slice %arg9[%sub3A_36, %dma_start3A_87] : memref<2x128xi32, #tpu.memory_space<vmem>> -> memref<1x128xi32, #tpu.memory_space<vmem>>
        %dma_start3A_89 = tpu.memref_squeeze %dma_start3A_88 : memref<1x128xi32, #tpu.memory_space<vmem>> -> memref<128xi32, #tpu.memory_space<vmem>>
        %dma_start3A_90 = tpu.memref_slice %arg5[%mul3A_83] : memref<320000xi32, #tpu.memory_space<hbm>> -> memref<128xi32, #tpu.memory_space<hbm>>
        tpu.enqueue_dma source(%dma_start3A_90 : memref<128xi32, #tpu.memory_space<hbm>>) target(%dma_start3A_89 : memref<128xi32, #tpu.memory_space<vmem>>) target_semaphore(%arg15 : memref<!tpu.dma_semaphore, #tpu.memory_space<semaphore_mem>>)
        %dma_start3A_91 = arith.constant 0 : i32
        %dma_start3A_92 = tpu.memref_slice %arg10[%sub3A_36, %dma_start3A_91] : memref<2x128xi32, #tpu.memory_space<vmem>> -> memref<1x128xi32, #tpu.memory_space<vmem>>
        %dma_start3A_93 = tpu.memref_squeeze %dma_start3A_92 : memref<1x128xi32, #tpu.memory_space<vmem>> -> memref<128xi32, #tpu.memory_space<vmem>>
        %dma_start3A_94 = tpu.memref_slice %arg6[%mul3A_83] : memref<320000xi32, #tpu.memory_space<hbm>> -> memref<128xi32, #tpu.memory_space<hbm>>
        %dma_start3A_95 = arith.constant 0 : i32
        %dma_start3A_96 = tpu.memref_slice %arg10[%sub3A_36, %dma_start3A_95] : memref<2x128xi32, #tpu.memory_space<vmem>> -> memref<1x128xi32, #tpu.memory_space<vmem>>
        %dma_start3A_97 = tpu.memref_squeeze %dma_start3A_96 : memref<1x128xi32, #tpu.memory_space<vmem>> -> memref<128xi32, #tpu.memory_space<vmem>>
        %dma_start3A_98 = tpu.memref_slice %arg6[%mul3A_83] : memref<320000xi32, #tpu.memory_space<hbm>> -> memref<128xi32, #tpu.memory_space<hbm>>
        tpu.enqueue_dma source(%dma_start3A_98 : memref<128xi32, #tpu.memory_space<hbm>>) target(%dma_start3A_97 : memref<128xi32, #tpu.memory_space<vmem>>) target_semaphore(%arg15 : memref<!tpu.dma_semaphore, #tpu.memory_space<semaphore_mem>>)
      } else {
      }
      %ge3A = arith.constant 1 : i32
      %ge3A_47 = arith.cmpi sge, %add3A_34, %ge3A : i32
      %convert_element_type3A_48 = arith.extui %ge3A_47 : i1 to i32
      %cond3A_49 = arith.constant 0 : i32
      %cond3A_50 = arith.cmpi ne, %convert_element_type3A_48, %cond3A_49 : i32
      scf.if %cond3A_50 {
        %sub3A_79 = arith.constant 1 : i32
        %sub3A_80 = arith.subi %add3A_34, %sub3A_79 : i32
        %mul3A_81 = arith.constant 32 : i32
        %mul3A_82 = arith.muli %mul3A_81, %sub3A_80 : i32
        %add3A_83 = arith.addi %add3A, %mul3A_82 : i32
        %lt3A_84 = arith.constant 2500 : i32
        %lt3A_85 = arith.cmpi slt, %add3A_83, %lt3A_84 : i32
        %convert_element_type3A_86 = arith.extui %lt3A_85 : i1 to i32
        %cond3A_87 = arith.constant 0 : i32
        %cond3A_88 = arith.cmpi ne, %convert_element_type3A_86, %cond3A_87 : i32
        scf.if %cond3A_88 {
          %dma_wait3A = arith.constant 0 : i32
          %dma_wait3A_89 = arith.constant 0 : i32
          %dma_wait3A_90 = tpu.memref_slice %arg13[%sub3A_36, %dma_wait3A, %dma_wait3A_89] : memref<2x16x128xf32, #tpu.memory_space<vmem>> -> memref<1x16x128xf32, #tpu.memory_space<vmem>>
          %dma_wait3A_91 = tpu.memref_squeeze %dma_wait3A_90 : memref<1x16x128xf32, #tpu.memory_space<vmem>> -> memref<16x128xf32, #tpu.memory_space<vmem>>
          %dma_wait3A_92 = arith.constant 0 : i32
          %dma_wait3A_93 = arith.constant 0 : i32
          %dma_wait3A_94 = tpu.memref_slice %arg7[%dma_wait3A_92, %dma_wait3A_93] : memref<40000x128xf32, #tpu.memory_space<hbm>> -> memref<16x128xf32, #tpu.memory_space<hbm>>
          %dma_wait3A_95 = arith.constant 0 : i32
          %dma_wait3A_96 = arith.constant 0 : i32
          %dma_wait3A_97 = tpu.memref_slice %arg7[%dma_wait3A_95, %dma_wait3A_96] : memref<40000x128xf32, #tpu.memory_space<hbm>> -> memref<16x128xf32, #tpu.memory_space<hbm>>
          %dma_wait3A_98 = arith.constant 0 : i32
          %dma_wait3A_99 = arith.constant 0 : i32
          %dma_wait3A_100 = tpu.memref_slice %arg13[%sub3A_36, %dma_wait3A_98, %dma_wait3A_99] : memref<2x16x128xf32, #tpu.memory_space<vmem>> -> memref<1x16x128xf32, #tpu.memory_space<vmem>>
          %dma_wait3A_101 = tpu.memref_squeeze %dma_wait3A_100 : memref<1x16x128xf32, #tpu.memory_space<vmem>> -> memref<16x128xf32, #tpu.memory_space<vmem>>
          tpu.wait_dma2 semaphore(%arg18 : memref<!tpu.dma_semaphore, #tpu.memory_space<semaphore_mem>>) src(%dma_wait3A_101 : memref<16x128xf32, #tpu.memory_space<vmem>>) dst(%dma_wait3A_97 : memref<16x128xf32, #tpu.memory_space<hbm>>)
          %dma_wait3A_102 = arith.constant 0 : i32
          %dma_wait3A_103 = arith.constant 0 : i32
          %dma_wait3A_104 = tpu.memref_slice %arg14[%sub3A_36, %dma_wait3A_102, %dma_wait3A_103] : memref<2x128x128xf32, #tpu.memory_space<vmem>> -> memref<1x128x128xf32, #tpu.memory_space<vmem>>
          %dma_wait3A_105 = tpu.memref_squeeze %dma_wait3A_104 : memref<1x128x128xf32, #tpu.memory_space<vmem>> -> memref<128x128xf32, #tpu.memory_space<vmem>>
          %dma_wait3A_106 = arith.constant 0 : i32
          %dma_wait3A_107 = arith.constant 0 : i32
          %dma_wait3A_108 = tpu.memref_slice %arg8[%dma_wait3A_106, %dma_wait3A_107] : memref<320000x128xf32, #tpu.memory_space<hbm>> -> memref<128x128xf32, #tpu.memory_space<hbm>>
          %dma_wait3A_109 = arith.constant 0 : i32
          %dma_wait3A_110 = arith.constant 0 : i32
          %dma_wait3A_111 = tpu.memref_slice %arg8[%dma_wait3A_109, %dma_wait3A_110] : memref<320000x128xf32, #tpu.memory_space<hbm>> -> memref<128x128xf32, #tpu.memory_space<hbm>>
          %dma_wait3A_112 = arith.constant 0 : i32
          %dma_wait3A_113 = arith.constant 0 : i32
          %dma_wait3A_114 = tpu.memref_slice %arg14[%sub3A_36, %dma_wait3A_112, %dma_wait3A_113] : memref<2x128x128xf32, #tpu.memory_space<vmem>> -> memref<1x128x128xf32, #tpu.memory_space<vmem>>
          %dma_wait3A_115 = tpu.memref_squeeze %dma_wait3A_114 : memref<1x128x128xf32, #tpu.memory_space<vmem>> -> memref<128x128xf32, #tpu.memory_space<vmem>>
          tpu.wait_dma2 semaphore(%arg18 : memref<!tpu.dma_semaphore, #tpu.memory_space<semaphore_mem>>) src(%dma_wait3A_115 : memref<128x128xf32, #tpu.memory_space<vmem>>) dst(%dma_wait3A_111 : memref<128x128xf32, #tpu.memory_space<hbm>>)
        } else {
        }
      } else {
      }
      %add3A_51 = arith.constant 1 : i32
      %add3A_52 = arith.addi %add3A_34, %add3A_51 : i32
      %mul3A_53 = arith.constant 32 : i32
      %mul3A_54 = arith.muli %mul3A_53, %add3A_52 : i32
      %add3A_55 = arith.addi %add3A, %mul3A_54 : i32
      %lt3A_56 = arith.constant 2500 : i32
      %lt3A_57 = arith.cmpi slt, %add3A_55, %lt3A_56 : i32
      %convert_element_type3A_58 = arith.extui %lt3A_57 : i1 to i32
      %cond3A_59 = arith.constant 0 : i32
      %cond3A_60 = arith.cmpi ne, %convert_element_type3A_58, %cond3A_59 : i32
      scf.if %cond3A_60 {
        %mul3A_79 = arith.constant 32 : i32
        %mul3A_80 = arith.muli %mul3A_79, %add3A_52 : i32
        %add3A_81 = arith.addi %add3A, %mul3A_80 : i32
        %mul3A_82 = arith.constant 128 : i32
        %mul3A_83 = arith.muli %add3A_81, %mul3A_82 : i32
        %dma_wait3A = arith.constant 0 : i32
        %dma_wait3A_84 = tpu.memref_slice %arg9[%sub3A_36, %dma_wait3A] : memref<2x128xi32, #tpu.memory_space<vmem>> -> memref<1x128xi32, #tpu.memory_space<vmem>>
        %dma_wait3A_85 = tpu.memref_squeeze %dma_wait3A_84 : memref<1x128xi32, #tpu.memory_space<vmem>> -> memref<128xi32, #tpu.memory_space<vmem>>
        %dma_wait3A_86 = tpu.memref_slice %arg5[%mul3A_83] : memref<320000xi32, #tpu.memory_space<hbm>> -> memref<128xi32, #tpu.memory_space<hbm>>
        %dma_wait3A_87 = arith.constant 0 : i32
        %dma_wait3A_88 = tpu.memref_slice %arg9[%sub3A_36, %dma_wait3A_87] : memref<2x128xi32, #tpu.memory_space<vmem>> -> memref<1x128xi32, #tpu.memory_space<vmem>>
        %dma_wait3A_89 = tpu.memref_squeeze %dma_wait3A_88 : memref<1x128xi32, #tpu.memory_space<vmem>> -> memref<128xi32, #tpu.memory_space<vmem>>
        %dma_wait3A_90 = tpu.memref_slice %arg5[%mul3A_83] : memref<320000xi32, #tpu.memory_space<hbm>> -> memref<128xi32, #tpu.memory_space<hbm>>
        tpu.wait_dma2 semaphore(%arg15 : memref<!tpu.dma_semaphore, #tpu.memory_space<semaphore_mem>>) src(%dma_wait3A_90 : memref<128xi32, #tpu.memory_space<hbm>>) dst(%dma_wait3A_89 : memref<128xi32, #tpu.memory_space<vmem>>)
        %dma_wait3A_91 = arith.constant 0 : i32
        %dma_wait3A_92 = tpu.memref_slice %arg10[%sub3A_36, %dma_wait3A_91] : memref<2x128xi32, #tpu.memory_space<vmem>> -> memref<1x128xi32, #tpu.memory_space<vmem>>
        %dma_wait3A_93 = tpu.memref_squeeze %dma_wait3A_92 : memref<1x128xi32, #tpu.memory_space<vmem>> -> memref<128xi32, #tpu.memory_space<vmem>>
        %dma_wait3A_94 = tpu.memref_slice %arg6[%mul3A_83] : memref<320000xi32, #tpu.memory_space<hbm>> -> memref<128xi32, #tpu.memory_space<hbm>>
        %dma_wait3A_95 = arith.constant 0 : i32
        %dma_wait3A_96 = tpu.memref_slice %arg10[%sub3A_36, %dma_wait3A_95] : memref<2x128xi32, #tpu.memory_space<vmem>> -> memref<1x128xi32, #tpu.memory_space<vmem>>
        %dma_wait3A_97 = tpu.memref_squeeze %dma_wait3A_96 : memref<1x128xi32, #tpu.memory_space<vmem>> -> memref<128xi32, #tpu.memory_space<vmem>>
        %dma_wait3A_98 = tpu.memref_slice %arg6[%mul3A_83] : memref<320000xi32, #tpu.memory_space<hbm>> -> memref<128xi32, #tpu.memory_space<hbm>>
        tpu.wait_dma2 semaphore(%arg15 : memref<!tpu.dma_semaphore, #tpu.memory_space<semaphore_mem>>) src(%dma_wait3A_98 : memref<128xi32, #tpu.memory_space<hbm>>) dst(%dma_wait3A_97 : memref<128xi32, #tpu.memory_space<vmem>>)
      } else {
      }
      %add3A_61 = arith.constant 1 : i32
      %add3A_62 = arith.addi %add3A_34, %add3A_61 : i32
      %mul3A_63 = arith.constant 32 : i32
      %mul3A_64 = arith.muli %mul3A_63, %add3A_62 : i32
      %add3A_65 = arith.addi %add3A, %mul3A_64 : i32
      %lt3A_66 = arith.constant 2500 : i32
      %lt3A_67 = arith.cmpi slt, %add3A_65, %lt3A_66 : i32
      %convert_element_type3A_68 = arith.extui %lt3A_67 : i1 to i32
      %cond3A_69 = arith.constant 0 : i32
      %cond3A_70 = arith.cmpi ne, %convert_element_type3A_68, %cond3A_69 : i32
      scf.if %cond3A_70 {
        %dma_start3A = arith.constant 0 : i32
        %dma_start3A_79 = arith.constant 0 : i32
        %dma_start3A_80 = tpu.memref_slice %arg11[%sub3A_36, %dma_start3A, %dma_start3A_79] : memref<2x128x16xf32, #tpu.memory_space<vmem>> -> memref<1x128x16xf32, #tpu.memory_space<vmem>>
        %dma_start3A_81 = tpu.memref_squeeze %dma_start3A_80 : memref<1x128x16xf32, #tpu.memory_space<vmem>> -> memref<128x16xf32, #tpu.memory_space<vmem>>
        %dma_start3A_82 = arith.constant 0 : i32
        %dma_start3A_83 = tpu.memref_slice %arg9[%sub3A_36, %dma_start3A_82] : memref<2x128xi32, #tpu.memory_space<vmem>> -> memref<1x128xi32, #tpu.memory_space<vmem>>
        %dma_start3A_84 = tpu.memref_squeeze %dma_start3A_83 : memref<1x128xi32, #tpu.memory_space<vmem>> -> memref<128xi32, #tpu.memory_space<vmem>>
        %dma_start3A_85 = arith.constant 0 : i32
        %dma_start3A_86 = arith.constant 0 : i32
        %dma_start3A_87 = tpu.memref_slice %arg2[%dma_start3A_85, %dma_start3A_86] : memref<10000x16xf32, #tpu.memory_space<hbm>> -> memref<10000x16xf32, #tpu.memory_space<hbm>>
        tpu.enqueue_indirect_dma source(%dma_start3A_87 : memref<10000x16xf32, #tpu.memory_space<hbm>>) target(%dma_start3A_81 : memref<128x16xf32, #tpu.memory_space<vmem>>) offsets(%dma_start3A_84 : memref<128xi32, #tpu.memory_space<vmem>>) semaphore(%arg16 : memref<!tpu.dma_semaphore, #tpu.memory_space<semaphore_mem>>)
        %dma_start3A_88 = arith.constant 0 : i32
        %dma_start3A_89 = arith.constant 0 : i32
        %dma_start3A_90 = tpu.memref_slice %arg12[%sub3A_36, %dma_start3A_88, %dma_start3A_89] : memref<2x128x16xf32, #tpu.memory_space<vmem>> -> memref<1x128x16xf32, #tpu.memory_space<vmem>>
        %dma_start3A_91 = tpu.memref_squeeze %dma_start3A_90 : memref<1x128x16xf32, #tpu.memory_space<vmem>> -> memref<128x16xf32, #tpu.memory_space<vmem>>
        %dma_start3A_92 = arith.constant 0 : i32
        %dma_start3A_93 = tpu.memref_slice %arg10[%sub3A_36, %dma_start3A_92] : memref<2x128xi32, #tpu.memory_space<vmem>> -> memref<1x128xi32, #tpu.memory_space<vmem>>
        %dma_start3A_94 = tpu.memref_squeeze %dma_start3A_93 : memref<1x128xi32, #tpu.memory_space<vmem>> -> memref<128xi32, #tpu.memory_space<vmem>>
        %dma_start3A_95 = arith.constant 0 : i32
        %dma_start3A_96 = arith.constant 0 : i32
        %dma_start3A_97 = tpu.memref_slice %arg3[%dma_start3A_95, %dma_start3A_96] : memref<10000x16xf32, #tpu.memory_space<hbm>> -> memref<10000x16xf32, #tpu.memory_space<hbm>>
        tpu.enqueue_indirect_dma source(%dma_start3A_97 : memref<10000x16xf32, #tpu.memory_space<hbm>>) target(%dma_start3A_91 : memref<128x16xf32, #tpu.memory_space<vmem>>) offsets(%dma_start3A_94 : memref<128xi32, #tpu.memory_space<vmem>>) semaphore(%arg16 : memref<!tpu.dma_semaphore, #tpu.memory_space<semaphore_mem>>)
        %dma_start3A_98 = arith.constant 0 : i32
        %dma_start3A_99 = arith.constant 0 : i32
        %dma_start3A_100 = tpu.memref_slice %arg14[%sub3A_36, %dma_start3A_98, %dma_start3A_99] : memref<2x128x128xf32, #tpu.memory_space<vmem>> -> memref<1x128x128xf32, #tpu.memory_space<vmem>>
        %dma_start3A_101 = tpu.memref_squeeze %dma_start3A_100 : memref<1x128x128xf32, #tpu.memory_space<vmem>> -> memref<128x128xf32, #tpu.memory_space<vmem>>
        %dma_start3A_102 = arith.constant 0 : i32
        %dma_start3A_103 = tpu.memref_slice %arg9[%sub3A_36, %dma_start3A_102] : memref<2x128xi32, #tpu.memory_space<vmem>> -> memref<1x128xi32, #tpu.memory_space<vmem>>
        %dma_start3A_104 = tpu.memref_squeeze %dma_start3A_103 : memref<1x128xi32, #tpu.memory_space<vmem>> -> memref<128xi32, #tpu.memory_space<vmem>>
        %dma_start3A_105 = arith.constant 0 : i32
        %dma_start3A_106 = arith.constant 0 : i32
        %dma_start3A_107 = tpu.memref_slice %arg4[%dma_start3A_105, %dma_start3A_106] : memref<10000x128xf32, #tpu.memory_space<hbm>> -> memref<10000x128xf32, #tpu.memory_space<hbm>>
        tpu.enqueue_indirect_dma source(%dma_start3A_107 : memref<10000x128xf32, #tpu.memory_space<hbm>>) target(%dma_start3A_101 : memref<128x128xf32, #tpu.memory_space<vmem>>) offsets(%dma_start3A_104 : memref<128xi32, #tpu.memory_space<vmem>>) semaphore(%arg17 : memref<!tpu.dma_semaphore, #tpu.memory_space<semaphore_mem>>)
      } else {
      }
      %mul3A_71 = arith.constant 32 : i32
      %mul3A_72 = arith.muli %mul3A_71, %add3A_34 : i32
      %add3A_73 = arith.addi %add3A, %mul3A_72 : i32
      %lt3A_74 = arith.constant 2500 : i32
      %lt3A_75 = arith.cmpi slt, %add3A_73, %lt3A_74 : i32
      %convert_element_type3A_76 = arith.extui %lt3A_75 : i1 to i32
      %cond3A_77 = arith.constant 0 : i32
      %cond3A_78 = arith.cmpi ne, %convert_element_type3A_76, %cond3A_77 : i32
      scf.if %cond3A_78 {
        %mul3A_79 = arith.constant 32 : i32
        %mul3A_80 = arith.muli %mul3A_79, %add3A_34 : i32
        %add3A_81 = arith.addi %add3A, %mul3A_80 : i32
        %mul3A_82 = arith.constant 128 : i32
        %mul3A_83 = arith.muli %add3A_81, %mul3A_82 : i32
        %dma_wait3A = arith.constant 0 : i32
        %dma_wait3A_84 = arith.constant 0 : i32
        %dma_wait3A_85 = tpu.memref_slice %arg11[%rem3A_35, %dma_wait3A, %dma_wait3A_84] : memref<2x128x16xf32, #tpu.memory_space<vmem>> -> memref<1x128x16xf32, #tpu.memory_space<vmem>>
        %dma_wait3A_86 = tpu.memref_squeeze %dma_wait3A_85 : memref<1x128x16xf32, #tpu.memory_space<vmem>> -> memref<128x16xf32, #tpu.memory_space<vmem>>
        %dma_wait3A_87 = arith.constant 0 : i32
        %dma_wait3A_88 = tpu.memref_slice %arg9[%rem3A_35, %dma_wait3A_87] : memref<2x128xi32, #tpu.memory_space<vmem>> -> memref<1x128xi32, #tpu.memory_space<vmem>>
        %dma_wait3A_89 = tpu.memref_squeeze %dma_wait3A_88 : memref<1x128xi32, #tpu.memory_space<vmem>> -> memref<128xi32, #tpu.memory_space<vmem>>
        %dma_wait3A_90 = arith.constant 0 : i32
        %dma_wait3A_91 = arith.constant 0 : i32
        %dma_wait3A_92 = tpu.memref_slice %arg2[%dma_wait3A_90, %dma_wait3A_91] : memref<10000x16xf32, #tpu.memory_space<hbm>> -> memref<10000x16xf32, #tpu.memory_space<hbm>>
        tpu.wait_indirect_dma semaphore(%arg16 : memref<!tpu.dma_semaphore, #tpu.memory_space<semaphore_mem>>) src(%dma_wait3A_92 : memref<10000x16xf32, #tpu.memory_space<hbm>>) dst(%dma_wait3A_86 : memref<128x16xf32, #tpu.memory_space<vmem>>)
        %dma_wait3A_93 = arith.constant 0 : i32
        %dma_wait3A_94 = arith.constant 0 : i32
        %dma_wait3A_95 = tpu.memref_slice %arg12[%rem3A_35, %dma_wait3A_93, %dma_wait3A_94] : memref<2x128x16xf32, #tpu.memory_space<vmem>> -> memref<1x128x16xf32, #tpu.memory_space<vmem>>
        %dma_wait3A_96 = tpu.memref_squeeze %dma_wait3A_95 : memref<1x128x16xf32, #tpu.memory_space<vmem>> -> memref<128x16xf32, #tpu.memory_space<vmem>>
        %dma_wait3A_97 = arith.constant 0 : i32
        %dma_wait3A_98 = tpu.memref_slice %arg10[%rem3A_35, %dma_wait3A_97] : memref<2x128xi32, #tpu.memory_space<vmem>> -> memref<1x128xi32, #tpu.memory_space<vmem>>
        %dma_wait3A_99 = tpu.memref_squeeze %dma_wait3A_98 : memref<1x128xi32, #tpu.memory_space<vmem>> -> memref<128xi32, #tpu.memory_space<vmem>>
        %dma_wait3A_100 = arith.constant 0 : i32
        %dma_wait3A_101 = arith.constant 0 : i32
        %dma_wait3A_102 = tpu.memref_slice %arg3[%dma_wait3A_100, %dma_wait3A_101] : memref<10000x16xf32, #tpu.memory_space<hbm>> -> memref<10000x16xf32, #tpu.memory_space<hbm>>
        tpu.wait_indirect_dma semaphore(%arg16 : memref<!tpu.dma_semaphore, #tpu.memory_space<semaphore_mem>>) src(%dma_wait3A_102 : memref<10000x16xf32, #tpu.memory_space<hbm>>) dst(%dma_wait3A_96 : memref<128x16xf32, #tpu.memory_space<vmem>>)
        %get3A = arith.constant 0 : i32
        %get3A_103 = arith.index_cast %rem3A_35 : i32 to index
        %get3A_104 = arith.index_cast %get3A : i32 to index
        %get3A_105 = arith.constant 0 : index
        %get3A_106 = tpu.vector_load %arg11[%get3A_103, %get3A_104, %get3A_105] {strides = array<i32>} : memref<2x128x16xf32, #tpu.memory_space<vmem>>, vector<16xf32>,
        %get3A_107 = arith.constant 0 : i32
        %get3A_108 = arith.index_cast %rem3A_35 : i32 to index
        %get3A_109 = arith.index_cast %get3A_107 : i32 to index
        %get3A_110 = arith.constant 0 : index
        %get3A_111 = tpu.vector_load %arg12[%get3A_108, %get3A_109, %get3A_110] {strides = array<i32>} : memref<2x128x16xf32, #tpu.memory_space<vmem>>, vector<16xf32>,
        %add3A_112 = arith.addf %get3A_106, %get3A_111 : vector<16xf32>
        %swap3A = arith.constant 0 : i32
        %swap3A_113 = arith.index_cast %rem3A_35 : i32 to index
        %swap3A_114 = arith.index_cast %swap3A : i32 to index
        %swap3A_115 = arith.constant 0 : index
        %swap3A_116 = tpu.vector_load %arg13[%swap3A_113, %swap3A_114, %swap3A_115] {strides = array<i32>} : memref<2x16x128xf32, #tpu.memory_space<vmem>>, vector<16xf32>,
        tpu.vector_store %arg13[%swap3A_113, %swap3A_114, %swap3A_115], %add3A_112 {strides = array<i32>} : memref<2x16x128xf32, #tpu.memory_space<vmem>>, vector<16xf32>,
        %get3A_117 = arith.constant 1 : i32
        %get3A_118 = arith.index_cast %rem3A_35 : i32 to index
        %get3A_119 = arith.index_cast %get3A_117 : i32 to index
        %get3A_120 = arith.constant 0 : index
        %get3A_121 = tpu.vector_load %arg11[%get3A_118, %get3A_119, %get3A_120] {strides = array<i32>} : memref<2x128x16xf32, #tpu.memory_space<vmem>>, vector<16xf32>,
        %get3A_122 = arith.constant 1 : i32
        %get3A_123 = arith.index_cast %rem3A_35 : i32 to index
        %get3A_124 = arith.index_cast %get3A_122 : i32 to index
        %get3A_125 = arith.constant 0 : index
        %get3A_126 = tpu.vector_load %arg12[%get3A_123, %get3A_124, %get3A_125] {strides = array<i32>} : memref<2x128x16xf32, #tpu.memory_space<vmem>>, vector<16xf32>,
        %add3A_127 = arith.addf %get3A_121, %get3A_126 : vector<16xf32>
        %swap3A_128 = arith.constant 0 : i32
        %swap3A_129 = arith.index_cast %rem3A_35 : i32 to index
        %swap3A_130 = arith.index_cast %swap3A_128 : i32 to index
        %swap3A_131 = arith.constant 16 : index
        %swap3A_132 = tpu.vector_load %arg13[%swap3A_129, %swap3A_130, %swap3A_131] {strides = array<i32>} : memref<2x16x128xf32, #tpu.memory_space<vmem>>, vector<16xf32>,
        tpu.vector_store %arg13[%swap3A_129, %swap3A_130, %swap3A_131], %add3A_127 {strides = array<i32>} : memref<2x16x128xf32, #tpu.memory_space<vmem>>, vector<16xf32>,
        %get3A_133 = arith.constant 2 : i32
        %get3A_134 = arith.index_cast %rem3A_35 : i32 to index
        %get3A_135 = arith.index_cast %get3A_133 : i32 to index
        %get3A_136 = arith.constant 0 : index
        %get3A_137 = tpu.vector_load %arg11[%get3A_134, %get3A_135, %get3A_136] {strides = array<i32>} : memref<2x128x16xf32, #tpu.memory_space<vmem>>, vector<16xf32>,
        %get3A_138 = arith.constant 2 : i32
        %get3A_139 = arith.index_cast %rem3A_35 : i32 to index
        %get3A_140 = arith.index_cast %get3A_138 : i32 to index
        %get3A_141 = arith.constant 0 : index
        %get3A_142 = tpu.vector_load %arg12[%get3A_139, %get3A_140, %get3A_141] {strides = array<i32>} : memref<2x128x16xf32, #tpu.memory_space<vmem>>, vector<16xf32>,
        %add3A_143 = arith.addf %get3A_137, %get3A_142 : vector<16xf32>
        %swap3A_144 = arith.constant 0 : i32
        %swap3A_145 = arith.index_cast %rem3A_35 : i32 to index
        %swap3A_146 = arith.index_cast %swap3A_144 : i32 to index
        %swap3A_147 = arith.constant 32 : index
        %swap3A_148 = tpu.vector_load %arg13[%swap3A_145, %swap3A_146, %swap3A_147] {strides = array<i32>} : memref<2x16x128xf32, #tpu.memory_space<vmem>>, vector<16xf32>,
        tpu.vector_store %arg13[%swap3A_145, %swap3A_146, %swap3A_147], %add3A_143 {strides = array<i32>} : memref<2x16x128xf32, #tpu.memory_space<vmem>>, vector<16xf32>,
        %get3A_149 = arith.constant 3 : i32
        %get3A_150 = arith.index_cast %rem3A_35 : i32 to index
        %get3A_151 = arith.index_cast %get3A_149 : i32 to index
        %get3A_152 = arith.constant 0 : index
        %get3A_153 = tpu.vector_load %arg11[%get3A_150, %get3A_151, %get3A_152] {strides = array<i32>} : memref<2x128x16xf32, #tpu.memory_space<vmem>>, vector<16xf32>,
        %get3A_154 = arith.constant 3 : i32
        %get3A_155 = arith.index_cast %rem3A_35 : i32 to index
        %get3A_156 = arith.index_cast %get3A_154 : i32 to index
        %get3A_157 = arith.constant 0 : index
        %get3A_158 = tpu.vector_load %arg12[%get3A_155, %get3A_156, %get3A_157] {strides = array<i32>} : memref<2x128x16xf32, #tpu.memory_space<vmem>>, vector<16xf32>,
        %add3A_159 = arith.addf %get3A_153, %get3A_158 : vector<16xf32>
        %swap3A_160 = arith.constant 0 : i32
        %swap3A_161 = arith.index_cast %rem3A_35 : i32 to index
        %swap3A_162 = arith.index_cast %swap3A_160 : i32 to index
        %swap3A_163 = arith.constant 48 : index
        %swap3A_164 = tpu.vector_load %arg13[%swap3A_161, %swap3A_162, %swap3A_163] {strides = array<i32>} : memref<2x16x128xf32, #tpu.memory_space<vmem>>, vector<16xf32>,
        tpu.vector_store %arg13[%swap3A_161, %swap3A_162, %swap3A_163], %add3A_159 {strides = array<i32>} : memref<2x16x128xf32, #tpu.memory_space<vmem>>, vector<16xf32>,
        %get3A_165 = arith.constant 4 : i32
        %get3A_166 = arith.index_cast %rem3A_35 : i32 to index
        %get3A_167 = arith.index_cast %get3A_165 : i32 to index
        %get3A_168 = arith.constant 0 : index
        %get3A_169 = tpu.vector_load %arg11[%get3A_166, %get3A_167, %get3A_168] {strides = array<i32>} : memref<2x128x16xf32, #tpu.memory_space<vmem>>, vector<16xf32>,
        %get3A_170 = arith.constant 4 : i32
        %get3A_171 = arith.index_cast %rem3A_35 : i32 to index
        %get3A_172 = arith.index_cast %get3A_170 : i32 to index
        %get3A_173 = arith.constant 0 : index
        %get3A_174 = tpu.vector_load %arg12[%get3A_171, %get3A_172, %get3A_173] {strides = array<i32>} : memref<2x128x16xf32, #tpu.memory_space<vmem>>, vector<16xf32>,
        %add3A_175 = arith.addf %get3A_169, %get3A_174 : vector<16xf32>
        %swap3A_176 = arith.constant 0 : i32
        %swap3A_177 = arith.index_cast %rem3A_35 : i32 to index
        %swap3A_178 = arith.index_cast %swap3A_176 : i32 to index
        %swap3A_179 = arith.constant 64 : index
        %swap3A_180 = tpu.vector_load %arg13[%swap3A_177, %swap3A_178, %swap3A_179] {strides = array<i32>} : memref<2x16x128xf32, #tpu.memory_space<vmem>>, vector<16xf32>,
        tpu.vector_store %arg13[%swap3A_177, %swap3A_178, %swap3A_179], %add3A_175 {strides = array<i32>} : memref<2x16x128xf32, #tpu.memory_space<vmem>>, vector<16xf32>,
        %get3A_181 = arith.constant 5 : i32
        %get3A_182 = arith.index_cast %rem3A_35 : i32 to index
        %get3A_183 = arith.index_cast %get3A_181 : i32 to index
        %get3A_184 = arith.constant 0 : index
        %get3A_185 = tpu.vector_load %arg11[%get3A_182, %get3A_183, %get3A_184] {strides = array<i32>} : memref<2x128x16xf32, #tpu.memory_space<vmem>>, vector<16xf32>,
        %get3A_186 = arith.constant 5 : i32
        %get3A_187 = arith.index_cast %rem3A_35 : i32 to index
        %get3A_188 = arith.index_cast %get3A_186 : i32 to index
        %get3A_189 = arith.constant 0 : index
        %get3A_190 = tpu.vector_load %arg12[%get3A_187, %get3A_188, %get3A_189] {strides = array<i32>} : memref<2x128x16xf32, #tpu.memory_space<vmem>>, vector<16xf32>,
        %add3A_191 = arith.addf %get3A_185, %get3A_190 : vector<16xf32>
        %swap3A_192 = arith.constant 0 : i32
        %swap3A_193 = arith.index_cast %rem3A_35 : i32 to index
        %swap3A_194 = arith.index_cast %swap3A_192 : i32 to index
        %swap3A_195 = arith.constant 80 : index
        %swap3A_196 = tpu.vector_load %arg13[%swap3A_193, %swap3A_194, %swap3A_195] {strides = array<i32>} : memref<2x16x128xf32, #tpu.memory_space<vmem>>, vector<16xf32>,
        tpu.vector_store %arg13[%swap3A_193, %swap3A_194, %swap3A_195], %add3A_191 {strides = array<i32>} : memref<2x16x128xf32, #tpu.memory_space<vmem>>, vector<16xf32>,
        %get3A_197 = arith.constant 6 : i32
        %get3A_198 = arith.index_cast %rem3A_35 : i32 to index
        %get3A_199 = arith.index_cast %get3A_197 : i32 to index
        %get3A_200 = arith.constant 0 : index
        %get3A_201 = tpu.vector_load %arg11[%get3A_198, %get3A_199, %get3A_200] {strides = array<i32>} : memref<2x128x16xf32, #tpu.memory_space<vmem>>, vector<16xf32>,
        %get3A_202 = arith.constant 6 : i32
        %get3A_203 = arith.index_cast %rem3A_35 : i32 to index
        %get3A_204 = arith.index_cast %get3A_202 : i32 to index
        %get3A_205 = arith.constant 0 : index
        %get3A_206 = tpu.vector_load %arg12[%get3A_203, %get3A_204, %get3A_205] {strides = array<i32>} : memref<2x128x16xf32, #tpu.memory_space<vmem>>, vector<16xf32>,
        %add3A_207 = arith.addf %get3A_201, %get3A_206 : vector<16xf32>
        %swap3A_208 = arith.constant 0 : i32
        %swap3A_209 = arith.index_cast %rem3A_35 : i32 to index
        %swap3A_210 = arith.index_cast %swap3A_208 : i32 to index
        %swap3A_211 = arith.constant 96 : index
        %swap3A_212 = tpu.vector_load %arg13[%swap3A_209, %swap3A_210, %swap3A_211] {strides = array<i32>} : memref<2x16x128xf32, #tpu.memory_space<vmem>>, vector<16xf32>,
        tpu.vector_store %arg13[%swap3A_209, %swap3A_210, %swap3A_211], %add3A_207 {strides = array<i32>} : memref<2x16x128xf32, #tpu.memory_space<vmem>>, vector<16xf32>,
        %get3A_213 = arith.constant 7 : i32
        %get3A_214 = arith.index_cast %rem3A_35 : i32 to index
        %get3A_215 = arith.index_cast %get3A_213 : i32 to index
        %get3A_216 = arith.constant 0 : index
        %get3A_217 = tpu.vector_load %arg11[%get3A_214, %get3A_215, %get3A_216] {strides = array<i32>} : memref<2x128x16xf32, #tpu.memory_space<vmem>>, vector<16xf32>,
        %get3A_218 = arith.constant 7 : i32
        %get3A_219 = arith.index_cast %rem3A_35 : i32 to index
        %get3A_220 = arith.index_cast %get3A_218 : i32 to index
        %get3A_221 = arith.constant 0 : index
        %get3A_222 = tpu.vector_load %arg12[%get3A_219, %get3A_220, %get3A_221] {strides = array<i32>} : memref<2x128x16xf32, #tpu.memory_space<vmem>>, vector<16xf32>,
        %add3A_223 = arith.addf %get3A_217, %get3A_222 : vector<16xf32>
        %swap3A_224 = arith.constant 0 : i32
        %swap3A_225 = arith.index_cast %rem3A_35 : i32 to index
        %swap3A_226 = arith.index_cast %swap3A_224 : i32 to index
        %swap3A_227 = arith.constant 112 : index
        %swap3A_228 = tpu.vector_load %arg13[%swap3A_225, %swap3A_226, %swap3A_227] {strides = array<i32>} : memref<2x16x128xf32, #tpu.memory_space<vmem>>, vector<16xf32>,
        tpu.vector_store %arg13[%swap3A_225, %swap3A_226, %swap3A_227], %add3A_223 {strides = array<i32>} : memref<2x16x128xf32, #tpu.memory_space<vmem>>, vector<16xf32>,
        %get3A_229 = arith.constant 8 : i32
        %get3A_230 = arith.index_cast %rem3A_35 : i32 to index
        %get3A_231 = arith.index_cast %get3A_229 : i32 to index
        %get3A_232 = arith.constant 0 : index
        %get3A_233 = tpu.vector_load %arg11[%get3A_230, %get3A_231, %get3A_232] {strides = array<i32>} : memref<2x128x16xf32, #tpu.memory_space<vmem>>, vector<16xf32>,
        %get3A_234 = arith.constant 8 : i32
        %get3A_235 = arith.index_cast %rem3A_35 : i32 to index
        %get3A_236 = arith.index_cast %get3A_234 : i32 to index
        %get3A_237 = arith.constant 0 : index
        %get3A_238 = tpu.vector_load %arg12[%get3A_235, %get3A_236, %get3A_237] {strides = array<i32>} : memref<2x128x16xf32, #tpu.memory_space<vmem>>, vector<16xf32>,
        %add3A_239 = arith.addf %get3A_233, %get3A_238 : vector<16xf32>
        %swap3A_240 = arith.constant 1 : i32
        %swap3A_241 = arith.index_cast %rem3A_35 : i32 to index
        %swap3A_242 = arith.index_cast %swap3A_240 : i32 to index
        %swap3A_243 = arith.constant 0 : index
        %swap3A_244 = tpu.vector_load %arg13[%swap3A_241, %swap3A_242, %swap3A_243] {strides = array<i32>} : memref<2x16x128xf32, #tpu.memory_space<vmem>>, vector<16xf32>,
        tpu.vector_store %arg13[%swap3A_241, %swap3A_242, %swap3A_243], %add3A_239 {strides = array<i32>} : memref<2x16x128xf32, #tpu.memory_space<vmem>>, vector<16xf32>,
        %get3A_245 = arith.constant 9 : i32
        %get3A_246 = arith.index_cast %rem3A_35 : i32 to index
        %get3A_247 = arith.index_cast %get3A_245 : i32 to index
        %get3A_248 = arith.constant 0 : index
        %get3A_249 = tpu.vector_load %arg11[%get3A_246, %get3A_247, %get3A_248] {strides = array<i32>} : memref<2x128x16xf32, #tpu.memory_space<vmem>>, vector<16xf32>,
        %get3A_250 = arith.constant 9 : i32
        %get3A_251 = arith.index_cast %rem3A_35 : i32 to index
        %get3A_252 = arith.index_cast %get3A_250 : i32 to index
        %get3A_253 = arith.constant 0 : index
        %get3A_254 = tpu.vector_load %arg12[%get3A_251, %get3A_252, %get3A_253] {strides = array<i32>} : memref<2x128x16xf32, #tpu.memory_space<vmem>>, vector<16xf32>,
        %add3A_255 = arith.addf %get3A_249, %get3A_254 : vector<16xf32>
        %swap3A_256 = arith.constant 1 : i32
        %swap3A_257 = arith.index_cast %rem3A_35 : i32 to index
        %swap3A_258 = arith.index_cast %swap3A_256 : i32 to index
        %swap3A_259 = arith.constant 16 : index
        %swap3A_260 = tpu.vector_load %arg13[%swap3A_257, %swap3A_258, %swap3A_259] {strides = array<i32>} : memref<2x16x128xf32, #tpu.memory_space<vmem>>, vector<16xf32>,
        tpu.vector_store %arg13[%swap3A_257, %swap3A_258, %swap3A_259], %add3A_255 {strides = array<i32>} : memref<2x16x128xf32, #tpu.memory_space<vmem>>, vector<16xf32>,
        %get3A_261 = arith.constant 10 : i32
        %get3A_262 = arith.index_cast %rem3A_35 : i32 to index
        %get3A_263 = arith.index_cast %get3A_261 : i32 to index
        %get3A_264 = arith.constant 0 : index
        %get3A_265 = tpu.vector_load %arg11[%get3A_262, %get3A_263, %get3A_264] {strides = array<i32>} : memref<2x128x16xf32, #tpu.memory_space<vmem>>, vector<16xf32>,
        %get3A_266 = arith.constant 10 : i32
        %get3A_267 = arith.index_cast %rem3A_35 : i32 to index
        %get3A_268 = arith.index_cast %get3A_266 : i32 to index
        %get3A_269 = arith.constant 0 : index
        %get3A_270 = tpu.vector_load %arg12[%get3A_267, %get3A_268, %get3A_269] {strides = array<i32>} : memref<2x128x16xf32, #tpu.memory_space<vmem>>, vector<16xf32>,
        %add3A_271 = arith.addf %get3A_265, %get3A_270 : vector<16xf32>
        %swap3A_272 = arith.constant 1 : i32
        %swap3A_273 = arith.index_cast %rem3A_35 : i32 to index
        %swap3A_274 = arith.index_cast %swap3A_272 : i32 to index
        %swap3A_275 = arith.constant 32 : index
        %swap3A_276 = tpu.vector_load %arg13[%swap3A_273, %swap3A_274, %swap3A_275] {strides = array<i32>} : memref<2x16x128xf32, #tpu.memory_space<vmem>>, vector<16xf32>,
        tpu.vector_store %arg13[%swap3A_273, %swap3A_274, %swap3A_275], %add3A_271 {strides = array<i32>} : memref<2x16x128xf32, #tpu.memory_space<vmem>>, vector<16xf32>,
        %get3A_277 = arith.constant 11 : i32
        %get3A_278 = arith.index_cast %rem3A_35 : i32 to index
        %get3A_279 = arith.index_cast %get3A_277 : i32 to index
        %get3A_280 = arith.constant 0 : index
        %get3A_281 = tpu.vector_load %arg11[%get3A_278, %get3A_279, %get3A_280] {strides = array<i32>} : memref<2x128x16xf32, #tpu.memory_space<vmem>>, vector<16xf32>,
        %get3A_282 = arith.constant 11 : i32
        %get3A_283 = arith.index_cast %rem3A_35 : i32 to index
        %get3A_284 = arith.index_cast %get3A_282 : i32 to index
        %get3A_285 = arith.constant 0 : index
        %get3A_286 = tpu.vector_load %arg12[%get3A_283, %get3A_284, %get3A_285] {strides = array<i32>} : memref<2x128x16xf32, #tpu.memory_space<vmem>>, vector<16xf32>,
        %add3A_287 = arith.addf %get3A_281, %get3A_286 : vector<16xf32>
        %swap3A_288 = arith.constant 1 : i32
        %swap3A_289 = arith.index_cast %rem3A_35 : i32 to index
        %swap3A_290 = arith.index_cast %swap3A_288 : i32 to index
        %swap3A_291 = arith.constant 48 : index
        %swap3A_292 = tpu.vector_load %arg13[%swap3A_289, %swap3A_290, %swap3A_291] {strides = array<i32>} : memref<2x16x128xf32, #tpu.memory_space<vmem>>, vector<16xf32>,
        tpu.vector_store %arg13[%swap3A_289, %swap3A_290, %swap3A_291], %add3A_287 {strides = array<i32>} : memref<2x16x128xf32, #tpu.memory_space<vmem>>, vector<16xf32>,
        %get3A_293 = arith.constant 12 : i32
        %get3A_294 = arith.index_cast %rem3A_35 : i32 to index
        %get3A_295 = arith.index_cast %get3A_293 : i32 to index
        %get3A_296 = arith.constant 0 : index
        %get3A_297 = tpu.vector_load %arg11[%get3A_294, %get3A_295, %get3A_296] {strides = array<i32>} : memref<2x128x16xf32, #tpu.memory_space<vmem>>, vector<16xf32>,
        %get3A_298 = arith.constant 12 : i32
        %get3A_299 = arith.index_cast %rem3A_35 : i32 to index
        %get3A_300 = arith.index_cast %get3A_298 : i32 to index
        %get3A_301 = arith.constant 0 : index
        %get3A_302 = tpu.vector_load %arg12[%get3A_299, %get3A_300, %get3A_301] {strides = array<i32>} : memref<2x128x16xf32, #tpu.memory_space<vmem>>, vector<16xf32>,
        %add3A_303 = arith.addf %get3A_297, %get3A_302 : vector<16xf32>
        %swap3A_304 = arith.constant 1 : i32
        %swap3A_305 = arith.index_cast %rem3A_35 : i32 to index
        %swap3A_306 = arith.index_cast %swap3A_304 : i32 to index
        %swap3A_307 = arith.constant 64 : index
        %swap3A_308 = tpu.vector_load %arg13[%swap3A_305, %swap3A_306, %swap3A_307] {strides = array<i32>} : memref<2x16x128xf32, #tpu.memory_space<vmem>>, vector<16xf32>,
        tpu.vector_store %arg13[%swap3A_305, %swap3A_306, %swap3A_307], %add3A_303 {strides = array<i32>} : memref<2x16x128xf32, #tpu.memory_space<vmem>>, vector<16xf32>,
        %get3A_309 = arith.constant 13 : i32
        %get3A_310 = arith.index_cast %rem3A_35 : i32 to index
        %get3A_311 = arith.index_cast %get3A_309 : i32 to index
        %get3A_312 = arith.constant 0 : index
        %get3A_313 = tpu.vector_load %arg11[%get3A_310, %get3A_311, %get3A_312] {strides = array<i32>} : memref<2x128x16xf32, #tpu.memory_space<vmem>>, vector<16xf32>,
        %get3A_314 = arith.constant 13 : i32
        %get3A_315 = arith.index_cast %rem3A_35 : i32 to index
        %get3A_316 = arith.index_cast %get3A_314 : i32 to index
        %get3A_317 = arith.constant 0 : index
        %get3A_318 = tpu.vector_load %arg12[%get3A_315, %get3A_316, %get3A_317] {strides = array<i32>} : memref<2x128x16xf32, #tpu.memory_space<vmem>>, vector<16xf32>,
        %add3A_319 = arith.addf %get3A_313, %get3A_318 : vector<16xf32>
        %swap3A_320 = arith.constant 1 : i32
        %swap3A_321 = arith.index_cast %rem3A_35 : i32 to index
        %swap3A_322 = arith.index_cast %swap3A_320 : i32 to index
        %swap3A_323 = arith.constant 80 : index
        %swap3A_324 = tpu.vector_load %arg13[%swap3A_321, %swap3A_322, %swap3A_323] {strides = array<i32>} : memref<2x16x128xf32, #tpu.memory_space<vmem>>, vector<16xf32>,
        tpu.vector_store %arg13[%swap3A_321, %swap3A_322, %swap3A_323], %add3A_319 {strides = array<i32>} : memref<2x16x128xf32, #tpu.memory_space<vmem>>, vector<16xf32>,
        %get3A_325 = arith.constant 14 : i32
        %get3A_326 = arith.index_cast %rem3A_35 : i32 to index
        %get3A_327 = arith.index_cast %get3A_325 : i32 to index
        %get3A_328 = arith.constant 0 : index
        %get3A_329 = tpu.vector_load %arg11[%get3A_326, %get3A_327, %get3A_328] {strides = array<i32>} : memref<2x128x16xf32, #tpu.memory_space<vmem>>, vector<16xf32>,
        %get3A_330 = arith.constant 14 : i32
        %get3A_331 = arith.index_cast %rem3A_35 : i32 to index
        %get3A_332 = arith.index_cast %get3A_330 : i32 to index
        %get3A_333 = arith.constant 0 : index
        %get3A_334 = tpu.vector_load %arg12[%get3A_331, %get3A_332, %get3A_333] {strides = array<i32>} : memref<2x128x16xf32, #tpu.memory_space<vmem>>, vector<16xf32>,
        %add3A_335 = arith.addf %get3A_329, %get3A_334 : vector<16xf32>
        %swap3A_336 = arith.constant 1 : i32
        %swap3A_337 = arith.index_cast %rem3A_35 : i32 to index
        %swap3A_338 = arith.index_cast %swap3A_336 : i32 to index
        %swap3A_339 = arith.constant 96 : index
        %swap3A_340 = tpu.vector_load %arg13[%swap3A_337, %swap3A_338, %swap3A_339] {strides = array<i32>} : memref<2x16x128xf32, #tpu.memory_space<vmem>>, vector<16xf32>,
        tpu.vector_store %arg13[%swap3A_337, %swap3A_338, %swap3A_339], %add3A_335 {strides = array<i32>} : memref<2x16x128xf32, #tpu.memory_space<vmem>>, vector<16xf32>,
        %get3A_341 = arith.constant 15 : i32
        %get3A_342 = arith.index_cast %rem3A_35 : i32 to index
        %get3A_343 = arith.index_cast %get3A_341 : i32 to index
        %get3A_344 = arith.constant 0 : index
        %get3A_345 = tpu.vector_load %arg11[%get3A_342, %get3A_343, %get3A_344] {strides = array<i32>} : memref<2x128x16xf32, #tpu.memory_space<vmem>>, vector<16xf32>,
        %get3A_346 = arith.constant 15 : i32
        %get3A_347 = arith.index_cast %rem3A_35 : i32 to index
        %get3A_348 = arith.index_cast %get3A_346 : i32 to index
        %get3A_349 = arith.constant 0 : index
        %get3A_350 = tpu.vector_load %arg12[%get3A_347, %get3A_348, %get3A_349] {strides = array<i32>} : memref<2x128x16xf32, #tpu.memory_space<vmem>>, vector<16xf32>,
        %add3A_351 = arith.addf %get3A_345, %get3A_350 : vector<16xf32>
        %swap3A_352 = arith.constant 1 : i32
        %swap3A_353 = arith.index_cast %rem3A_35 : i32 to index
        %swap3A_354 = arith.index_cast %swap3A_352 : i32 to index
        %swap3A_355 = arith.constant 112 : index
        %swap3A_356 = tpu.vector_load %arg13[%swap3A_353, %swap3A_354, %swap3A_355] {strides = array<i32>} : memref<2x16x128xf32, #tpu.memory_space<vmem>>, vector<16xf32>,
        tpu.vector_store %arg13[%swap3A_353, %swap3A_354, %swap3A_355], %add3A_351 {strides = array<i32>} : memref<2x16x128xf32, #tpu.memory_space<vmem>>, vector<16xf32>,
        %get3A_357 = arith.constant 16 : i32
        %get3A_358 = arith.index_cast %rem3A_35 : i32 to index
        %get3A_359 = arith.index_cast %get3A_357 : i32 to index
        %get3A_360 = arith.constant 0 : index
        %get3A_361 = tpu.vector_load %arg11[%get3A_358, %get3A_359, %get3A_360] {strides = array<i32>} : memref<2x128x16xf32, #tpu.memory_space<vmem>>, vector<16xf32>,
        %get3A_362 = arith.constant 16 : i32
        %get3A_363 = arith.index_cast %rem3A_35 : i32 to index
        %get3A_364 = arith.index_cast %get3A_362 : i32 to index
        %get3A_365 = arith.constant 0 : index
        %get3A_366 = tpu.vector_load %arg12[%get3A_363, %get3A_364, %get3A_365] {strides = array<i32>} : memref<2x128x16xf32, #tpu.memory_space<vmem>>, vector<16xf32>,
        %add3A_367 = arith.addf %get3A_361, %get3A_366 : vector<16xf32>
        %swap3A_368 = arith.constant 2 : i32
        %swap3A_369 = arith.index_cast %rem3A_35 : i32 to index
        %swap3A_370 = arith.index_cast %swap3A_368 : i32 to index
        %swap3A_371 = arith.constant 0 : index
        %swap3A_372 = tpu.vector_load %arg13[%swap3A_369, %swap3A_370, %swap3A_371] {strides = array<i32>} : memref<2x16x128xf32, #tpu.memory_space<vmem>>, vector<16xf32>,
        tpu.vector_store %arg13[%swap3A_369, %swap3A_370, %swap3A_371], %add3A_367 {strides = array<i32>} : memref<2x16x128xf32, #tpu.memory_space<vmem>>, vector<16xf32>,
        %get3A_373 = arith.constant 17 : i32
        %get3A_374 = arith.index_cast %rem3A_35 : i32 to index
        %get3A_375 = arith.index_cast %get3A_373 : i32 to index
        %get3A_376 = arith.constant 0 : index
        %get3A_377 = tpu.vector_load %arg11[%get3A_374, %get3A_375, %get3A_376] {strides = array<i32>} : memref<2x128x16xf32, #tpu.memory_space<vmem>>, vector<16xf32>,
        %get3A_378 = arith.constant 17 : i32
        %get3A_379 = arith.index_cast %rem3A_35 : i32 to index
        %get3A_380 = arith.index_cast %get3A_378 : i32 to index
        %get3A_381 = arith.constant 0 : index
        %get3A_382 = tpu.vector_load %arg12[%get3A_379, %get3A_380, %get3A_381] {strides = array<i32>} : memref<2x128x16xf32, #tpu.memory_space<vmem>>, vector<16xf32>,
        %add3A_383 = arith.addf %get3A_377, %get3A_382 : vector<16xf32>
        %swap3A_384 = arith.constant 2 : i32
        %swap3A_385 = arith.index_cast %rem3A_35 : i32 to index
        %swap3A_386 = arith.index_cast %swap3A_384 : i32 to index
        %swap3A_387 = arith.constant 16 : index
        %swap3A_388 = tpu.vector_load %arg13[%swap3A_385, %swap3A_386, %swap3A_387] {strides = array<i32>} : memref<2x16x128xf32, #tpu.memory_space<vmem>>, vector<16xf32>,
        tpu.vector_store %arg13[%swap3A_385, %swap3A_386, %swap3A_387], %add3A_383 {strides = array<i32>} : memref<2x16x128xf32, #tpu.memory_space<vmem>>, vector<16xf32>,
        %get3A_389 = arith.constant 18 : i32
        %get3A_390 = arith.index_cast %rem3A_35 : i32 to index
        %get3A_391 = arith.index_cast %get3A_389 : i32 to index
        %get3A_392 = arith.constant 0 : index
        %get3A_393 = tpu.vector_load %arg11[%get3A_390, %get3A_391, %get3A_392] {strides = array<i32>} : memref<2x128x16xf32, #tpu.memory_space<vmem>>, vector<16xf32>,
        %get3A_394 = arith.constant 18 : i32
        %get3A_395 = arith.index_cast %rem3A_35 : i32 to index
        %get3A_396 = arith.index_cast %get3A_394 : i32 to index
        %get3A_397 = arith.constant 0 : index
        %get3A_398 = tpu.vector_load %arg12[%get3A_395, %get3A_396, %get3A_397] {strides = array<i32>} : memref<2x128x16xf32, #tpu.memory_space<vmem>>, vector<16xf32>,
        %add3A_399 = arith.addf %get3A_393, %get3A_398 : vector<16xf32>
        %swap3A_400 = arith.constant 2 : i32
        %swap3A_401 = arith.index_cast %rem3A_35 : i32 to index
        %swap3A_402 = arith.index_cast %swap3A_400 : i32 to index
        %swap3A_403 = arith.constant 32 : index
        %swap3A_404 = tpu.vector_load %arg13[%swap3A_401, %swap3A_402, %swap3A_403] {strides = array<i32>} : memref<2x16x128xf32, #tpu.memory_space<vmem>>, vector<16xf32>,
        tpu.vector_store %arg13[%swap3A_401, %swap3A_402, %swap3A_403], %add3A_399 {strides = array<i32>} : memref<2x16x128xf32, #tpu.memory_space<vmem>>, vector<16xf32>,
        %get3A_405 = arith.constant 19 : i32
        %get3A_406 = arith.index_cast %rem3A_35 : i32 to index
        %get3A_407 = arith.index_cast %get3A_405 : i32 to index
        %get3A_408 = arith.constant 0 : index
        %get3A_409 = tpu.vector_load %arg11[%get3A_406, %get3A_407, %get3A_408] {strides = array<i32>} : memref<2x128x16xf32, #tpu.memory_space<vmem>>, vector<16xf32>,
        %get3A_410 = arith.constant 19 : i32
        %get3A_411 = arith.index_cast %rem3A_35 : i32 to index
        %get3A_412 = arith.index_cast %get3A_410 : i32 to index
        %get3A_413 = arith.constant 0 : index
        %get3A_414 = tpu.vector_load %arg12[%get3A_411, %get3A_412, %get3A_413] {strides = array<i32>} : memref<2x128x16xf32, #tpu.memory_space<vmem>>, vector<16xf32>,
        %add3A_415 = arith.addf %get3A_409, %get3A_414 : vector<16xf32>
        %swap3A_416 = arith.constant 2 : i32
        %swap3A_417 = arith.index_cast %rem3A_35 : i32 to index
        %swap3A_418 = arith.index_cast %swap3A_416 : i32 to index
        %swap3A_419 = arith.constant 48 : index
        %swap3A_420 = tpu.vector_load %arg13[%swap3A_417, %swap3A_418, %swap3A_419] {strides = array<i32>} : memref<2x16x128xf32, #tpu.memory_space<vmem>>, vector<16xf32>,
        tpu.vector_store %arg13[%swap3A_417, %swap3A_418, %swap3A_419], %add3A_415 {strides = array<i32>} : memref<2x16x128xf32, #tpu.memory_space<vmem>>, vector<16xf32>,
        %get3A_421 = arith.constant 20 : i32
        %get3A_422 = arith.index_cast %rem3A_35 : i32 to index
        %get3A_423 = arith.index_cast %get3A_421 : i32 to index
        %get3A_424 = arith.constant 0 : index
        %get3A_425 = tpu.vector_load %arg11[%get3A_422, %get3A_423, %get3A_424] {strides = array<i32>} : memref<2x128x16xf32, #tpu.memory_space<vmem>>, vector<16xf32>,
        %get3A_426 = arith.constant 20 : i32
        %get3A_427 = arith.index_cast %rem3A_35 : i32 to index
        %get3A_428 = arith.index_cast %get3A_426 : i32 to index
        %get3A_429 = arith.constant 0 : index
        %get3A_430 = tpu.vector_load %arg12[%get3A_427, %get3A_428, %get3A_429] {strides = array<i32>} : memref<2x128x16xf32, #tpu.memory_space<vmem>>, vector<16xf32>,
        %add3A_431 = arith.addf %get3A_425, %get3A_430 : vector<16xf32>
        %swap3A_432 = arith.constant 2 : i32
        %swap3A_433 = arith.index_cast %rem3A_35 : i32 to index
        %swap3A_434 = arith.index_cast %swap3A_432 : i32 to index
        %swap3A_435 = arith.constant 64 : index
        %swap3A_436 = tpu.vector_load %arg13[%swap3A_433, %swap3A_434, %swap3A_435] {strides = array<i32>} : memref<2x16x128xf32, #tpu.memory_space<vmem>>, vector<16xf32>,
        tpu.vector_store %arg13[%swap3A_433, %swap3A_434, %swap3A_435], %add3A_431 {strides = array<i32>} : memref<2x16x128xf32, #tpu.memory_space<vmem>>, vector<16xf32>,
        %get3A_437 = arith.constant 21 : i32
        %get3A_438 = arith.index_cast %rem3A_35 : i32 to index
        %get3A_439 = arith.index_cast %get3A_437 : i32 to index
        %get3A_440 = arith.constant 0 : index
        %get3A_441 = tpu.vector_load %arg11[%get3A_438, %get3A_439, %get3A_440] {strides = array<i32>} : memref<2x128x16xf32, #tpu.memory_space<vmem>>, vector<16xf32>,
        %get3A_442 = arith.constant 21 : i32
        %get3A_443 = arith.index_cast %rem3A_35 : i32 to index
        %get3A_444 = arith.index_cast %get3A_442 : i32 to index
        %get3A_445 = arith.constant 0 : index
        %get3A_446 = tpu.vector_load %arg12[%get3A_443, %get3A_444, %get3A_445] {strides = array<i32>} : memref<2x128x16xf32, #tpu.memory_space<vmem>>, vector<16xf32>,
        %add3A_447 = arith.addf %get3A_441, %get3A_446 : vector<16xf32>
        %swap3A_448 = arith.constant 2 : i32
        %swap3A_449 = arith.index_cast %rem3A_35 : i32 to index
        %swap3A_450 = arith.index_cast %swap3A_448 : i32 to index
        %swap3A_451 = arith.constant 80 : index
        %swap3A_452 = tpu.vector_load %arg13[%swap3A_449, %swap3A_450, %swap3A_451] {strides = array<i32>} : memref<2x16x128xf32, #tpu.memory_space<vmem>>, vector<16xf32>,
        tpu.vector_store %arg13[%swap3A_449, %swap3A_450, %swap3A_451], %add3A_447 {strides = array<i32>} : memref<2x16x128xf32, #tpu.memory_space<vmem>>, vector<16xf32>,
        %get3A_453 = arith.constant 22 : i32
        %get3A_454 = arith.index_cast %rem3A_35 : i32 to index
        %get3A_455 = arith.index_cast %get3A_453 : i32 to index
        %get3A_456 = arith.constant 0 : index
        %get3A_457 = tpu.vector_load %arg11[%get3A_454, %get3A_455, %get3A_456] {strides = array<i32>} : memref<2x128x16xf32, #tpu.memory_space<vmem>>, vector<16xf32>,
        %get3A_458 = arith.constant 22 : i32
        %get3A_459 = arith.index_cast %rem3A_35 : i32 to index
        %get3A_460 = arith.index_cast %get3A_458 : i32 to index
        %get3A_461 = arith.constant 0 : index
        %get3A_462 = tpu.vector_load %arg12[%get3A_459, %get3A_460, %get3A_461] {strides = array<i32>} : memref<2x128x16xf32, #tpu.memory_space<vmem>>, vector<16xf32>,
        %add3A_463 = arith.addf %get3A_457, %get3A_462 : vector<16xf32>
        %swap3A_464 = arith.constant 2 : i32
        %swap3A_465 = arith.index_cast %rem3A_35 : i32 to index
        %swap3A_466 = arith.index_cast %swap3A_464 : i32 to index
        %swap3A_467 = arith.constant 96 : index
        %swap3A_468 = tpu.vector_load %arg13[%swap3A_465, %swap3A_466, %swap3A_467] {strides = array<i32>} : memref<2x16x128xf32, #tpu.memory_space<vmem>>, vector<16xf32>,
        tpu.vector_store %arg13[%swap3A_465, %swap3A_466, %swap3A_467], %add3A_463 {strides = array<i32>} : memref<2x16x128xf32, #tpu.memory_space<vmem>>, vector<16xf32>,
        %get3A_469 = arith.constant 23 : i32
        %get3A_470 = arith.index_cast %rem3A_35 : i32 to index
        %get3A_471 = arith.index_cast %get3A_469 : i32 to index
        %get3A_472 = arith.constant 0 : index
        %get3A_473 = tpu.vector_load %arg11[%get3A_470, %get3A_471, %get3A_472] {strides = array<i32>} : memref<2x128x16xf32, #tpu.memory_space<vmem>>, vector<16xf32>,
        %get3A_474 = arith.constant 23 : i32
        %get3A_475 = arith.index_cast %rem3A_35 : i32 to index
        %get3A_476 = arith.index_cast %get3A_474 : i32 to index
        %get3A_477 = arith.constant 0 : index
        %get3A_478 = tpu.vector_load %arg12[%get3A_475, %get3A_476, %get3A_477] {strides = array<i32>} : memref<2x128x16xf32, #tpu.memory_space<vmem>>, vector<16xf32>,
        %add3A_479 = arith.addf %get3A_473, %get3A_478 : vector<16xf32>
        %swap3A_480 = arith.constant 2 : i32
        %swap3A_481 = arith.index_cast %rem3A_35 : i32 to index
        %swap3A_482 = arith.index_cast %swap3A_480 : i32 to index
        %swap3A_483 = arith.constant 112 : index
        %swap3A_484 = tpu.vector_load %arg13[%swap3A_481, %swap3A_482, %swap3A_483] {strides = array<i32>} : memref<2x16x128xf32, #tpu.memory_space<vmem>>, vector<16xf32>,
        tpu.vector_store %arg13[%swap3A_481, %swap3A_482, %swap3A_483], %add3A_479 {strides = array<i32>} : memref<2x16x128xf32, #tpu.memory_space<vmem>>, vector<16xf32>,
        %get3A_485 = arith.constant 24 : i32
        %get3A_486 = arith.index_cast %rem3A_35 : i32 to index
        %get3A_487 = arith.index_cast %get3A_485 : i32 to index
        %get3A_488 = arith.constant 0 : index
        %get3A_489 = tpu.vector_load %arg11[%get3A_486, %get3A_487, %get3A_488] {strides = array<i32>} : memref<2x128x16xf32, #tpu.memory_space<vmem>>, vector<16xf32>,
        %get3A_490 = arith.constant 24 : i32
        %get3A_491 = arith.index_cast %rem3A_35 : i32 to index
        %get3A_492 = arith.index_cast %get3A_490 : i32 to index
        %get3A_493 = arith.constant 0 : index
        %get3A_494 = tpu.vector_load %arg12[%get3A_491, %get3A_492, %get3A_493] {strides = array<i32>} : memref<2x128x16xf32, #tpu.memory_space<vmem>>, vector<16xf32>,
        %add3A_495 = arith.addf %get3A_489, %get3A_494 : vector<16xf32>
        %swap3A_496 = arith.constant 3 : i32
        %swap3A_497 = arith.index_cast %rem3A_35 : i32 to index
        %swap3A_498 = arith.index_cast %swap3A_496 : i32 to index
        %swap3A_499 = arith.constant 0 : index
        %swap3A_500 = tpu.vector_load %arg13[%swap3A_497, %swap3A_498, %swap3A_499] {strides = array<i32>} : memref<2x16x128xf32, #tpu.memory_space<vmem>>, vector<16xf32>,
        tpu.vector_store %arg13[%swap3A_497, %swap3A_498, %swap3A_499], %add3A_495 {strides = array<i32>} : memref<2x16x128xf32, #tpu.memory_space<vmem>>, vector<16xf32>,
        %get3A_501 = arith.constant 25 : i32
        %get3A_502 = arith.index_cast %rem3A_35 : i32 to index
        %get3A_503 = arith.index_cast %get3A_501 : i32 to index
        %get3A_504 = arith.constant 0 : index
        %get3A_505 = tpu.vector_load %arg11[%get3A_502, %get3A_503, %get3A_504] {strides = array<i32>} : memref<2x128x16xf32, #tpu.memory_space<vmem>>, vector<16xf32>,
        %get3A_506 = arith.constant 25 : i32
        %get3A_507 = arith.index_cast %rem3A_35 : i32 to index
        %get3A_508 = arith.index_cast %get3A_506 : i32 to index
        %get3A_509 = arith.constant 0 : index
        %get3A_510 = tpu.vector_load %arg12[%get3A_507, %get3A_508, %get3A_509] {strides = array<i32>} : memref<2x128x16xf32, #tpu.memory_space<vmem>>, vector<16xf32>,
        %add3A_511 = arith.addf %get3A_505, %get3A_510 : vector<16xf32>
        %swap3A_512 = arith.constant 3 : i32
        %swap3A_513 = arith.index_cast %rem3A_35 : i32 to index
        %swap3A_514 = arith.index_cast %swap3A_512 : i32 to index
        %swap3A_515 = arith.constant 16 : index
        %swap3A_516 = tpu.vector_load %arg13[%swap3A_513, %swap3A_514, %swap3A_515] {strides = array<i32>} : memref<2x16x128xf32, #tpu.memory_space<vmem>>, vector<16xf32>,
        tpu.vector_store %arg13[%swap3A_513, %swap3A_514, %swap3A_515], %add3A_511 {strides = array<i32>} : memref<2x16x128xf32, #tpu.memory_space<vmem>>, vector<16xf32>,
        %get3A_517 = arith.constant 26 : i32
        %get3A_518 = arith.index_cast %rem3A_35 : i32 to index
        %get3A_519 = arith.index_cast %get3A_517 : i32 to index
        %get3A_520 = arith.constant 0 : index
        %get3A_521 = tpu.vector_load %arg11[%get3A_518, %get3A_519, %get3A_520] {strides = array<i32>} : memref<2x128x16xf32, #tpu.memory_space<vmem>>, vector<16xf32>,
        %get3A_522 = arith.constant 26 : i32
        %get3A_523 = arith.index_cast %rem3A_35 : i32 to index
        %get3A_524 = arith.index_cast %get3A_522 : i32 to index
        %get3A_525 = arith.constant 0 : index
        %get3A_526 = tpu.vector_load %arg12[%get3A_523, %get3A_524, %get3A_525] {strides = array<i32>} : memref<2x128x16xf32, #tpu.memory_space<vmem>>, vector<16xf32>,
        %add3A_527 = arith.addf %get3A_521, %get3A_526 : vector<16xf32>
        %swap3A_528 = arith.constant 3 : i32
        %swap3A_529 = arith.index_cast %rem3A_35 : i32 to index
        %swap3A_530 = arith.index_cast %swap3A_528 : i32 to index
        %swap3A_531 = arith.constant 32 : index
        %swap3A_532 = tpu.vector_load %arg13[%swap3A_529, %swap3A_530, %swap3A_531] {strides = array<i32>} : memref<2x16x128xf32, #tpu.memory_space<vmem>>, vector<16xf32>,
        tpu.vector_store %arg13[%swap3A_529, %swap3A_530, %swap3A_531], %add3A_527 {strides = array<i32>} : memref<2x16x128xf32, #tpu.memory_space<vmem>>, vector<16xf32>,
        %get3A_533 = arith.constant 27 : i32
        %get3A_534 = arith.index_cast %rem3A_35 : i32 to index
        %get3A_535 = arith.index_cast %get3A_533 : i32 to index
        %get3A_536 = arith.constant 0 : index
        %get3A_537 = tpu.vector_load %arg11[%get3A_534, %get3A_535, %get3A_536] {strides = array<i32>} : memref<2x128x16xf32, #tpu.memory_space<vmem>>, vector<16xf32>,
        %get3A_538 = arith.constant 27 : i32
        %get3A_539 = arith.index_cast %rem3A_35 : i32 to index
        %get3A_540 = arith.index_cast %get3A_538 : i32 to index
        %get3A_541 = arith.constant 0 : index
        %get3A_542 = tpu.vector_load %arg12[%get3A_539, %get3A_540, %get3A_541] {strides = array<i32>} : memref<2x128x16xf32, #tpu.memory_space<vmem>>, vector<16xf32>,
        %add3A_543 = arith.addf %get3A_537, %get3A_542 : vector<16xf32>
        %swap3A_544 = arith.constant 3 : i32
        %swap3A_545 = arith.index_cast %rem3A_35 : i32 to index
        %swap3A_546 = arith.index_cast %swap3A_544 : i32 to index
        %swap3A_547 = arith.constant 48 : index
        %swap3A_548 = tpu.vector_load %arg13[%swap3A_545, %swap3A_546, %swap3A_547] {strides = array<i32>} : memref<2x16x128xf32, #tpu.memory_space<vmem>>, vector<16xf32>,
        tpu.vector_store %arg13[%swap3A_545, %swap3A_546, %swap3A_547], %add3A_543 {strides = array<i32>} : memref<2x16x128xf32, #tpu.memory_space<vmem>>, vector<16xf32>,
        %get3A_549 = arith.constant 28 : i32
        %get3A_550 = arith.index_cast %rem3A_35 : i32 to index
        %get3A_551 = arith.index_cast %get3A_549 : i32 to index
        %get3A_552 = arith.constant 0 : index
        %get3A_553 = tpu.vector_load %arg11[%get3A_550, %get3A_551, %get3A_552] {strides = array<i32>} : memref<2x128x16xf32, #tpu.memory_space<vmem>>, vector<16xf32>,
        %get3A_554 = arith.constant 28 : i32
        %get3A_555 = arith.index_cast %rem3A_35 : i32 to index
        %get3A_556 = arith.index_cast %get3A_554 : i32 to index
        %get3A_557 = arith.constant 0 : index
        %get3A_558 = tpu.vector_load %arg12[%get3A_555, %get3A_556, %get3A_557] {strides = array<i32>} : memref<2x128x16xf32, #tpu.memory_space<vmem>>, vector<16xf32>,
        %add3A_559 = arith.addf %get3A_553, %get3A_558 : vector<16xf32>
        %swap3A_560 = arith.constant 3 : i32
        %swap3A_561 = arith.index_cast %rem3A_35 : i32 to index
        %swap3A_562 = arith.index_cast %swap3A_560 : i32 to index
        %swap3A_563 = arith.constant 64 : index
        %swap3A_564 = tpu.vector_load %arg13[%swap3A_561, %swap3A_562, %swap3A_563] {strides = array<i32>} : memref<2x16x128xf32, #tpu.memory_space<vmem>>, vector<16xf32>,
        tpu.vector_store %arg13[%swap3A_561, %swap3A_562, %swap3A_563], %add3A_559 {strides = array<i32>} : memref<2x16x128xf32, #tpu.memory_space<vmem>>, vector<16xf32>,
        %get3A_565 = arith.constant 29 : i32
        %get3A_566 = arith.index_cast %rem3A_35 : i32 to index
        %get3A_567 = arith.index_cast %get3A_565 : i32 to index
        %get3A_568 = arith.constant 0 : index
        %get3A_569 = tpu.vector_load %arg11[%get3A_566, %get3A_567, %get3A_568] {strides = array<i32>} : memref<2x128x16xf32, #tpu.memory_space<vmem>>, vector<16xf32>,
        %get3A_570 = arith.constant 29 : i32
        %get3A_571 = arith.index_cast %rem3A_35 : i32 to index
        %get3A_572 = arith.index_cast %get3A_570 : i32 to index
        %get3A_573 = arith.constant 0 : index
        %get3A_574 = tpu.vector_load %arg12[%get3A_571, %get3A_572, %get3A_573] {strides = array<i32>} : memref<2x128x16xf32, #tpu.memory_space<vmem>>, vector<16xf32>,
        %add3A_575 = arith.addf %get3A_569, %get3A_574 : vector<16xf32>
        %swap3A_576 = arith.constant 3 : i32
        %swap3A_577 = arith.index_cast %rem3A_35 : i32 to index
        %swap3A_578 = arith.index_cast %swap3A_576 : i32 to index
        %swap3A_579 = arith.constant 80 : index
        %swap3A_580 = tpu.vector_load %arg13[%swap3A_577, %swap3A_578, %swap3A_579] {strides = array<i32>} : memref<2x16x128xf32, #tpu.memory_space<vmem>>, vector<16xf32>,
        tpu.vector_store %arg13[%swap3A_577, %swap3A_578, %swap3A_579], %add3A_575 {strides = array<i32>} : memref<2x16x128xf32, #tpu.memory_space<vmem>>, vector<16xf32>,
        %get3A_581 = arith.constant 30 : i32
        %get3A_582 = arith.index_cast %rem3A_35 : i32 to index
        %get3A_583 = arith.index_cast %get3A_581 : i32 to index
        %get3A_584 = arith.constant 0 : index
        %get3A_585 = tpu.vector_load %arg11[%get3A_582, %get3A_583, %get3A_584] {strides = array<i32>} : memref<2x128x16xf32, #tpu.memory_space<vmem>>, vector<16xf32>,
        %get3A_586 = arith.constant 30 : i32
        %get3A_587 = arith.index_cast %rem3A_35 : i32 to index
        %get3A_588 = arith.index_cast %get3A_586 : i32 to index
        %get3A_589 = arith.constant 0 : index
        %get3A_590 = tpu.vector_load %arg12[%get3A_587, %get3A_588, %get3A_589] {strides = array<i32>} : memref<2x128x16xf32, #tpu.memory_space<vmem>>, vector<16xf32>,
        %add3A_591 = arith.addf %get3A_585, %get3A_590 : vector<16xf32>
        %swap3A_592 = arith.constant 3 : i32
        %swap3A_593 = arith.index_cast %rem3A_35 : i32 to index
        %swap3A_594 = arith.index_cast %swap3A_592 : i32 to index
        %swap3A_595 = arith.constant 96 : index
        %swap3A_596 = tpu.vector_load %arg13[%swap3A_593, %swap3A_594, %swap3A_595] {strides = array<i32>} : memref<2x16x128xf32, #tpu.memory_space<vmem>>, vector<16xf32>,
        tpu.vector_store %arg13[%swap3A_593, %swap3A_594, %swap3A_595], %add3A_591 {strides = array<i32>} : memref<2x16x128xf32, #tpu.memory_space<vmem>>, vector<16xf32>,
        %get3A_597 = arith.constant 31 : i32
        %get3A_598 = arith.index_cast %rem3A_35 : i32 to index
        %get3A_599 = arith.index_cast %get3A_597 : i32 to index
        %get3A_600 = arith.constant 0 : index
        %get3A_601 = tpu.vector_load %arg11[%get3A_598, %get3A_599, %get3A_600] {strides = array<i32>} : memref<2x128x16xf32, #tpu.memory_space<vmem>>, vector<16xf32>,
        %get3A_602 = arith.constant 31 : i32
        %get3A_603 = arith.index_cast %rem3A_35 : i32 to index
        %get3A_604 = arith.index_cast %get3A_602 : i32 to index
        %get3A_605 = arith.constant 0 : index
        %get3A_606 = tpu.vector_load %arg12[%get3A_603, %get3A_604, %get3A_605] {strides = array<i32>} : memref<2x128x16xf32, #tpu.memory_space<vmem>>, vector<16xf32>,
        %add3A_607 = arith.addf %get3A_601, %get3A_606 : vector<16xf32>
        %swap3A_608 = arith.constant 3 : i32
        %swap3A_609 = arith.index_cast %rem3A_35 : i32 to index
        %swap3A_610 = arith.index_cast %swap3A_608 : i32 to index
        %swap3A_611 = arith.constant 112 : index
        %swap3A_612 = tpu.vector_load %arg13[%swap3A_609, %swap3A_610, %swap3A_611] {strides = array<i32>} : memref<2x16x128xf32, #tpu.memory_space<vmem>>, vector<16xf32>,
        tpu.vector_store %arg13[%swap3A_609, %swap3A_610, %swap3A_611], %add3A_607 {strides = array<i32>} : memref<2x16x128xf32, #tpu.memory_space<vmem>>, vector<16xf32>,
        %get3A_613 = arith.constant 32 : i32
        %get3A_614 = arith.index_cast %rem3A_35 : i32 to index
        %get3A_615 = arith.index_cast %get3A_613 : i32 to index
        %get3A_616 = arith.constant 0 : index
        %get3A_617 = tpu.vector_load %arg11[%get3A_614, %get3A_615, %get3A_616] {strides = array<i32>} : memref<2x128x16xf32, #tpu.memory_space<vmem>>, vector<16xf32>,
        %get3A_618 = arith.constant 32 : i32
        %get3A_619 = arith.index_cast %rem3A_35 : i32 to index
        %get3A_620 = arith.index_cast %get3A_618 : i32 to index
        %get3A_621 = arith.constant 0 : index
        %get3A_622 = tpu.vector_load %arg12[%get3A_619, %get3A_620, %get3A_621] {strides = array<i32>} : memref<2x128x16xf32, #tpu.memory_space<vmem>>, vector<16xf32>,
        %add3A_623 = arith.addf %get3A_617, %get3A_622 : vector<16xf32>
        %swap3A_624 = arith.constant 4 : i32
        %swap3A_625 = arith.index_cast %rem3A_35 : i32 to index
        %swap3A_626 = arith.index_cast %swap3A_624 : i32 to index
        %swap3A_627 = arith.constant 0 : index
        %swap3A_628 = tpu.vector_load %arg13[%swap3A_625, %swap3A_626, %swap3A_627] {strides = array<i32>} : memref<2x16x128xf32, #tpu.memory_space<vmem>>, vector<16xf32>,
        tpu.vector_store %arg13[%swap3A_625, %swap3A_626, %swap3A_627], %add3A_623 {strides = array<i32>} : memref<2x16x128xf32, #tpu.memory_space<vmem>>, vector<16xf32>,
        %get3A_629 = arith.constant 33 : i32
        %get3A_630 = arith.index_cast %rem3A_35 : i32 to index
        %get3A_631 = arith.index_cast %get3A_629 : i32 to index
        %get3A_632 = arith.constant 0 : index
        %get3A_633 = tpu.vector_load %arg11[%get3A_630, %get3A_631, %get3A_632] {strides = array<i32>} : memref<2x128x16xf32, #tpu.memory_space<vmem>>, vector<16xf32>,
        %get3A_634 = arith.constant 33 : i32
        %get3A_635 = arith.index_cast %rem3A_35 : i32 to index
        %get3A_636 = arith.index_cast %get3A_634 : i32 to index
        %get3A_637 = arith.constant 0 : index
        %get3A_638 = tpu.vector_load %arg12[%get3A_635, %get3A_636, %get3A_637] {strides = array<i32>} : memref<2x128x16xf32, #tpu.memory_space<vmem>>, vector<16xf32>,
        %add3A_639 = arith.addf %get3A_633, %get3A_638 : vector<16xf32>
        %swap3A_640 = arith.constant 4 : i32
        %swap3A_641 = arith.index_cast %rem3A_35 : i32 to index
        %swap3A_642 = arith.index_cast %swap3A_640 : i32 to index
        %swap3A_643 = arith.constant 16 : index
        %swap3A_644 = tpu.vector_load %arg13[%swap3A_641, %swap3A_642, %swap3A_643] {strides = array<i32>} : memref<2x16x128xf32, #tpu.memory_space<vmem>>, vector<16xf32>,
        tpu.vector_store %arg13[%swap3A_641, %swap3A_642, %swap3A_643], %add3A_639 {strides = array<i32>} : memref<2x16x128xf32, #tpu.memory_space<vmem>>, vector<16xf32>,
        %get3A_645 = arith.constant 34 : i32
        %get3A_646 = arith.index_cast %rem3A_35 : i32 to index
        %get3A_647 = arith.index_cast %get3A_645 : i32 to index
        %get3A_648 = arith.constant 0 : index
        %get3A_649 = tpu.vector_load %arg11[%get3A_646, %get3A_647, %get3A_648] {strides = array<i32>} : memref<2x128x16xf32, #tpu.memory_space<vmem>>, vector<16xf32>,
        %get3A_650 = arith.constant 34 : i32
        %get3A_651 = arith.index_cast %rem3A_35 : i32 to index
        %get3A_652 = arith.index_cast %get3A_650 : i32 to index
        %get3A_653 = arith.constant 0 : index
        %get3A_654 = tpu.vector_load %arg12[%get3A_651, %get3A_652, %get3A_653] {strides = array<i32>} : memref<2x128x16xf32, #tpu.memory_space<vmem>>, vector<16xf32>,
        %add3A_655 = arith.addf %get3A_649, %get3A_654 : vector<16xf32>
        %swap3A_656 = arith.constant 4 : i32
        %swap3A_657 = arith.index_cast %rem3A_35 : i32 to index
        %swap3A_658 = arith.index_cast %swap3A_656 : i32 to index
        %swap3A_659 = arith.constant 32 : index
        %swap3A_660 = tpu.vector_load %arg13[%swap3A_657, %swap3A_658, %swap3A_659] {strides = array<i32>} : memref<2x16x128xf32, #tpu.memory_space<vmem>>, vector<16xf32>,
        tpu.vector_store %arg13[%swap3A_657, %swap3A_658, %swap3A_659], %add3A_655 {strides = array<i32>} : memref<2x16x128xf32, #tpu.memory_space<vmem>>, vector<16xf32>,
        %get3A_661 = arith.constant 35 : i32
        %get3A_662 = arith.index_cast %rem3A_35 : i32 to index
        %get3A_663 = arith.index_cast %get3A_661 : i32 to index
        %get3A_664 = arith.constant 0 : index
        %get3A_665 = tpu.vector_load %arg11[%get3A_662, %get3A_663, %get3A_664] {strides = array<i32>} : memref<2x128x16xf32, #tpu.memory_space<vmem>>, vector<16xf32>,
        %get3A_666 = arith.constant 35 : i32
        %get3A_667 = arith.index_cast %rem3A_35 : i32 to index
        %get3A_668 = arith.index_cast %get3A_666 : i32 to index
        %get3A_669 = arith.constant 0 : index
        %get3A_670 = tpu.vector_load %arg12[%get3A_667, %get3A_668, %get3A_669] {strides = array<i32>} : memref<2x128x16xf32, #tpu.memory_space<vmem>>, vector<16xf32>,
        %add3A_671 = arith.addf %get3A_665, %get3A_670 : vector<16xf32>
        %swap3A_672 = arith.constant 4 : i32
        %swap3A_673 = arith.index_cast %rem3A_35 : i32 to index
        %swap3A_674 = arith.index_cast %swap3A_672 : i32 to index
        %swap3A_675 = arith.constant 48 : index
        %swap3A_676 = tpu.vector_load %arg13[%swap3A_673, %swap3A_674, %swap3A_675] {strides = array<i32>} : memref<2x16x128xf32, #tpu.memory_space<vmem>>, vector<16xf32>,
        tpu.vector_store %arg13[%swap3A_673, %swap3A_674, %swap3A_675], %add3A_671 {strides = array<i32>} : memref<2x16x128xf32, #tpu.memory_space<vmem>>, vector<16xf32>,
        %get3A_677 = arith.constant 36 : i32
        %get3A_678 = arith.index_cast %rem3A_35 : i32 to index
        %get3A_679 = arith.index_cast %get3A_677 : i32 to index
        %get3A_680 = arith.constant 0 : index
        %get3A_681 = tpu.vector_load %arg11[%get3A_678, %get3A_679, %get3A_680] {strides = array<i32>} : memref<2x128x16xf32, #tpu.memory_space<vmem>>, vector<16xf32>,
        %get3A_682 = arith.constant 36 : i32
        %get3A_683 = arith.index_cast %rem3A_35 : i32 to index
        %get3A_684 = arith.index_cast %get3A_682 : i32 to index
        %get3A_685 = arith.constant 0 : index
        %get3A_686 = tpu.vector_load %arg12[%get3A_683, %get3A_684, %get3A_685] {strides = array<i32>} : memref<2x128x16xf32, #tpu.memory_space<vmem>>, vector<16xf32>,
        %add3A_687 = arith.addf %get3A_681, %get3A_686 : vector<16xf32>
        %swap3A_688 = arith.constant 4 : i32
        %swap3A_689 = arith.index_cast %rem3A_35 : i32 to index
        %swap3A_690 = arith.index_cast %swap3A_688 : i32 to index
        %swap3A_691 = arith.constant 64 : index
        %swap3A_692 = tpu.vector_load %arg13[%swap3A_689, %swap3A_690, %swap3A_691] {strides = array<i32>} : memref<2x16x128xf32, #tpu.memory_space<vmem>>, vector<16xf32>,
        tpu.vector_store %arg13[%swap3A_689, %swap3A_690, %swap3A_691], %add3A_687 {strides = array<i32>} : memref<2x16x128xf32, #tpu.memory_space<vmem>>, vector<16xf32>,
        %get3A_693 = arith.constant 37 : i32
        %get3A_694 = arith.index_cast %rem3A_35 : i32 to index
        %get3A_695 = arith.index_cast %get3A_693 : i32 to index
        %get3A_696 = arith.constant 0 : index
        %get3A_697 = tpu.vector_load %arg11[%get3A_694, %get3A_695, %get3A_696] {strides = array<i32>} : memref<2x128x16xf32, #tpu.memory_space<vmem>>, vector<16xf32>,
        %get3A_698 = arith.constant 37 : i32
        %get3A_699 = arith.index_cast %rem3A_35 : i32 to index
        %get3A_700 = arith.index_cast %get3A_698 : i32 to index
        %get3A_701 = arith.constant 0 : index
        %get3A_702 = tpu.vector_load %arg12[%get3A_699, %get3A_700, %get3A_701] {strides = array<i32>} : memref<2x128x16xf32, #tpu.memory_space<vmem>>, vector<16xf32>,
        %add3A_703 = arith.addf %get3A_697, %get3A_702 : vector<16xf32>
        %swap3A_704 = arith.constant 4 : i32
        %swap3A_705 = arith.index_cast %rem3A_35 : i32 to index
        %swap3A_706 = arith.index_cast %swap3A_704 : i32 to index
        %swap3A_707 = arith.constant 80 : index
        %swap3A_708 = tpu.vector_load %arg13[%swap3A_705, %swap3A_706, %swap3A_707] {strides = array<i32>} : memref<2x16x128xf32, #tpu.memory_space<vmem>>, vector<16xf32>,
        tpu.vector_store %arg13[%swap3A_705, %swap3A_706, %swap3A_707], %add3A_703 {strides = array<i32>} : memref<2x16x128xf32, #tpu.memory_space<vmem>>, vector<16xf32>,
        %get3A_709 = arith.constant 38 : i32
        %get3A_710 = arith.index_cast %rem3A_35 : i32 to index
        %get3A_711 = arith.index_cast %get3A_709 : i32 to index
        %get3A_712 = arith.constant 0 : index
        %get3A_713 = tpu.vector_load %arg11[%get3A_710, %get3A_711, %get3A_712] {strides = array<i32>} : memref<2x128x16xf32, #tpu.memory_space<vmem>>, vector<16xf32>,
        %get3A_714 = arith.constant 38 : i32
        %get3A_715 = arith.index_cast %rem3A_35 : i32 to index
        %get3A_716 = arith.index_cast %get3A_714 : i32 to index
        %get3A_717 = arith.constant 0 : index
        %get3A_718 = tpu.vector_load %arg12[%get3A_715, %get3A_716, %get3A_717] {strides = array<i32>} : memref<2x128x16xf32, #tpu.memory_space<vmem>>, vector<16xf32>,
        %add3A_719 = arith.addf %get3A_713, %get3A_718 : vector<16xf32>
        %swap3A_720 = arith.constant 4 : i32
        %swap3A_721 = arith.index_cast %rem3A_35 : i32 to index
        %swap3A_722 = arith.index_cast %swap3A_720 : i32 to index
        %swap3A_723 = arith.constant 96 : index
        %swap3A_724 = tpu.vector_load %arg13[%swap3A_721, %swap3A_722, %swap3A_723] {strides = array<i32>} : memref<2x16x128xf32, #tpu.memory_space<vmem>>, vector<16xf32>,
        tpu.vector_store %arg13[%swap3A_721, %swap3A_722, %swap3A_723], %add3A_719 {strides = array<i32>} : memref<2x16x128xf32, #tpu.memory_space<vmem>>, vector<16xf32>,
        %get3A_725 = arith.constant 39 : i32
        %get3A_726 = arith.index_cast %rem3A_35 : i32 to index
        %get3A_727 = arith.index_cast %get3A_725 : i32 to index
        %get3A_728 = arith.constant 0 : index
        %get3A_729 = tpu.vector_load %arg11[%get3A_726, %get3A_727, %get3A_728] {strides = array<i32>} : memref<2x128x16xf32, #tpu.memory_space<vmem>>, vector<16xf32>,
        %get3A_730 = arith.constant 39 : i32
        %get3A_731 = arith.index_cast %rem3A_35 : i32 to index
        %get3A_732 = arith.index_cast %get3A_730 : i32 to index
        %get3A_733 = arith.constant 0 : index
        %get3A_734 = tpu.vector_load %arg12[%get3A_731, %get3A_732, %get3A_733] {strides = array<i32>} : memref<2x128x16xf32, #tpu.memory_space<vmem>>, vector<16xf32>,
        %add3A_735 = arith.addf %get3A_729, %get3A_734 : vector<16xf32>
        %swap3A_736 = arith.constant 4 : i32
        %swap3A_737 = arith.index_cast %rem3A_35 : i32 to index
        %swap3A_738 = arith.index_cast %swap3A_736 : i32 to index
        %swap3A_739 = arith.constant 112 : index
        %swap3A_740 = tpu.vector_load %arg13[%swap3A_737, %swap3A_738, %swap3A_739] {strides = array<i32>} : memref<2x16x128xf32, #tpu.memory_space<vmem>>, vector<16xf32>,
        tpu.vector_store %arg13[%swap3A_737, %swap3A_738, %swap3A_739], %add3A_735 {strides = array<i32>} : memref<2x16x128xf32, #tpu.memory_space<vmem>>, vector<16xf32>,
        %get3A_741 = arith.constant 40 : i32
        %get3A_742 = arith.index_cast %rem3A_35 : i32 to index
        %get3A_743 = arith.index_cast %get3A_741 : i32 to index
        %get3A_744 = arith.constant 0 : index
        %get3A_745 = tpu.vector_load %arg11[%get3A_742, %get3A_743, %get3A_744] {strides = array<i32>} : memref<2x128x16xf32, #tpu.memory_space<vmem>>, vector<16xf32>,
        %get3A_746 = arith.constant 40 : i32
        %get3A_747 = arith.index_cast %rem3A_35 : i32 to index
        %get3A_748 = arith.index_cast %get3A_746 : i32 to index
        %get3A_749 = arith.constant 0 : index
        %get3A_750 = tpu.vector_load %arg12[%get3A_747, %get3A_748, %get3A_749] {strides = array<i32>} : memref<2x128x16xf32, #tpu.memory_space<vmem>>, vector<16xf32>,
        %add3A_751 = arith.addf %get3A_745, %get3A_750 : vector<16xf32>
        %swap3A_752 = arith.constant 5 : i32
        %swap3A_753 = arith.index_cast %rem3A_35 : i32 to index
        %swap3A_754 = arith.index_cast %swap3A_752 : i32 to index
        %swap3A_755 = arith.constant 0 : index
        %swap3A_756 = tpu.vector_load %arg13[%swap3A_753, %swap3A_754, %swap3A_755] {strides = array<i32>} : memref<2x16x128xf32, #tpu.memory_space<vmem>>, vector<16xf32>,
        tpu.vector_store %arg13[%swap3A_753, %swap3A_754, %swap3A_755], %add3A_751 {strides = array<i32>} : memref<2x16x128xf32, #tpu.memory_space<vmem>>, vector<16xf32>,
        %get3A_757 = arith.constant 41 : i32
        %get3A_758 = arith.index_cast %rem3A_35 : i32 to index
        %get3A_759 = arith.index_cast %get3A_757 : i32 to index
        %get3A_760 = arith.constant 0 : index
        %get3A_761 = tpu.vector_load %arg11[%get3A_758, %get3A_759, %get3A_760] {strides = array<i32>} : memref<2x128x16xf32, #tpu.memory_space<vmem>>, vector<16xf32>,
        %get3A_762 = arith.constant 41 : i32
        %get3A_763 = arith.index_cast %rem3A_35 : i32 to index
        %get3A_764 = arith.index_cast %get3A_762 : i32 to index
        %get3A_765 = arith.constant 0 : index
        %get3A_766 = tpu.vector_load %arg12[%get3A_763, %get3A_764, %get3A_765] {strides = array<i32>} : memref<2x128x16xf32, #tpu.memory_space<vmem>>, vector<16xf32>,
        %add3A_767 = arith.addf %get3A_761, %get3A_766 : vector<16xf32>
        %swap3A_768 = arith.constant 5 : i32
        %swap3A_769 = arith.index_cast %rem3A_35 : i32 to index
        %swap3A_770 = arith.index_cast %swap3A_768 : i32 to index
        %swap3A_771 = arith.constant 16 : index
        %swap3A_772 = tpu.vector_load %arg13[%swap3A_769, %swap3A_770, %swap3A_771] {strides = array<i32>} : memref<2x16x128xf32, #tpu.memory_space<vmem>>, vector<16xf32>,
        tpu.vector_store %arg13[%swap3A_769, %swap3A_770, %swap3A_771], %add3A_767 {strides = array<i32>} : memref<2x16x128xf32, #tpu.memory_space<vmem>>, vector<16xf32>,
        %get3A_773 = arith.constant 42 : i32
        %get3A_774 = arith.index_cast %rem3A_35 : i32 to index
        %get3A_775 = arith.index_cast %get3A_773 : i32 to index
        %get3A_776 = arith.constant 0 : index
        %get3A_777 = tpu.vector_load %arg11[%get3A_774, %get3A_775, %get3A_776] {strides = array<i32>} : memref<2x128x16xf32, #tpu.memory_space<vmem>>, vector<16xf32>,
        %get3A_778 = arith.constant 42 : i32
        %get3A_779 = arith.index_cast %rem3A_35 : i32 to index
        %get3A_780 = arith.index_cast %get3A_778 : i32 to index
        %get3A_781 = arith.constant 0 : index
        %get3A_782 = tpu.vector_load %arg12[%get3A_779, %get3A_780, %get3A_781] {strides = array<i32>} : memref<2x128x16xf32, #tpu.memory_space<vmem>>, vector<16xf32>,
        %add3A_783 = arith.addf %get3A_777, %get3A_782 : vector<16xf32>
        %swap3A_784 = arith.constant 5 : i32
        %swap3A_785 = arith.index_cast %rem3A_35 : i32 to index
        %swap3A_786 = arith.index_cast %swap3A_784 : i32 to index
        %swap3A_787 = arith.constant 32 : index
        %swap3A_788 = tpu.vector_load %arg13[%swap3A_785, %swap3A_786, %swap3A_787] {strides = array<i32>} : memref<2x16x128xf32, #tpu.memory_space<vmem>>, vector<16xf32>,
        tpu.vector_store %arg13[%swap3A_785, %swap3A_786, %swap3A_787], %add3A_783 {strides = array<i32>} : memref<2x16x128xf32, #tpu.memory_space<vmem>>, vector<16xf32>,
        %get3A_789 = arith.constant 43 : i32
        %get3A_790 = arith.index_cast %rem3A_35 : i32 to index
        %get3A_791 = arith.index_cast %get3A_789 : i32 to index
        %get3A_792 = arith.constant 0 : index
        %get3A_793 = tpu.vector_load %arg11[%get3A_790, %get3A_791, %get3A_792] {strides = array<i32>} : memref<2x128x16xf32, #tpu.memory_space<vmem>>, vector<16xf32>,
        %get3A_794 = arith.constant 43 : i32
        %get3A_795 = arith.index_cast %rem3A_35 : i32 to index
        %get3A_796 = arith.index_cast %get3A_794 : i32 to index
        %get3A_797 = arith.constant 0 : index
        %get3A_798 = tpu.vector_load %arg12[%get3A_795, %get3A_796, %get3A_797] {strides = array<i32>} : memref<2x128x16xf32, #tpu.memory_space<vmem>>, vector<16xf32>,
        %add3A_799 = arith.addf %get3A_793, %get3A_798 : vector<16xf32>
        %swap3A_800 = arith.constant 5 : i32
        %swap3A_801 = arith.index_cast %rem3A_35 : i32 to index
        %swap3A_802 = arith.index_cast %swap3A_800 : i32 to index
        %swap3A_803 = arith.constant 48 : index
        %swap3A_804 = tpu.vector_load %arg13[%swap3A_801, %swap3A_802, %swap3A_803] {strides = array<i32>} : memref<2x16x128xf32, #tpu.memory_space<vmem>>, vector<16xf32>,
        tpu.vector_store %arg13[%swap3A_801, %swap3A_802, %swap3A_803], %add3A_799 {strides = array<i32>} : memref<2x16x128xf32, #tpu.memory_space<vmem>>, vector<16xf32>,
        %get3A_805 = arith.constant 44 : i32
        %get3A_806 = arith.index_cast %rem3A_35 : i32 to index
        %get3A_807 = arith.index_cast %get3A_805 : i32 to index
        %get3A_808 = arith.constant 0 : index
        %get3A_809 = tpu.vector_load %arg11[%get3A_806, %get3A_807, %get3A_808] {strides = array<i32>} : memref<2x128x16xf32, #tpu.memory_space<vmem>>, vector<16xf32>,
        %get3A_810 = arith.constant 44 : i32
        %get3A_811 = arith.index_cast %rem3A_35 : i32 to index
        %get3A_812 = arith.index_cast %get3A_810 : i32 to index
        %get3A_813 = arith.constant 0 : index
        %get3A_814 = tpu.vector_load %arg12[%get3A_811, %get3A_812, %get3A_813] {strides = array<i32>} : memref<2x128x16xf32, #tpu.memory_space<vmem>>, vector<16xf32>,
        %add3A_815 = arith.addf %get3A_809, %get3A_814 : vector<16xf32>
        %swap3A_816 = arith.constant 5 : i32
        %swap3A_817 = arith.index_cast %rem3A_35 : i32 to index
        %swap3A_818 = arith.index_cast %swap3A_816 : i32 to index
        %swap3A_819 = arith.constant 64 : index
        %swap3A_820 = tpu.vector_load %arg13[%swap3A_817, %swap3A_818, %swap3A_819] {strides = array<i32>} : memref<2x16x128xf32, #tpu.memory_space<vmem>>, vector<16xf32>,
        tpu.vector_store %arg13[%swap3A_817, %swap3A_818, %swap3A_819], %add3A_815 {strides = array<i32>} : memref<2x16x128xf32, #tpu.memory_space<vmem>>, vector<16xf32>,
        %get3A_821 = arith.constant 45 : i32
        %get3A_822 = arith.index_cast %rem3A_35 : i32 to index
        %get3A_823 = arith.index_cast %get3A_821 : i32 to index
        %get3A_824 = arith.constant 0 : index
        %get3A_825 = tpu.vector_load %arg11[%get3A_822, %get3A_823, %get3A_824] {strides = array<i32>} : memref<2x128x16xf32, #tpu.memory_space<vmem>>, vector<16xf32>,
        %get3A_826 = arith.constant 45 : i32
        %get3A_827 = arith.index_cast %rem3A_35 : i32 to index
        %get3A_828 = arith.index_cast %get3A_826 : i32 to index
        %get3A_829 = arith.constant 0 : index
        %get3A_830 = tpu.vector_load %arg12[%get3A_827, %get3A_828, %get3A_829] {strides = array<i32>} : memref<2x128x16xf32, #tpu.memory_space<vmem>>, vector<16xf32>,
        %add3A_831 = arith.addf %get3A_825, %get3A_830 : vector<16xf32>
        %swap3A_832 = arith.constant 5 : i32
        %swap3A_833 = arith.index_cast %rem3A_35 : i32 to index
        %swap3A_834 = arith.index_cast %swap3A_832 : i32 to index
        %swap3A_835 = arith.constant 80 : index
        %swap3A_836 = tpu.vector_load %arg13[%swap3A_833, %swap3A_834, %swap3A_835] {strides = array<i32>} : memref<2x16x128xf32, #tpu.memory_space<vmem>>, vector<16xf32>,
        tpu.vector_store %arg13[%swap3A_833, %swap3A_834, %swap3A_835], %add3A_831 {strides = array<i32>} : memref<2x16x128xf32, #tpu.memory_space<vmem>>, vector<16xf32>,
        %get3A_837 = arith.constant 46 : i32
        %get3A_838 = arith.index_cast %rem3A_35 : i32 to index
        %get3A_839 = arith.index_cast %get3A_837 : i32 to index
        %get3A_840 = arith.constant 0 : index
        %get3A_841 = tpu.vector_load %arg11[%get3A_838, %get3A_839, %get3A_840] {strides = array<i32>} : memref<2x128x16xf32, #tpu.memory_space<vmem>>, vector<16xf32>,
        %get3A_842 = arith.constant 46 : i32
        %get3A_843 = arith.index_cast %rem3A_35 : i32 to index
        %get3A_844 = arith.index_cast %get3A_842 : i32 to index
        %get3A_845 = arith.constant 0 : index
        %get3A_846 = tpu.vector_load %arg12[%get3A_843, %get3A_844, %get3A_845] {strides = array<i32>} : memref<2x128x16xf32, #tpu.memory_space<vmem>>, vector<16xf32>,
        %add3A_847 = arith.addf %get3A_841, %get3A_846 : vector<16xf32>
        %swap3A_848 = arith.constant 5 : i32
        %swap3A_849 = arith.index_cast %rem3A_35 : i32 to index
        %swap3A_850 = arith.index_cast %swap3A_848 : i32 to index
        %swap3A_851 = arith.constant 96 : index
        %swap3A_852 = tpu.vector_load %arg13[%swap3A_849, %swap3A_850, %swap3A_851] {strides = array<i32>} : memref<2x16x128xf32, #tpu.memory_space<vmem>>, vector<16xf32>,
        tpu.vector_store %arg13[%swap3A_849, %swap3A_850, %swap3A_851], %add3A_847 {strides = array<i32>} : memref<2x16x128xf32, #tpu.memory_space<vmem>>, vector<16xf32>,
        %get3A_853 = arith.constant 47 : i32
        %get3A_854 = arith.index_cast %rem3A_35 : i32 to index
        %get3A_855 = arith.index_cast %get3A_853 : i32 to index
        %get3A_856 = arith.constant 0 : index
        %get3A_857 = tpu.vector_load %arg11[%get3A_854, %get3A_855, %get3A_856] {strides = array<i32>} : memref<2x128x16xf32, #tpu.memory_space<vmem>>, vector<16xf32>,
        %get3A_858 = arith.constant 47 : i32
        %get3A_859 = arith.index_cast %rem3A_35 : i32 to index
        %get3A_860 = arith.index_cast %get3A_858 : i32 to index
        %get3A_861 = arith.constant 0 : index
        %get3A_862 = tpu.vector_load %arg12[%get3A_859, %get3A_860, %get3A_861] {strides = array<i32>} : memref<2x128x16xf32, #tpu.memory_space<vmem>>, vector<16xf32>,
        %add3A_863 = arith.addf %get3A_857, %get3A_862 : vector<16xf32>
        %swap3A_864 = arith.constant 5 : i32
        %swap3A_865 = arith.index_cast %rem3A_35 : i32 to index
        %swap3A_866 = arith.index_cast %swap3A_864 : i32 to index
        %swap3A_867 = arith.constant 112 : index
        %swap3A_868 = tpu.vector_load %arg13[%swap3A_865, %swap3A_866, %swap3A_867] {strides = array<i32>} : memref<2x16x128xf32, #tpu.memory_space<vmem>>, vector<16xf32>,
        tpu.vector_store %arg13[%swap3A_865, %swap3A_866, %swap3A_867], %add3A_863 {strides = array<i32>} : memref<2x16x128xf32, #tpu.memory_space<vmem>>, vector<16xf32>,
        %get3A_869 = arith.constant 48 : i32
        %get3A_870 = arith.index_cast %rem3A_35 : i32 to index
        %get3A_871 = arith.index_cast %get3A_869 : i32 to index
        %get3A_872 = arith.constant 0 : index
        %get3A_873 = tpu.vector_load %arg11[%get3A_870, %get3A_871, %get3A_872] {strides = array<i32>} : memref<2x128x16xf32, #tpu.memory_space<vmem>>, vector<16xf32>,
        %get3A_874 = arith.constant 48 : i32
        %get3A_875 = arith.index_cast %rem3A_35 : i32 to index
        %get3A_876 = arith.index_cast %get3A_874 : i32 to index
        %get3A_877 = arith.constant 0 : index
        %get3A_878 = tpu.vector_load %arg12[%get3A_875, %get3A_876, %get3A_877] {strides = array<i32>} : memref<2x128x16xf32, #tpu.memory_space<vmem>>, vector<16xf32>,
        %add3A_879 = arith.addf %get3A_873, %get3A_878 : vector<16xf32>
        %swap3A_880 = arith.constant 6 : i32
        %swap3A_881 = arith.index_cast %rem3A_35 : i32 to index
        %swap3A_882 = arith.index_cast %swap3A_880 : i32 to index
        %swap3A_883 = arith.constant 0 : index
        %swap3A_884 = tpu.vector_load %arg13[%swap3A_881, %swap3A_882, %swap3A_883] {strides = array<i32>} : memref<2x16x128xf32, #tpu.memory_space<vmem>>, vector<16xf32>,
        tpu.vector_store %arg13[%swap3A_881, %swap3A_882, %swap3A_883], %add3A_879 {strides = array<i32>} : memref<2x16x128xf32, #tpu.memory_space<vmem>>, vector<16xf32>,
        %get3A_885 = arith.constant 49 : i32
        %get3A_886 = arith.index_cast %rem3A_35 : i32 to index
        %get3A_887 = arith.index_cast %get3A_885 : i32 to index
        %get3A_888 = arith.constant 0 : index
        %get3A_889 = tpu.vector_load %arg11[%get3A_886, %get3A_887, %get3A_888] {strides = array<i32>} : memref<2x128x16xf32, #tpu.memory_space<vmem>>, vector<16xf32>,
        %get3A_890 = arith.constant 49 : i32
        %get3A_891 = arith.index_cast %rem3A_35 : i32 to index
        %get3A_892 = arith.index_cast %get3A_890 : i32 to index
        %get3A_893 = arith.constant 0 : index
        %get3A_894 = tpu.vector_load %arg12[%get3A_891, %get3A_892, %get3A_893] {strides = array<i32>} : memref<2x128x16xf32, #tpu.memory_space<vmem>>, vector<16xf32>,
        %add3A_895 = arith.addf %get3A_889, %get3A_894 : vector<16xf32>
        %swap3A_896 = arith.constant 6 : i32
        %swap3A_897 = arith.index_cast %rem3A_35 : i32 to index
        %swap3A_898 = arith.index_cast %swap3A_896 : i32 to index
        %swap3A_899 = arith.constant 16 : index
        %swap3A_900 = tpu.vector_load %arg13[%swap3A_897, %swap3A_898, %swap3A_899] {strides = array<i32>} : memref<2x16x128xf32, #tpu.memory_space<vmem>>, vector<16xf32>,
        tpu.vector_store %arg13[%swap3A_897, %swap3A_898, %swap3A_899], %add3A_895 {strides = array<i32>} : memref<2x16x128xf32, #tpu.memory_space<vmem>>, vector<16xf32>,
        %get3A_901 = arith.constant 50 : i32
        %get3A_902 = arith.index_cast %rem3A_35 : i32 to index
        %get3A_903 = arith.index_cast %get3A_901 : i32 to index
        %get3A_904 = arith.constant 0 : index
        %get3A_905 = tpu.vector_load %arg11[%get3A_902, %get3A_903, %get3A_904] {strides = array<i32>} : memref<2x128x16xf32, #tpu.memory_space<vmem>>, vector<16xf32>,
        %get3A_906 = arith.constant 50 : i32
        %get3A_907 = arith.index_cast %rem3A_35 : i32 to index
        %get3A_908 = arith.index_cast %get3A_906 : i32 to index
        %get3A_909 = arith.constant 0 : index
        %get3A_910 = tpu.vector_load %arg12[%get3A_907, %get3A_908, %get3A_909] {strides = array<i32>} : memref<2x128x16xf32, #tpu.memory_space<vmem>>, vector<16xf32>,
        %add3A_911 = arith.addf %get3A_905, %get3A_910 : vector<16xf32>
        %swap3A_912 = arith.constant 6 : i32
        %swap3A_913 = arith.index_cast %rem3A_35 : i32 to index
        %swap3A_914 = arith.index_cast %swap3A_912 : i32 to index
        %swap3A_915 = arith.constant 32 : index
        %swap3A_916 = tpu.vector_load %arg13[%swap3A_913, %swap3A_914, %swap3A_915] {strides = array<i32>} : memref<2x16x128xf32, #tpu.memory_space<vmem>>, vector<16xf32>,
        tpu.vector_store %arg13[%swap3A_913, %swap3A_914, %swap3A_915], %add3A_911 {strides = array<i32>} : memref<2x16x128xf32, #tpu.memory_space<vmem>>, vector<16xf32>,
        %get3A_917 = arith.constant 51 : i32
        %get3A_918 = arith.index_cast %rem3A_35 : i32 to index
        %get3A_919 = arith.index_cast %get3A_917 : i32 to index
        %get3A_920 = arith.constant 0 : index
        %get3A_921 = tpu.vector_load %arg11[%get3A_918, %get3A_919, %get3A_920] {strides = array<i32>} : memref<2x128x16xf32, #tpu.memory_space<vmem>>, vector<16xf32>,
        %get3A_922 = arith.constant 51 : i32
        %get3A_923 = arith.index_cast %rem3A_35 : i32 to index
        %get3A_924 = arith.index_cast %get3A_922 : i32 to index
        %get3A_925 = arith.constant 0 : index
        %get3A_926 = tpu.vector_load %arg12[%get3A_923, %get3A_924, %get3A_925] {strides = array<i32>} : memref<2x128x16xf32, #tpu.memory_space<vmem>>, vector<16xf32>,
        %add3A_927 = arith.addf %get3A_921, %get3A_926 : vector<16xf32>
        %swap3A_928 = arith.constant 6 : i32
        %swap3A_929 = arith.index_cast %rem3A_35 : i32 to index
        %swap3A_930 = arith.index_cast %swap3A_928 : i32 to index
        %swap3A_931 = arith.constant 48 : index
        %swap3A_932 = tpu.vector_load %arg13[%swap3A_929, %swap3A_930, %swap3A_931] {strides = array<i32>} : memref<2x16x128xf32, #tpu.memory_space<vmem>>, vector<16xf32>,
        tpu.vector_store %arg13[%swap3A_929, %swap3A_930, %swap3A_931], %add3A_927 {strides = array<i32>} : memref<2x16x128xf32, #tpu.memory_space<vmem>>, vector<16xf32>,
        %get3A_933 = arith.constant 52 : i32
        %get3A_934 = arith.index_cast %rem3A_35 : i32 to index
        %get3A_935 = arith.index_cast %get3A_933 : i32 to index
        %get3A_936 = arith.constant 0 : index
        %get3A_937 = tpu.vector_load %arg11[%get3A_934, %get3A_935, %get3A_936] {strides = array<i32>} : memref<2x128x16xf32, #tpu.memory_space<vmem>>, vector<16xf32>,
        %get3A_938 = arith.constant 52 : i32
        %get3A_939 = arith.index_cast %rem3A_35 : i32 to index
        %get3A_940 = arith.index_cast %get3A_938 : i32 to index
        %get3A_941 = arith.constant 0 : index
        %get3A_942 = tpu.vector_load %arg12[%get3A_939, %get3A_940, %get3A_941] {strides = array<i32>} : memref<2x128x16xf32, #tpu.memory_space<vmem>>, vector<16xf32>,
        %add3A_943 = arith.addf %get3A_937, %get3A_942 : vector<16xf32>
        %swap3A_944 = arith.constant 6 : i32
        %swap3A_945 = arith.index_cast %rem3A_35 : i32 to index
        %swap3A_946 = arith.index_cast %swap3A_944 : i32 to index
        %swap3A_947 = arith.constant 64 : index
        %swap3A_948 = tpu.vector_load %arg13[%swap3A_945, %swap3A_946, %swap3A_947] {strides = array<i32>} : memref<2x16x128xf32, #tpu.memory_space<vmem>>, vector<16xf32>,
        tpu.vector_store %arg13[%swap3A_945, %swap3A_946, %swap3A_947], %add3A_943 {strides = array<i32>} : memref<2x16x128xf32, #tpu.memory_space<vmem>>, vector<16xf32>,
        %get3A_949 = arith.constant 53 : i32
        %get3A_950 = arith.index_cast %rem3A_35 : i32 to index
        %get3A_951 = arith.index_cast %get3A_949 : i32 to index
        %get3A_952 = arith.constant 0 : index
        %get3A_953 = tpu.vector_load %arg11[%get3A_950, %get3A_951, %get3A_952] {strides = array<i32>} : memref<2x128x16xf32, #tpu.memory_space<vmem>>, vector<16xf32>,
        %get3A_954 = arith.constant 53 : i32
        %get3A_955 = arith.index_cast %rem3A_35 : i32 to index
        %get3A_956 = arith.index_cast %get3A_954 : i32 to index
        %get3A_957 = arith.constant 0 : index
        %get3A_958 = tpu.vector_load %arg12[%get3A_955, %get3A_956, %get3A_957] {strides = array<i32>} : memref<2x128x16xf32, #tpu.memory_space<vmem>>, vector<16xf32>,
        %add3A_959 = arith.addf %get3A_953, %get3A_958 : vector<16xf32>
        %swap3A_960 = arith.constant 6 : i32
        %swap3A_961 = arith.index_cast %rem3A_35 : i32 to index
        %swap3A_962 = arith.index_cast %swap3A_960 : i32 to index
        %swap3A_963 = arith.constant 80 : index
        %swap3A_964 = tpu.vector_load %arg13[%swap3A_961, %swap3A_962, %swap3A_963] {strides = array<i32>} : memref<2x16x128xf32, #tpu.memory_space<vmem>>, vector<16xf32>,
        tpu.vector_store %arg13[%swap3A_961, %swap3A_962, %swap3A_963], %add3A_959 {strides = array<i32>} : memref<2x16x128xf32, #tpu.memory_space<vmem>>, vector<16xf32>,
        %get3A_965 = arith.constant 54 : i32
        %get3A_966 = arith.index_cast %rem3A_35 : i32 to index
        %get3A_967 = arith.index_cast %get3A_965 : i32 to index
        %get3A_968 = arith.constant 0 : index
        %get3A_969 = tpu.vector_load %arg11[%get3A_966, %get3A_967, %get3A_968] {strides = array<i32>} : memref<2x128x16xf32, #tpu.memory_space<vmem>>, vector<16xf32>,
        %get3A_970 = arith.constant 54 : i32
        %get3A_971 = arith.index_cast %rem3A_35 : i32 to index
        %get3A_972 = arith.index_cast %get3A_970 : i32 to index
        %get3A_973 = arith.constant 0 : index
        %get3A_974 = tpu.vector_load %arg12[%get3A_971, %get3A_972, %get3A_973] {strides = array<i32>} : memref<2x128x16xf32, #tpu.memory_space<vmem>>, vector<16xf32>,
        %add3A_975 = arith.addf %get3A_969, %get3A_974 : vector<16xf32>
        %swap3A_976 = arith.constant 6 : i32
        %swap3A_977 = arith.index_cast %rem3A_35 : i32 to index
        %swap3A_978 = arith.index_cast %swap3A_976 : i32 to index
        %swap3A_979 = arith.constant 96 : index
        %swap3A_980 = tpu.vector_load %arg13[%swap3A_977, %swap3A_978, %swap3A_979] {strides = array<i32>} : memref<2x16x128xf32, #tpu.memory_space<vmem>>, vector<16xf32>,
        tpu.vector_store %arg13[%swap3A_977, %swap3A_978, %swap3A_979], %add3A_975 {strides = array<i32>} : memref<2x16x128xf32, #tpu.memory_space<vmem>>, vector<16xf32>,
        %get3A_981 = arith.constant 55 : i32
        %get3A_982 = arith.index_cast %rem3A_35 : i32 to index
        %get3A_983 = arith.index_cast %get3A_981 : i32 to index
        %get3A_984 = arith.constant 0 : index
        %get3A_985 = tpu.vector_load %arg11[%get3A_982, %get3A_983, %get3A_984] {strides = array<i32>} : memref<2x128x16xf32, #tpu.memory_space<vmem>>, vector<16xf32>,
        %get3A_986 = arith.constant 55 : i32
        %get3A_987 = arith.index_cast %rem3A_35 : i32 to index
        %get3A_988 = arith.index_cast %get3A_986 : i32 to index
        %get3A_989 = arith.constant 0 : index
        %get3A_990 = tpu.vector_load %arg12[%get3A_987, %get3A_988, %get3A_989] {strides = array<i32>} : memref<2x128x16xf32, #tpu.memory_space<vmem>>, vector<16xf32>,
        %add3A_991 = arith.addf %get3A_985, %get3A_990 : vector<16xf32>
        %swap3A_992 = arith.constant 6 : i32
        %swap3A_993 = arith.index_cast %rem3A_35 : i32 to index
        %swap3A_994 = arith.index_cast %swap3A_992 : i32 to index
        %swap3A_995 = arith.constant 112 : index
        %swap3A_996 = tpu.vector_load %arg13[%swap3A_993, %swap3A_994, %swap3A_995] {strides = array<i32>} : memref<2x16x128xf32, #tpu.memory_space<vmem>>, vector<16xf32>,
        tpu.vector_store %arg13[%swap3A_993, %swap3A_994, %swap3A_995], %add3A_991 {strides = array<i32>} : memref<2x16x128xf32, #tpu.memory_space<vmem>>, vector<16xf32>,
        %get3A_997 = arith.constant 56 : i32
        %get3A_998 = arith.index_cast %rem3A_35 : i32 to index
        %get3A_999 = arith.index_cast %get3A_997 : i32 to index
        %get3A_1000 = arith.constant 0 : index
        %get3A_1001 = tpu.vector_load %arg11[%get3A_998, %get3A_999, %get3A_1000] {strides = array<i32>} : memref<2x128x16xf32, #tpu.memory_space<vmem>>, vector<16xf32>,
        %get3A_1002 = arith.constant 56 : i32
        %get3A_1003 = arith.index_cast %rem3A_35 : i32 to index
        %get3A_1004 = arith.index_cast %get3A_1002 : i32 to index
        %get3A_1005 = arith.constant 0 : index
        %get3A_1006 = tpu.vector_load %arg12[%get3A_1003, %get3A_1004, %get3A_1005] {strides = array<i32>} : memref<2x128x16xf32, #tpu.memory_space<vmem>>, vector<16xf32>,
        %add3A_1007 = arith.addf %get3A_1001, %get3A_1006 : vector<16xf32>
        %swap3A_1008 = arith.constant 7 : i32
        %swap3A_1009 = arith.index_cast %rem3A_35 : i32 to index
        %swap3A_1010 = arith.index_cast %swap3A_1008 : i32 to index
        %swap3A_1011 = arith.constant 0 : index
        %swap3A_1012 = tpu.vector_load %arg13[%swap3A_1009, %swap3A_1010, %swap3A_1011] {strides = array<i32>} : memref<2x16x128xf32, #tpu.memory_space<vmem>>, vector<16xf32>,
        tpu.vector_store %arg13[%swap3A_1009, %swap3A_1010, %swap3A_1011], %add3A_1007 {strides = array<i32>} : memref<2x16x128xf32, #tpu.memory_space<vmem>>, vector<16xf32>,
        %get3A_1013 = arith.constant 57 : i32
        %get3A_1014 = arith.index_cast %rem3A_35 : i32 to index
        %get3A_1015 = arith.index_cast %get3A_1013 : i32 to index
        %get3A_1016 = arith.constant 0 : index
        %get3A_1017 = tpu.vector_load %arg11[%get3A_1014, %get3A_1015, %get3A_1016] {strides = array<i32>} : memref<2x128x16xf32, #tpu.memory_space<vmem>>, vector<16xf32>,
        %get3A_1018 = arith.constant 57 : i32
        %get3A_1019 = arith.index_cast %rem3A_35 : i32 to index
        %get3A_1020 = arith.index_cast %get3A_1018 : i32 to index
        %get3A_1021 = arith.constant 0 : index
        %get3A_1022 = tpu.vector_load %arg12[%get3A_1019, %get3A_1020, %get3A_1021] {strides = array<i32>} : memref<2x128x16xf32, #tpu.memory_space<vmem>>, vector<16xf32>,
        %add3A_1023 = arith.addf %get3A_1017, %get3A_1022 : vector<16xf32>
        %swap3A_1024 = arith.constant 7 : i32
        %swap3A_1025 = arith.index_cast %rem3A_35 : i32 to index
        %swap3A_1026 = arith.index_cast %swap3A_1024 : i32 to index
        %swap3A_1027 = arith.constant 16 : index
        %swap3A_1028 = tpu.vector_load %arg13[%swap3A_1025, %swap3A_1026, %swap3A_1027] {strides = array<i32>} : memref<2x16x128xf32, #tpu.memory_space<vmem>>, vector<16xf32>,
        tpu.vector_store %arg13[%swap3A_1025, %swap3A_1026, %swap3A_1027], %add3A_1023 {strides = array<i32>} : memref<2x16x128xf32, #tpu.memory_space<vmem>>, vector<16xf32>,
        %get3A_1029 = arith.constant 58 : i32
        %get3A_1030 = arith.index_cast %rem3A_35 : i32 to index
        %get3A_1031 = arith.index_cast %get3A_1029 : i32 to index
        %get3A_1032 = arith.constant 0 : index
        %get3A_1033 = tpu.vector_load %arg11[%get3A_1030, %get3A_1031, %get3A_1032] {strides = array<i32>} : memref<2x128x16xf32, #tpu.memory_space<vmem>>, vector<16xf32>,
        %get3A_1034 = arith.constant 58 : i32
        %get3A_1035 = arith.index_cast %rem3A_35 : i32 to index
        %get3A_1036 = arith.index_cast %get3A_1034 : i32 to index
        %get3A_1037 = arith.constant 0 : index
        %get3A_1038 = tpu.vector_load %arg12[%get3A_1035, %get3A_1036, %get3A_1037] {strides = array<i32>} : memref<2x128x16xf32, #tpu.memory_space<vmem>>, vector<16xf32>,
        %add3A_1039 = arith.addf %get3A_1033, %get3A_1038 : vector<16xf32>
        %swap3A_1040 = arith.constant 7 : i32
        %swap3A_1041 = arith.index_cast %rem3A_35 : i32 to index
        %swap3A_1042 = arith.index_cast %swap3A_1040 : i32 to index
        %swap3A_1043 = arith.constant 32 : index
        %swap3A_1044 = tpu.vector_load %arg13[%swap3A_1041, %swap3A_1042, %swap3A_1043] {strides = array<i32>} : memref<2x16x128xf32, #tpu.memory_space<vmem>>, vector<16xf32>,
        tpu.vector_store %arg13[%swap3A_1041, %swap3A_1042, %swap3A_1043], %add3A_1039 {strides = array<i32>} : memref<2x16x128xf32, #tpu.memory_space<vmem>>, vector<16xf32>,
        %get3A_1045 = arith.constant 59 : i32
        %get3A_1046 = arith.index_cast %rem3A_35 : i32 to index
        %get3A_1047 = arith.index_cast %get3A_1045 : i32 to index
        %get3A_1048 = arith.constant 0 : index
        %get3A_1049 = tpu.vector_load %arg11[%get3A_1046, %get3A_1047, %get3A_1048] {strides = array<i32>} : memref<2x128x16xf32, #tpu.memory_space<vmem>>, vector<16xf32>,
        %get3A_1050 = arith.constant 59 : i32
        %get3A_1051 = arith.index_cast %rem3A_35 : i32 to index
        %get3A_1052 = arith.index_cast %get3A_1050 : i32 to index
        %get3A_1053 = arith.constant 0 : index
        %get3A_1054 = tpu.vector_load %arg12[%get3A_1051, %get3A_1052, %get3A_1053] {strides = array<i32>} : memref<2x128x16xf32, #tpu.memory_space<vmem>>, vector<16xf32>,
        %add3A_1055 = arith.addf %get3A_1049, %get3A_1054 : vector<16xf32>
        %swap3A_1056 = arith.constant 7 : i32
        %swap3A_1057 = arith.index_cast %rem3A_35 : i32 to index
        %swap3A_1058 = arith.index_cast %swap3A_1056 : i32 to index
        %swap3A_1059 = arith.constant 48 : index
        %swap3A_1060 = tpu.vector_load %arg13[%swap3A_1057, %swap3A_1058, %swap3A_1059] {strides = array<i32>} : memref<2x16x128xf32, #tpu.memory_space<vmem>>, vector<16xf32>,
        tpu.vector_store %arg13[%swap3A_1057, %swap3A_1058, %swap3A_1059], %add3A_1055 {strides = array<i32>} : memref<2x16x128xf32, #tpu.memory_space<vmem>>, vector<16xf32>,
        %get3A_1061 = arith.constant 60 : i32
        %get3A_1062 = arith.index_cast %rem3A_35 : i32 to index
        %get3A_1063 = arith.index_cast %get3A_1061 : i32 to index
        %get3A_1064 = arith.constant 0 : index
        %get3A_1065 = tpu.vector_load %arg11[%get3A_1062, %get3A_1063, %get3A_1064] {strides = array<i32>} : memref<2x128x16xf32, #tpu.memory_space<vmem>>, vector<16xf32>,
        %get3A_1066 = arith.constant 60 : i32
        %get3A_1067 = arith.index_cast %rem3A_35 : i32 to index
        %get3A_1068 = arith.index_cast %get3A_1066 : i32 to index
        %get3A_1069 = arith.constant 0 : index
        %get3A_1070 = tpu.vector_load %arg12[%get3A_1067, %get3A_1068, %get3A_1069] {strides = array<i32>} : memref<2x128x16xf32, #tpu.memory_space<vmem>>, vector<16xf32>,
        %add3A_1071 = arith.addf %get3A_1065, %get3A_1070 : vector<16xf32>
        %swap3A_1072 = arith.constant 7 : i32
        %swap3A_1073 = arith.index_cast %rem3A_35 : i32 to index
        %swap3A_1074 = arith.index_cast %swap3A_1072 : i32 to index
        %swap3A_1075 = arith.constant 64 : index
        %swap3A_1076 = tpu.vector_load %arg13[%swap3A_1073, %swap3A_1074, %swap3A_1075] {strides = array<i32>} : memref<2x16x128xf32, #tpu.memory_space<vmem>>, vector<16xf32>,
        tpu.vector_store %arg13[%swap3A_1073, %swap3A_1074, %swap3A_1075], %add3A_1071 {strides = array<i32>} : memref<2x16x128xf32, #tpu.memory_space<vmem>>, vector<16xf32>,
        %get3A_1077 = arith.constant 61 : i32
        %get3A_1078 = arith.index_cast %rem3A_35 : i32 to index
        %get3A_1079 = arith.index_cast %get3A_1077 : i32 to index
        %get3A_1080 = arith.constant 0 : index
        %get3A_1081 = tpu.vector_load %arg11[%get3A_1078, %get3A_1079, %get3A_1080] {strides = array<i32>} : memref<2x128x16xf32, #tpu.memory_space<vmem>>, vector<16xf32>,
        %get3A_1082 = arith.constant 61 : i32
        %get3A_1083 = arith.index_cast %rem3A_35 : i32 to index
        %get3A_1084 = arith.index_cast %get3A_1082 : i32 to index
        %get3A_1085 = arith.constant 0 : index
        %get3A_1086 = tpu.vector_load %arg12[%get3A_1083, %get3A_1084, %get3A_1085] {strides = array<i32>} : memref<2x128x16xf32, #tpu.memory_space<vmem>>, vector<16xf32>,
        %add3A_1087 = arith.addf %get3A_1081, %get3A_1086 : vector<16xf32>
        %swap3A_1088 = arith.constant 7 : i32
        %swap3A_1089 = arith.index_cast %rem3A_35 : i32 to index
        %swap3A_1090 = arith.index_cast %swap3A_1088 : i32 to index
        %swap3A_1091 = arith.constant 80 : index
        %swap3A_1092 = tpu.vector_load %arg13[%swap3A_1089, %swap3A_1090, %swap3A_1091] {strides = array<i32>} : memref<2x16x128xf32, #tpu.memory_space<vmem>>, vector<16xf32>,
        tpu.vector_store %arg13[%swap3A_1089, %swap3A_1090, %swap3A_1091], %add3A_1087 {strides = array<i32>} : memref<2x16x128xf32, #tpu.memory_space<vmem>>, vector<16xf32>,
        %get3A_1093 = arith.constant 62 : i32
        %get3A_1094 = arith.index_cast %rem3A_35 : i32 to index
        %get3A_1095 = arith.index_cast %get3A_1093 : i32 to index
        %get3A_1096 = arith.constant 0 : index
        %get3A_1097 = tpu.vector_load %arg11[%get3A_1094, %get3A_1095, %get3A_1096] {strides = array<i32>} : memref<2x128x16xf32, #tpu.memory_space<vmem>>, vector<16xf32>,
        %get3A_1098 = arith.constant 62 : i32
        %get3A_1099 = arith.index_cast %rem3A_35 : i32 to index
        %get3A_1100 = arith.index_cast %get3A_1098 : i32 to index
        %get3A_1101 = arith.constant 0 : index
        %get3A_1102 = tpu.vector_load %arg12[%get3A_1099, %get3A_1100, %get3A_1101] {strides = array<i32>} : memref<2x128x16xf32, #tpu.memory_space<vmem>>, vector<16xf32>,
        %add3A_1103 = arith.addf %get3A_1097, %get3A_1102 : vector<16xf32>
        %swap3A_1104 = arith.constant 7 : i32
        %swap3A_1105 = arith.index_cast %rem3A_35 : i32 to index
        %swap3A_1106 = arith.index_cast %swap3A_1104 : i32 to index
        %swap3A_1107 = arith.constant 96 : index
        %swap3A_1108 = tpu.vector_load %arg13[%swap3A_1105, %swap3A_1106, %swap3A_1107] {strides = array<i32>} : memref<2x16x128xf32, #tpu.memory_space<vmem>>, vector<16xf32>,
        tpu.vector_store %arg13[%swap3A_1105, %swap3A_1106, %swap3A_1107], %add3A_1103 {strides = array<i32>} : memref<2x16x128xf32, #tpu.memory_space<vmem>>, vector<16xf32>,
        %get3A_1109 = arith.constant 63 : i32
        %get3A_1110 = arith.index_cast %rem3A_35 : i32 to index
        %get3A_1111 = arith.index_cast %get3A_1109 : i32 to index
        %get3A_1112 = arith.constant 0 : index
        %get3A_1113 = tpu.vector_load %arg11[%get3A_1110, %get3A_1111, %get3A_1112] {strides = array<i32>} : memref<2x128x16xf32, #tpu.memory_space<vmem>>, vector<16xf32>,
        %get3A_1114 = arith.constant 63 : i32
        %get3A_1115 = arith.index_cast %rem3A_35 : i32 to index
        %get3A_1116 = arith.index_cast %get3A_1114 : i32 to index
        %get3A_1117 = arith.constant 0 : index
        %get3A_1118 = tpu.vector_load %arg12[%get3A_1115, %get3A_1116, %get3A_1117] {strides = array<i32>} : memref<2x128x16xf32, #tpu.memory_space<vmem>>, vector<16xf32>,
        %add3A_1119 = arith.addf %get3A_1113, %get3A_1118 : vector<16xf32>
        %swap3A_1120 = arith.constant 7 : i32
        %swap3A_1121 = arith.index_cast %rem3A_35 : i32 to index
        %swap3A_1122 = arith.index_cast %swap3A_1120 : i32 to index
        %swap3A_1123 = arith.constant 112 : index
        %swap3A_1124 = tpu.vector_load %arg13[%swap3A_1121, %swap3A_1122, %swap3A_1123] {strides = array<i32>} : memref<2x16x128xf32, #tpu.memory_space<vmem>>, vector<16xf32>,
        tpu.vector_store %arg13[%swap3A_1121, %swap3A_1122, %swap3A_1123], %add3A_1119 {strides = array<i32>} : memref<2x16x128xf32, #tpu.memory_space<vmem>>, vector<16xf32>,
        %get3A_1125 = arith.constant 64 : i32
        %get3A_1126 = arith.index_cast %rem3A_35 : i32 to index
        %get3A_1127 = arith.index_cast %get3A_1125 : i32 to index
        %get3A_1128 = arith.constant 0 : index
        %get3A_1129 = tpu.vector_load %arg11[%get3A_1126, %get3A_1127, %get3A_1128] {strides = array<i32>} : memref<2x128x16xf32, #tpu.memory_space<vmem>>, vector<16xf32>,
        %get3A_1130 = arith.constant 64 : i32
        %get3A_1131 = arith.index_cast %rem3A_35 : i32 to index
        %get3A_1132 = arith.index_cast %get3A_1130 : i32 to index
        %get3A_1133 = arith.constant 0 : index
        %get3A_1134 = tpu.vector_load %arg12[%get3A_1131, %get3A_1132, %get3A_1133] {strides = array<i32>} : memref<2x128x16xf32, #tpu.memory_space<vmem>>, vector<16xf32>,
        %add3A_1135 = arith.addf %get3A_1129, %get3A_1134 : vector<16xf32>
        %swap3A_1136 = arith.constant 8 : i32
        %swap3A_1137 = arith.index_cast %rem3A_35 : i32 to index
        %swap3A_1138 = arith.index_cast %swap3A_1136 : i32 to index
        %swap3A_1139 = arith.constant 0 : index
        %swap3A_1140 = tpu.vector_load %arg13[%swap3A_1137, %swap3A_1138, %swap3A_1139] {strides = array<i32>} : memref<2x16x128xf32, #tpu.memory_space<vmem>>, vector<16xf32>,
        tpu.vector_store %arg13[%swap3A_1137, %swap3A_1138, %swap3A_1139], %add3A_1135 {strides = array<i32>} : memref<2x16x128xf32, #tpu.memory_space<vmem>>, vector<16xf32>,
        %get3A_1141 = arith.constant 65 : i32
        %get3A_1142 = arith.index_cast %rem3A_35 : i32 to index
        %get3A_1143 = arith.index_cast %get3A_1141 : i32 to index
        %get3A_1144 = arith.constant 0 : index
        %get3A_1145 = tpu.vector_load %arg11[%get3A_1142, %get3A_1143, %get3A_1144] {strides = array<i32>} : memref<2x128x16xf32, #tpu.memory_space<vmem>>, vector<16xf32>,
        %get3A_1146 = arith.constant 65 : i32
        %get3A_1147 = arith.index_cast %rem3A_35 : i32 to index
        %get3A_1148 = arith.index_cast %get3A_1146 : i32 to index
        %get3A_1149 = arith.constant 0 : index
        %get3A_1150 = tpu.vector_load %arg12[%get3A_1147, %get3A_1148, %get3A_1149] {strides = array<i32>} : memref<2x128x16xf32, #tpu.memory_space<vmem>>, vector<16xf32>,
        %add3A_1151 = arith.addf %get3A_1145, %get3A_1150 : vector<16xf32>
        %swap3A_1152 = arith.constant 8 : i32
        %swap3A_1153 = arith.index_cast %rem3A_35 : i32 to index
        %swap3A_1154 = arith.index_cast %swap3A_1152 : i32 to index
        %swap3A_1155 = arith.constant 16 : index
        %swap3A_1156 = tpu.vector_load %arg13[%swap3A_1153, %swap3A_1154, %swap3A_1155] {strides = array<i32>} : memref<2x16x128xf32, #tpu.memory_space<vmem>>, vector<16xf32>,
        tpu.vector_store %arg13[%swap3A_1153, %swap3A_1154, %swap3A_1155], %add3A_1151 {strides = array<i32>} : memref<2x16x128xf32, #tpu.memory_space<vmem>>, vector<16xf32>,
        %get3A_1157 = arith.constant 66 : i32
        %get3A_1158 = arith.index_cast %rem3A_35 : i32 to index
        %get3A_1159 = arith.index_cast %get3A_1157 : i32 to index
        %get3A_1160 = arith.constant 0 : index
        %get3A_1161 = tpu.vector_load %arg11[%get3A_1158, %get3A_1159, %get3A_1160] {strides = array<i32>} : memref<2x128x16xf32, #tpu.memory_space<vmem>>, vector<16xf32>,
        %get3A_1162 = arith.constant 66 : i32
        %get3A_1163 = arith.index_cast %rem3A_35 : i32 to index
        %get3A_1164 = arith.index_cast %get3A_1162 : i32 to index
        %get3A_1165 = arith.constant 0 : index
        %get3A_1166 = tpu.vector_load %arg12[%get3A_1163, %get3A_1164, %get3A_1165] {strides = array<i32>} : memref<2x128x16xf32, #tpu.memory_space<vmem>>, vector<16xf32>,
        %add3A_1167 = arith.addf %get3A_1161, %get3A_1166 : vector<16xf32>
        %swap3A_1168 = arith.constant 8 : i32
        %swap3A_1169 = arith.index_cast %rem3A_35 : i32 to index
        %swap3A_1170 = arith.index_cast %swap3A_1168 : i32 to index
        %swap3A_1171 = arith.constant 32 : index
        %swap3A_1172 = tpu.vector_load %arg13[%swap3A_1169, %swap3A_1170, %swap3A_1171] {strides = array<i32>} : memref<2x16x128xf32, #tpu.memory_space<vmem>>, vector<16xf32>,
        tpu.vector_store %arg13[%swap3A_1169, %swap3A_1170, %swap3A_1171], %add3A_1167 {strides = array<i32>} : memref<2x16x128xf32, #tpu.memory_space<vmem>>, vector<16xf32>,
        %get3A_1173 = arith.constant 67 : i32
        %get3A_1174 = arith.index_cast %rem3A_35 : i32 to index
        %get3A_1175 = arith.index_cast %get3A_1173 : i32 to index
        %get3A_1176 = arith.constant 0 : index
        %get3A_1177 = tpu.vector_load %arg11[%get3A_1174, %get3A_1175, %get3A_1176] {strides = array<i32>} : memref<2x128x16xf32, #tpu.memory_space<vmem>>, vector<16xf32>,
        %get3A_1178 = arith.constant 67 : i32
        %get3A_1179 = arith.index_cast %rem3A_35 : i32 to index
        %get3A_1180 = arith.index_cast %get3A_1178 : i32 to index
        %get3A_1181 = arith.constant 0 : index
        %get3A_1182 = tpu.vector_load %arg12[%get3A_1179, %get3A_1180, %get3A_1181] {strides = array<i32>} : memref<2x128x16xf32, #tpu.memory_space<vmem>>, vector<16xf32>,
        %add3A_1183 = arith.addf %get3A_1177, %get3A_1182 : vector<16xf32>
        %swap3A_1184 = arith.constant 8 : i32
        %swap3A_1185 = arith.index_cast %rem3A_35 : i32 to index
        %swap3A_1186 = arith.index_cast %swap3A_1184 : i32 to index
        %swap3A_1187 = arith.constant 48 : index
        %swap3A_1188 = tpu.vector_load %arg13[%swap3A_1185, %swap3A_1186, %swap3A_1187] {strides = array<i32>} : memref<2x16x128xf32, #tpu.memory_space<vmem>>, vector<16xf32>,
        tpu.vector_store %arg13[%swap3A_1185, %swap3A_1186, %swap3A_1187], %add3A_1183 {strides = array<i32>} : memref<2x16x128xf32, #tpu.memory_space<vmem>>, vector<16xf32>,
        %get3A_1189 = arith.constant 68 : i32
        %get3A_1190 = arith.index_cast %rem3A_35 : i32 to index
        %get3A_1191 = arith.index_cast %get3A_1189 : i32 to index
        %get3A_1192 = arith.constant 0 : index
        %get3A_1193 = tpu.vector_load %arg11[%get3A_1190, %get3A_1191, %get3A_1192] {strides = array<i32>} : memref<2x128x16xf32, #tpu.memory_space<vmem>>, vector<16xf32>,
        %get3A_1194 = arith.constant 68 : i32
        %get3A_1195 = arith.index_cast %rem3A_35 : i32 to index
        %get3A_1196 = arith.index_cast %get3A_1194 : i32 to index
        %get3A_1197 = arith.constant 0 : index
        %get3A_1198 = tpu.vector_load %arg12[%get3A_1195, %get3A_1196, %get3A_1197] {strides = array<i32>} : memref<2x128x16xf32, #tpu.memory_space<vmem>>, vector<16xf32>,
        %add3A_1199 = arith.addf %get3A_1193, %get3A_1198 : vector<16xf32>
        %swap3A_1200 = arith.constant 8 : i32
        %swap3A_1201 = arith.index_cast %rem3A_35 : i32 to index
        %swap3A_1202 = arith.index_cast %swap3A_1200 : i32 to index
        %swap3A_1203 = arith.constant 64 : index
        %swap3A_1204 = tpu.vector_load %arg13[%swap3A_1201, %swap3A_1202, %swap3A_1203] {strides = array<i32>} : memref<2x16x128xf32, #tpu.memory_space<vmem>>, vector<16xf32>,
        tpu.vector_store %arg13[%swap3A_1201, %swap3A_1202, %swap3A_1203], %add3A_1199 {strides = array<i32>} : memref<2x16x128xf32, #tpu.memory_space<vmem>>, vector<16xf32>,
        %get3A_1205 = arith.constant 69 : i32
        %get3A_1206 = arith.index_cast %rem3A_35 : i32 to index
        %get3A_1207 = arith.index_cast %get3A_1205 : i32 to index
        %get3A_1208 = arith.constant 0 : index
        %get3A_1209 = tpu.vector_load %arg11[%get3A_1206, %get3A_1207, %get3A_1208] {strides = array<i32>} : memref<2x128x16xf32, #tpu.memory_space<vmem>>, vector<16xf32>,
        %get3A_1210 = arith.constant 69 : i32
        %get3A_1211 = arith.index_cast %rem3A_35 : i32 to index
        %get3A_1212 = arith.index_cast %get3A_1210 : i32 to index
        %get3A_1213 = arith.constant 0 : index
        %get3A_1214 = tpu.vector_load %arg12[%get3A_1211, %get3A_1212, %get3A_1213] {strides = array<i32>} : memref<2x128x16xf32, #tpu.memory_space<vmem>>, vector<16xf32>,
        %add3A_1215 = arith.addf %get3A_1209, %get3A_1214 : vector<16xf32>
        %swap3A_1216 = arith.constant 8 : i32
        %swap3A_1217 = arith.index_cast %rem3A_35 : i32 to index
        %swap3A_1218 = arith.index_cast %swap3A_1216 : i32 to index
        %swap3A_1219 = arith.constant 80 : index
        %swap3A_1220 = tpu.vector_load %arg13[%swap3A_1217, %swap3A_1218, %swap3A_1219] {strides = array<i32>} : memref<2x16x128xf32, #tpu.memory_space<vmem>>, vector<16xf32>,
        tpu.vector_store %arg13[%swap3A_1217, %swap3A_1218, %swap3A_1219], %add3A_1215 {strides = array<i32>} : memref<2x16x128xf32, #tpu.memory_space<vmem>>, vector<16xf32>,
        %get3A_1221 = arith.constant 70 : i32
        %get3A_1222 = arith.index_cast %rem3A_35 : i32 to index
        %get3A_1223 = arith.index_cast %get3A_1221 : i32 to index
        %get3A_1224 = arith.constant 0 : index
        %get3A_1225 = tpu.vector_load %arg11[%get3A_1222, %get3A_1223, %get3A_1224] {strides = array<i32>} : memref<2x128x16xf32, #tpu.memory_space<vmem>>, vector<16xf32>,
        %get3A_1226 = arith.constant 70 : i32
        %get3A_1227 = arith.index_cast %rem3A_35 : i32 to index
        %get3A_1228 = arith.index_cast %get3A_1226 : i32 to index
        %get3A_1229 = arith.constant 0 : index
        %get3A_1230 = tpu.vector_load %arg12[%get3A_1227, %get3A_1228, %get3A_1229] {strides = array<i32>} : memref<2x128x16xf32, #tpu.memory_space<vmem>>, vector<16xf32>,
        %add3A_1231 = arith.addf %get3A_1225, %get3A_1230 : vector<16xf32>
        %swap3A_1232 = arith.constant 8 : i32
        %swap3A_1233 = arith.index_cast %rem3A_35 : i32 to index
        %swap3A_1234 = arith.index_cast %swap3A_1232 : i32 to index
        %swap3A_1235 = arith.constant 96 : index
        %swap3A_1236 = tpu.vector_load %arg13[%swap3A_1233, %swap3A_1234, %swap3A_1235] {strides = array<i32>} : memref<2x16x128xf32, #tpu.memory_space<vmem>>, vector<16xf32>,
        tpu.vector_store %arg13[%swap3A_1233, %swap3A_1234, %swap3A_1235], %add3A_1231 {strides = array<i32>} : memref<2x16x128xf32, #tpu.memory_space<vmem>>, vector<16xf32>,
        %get3A_1237 = arith.constant 71 : i32
        %get3A_1238 = arith.index_cast %rem3A_35 : i32 to index
        %get3A_1239 = arith.index_cast %get3A_1237 : i32 to index
        %get3A_1240 = arith.constant 0 : index
        %get3A_1241 = tpu.vector_load %arg11[%get3A_1238, %get3A_1239, %get3A_1240] {strides = array<i32>} : memref<2x128x16xf32, #tpu.memory_space<vmem>>, vector<16xf32>,
        %get3A_1242 = arith.constant 71 : i32
        %get3A_1243 = arith.index_cast %rem3A_35 : i32 to index
        %get3A_1244 = arith.index_cast %get3A_1242 : i32 to index
        %get3A_1245 = arith.constant 0 : index
        %get3A_1246 = tpu.vector_load %arg12[%get3A_1243, %get3A_1244, %get3A_1245] {strides = array<i32>} : memref<2x128x16xf32, #tpu.memory_space<vmem>>, vector<16xf32>,
        %add3A_1247 = arith.addf %get3A_1241, %get3A_1246 : vector<16xf32>
        %swap3A_1248 = arith.constant 8 : i32
        %swap3A_1249 = arith.index_cast %rem3A_35 : i32 to index
        %swap3A_1250 = arith.index_cast %swap3A_1248 : i32 to index
        %swap3A_1251 = arith.constant 112 : index
        %swap3A_1252 = tpu.vector_load %arg13[%swap3A_1249, %swap3A_1250, %swap3A_1251] {strides = array<i32>} : memref<2x16x128xf32, #tpu.memory_space<vmem>>, vector<16xf32>,
        tpu.vector_store %arg13[%swap3A_1249, %swap3A_1250, %swap3A_1251], %add3A_1247 {strides = array<i32>} : memref<2x16x128xf32, #tpu.memory_space<vmem>>, vector<16xf32>,
        %get3A_1253 = arith.constant 72 : i32
        %get3A_1254 = arith.index_cast %rem3A_35 : i32 to index
        %get3A_1255 = arith.index_cast %get3A_1253 : i32 to index
        %get3A_1256 = arith.constant 0 : index
        %get3A_1257 = tpu.vector_load %arg11[%get3A_1254, %get3A_1255, %get3A_1256] {strides = array<i32>} : memref<2x128x16xf32, #tpu.memory_space<vmem>>, vector<16xf32>,
        %get3A_1258 = arith.constant 72 : i32
        %get3A_1259 = arith.index_cast %rem3A_35 : i32 to index
        %get3A_1260 = arith.index_cast %get3A_1258 : i32 to index
        %get3A_1261 = arith.constant 0 : index
        %get3A_1262 = tpu.vector_load %arg12[%get3A_1259, %get3A_1260, %get3A_1261] {strides = array<i32>} : memref<2x128x16xf32, #tpu.memory_space<vmem>>, vector<16xf32>,
        %add3A_1263 = arith.addf %get3A_1257, %get3A_1262 : vector<16xf32>
        %swap3A_1264 = arith.constant 9 : i32
        %swap3A_1265 = arith.index_cast %rem3A_35 : i32 to index
        %swap3A_1266 = arith.index_cast %swap3A_1264 : i32 to index
        %swap3A_1267 = arith.constant 0 : index
        %swap3A_1268 = tpu.vector_load %arg13[%swap3A_1265, %swap3A_1266, %swap3A_1267] {strides = array<i32>} : memref<2x16x128xf32, #tpu.memory_space<vmem>>, vector<16xf32>,
        tpu.vector_store %arg13[%swap3A_1265, %swap3A_1266, %swap3A_1267], %add3A_1263 {strides = array<i32>} : memref<2x16x128xf32, #tpu.memory_space<vmem>>, vector<16xf32>,
        %get3A_1269 = arith.constant 73 : i32
        %get3A_1270 = arith.index_cast %rem3A_35 : i32 to index
        %get3A_1271 = arith.index_cast %get3A_1269 : i32 to index
        %get3A_1272 = arith.constant 0 : index
        %get3A_1273 = tpu.vector_load %arg11[%get3A_1270, %get3A_1271, %get3A_1272] {strides = array<i32>} : memref<2x128x16xf32, #tpu.memory_space<vmem>>, vector<16xf32>,
        %get3A_1274 = arith.constant 73 : i32
        %get3A_1275 = arith.index_cast %rem3A_35 : i32 to index
        %get3A_1276 = arith.index_cast %get3A_1274 : i32 to index
        %get3A_1277 = arith.constant 0 : index
        %get3A_1278 = tpu.vector_load %arg12[%get3A_1275, %get3A_1276, %get3A_1277] {strides = array<i32>} : memref<2x128x16xf32, #tpu.memory_space<vmem>>, vector<16xf32>,
        %add3A_1279 = arith.addf %get3A_1273, %get3A_1278 : vector<16xf32>
        %swap3A_1280 = arith.constant 9 : i32
        %swap3A_1281 = arith.index_cast %rem3A_35 : i32 to index
        %swap3A_1282 = arith.index_cast %swap3A_1280 : i32 to index
        %swap3A_1283 = arith.constant 16 : index
        %swap3A_1284 = tpu.vector_load %arg13[%swap3A_1281, %swap3A_1282, %swap3A_1283] {strides = array<i32>} : memref<2x16x128xf32, #tpu.memory_space<vmem>>, vector<16xf32>,
        tpu.vector_store %arg13[%swap3A_1281, %swap3A_1282, %swap3A_1283], %add3A_1279 {strides = array<i32>} : memref<2x16x128xf32, #tpu.memory_space<vmem>>, vector<16xf32>,
        %get3A_1285 = arith.constant 74 : i32
        %get3A_1286 = arith.index_cast %rem3A_35 : i32 to index
        %get3A_1287 = arith.index_cast %get3A_1285 : i32 to index
        %get3A_1288 = arith.constant 0 : index
        %get3A_1289 = tpu.vector_load %arg11[%get3A_1286, %get3A_1287, %get3A_1288] {strides = array<i32>} : memref<2x128x16xf32, #tpu.memory_space<vmem>>, vector<16xf32>,
        %get3A_1290 = arith.constant 74 : i32
        %get3A_1291 = arith.index_cast %rem3A_35 : i32 to index
        %get3A_1292 = arith.index_cast %get3A_1290 : i32 to index
        %get3A_1293 = arith.constant 0 : index
        %get3A_1294 = tpu.vector_load %arg12[%get3A_1291, %get3A_1292, %get3A_1293] {strides = array<i32>} : memref<2x128x16xf32, #tpu.memory_space<vmem>>, vector<16xf32>,
        %add3A_1295 = arith.addf %get3A_1289, %get3A_1294 : vector<16xf32>
        %swap3A_1296 = arith.constant 9 : i32
        %swap3A_1297 = arith.index_cast %rem3A_35 : i32 to index
        %swap3A_1298 = arith.index_cast %swap3A_1296 : i32 to index
        %swap3A_1299 = arith.constant 32 : index
        %swap3A_1300 = tpu.vector_load %arg13[%swap3A_1297, %swap3A_1298, %swap3A_1299] {strides = array<i32>} : memref<2x16x128xf32, #tpu.memory_space<vmem>>, vector<16xf32>,
        tpu.vector_store %arg13[%swap3A_1297, %swap3A_1298, %swap3A_1299], %add3A_1295 {strides = array<i32>} : memref<2x16x128xf32, #tpu.memory_space<vmem>>, vector<16xf32>,
        %get3A_1301 = arith.constant 75 : i32
        %get3A_1302 = arith.index_cast %rem3A_35 : i32 to index
        %get3A_1303 = arith.index_cast %get3A_1301 : i32 to index
        %get3A_1304 = arith.constant 0 : index
        %get3A_1305 = tpu.vector_load %arg11[%get3A_1302, %get3A_1303, %get3A_1304] {strides = array<i32>} : memref<2x128x16xf32, #tpu.memory_space<vmem>>, vector<16xf32>,
        %get3A_1306 = arith.constant 75 : i32
        %get3A_1307 = arith.index_cast %rem3A_35 : i32 to index
        %get3A_1308 = arith.index_cast %get3A_1306 : i32 to index
        %get3A_1309 = arith.constant 0 : index
        %get3A_1310 = tpu.vector_load %arg12[%get3A_1307, %get3A_1308, %get3A_1309] {strides = array<i32>} : memref<2x128x16xf32, #tpu.memory_space<vmem>>, vector<16xf32>,
        %add3A_1311 = arith.addf %get3A_1305, %get3A_1310 : vector<16xf32>
        %swap3A_1312 = arith.constant 9 : i32
        %swap3A_1313 = arith.index_cast %rem3A_35 : i32 to index
        %swap3A_1314 = arith.index_cast %swap3A_1312 : i32 to index
        %swap3A_1315 = arith.constant 48 : index
        %swap3A_1316 = tpu.vector_load %arg13[%swap3A_1313, %swap3A_1314, %swap3A_1315] {strides = array<i32>} : memref<2x16x128xf32, #tpu.memory_space<vmem>>, vector<16xf32>,
        tpu.vector_store %arg13[%swap3A_1313, %swap3A_1314, %swap3A_1315], %add3A_1311 {strides = array<i32>} : memref<2x16x128xf32, #tpu.memory_space<vmem>>, vector<16xf32>,
        %get3A_1317 = arith.constant 76 : i32
        %get3A_1318 = arith.index_cast %rem3A_35 : i32 to index
        %get3A_1319 = arith.index_cast %get3A_1317 : i32 to index
        %get3A_1320 = arith.constant 0 : index
        %get3A_1321 = tpu.vector_load %arg11[%get3A_1318, %get3A_1319, %get3A_1320] {strides = array<i32>} : memref<2x128x16xf32, #tpu.memory_space<vmem>>, vector<16xf32>,
        %get3A_1322 = arith.constant 76 : i32
        %get3A_1323 = arith.index_cast %rem3A_35 : i32 to index
        %get3A_1324 = arith.index_cast %get3A_1322 : i32 to index
        %get3A_1325 = arith.constant 0 : index
        %get3A_1326 = tpu.vector_load %arg12[%get3A_1323, %get3A_1324, %get3A_1325] {strides = array<i32>} : memref<2x128x16xf32, #tpu.memory_space<vmem>>, vector<16xf32>,
        %add3A_1327 = arith.addf %get3A_1321, %get3A_1326 : vector<16xf32>
        %swap3A_1328 = arith.constant 9 : i32
        %swap3A_1329 = arith.index_cast %rem3A_35 : i32 to index
        %swap3A_1330 = arith.index_cast %swap3A_1328 : i32 to index
        %swap3A_1331 = arith.constant 64 : index
        %swap3A_1332 = tpu.vector_load %arg13[%swap3A_1329, %swap3A_1330, %swap3A_1331] {strides = array<i32>} : memref<2x16x128xf32, #tpu.memory_space<vmem>>, vector<16xf32>,
        tpu.vector_store %arg13[%swap3A_1329, %swap3A_1330, %swap3A_1331], %add3A_1327 {strides = array<i32>} : memref<2x16x128xf32, #tpu.memory_space<vmem>>, vector<16xf32>,
        %get3A_1333 = arith.constant 77 : i32
        %get3A_1334 = arith.index_cast %rem3A_35 : i32 to index
        %get3A_1335 = arith.index_cast %get3A_1333 : i32 to index
        %get3A_1336 = arith.constant 0 : index
        %get3A_1337 = tpu.vector_load %arg11[%get3A_1334, %get3A_1335, %get3A_1336] {strides = array<i32>} : memref<2x128x16xf32, #tpu.memory_space<vmem>>, vector<16xf32>,
        %get3A_1338 = arith.constant 77 : i32
        %get3A_1339 = arith.index_cast %rem3A_35 : i32 to index
        %get3A_1340 = arith.index_cast %get3A_1338 : i32 to index
        %get3A_1341 = arith.constant 0 : index
        %get3A_1342 = tpu.vector_load %arg12[%get3A_1339, %get3A_1340, %get3A_1341] {strides = array<i32>} : memref<2x128x16xf32, #tpu.memory_space<vmem>>, vector<16xf32>,
        %add3A_1343 = arith.addf %get3A_1337, %get3A_1342 : vector<16xf32>
        %swap3A_1344 = arith.constant 9 : i32
        %swap3A_1345 = arith.index_cast %rem3A_35 : i32 to index
        %swap3A_1346 = arith.index_cast %swap3A_1344 : i32 to index
        %swap3A_1347 = arith.constant 80 : index
        %swap3A_1348 = tpu.vector_load %arg13[%swap3A_1345, %swap3A_1346, %swap3A_1347] {strides = array<i32>} : memref<2x16x128xf32, #tpu.memory_space<vmem>>, vector<16xf32>,
        tpu.vector_store %arg13[%swap3A_1345, %swap3A_1346, %swap3A_1347], %add3A_1343 {strides = array<i32>} : memref<2x16x128xf32, #tpu.memory_space<vmem>>, vector<16xf32>,
        %get3A_1349 = arith.constant 78 : i32
        %get3A_1350 = arith.index_cast %rem3A_35 : i32 to index
        %get3A_1351 = arith.index_cast %get3A_1349 : i32 to index
        %get3A_1352 = arith.constant 0 : index
        %get3A_1353 = tpu.vector_load %arg11[%get3A_1350, %get3A_1351, %get3A_1352] {strides = array<i32>} : memref<2x128x16xf32, #tpu.memory_space<vmem>>, vector<16xf32>,
        %get3A_1354 = arith.constant 78 : i32
        %get3A_1355 = arith.index_cast %rem3A_35 : i32 to index
        %get3A_1356 = arith.index_cast %get3A_1354 : i32 to index
        %get3A_1357 = arith.constant 0 : index
        %get3A_1358 = tpu.vector_load %arg12[%get3A_1355, %get3A_1356, %get3A_1357] {strides = array<i32>} : memref<2x128x16xf32, #tpu.memory_space<vmem>>, vector<16xf32>,
        %add3A_1359 = arith.addf %get3A_1353, %get3A_1358 : vector<16xf32>
        %swap3A_1360 = arith.constant 9 : i32
        %swap3A_1361 = arith.index_cast %rem3A_35 : i32 to index
        %swap3A_1362 = arith.index_cast %swap3A_1360 : i32 to index
        %swap3A_1363 = arith.constant 96 : index
        %swap3A_1364 = tpu.vector_load %arg13[%swap3A_1361, %swap3A_1362, %swap3A_1363] {strides = array<i32>} : memref<2x16x128xf32, #tpu.memory_space<vmem>>, vector<16xf32>,
        tpu.vector_store %arg13[%swap3A_1361, %swap3A_1362, %swap3A_1363], %add3A_1359 {strides = array<i32>} : memref<2x16x128xf32, #tpu.memory_space<vmem>>, vector<16xf32>,
        %get3A_1365 = arith.constant 79 : i32
        %get3A_1366 = arith.index_cast %rem3A_35 : i32 to index
        %get3A_1367 = arith.index_cast %get3A_1365 : i32 to index
        %get3A_1368 = arith.constant 0 : index
        %get3A_1369 = tpu.vector_load %arg11[%get3A_1366, %get3A_1367, %get3A_1368] {strides = array<i32>} : memref<2x128x16xf32, #tpu.memory_space<vmem>>, vector<16xf32>,
        %get3A_1370 = arith.constant 79 : i32
        %get3A_1371 = arith.index_cast %rem3A_35 : i32 to index
        %get3A_1372 = arith.index_cast %get3A_1370 : i32 to index
        %get3A_1373 = arith.constant 0 : index
        %get3A_1374 = tpu.vector_load %arg12[%get3A_1371, %get3A_1372, %get3A_1373] {strides = array<i32>} : memref<2x128x16xf32, #tpu.memory_space<vmem>>, vector<16xf32>,
        %add3A_1375 = arith.addf %get3A_1369, %get3A_1374 : vector<16xf32>
        %swap3A_1376 = arith.constant 9 : i32
        %swap3A_1377 = arith.index_cast %rem3A_35 : i32 to index
        %swap3A_1378 = arith.index_cast %swap3A_1376 : i32 to index
        %swap3A_1379 = arith.constant 112 : index
        %swap3A_1380 = tpu.vector_load %arg13[%swap3A_1377, %swap3A_1378, %swap3A_1379] {strides = array<i32>} : memref<2x16x128xf32, #tpu.memory_space<vmem>>, vector<16xf32>,
        tpu.vector_store %arg13[%swap3A_1377, %swap3A_1378, %swap3A_1379], %add3A_1375 {strides = array<i32>} : memref<2x16x128xf32, #tpu.memory_space<vmem>>, vector<16xf32>,
        %get3A_1381 = arith.constant 80 : i32
        %get3A_1382 = arith.index_cast %rem3A_35 : i32 to index
        %get3A_1383 = arith.index_cast %get3A_1381 : i32 to index
        %get3A_1384 = arith.constant 0 : index
        %get3A_1385 = tpu.vector_load %arg11[%get3A_1382, %get3A_1383, %get3A_1384] {strides = array<i32>} : memref<2x128x16xf32, #tpu.memory_space<vmem>>, vector<16xf32>,
        %get3A_1386 = arith.constant 80 : i32
        %get3A_1387 = arith.index_cast %rem3A_35 : i32 to index
        %get3A_1388 = arith.index_cast %get3A_1386 : i32 to index
        %get3A_1389 = arith.constant 0 : index
        %get3A_1390 = tpu.vector_load %arg12[%get3A_1387, %get3A_1388, %get3A_1389] {strides = array<i32>} : memref<2x128x16xf32, #tpu.memory_space<vmem>>, vector<16xf32>,
        %add3A_1391 = arith.addf %get3A_1385, %get3A_1390 : vector<16xf32>
        %swap3A_1392 = arith.constant 10 : i32
        %swap3A_1393 = arith.index_cast %rem3A_35 : i32 to index
        %swap3A_1394 = arith.index_cast %swap3A_1392 : i32 to index
        %swap3A_1395 = arith.constant 0 : index
        %swap3A_1396 = tpu.vector_load %arg13[%swap3A_1393, %swap3A_1394, %swap3A_1395] {strides = array<i32>} : memref<2x16x128xf32, #tpu.memory_space<vmem>>, vector<16xf32>,
        tpu.vector_store %arg13[%swap3A_1393, %swap3A_1394, %swap3A_1395], %add3A_1391 {strides = array<i32>} : memref<2x16x128xf32, #tpu.memory_space<vmem>>, vector<16xf32>,
        %get3A_1397 = arith.constant 81 : i32
        %get3A_1398 = arith.index_cast %rem3A_35 : i32 to index
        %get3A_1399 = arith.index_cast %get3A_1397 : i32 to index
        %get3A_1400 = arith.constant 0 : index
        %get3A_1401 = tpu.vector_load %arg11[%get3A_1398, %get3A_1399, %get3A_1400] {strides = array<i32>} : memref<2x128x16xf32, #tpu.memory_space<vmem>>, vector<16xf32>,
        %get3A_1402 = arith.constant 81 : i32
        %get3A_1403 = arith.index_cast %rem3A_35 : i32 to index
        %get3A_1404 = arith.index_cast %get3A_1402 : i32 to index
        %get3A_1405 = arith.constant 0 : index
        %get3A_1406 = tpu.vector_load %arg12[%get3A_1403, %get3A_1404, %get3A_1405] {strides = array<i32>} : memref<2x128x16xf32, #tpu.memory_space<vmem>>, vector<16xf32>,
        %add3A_1407 = arith.addf %get3A_1401, %get3A_1406 : vector<16xf32>
        %swap3A_1408 = arith.constant 10 : i32
        %swap3A_1409 = arith.index_cast %rem3A_35 : i32 to index
        %swap3A_1410 = arith.index_cast %swap3A_1408 : i32 to index
        %swap3A_1411 = arith.constant 16 : index
        %swap3A_1412 = tpu.vector_load %arg13[%swap3A_1409, %swap3A_1410, %swap3A_1411] {strides = array<i32>} : memref<2x16x128xf32, #tpu.memory_space<vmem>>, vector<16xf32>,
        tpu.vector_store %arg13[%swap3A_1409, %swap3A_1410, %swap3A_1411], %add3A_1407 {strides = array<i32>} : memref<2x16x128xf32, #tpu.memory_space<vmem>>, vector<16xf32>,
        %get3A_1413 = arith.constant 82 : i32
        %get3A_1414 = arith.index_cast %rem3A_35 : i32 to index
        %get3A_1415 = arith.index_cast %get3A_1413 : i32 to index
        %get3A_1416 = arith.constant 0 : index
        %get3A_1417 = tpu.vector_load %arg11[%get3A_1414, %get3A_1415, %get3A_1416] {strides = array<i32>} : memref<2x128x16xf32, #tpu.memory_space<vmem>>, vector<16xf32>,
        %get3A_1418 = arith.constant 82 : i32
        %get3A_1419 = arith.index_cast %rem3A_35 : i32 to index
        %get3A_1420 = arith.index_cast %get3A_1418 : i32 to index
        %get3A_1421 = arith.constant 0 : index
        %get3A_1422 = tpu.vector_load %arg12[%get3A_1419, %get3A_1420, %get3A_1421] {strides = array<i32>} : memref<2x128x16xf32, #tpu.memory_space<vmem>>, vector<16xf32>,
        %add3A_1423 = arith.addf %get3A_1417, %get3A_1422 : vector<16xf32>
        %swap3A_1424 = arith.constant 10 : i32
        %swap3A_1425 = arith.index_cast %rem3A_35 : i32 to index
        %swap3A_1426 = arith.index_cast %swap3A_1424 : i32 to index
        %swap3A_1427 = arith.constant 32 : index
        %swap3A_1428 = tpu.vector_load %arg13[%swap3A_1425, %swap3A_1426, %swap3A_1427] {strides = array<i32>} : memref<2x16x128xf32, #tpu.memory_space<vmem>>, vector<16xf32>,
        tpu.vector_store %arg13[%swap3A_1425, %swap3A_1426, %swap3A_1427], %add3A_1423 {strides = array<i32>} : memref<2x16x128xf32, #tpu.memory_space<vmem>>, vector<16xf32>,
        %get3A_1429 = arith.constant 83 : i32
        %get3A_1430 = arith.index_cast %rem3A_35 : i32 to index
        %get3A_1431 = arith.index_cast %get3A_1429 : i32 to index
        %get3A_1432 = arith.constant 0 : index
        %get3A_1433 = tpu.vector_load %arg11[%get3A_1430, %get3A_1431, %get3A_1432] {strides = array<i32>} : memref<2x128x16xf32, #tpu.memory_space<vmem>>, vector<16xf32>,
        %get3A_1434 = arith.constant 83 : i32
        %get3A_1435 = arith.index_cast %rem3A_35 : i32 to index
        %get3A_1436 = arith.index_cast %get3A_1434 : i32 to index
        %get3A_1437 = arith.constant 0 : index
        %get3A_1438 = tpu.vector_load %arg12[%get3A_1435, %get3A_1436, %get3A_1437] {strides = array<i32>} : memref<2x128x16xf32, #tpu.memory_space<vmem>>, vector<16xf32>,
        %add3A_1439 = arith.addf %get3A_1433, %get3A_1438 : vector<16xf32>
        %swap3A_1440 = arith.constant 10 : i32
        %swap3A_1441 = arith.index_cast %rem3A_35 : i32 to index
        %swap3A_1442 = arith.index_cast %swap3A_1440 : i32 to index
        %swap3A_1443 = arith.constant 48 : index
        %swap3A_1444 = tpu.vector_load %arg13[%swap3A_1441, %swap3A_1442, %swap3A_1443] {strides = array<i32>} : memref<2x16x128xf32, #tpu.memory_space<vmem>>, vector<16xf32>,
        tpu.vector_store %arg13[%swap3A_1441, %swap3A_1442, %swap3A_1443], %add3A_1439 {strides = array<i32>} : memref<2x16x128xf32, #tpu.memory_space<vmem>>, vector<16xf32>,
        %get3A_1445 = arith.constant 84 : i32
        %get3A_1446 = arith.index_cast %rem3A_35 : i32 to index
        %get3A_1447 = arith.index_cast %get3A_1445 : i32 to index
        %get3A_1448 = arith.constant 0 : index
        %get3A_1449 = tpu.vector_load %arg11[%get3A_1446, %get3A_1447, %get3A_1448] {strides = array<i32>} : memref<2x128x16xf32, #tpu.memory_space<vmem>>, vector<16xf32>,
        %get3A_1450 = arith.constant 84 : i32
        %get3A_1451 = arith.index_cast %rem3A_35 : i32 to index
        %get3A_1452 = arith.index_cast %get3A_1450 : i32 to index
        %get3A_1453 = arith.constant 0 : index
        %get3A_1454 = tpu.vector_load %arg12[%get3A_1451, %get3A_1452, %get3A_1453] {strides = array<i32>} : memref<2x128x16xf32, #tpu.memory_space<vmem>>, vector<16xf32>,
        %add3A_1455 = arith.addf %get3A_1449, %get3A_1454 : vector<16xf32>
        %swap3A_1456 = arith.constant 10 : i32
        %swap3A_1457 = arith.index_cast %rem3A_35 : i32 to index
        %swap3A_1458 = arith.index_cast %swap3A_1456 : i32 to index
        %swap3A_1459 = arith.constant 64 : index
        %swap3A_1460 = tpu.vector_load %arg13[%swap3A_1457, %swap3A_1458, %swap3A_1459] {strides = array<i32>} : memref<2x16x128xf32, #tpu.memory_space<vmem>>, vector<16xf32>,
        tpu.vector_store %arg13[%swap3A_1457, %swap3A_1458, %swap3A_1459], %add3A_1455 {strides = array<i32>} : memref<2x16x128xf32, #tpu.memory_space<vmem>>, vector<16xf32>,
        %get3A_1461 = arith.constant 85 : i32
        %get3A_1462 = arith.index_cast %rem3A_35 : i32 to index
        %get3A_1463 = arith.index_cast %get3A_1461 : i32 to index
        %get3A_1464 = arith.constant 0 : index
        %get3A_1465 = tpu.vector_load %arg11[%get3A_1462, %get3A_1463, %get3A_1464] {strides = array<i32>} : memref<2x128x16xf32, #tpu.memory_space<vmem>>, vector<16xf32>,
        %get3A_1466 = arith.constant 85 : i32
        %get3A_1467 = arith.index_cast %rem3A_35 : i32 to index
        %get3A_1468 = arith.index_cast %get3A_1466 : i32 to index
        %get3A_1469 = arith.constant 0 : index
        %get3A_1470 = tpu.vector_load %arg12[%get3A_1467, %get3A_1468, %get3A_1469] {strides = array<i32>} : memref<2x128x16xf32, #tpu.memory_space<vmem>>, vector<16xf32>,
        %add3A_1471 = arith.addf %get3A_1465, %get3A_1470 : vector<16xf32>
        %swap3A_1472 = arith.constant 10 : i32
        %swap3A_1473 = arith.index_cast %rem3A_35 : i32 to index
        %swap3A_1474 = arith.index_cast %swap3A_1472 : i32 to index
        %swap3A_1475 = arith.constant 80 : index
        %swap3A_1476 = tpu.vector_load %arg13[%swap3A_1473, %swap3A_1474, %swap3A_1475] {strides = array<i32>} : memref<2x16x128xf32, #tpu.memory_space<vmem>>, vector<16xf32>,
        tpu.vector_store %arg13[%swap3A_1473, %swap3A_1474, %swap3A_1475], %add3A_1471 {strides = array<i32>} : memref<2x16x128xf32, #tpu.memory_space<vmem>>, vector<16xf32>,
        %get3A_1477 = arith.constant 86 : i32
        %get3A_1478 = arith.index_cast %rem3A_35 : i32 to index
        %get3A_1479 = arith.index_cast %get3A_1477 : i32 to index
        %get3A_1480 = arith.constant 0 : index
        %get3A_1481 = tpu.vector_load %arg11[%get3A_1478, %get3A_1479, %get3A_1480] {strides = array<i32>} : memref<2x128x16xf32, #tpu.memory_space<vmem>>, vector<16xf32>,
        %get3A_1482 = arith.constant 86 : i32
        %get3A_1483 = arith.index_cast %rem3A_35 : i32 to index
        %get3A_1484 = arith.index_cast %get3A_1482 : i32 to index
        %get3A_1485 = arith.constant 0 : index
        %get3A_1486 = tpu.vector_load %arg12[%get3A_1483, %get3A_1484, %get3A_1485] {strides = array<i32>} : memref<2x128x16xf32, #tpu.memory_space<vmem>>, vector<16xf32>,
        %add3A_1487 = arith.addf %get3A_1481, %get3A_1486 : vector<16xf32>
        %swap3A_1488 = arith.constant 10 : i32
        %swap3A_1489 = arith.index_cast %rem3A_35 : i32 to index
        %swap3A_1490 = arith.index_cast %swap3A_1488 : i32 to index
        %swap3A_1491 = arith.constant 96 : index
        %swap3A_1492 = tpu.vector_load %arg13[%swap3A_1489, %swap3A_1490, %swap3A_1491] {strides = array<i32>} : memref<2x16x128xf32, #tpu.memory_space<vmem>>, vector<16xf32>,
        tpu.vector_store %arg13[%swap3A_1489, %swap3A_1490, %swap3A_1491], %add3A_1487 {strides = array<i32>} : memref<2x16x128xf32, #tpu.memory_space<vmem>>, vector<16xf32>,
        %get3A_1493 = arith.constant 87 : i32
        %get3A_1494 = arith.index_cast %rem3A_35 : i32 to index
        %get3A_1495 = arith.index_cast %get3A_1493 : i32 to index
        %get3A_1496 = arith.constant 0 : index
        %get3A_1497 = tpu.vector_load %arg11[%get3A_1494, %get3A_1495, %get3A_1496] {strides = array<i32>} : memref<2x128x16xf32, #tpu.memory_space<vmem>>, vector<16xf32>,
        %get3A_1498 = arith.constant 87 : i32
        %get3A_1499 = arith.index_cast %rem3A_35 : i32 to index
        %get3A_1500 = arith.index_cast %get3A_1498 : i32 to index
        %get3A_1501 = arith.constant 0 : index
        %get3A_1502 = tpu.vector_load %arg12[%get3A_1499, %get3A_1500, %get3A_1501] {strides = array<i32>} : memref<2x128x16xf32, #tpu.memory_space<vmem>>, vector<16xf32>,
        %add3A_1503 = arith.addf %get3A_1497, %get3A_1502 : vector<16xf32>
        %swap3A_1504 = arith.constant 10 : i32
        %swap3A_1505 = arith.index_cast %rem3A_35 : i32 to index
        %swap3A_1506 = arith.index_cast %swap3A_1504 : i32 to index
        %swap3A_1507 = arith.constant 112 : index
        %swap3A_1508 = tpu.vector_load %arg13[%swap3A_1505, %swap3A_1506, %swap3A_1507] {strides = array<i32>} : memref<2x16x128xf32, #tpu.memory_space<vmem>>, vector<16xf32>,
        tpu.vector_store %arg13[%swap3A_1505, %swap3A_1506, %swap3A_1507], %add3A_1503 {strides = array<i32>} : memref<2x16x128xf32, #tpu.memory_space<vmem>>, vector<16xf32>,
        %get3A_1509 = arith.constant 88 : i32
        %get3A_1510 = arith.index_cast %rem3A_35 : i32 to index
        %get3A_1511 = arith.index_cast %get3A_1509 : i32 to index
        %get3A_1512 = arith.constant 0 : index
        %get3A_1513 = tpu.vector_load %arg11[%get3A_1510, %get3A_1511, %get3A_1512] {strides = array<i32>} : memref<2x128x16xf32, #tpu.memory_space<vmem>>, vector<16xf32>,
        %get3A_1514 = arith.constant 88 : i32
        %get3A_1515 = arith.index_cast %rem3A_35 : i32 to index
        %get3A_1516 = arith.index_cast %get3A_1514 : i32 to index
        %get3A_1517 = arith.constant 0 : index
        %get3A_1518 = tpu.vector_load %arg12[%get3A_1515, %get3A_1516, %get3A_1517] {strides = array<i32>} : memref<2x128x16xf32, #tpu.memory_space<vmem>>, vector<16xf32>,
        %add3A_1519 = arith.addf %get3A_1513, %get3A_1518 : vector<16xf32>
        %swap3A_1520 = arith.constant 11 : i32
        %swap3A_1521 = arith.index_cast %rem3A_35 : i32 to index
        %swap3A_1522 = arith.index_cast %swap3A_1520 : i32 to index
        %swap3A_1523 = arith.constant 0 : index
        %swap3A_1524 = tpu.vector_load %arg13[%swap3A_1521, %swap3A_1522, %swap3A_1523] {strides = array<i32>} : memref<2x16x128xf32, #tpu.memory_space<vmem>>, vector<16xf32>,
        tpu.vector_store %arg13[%swap3A_1521, %swap3A_1522, %swap3A_1523], %add3A_1519 {strides = array<i32>} : memref<2x16x128xf32, #tpu.memory_space<vmem>>, vector<16xf32>,
        %get3A_1525 = arith.constant 89 : i32
        %get3A_1526 = arith.index_cast %rem3A_35 : i32 to index
        %get3A_1527 = arith.index_cast %get3A_1525 : i32 to index
        %get3A_1528 = arith.constant 0 : index
        %get3A_1529 = tpu.vector_load %arg11[%get3A_1526, %get3A_1527, %get3A_1528] {strides = array<i32>} : memref<2x128x16xf32, #tpu.memory_space<vmem>>, vector<16xf32>,
        %get3A_1530 = arith.constant 89 : i32
        %get3A_1531 = arith.index_cast %rem3A_35 : i32 to index
        %get3A_1532 = arith.index_cast %get3A_1530 : i32 to index
        %get3A_1533 = arith.constant 0 : index
        %get3A_1534 = tpu.vector_load %arg12[%get3A_1531, %get3A_1532, %get3A_1533] {strides = array<i32>} : memref<2x128x16xf32, #tpu.memory_space<vmem>>, vector<16xf32>,
        %add3A_1535 = arith.addf %get3A_1529, %get3A_1534 : vector<16xf32>
        %swap3A_1536 = arith.constant 11 : i32
        %swap3A_1537 = arith.index_cast %rem3A_35 : i32 to index
        %swap3A_1538 = arith.index_cast %swap3A_1536 : i32 to index
        %swap3A_1539 = arith.constant 16 : index
        %swap3A_1540 = tpu.vector_load %arg13[%swap3A_1537, %swap3A_1538, %swap3A_1539] {strides = array<i32>} : memref<2x16x128xf32, #tpu.memory_space<vmem>>, vector<16xf32>,
        tpu.vector_store %arg13[%swap3A_1537, %swap3A_1538, %swap3A_1539], %add3A_1535 {strides = array<i32>} : memref<2x16x128xf32, #tpu.memory_space<vmem>>, vector<16xf32>,
        %get3A_1541 = arith.constant 90 : i32
        %get3A_1542 = arith.index_cast %rem3A_35 : i32 to index
        %get3A_1543 = arith.index_cast %get3A_1541 : i32 to index
        %get3A_1544 = arith.constant 0 : index
        %get3A_1545 = tpu.vector_load %arg11[%get3A_1542, %get3A_1543, %get3A_1544] {strides = array<i32>} : memref<2x128x16xf32, #tpu.memory_space<vmem>>, vector<16xf32>,
        %get3A_1546 = arith.constant 90 : i32
        %get3A_1547 = arith.index_cast %rem3A_35 : i32 to index
        %get3A_1548 = arith.index_cast %get3A_1546 : i32 to index
        %get3A_1549 = arith.constant 0 : index
        %get3A_1550 = tpu.vector_load %arg12[%get3A_1547, %get3A_1548, %get3A_1549] {strides = array<i32>} : memref<2x128x16xf32, #tpu.memory_space<vmem>>, vector<16xf32>,
        %add3A_1551 = arith.addf %get3A_1545, %get3A_1550 : vector<16xf32>
        %swap3A_1552 = arith.constant 11 : i32
        %swap3A_1553 = arith.index_cast %rem3A_35 : i32 to index
        %swap3A_1554 = arith.index_cast %swap3A_1552 : i32 to index
        %swap3A_1555 = arith.constant 32 : index
        %swap3A_1556 = tpu.vector_load %arg13[%swap3A_1553, %swap3A_1554, %swap3A_1555] {strides = array<i32>} : memref<2x16x128xf32, #tpu.memory_space<vmem>>, vector<16xf32>,
        tpu.vector_store %arg13[%swap3A_1553, %swap3A_1554, %swap3A_1555], %add3A_1551 {strides = array<i32>} : memref<2x16x128xf32, #tpu.memory_space<vmem>>, vector<16xf32>,
        %get3A_1557 = arith.constant 91 : i32
        %get3A_1558 = arith.index_cast %rem3A_35 : i32 to index
        %get3A_1559 = arith.index_cast %get3A_1557 : i32 to index
        %get3A_1560 = arith.constant 0 : index
        %get3A_1561 = tpu.vector_load %arg11[%get3A_1558, %get3A_1559, %get3A_1560] {strides = array<i32>} : memref<2x128x16xf32, #tpu.memory_space<vmem>>, vector<16xf32>,
        %get3A_1562 = arith.constant 91 : i32
        %get3A_1563 = arith.index_cast %rem3A_35 : i32 to index
        %get3A_1564 = arith.index_cast %get3A_1562 : i32 to index
        %get3A_1565 = arith.constant 0 : index
        %get3A_1566 = tpu.vector_load %arg12[%get3A_1563, %get3A_1564, %get3A_1565] {strides = array<i32>} : memref<2x128x16xf32, #tpu.memory_space<vmem>>, vector<16xf32>,
        %add3A_1567 = arith.addf %get3A_1561, %get3A_1566 : vector<16xf32>
        %swap3A_1568 = arith.constant 11 : i32
        %swap3A_1569 = arith.index_cast %rem3A_35 : i32 to index
        %swap3A_1570 = arith.index_cast %swap3A_1568 : i32 to index
        %swap3A_1571 = arith.constant 48 : index
        %swap3A_1572 = tpu.vector_load %arg13[%swap3A_1569, %swap3A_1570, %swap3A_1571] {strides = array<i32>} : memref<2x16x128xf32, #tpu.memory_space<vmem>>, vector<16xf32>,
        tpu.vector_store %arg13[%swap3A_1569, %swap3A_1570, %swap3A_1571], %add3A_1567 {strides = array<i32>} : memref<2x16x128xf32, #tpu.memory_space<vmem>>, vector<16xf32>,
        %get3A_1573 = arith.constant 92 : i32
        %get3A_1574 = arith.index_cast %rem3A_35 : i32 to index
        %get3A_1575 = arith.index_cast %get3A_1573 : i32 to index
        %get3A_1576 = arith.constant 0 : index
        %get3A_1577 = tpu.vector_load %arg11[%get3A_1574, %get3A_1575, %get3A_1576] {strides = array<i32>} : memref<2x128x16xf32, #tpu.memory_space<vmem>>, vector<16xf32>,
        %get3A_1578 = arith.constant 92 : i32
        %get3A_1579 = arith.index_cast %rem3A_35 : i32 to index
        %get3A_1580 = arith.index_cast %get3A_1578 : i32 to index
        %get3A_1581 = arith.constant 0 : index
        %get3A_1582 = tpu.vector_load %arg12[%get3A_1579, %get3A_1580, %get3A_1581] {strides = array<i32>} : memref<2x128x16xf32, #tpu.memory_space<vmem>>, vector<16xf32>,
        %add3A_1583 = arith.addf %get3A_1577, %get3A_1582 : vector<16xf32>
        %swap3A_1584 = arith.constant 11 : i32
        %swap3A_1585 = arith.index_cast %rem3A_35 : i32 to index
        %swap3A_1586 = arith.index_cast %swap3A_1584 : i32 to index
        %swap3A_1587 = arith.constant 64 : index
        %swap3A_1588 = tpu.vector_load %arg13[%swap3A_1585, %swap3A_1586, %swap3A_1587] {strides = array<i32>} : memref<2x16x128xf32, #tpu.memory_space<vmem>>, vector<16xf32>,
        tpu.vector_store %arg13[%swap3A_1585, %swap3A_1586, %swap3A_1587], %add3A_1583 {strides = array<i32>} : memref<2x16x128xf32, #tpu.memory_space<vmem>>, vector<16xf32>,
        %get3A_1589 = arith.constant 93 : i32
        %get3A_1590 = arith.index_cast %rem3A_35 : i32 to index
        %get3A_1591 = arith.index_cast %get3A_1589 : i32 to index
        %get3A_1592 = arith.constant 0 : index
        %get3A_1593 = tpu.vector_load %arg11[%get3A_1590, %get3A_1591, %get3A_1592] {strides = array<i32>} : memref<2x128x16xf32, #tpu.memory_space<vmem>>, vector<16xf32>,
        %get3A_1594 = arith.constant 93 : i32
        %get3A_1595 = arith.index_cast %rem3A_35 : i32 to index
        %get3A_1596 = arith.index_cast %get3A_1594 : i32 to index
        %get3A_1597 = arith.constant 0 : index
        %get3A_1598 = tpu.vector_load %arg12[%get3A_1595, %get3A_1596, %get3A_1597] {strides = array<i32>} : memref<2x128x16xf32, #tpu.memory_space<vmem>>, vector<16xf32>,
        %add3A_1599 = arith.addf %get3A_1593, %get3A_1598 : vector<16xf32>
        %swap3A_1600 = arith.constant 11 : i32
        %swap3A_1601 = arith.index_cast %rem3A_35 : i32 to index
        %swap3A_1602 = arith.index_cast %swap3A_1600 : i32 to index
        %swap3A_1603 = arith.constant 80 : index
        %swap3A_1604 = tpu.vector_load %arg13[%swap3A_1601, %swap3A_1602, %swap3A_1603] {strides = array<i32>} : memref<2x16x128xf32, #tpu.memory_space<vmem>>, vector<16xf32>,
        tpu.vector_store %arg13[%swap3A_1601, %swap3A_1602, %swap3A_1603], %add3A_1599 {strides = array<i32>} : memref<2x16x128xf32, #tpu.memory_space<vmem>>, vector<16xf32>,
        %get3A_1605 = arith.constant 94 : i32
        %get3A_1606 = arith.index_cast %rem3A_35 : i32 to index
        %get3A_1607 = arith.index_cast %get3A_1605 : i32 to index
        %get3A_1608 = arith.constant 0 : index
        %get3A_1609 = tpu.vector_load %arg11[%get3A_1606, %get3A_1607, %get3A_1608] {strides = array<i32>} : memref<2x128x16xf32, #tpu.memory_space<vmem>>, vector<16xf32>,
        %get3A_1610 = arith.constant 94 : i32
        %get3A_1611 = arith.index_cast %rem3A_35 : i32 to index
        %get3A_1612 = arith.index_cast %get3A_1610 : i32 to index
        %get3A_1613 = arith.constant 0 : index
        %get3A_1614 = tpu.vector_load %arg12[%get3A_1611, %get3A_1612, %get3A_1613] {strides = array<i32>} : memref<2x128x16xf32, #tpu.memory_space<vmem>>, vector<16xf32>,
        %add3A_1615 = arith.addf %get3A_1609, %get3A_1614 : vector<16xf32>
        %swap3A_1616 = arith.constant 11 : i32
        %swap3A_1617 = arith.index_cast %rem3A_35 : i32 to index
        %swap3A_1618 = arith.index_cast %swap3A_1616 : i32 to index
        %swap3A_1619 = arith.constant 96 : index
        %swap3A_1620 = tpu.vector_load %arg13[%swap3A_1617, %swap3A_1618, %swap3A_1619] {strides = array<i32>} : memref<2x16x128xf32, #tpu.memory_space<vmem>>, vector<16xf32>,
        tpu.vector_store %arg13[%swap3A_1617, %swap3A_1618, %swap3A_1619], %add3A_1615 {strides = array<i32>} : memref<2x16x128xf32, #tpu.memory_space<vmem>>, vector<16xf32>,
        %get3A_1621 = arith.constant 95 : i32
        %get3A_1622 = arith.index_cast %rem3A_35 : i32 to index
        %get3A_1623 = arith.index_cast %get3A_1621 : i32 to index
        %get3A_1624 = arith.constant 0 : index
        %get3A_1625 = tpu.vector_load %arg11[%get3A_1622, %get3A_1623, %get3A_1624] {strides = array<i32>} : memref<2x128x16xf32, #tpu.memory_space<vmem>>, vector<16xf32>,
        %get3A_1626 = arith.constant 95 : i32
        %get3A_1627 = arith.index_cast %rem3A_35 : i32 to index
        %get3A_1628 = arith.index_cast %get3A_1626 : i32 to index
        %get3A_1629 = arith.constant 0 : index
        %get3A_1630 = tpu.vector_load %arg12[%get3A_1627, %get3A_1628, %get3A_1629] {strides = array<i32>} : memref<2x128x16xf32, #tpu.memory_space<vmem>>, vector<16xf32>,
        %add3A_1631 = arith.addf %get3A_1625, %get3A_1630 : vector<16xf32>
        %swap3A_1632 = arith.constant 11 : i32
        %swap3A_1633 = arith.index_cast %rem3A_35 : i32 to index
        %swap3A_1634 = arith.index_cast %swap3A_1632 : i32 to index
        %swap3A_1635 = arith.constant 112 : index
        %swap3A_1636 = tpu.vector_load %arg13[%swap3A_1633, %swap3A_1634, %swap3A_1635] {strides = array<i32>} : memref<2x16x128xf32, #tpu.memory_space<vmem>>, vector<16xf32>,
        tpu.vector_store %arg13[%swap3A_1633, %swap3A_1634, %swap3A_1635], %add3A_1631 {strides = array<i32>} : memref<2x16x128xf32, #tpu.memory_space<vmem>>, vector<16xf32>,
        %get3A_1637 = arith.constant 96 : i32
        %get3A_1638 = arith.index_cast %rem3A_35 : i32 to index
        %get3A_1639 = arith.index_cast %get3A_1637 : i32 to index
        %get3A_1640 = arith.constant 0 : index
        %get3A_1641 = tpu.vector_load %arg11[%get3A_1638, %get3A_1639, %get3A_1640] {strides = array<i32>} : memref<2x128x16xf32, #tpu.memory_space<vmem>>, vector<16xf32>,
        %get3A_1642 = arith.constant 96 : i32
        %get3A_1643 = arith.index_cast %rem3A_35 : i32 to index
        %get3A_1644 = arith.index_cast %get3A_1642 : i32 to index
        %get3A_1645 = arith.constant 0 : index
        %get3A_1646 = tpu.vector_load %arg12[%get3A_1643, %get3A_1644, %get3A_1645] {strides = array<i32>} : memref<2x128x16xf32, #tpu.memory_space<vmem>>, vector<16xf32>,
        %add3A_1647 = arith.addf %get3A_1641, %get3A_1646 : vector<16xf32>
        %swap3A_1648 = arith.constant 12 : i32
        %swap3A_1649 = arith.index_cast %rem3A_35 : i32 to index
        %swap3A_1650 = arith.index_cast %swap3A_1648 : i32 to index
        %swap3A_1651 = arith.constant 0 : index
        %swap3A_1652 = tpu.vector_load %arg13[%swap3A_1649, %swap3A_1650, %swap3A_1651] {strides = array<i32>} : memref<2x16x128xf32, #tpu.memory_space<vmem>>, vector<16xf32>,
        tpu.vector_store %arg13[%swap3A_1649, %swap3A_1650, %swap3A_1651], %add3A_1647 {strides = array<i32>} : memref<2x16x128xf32, #tpu.memory_space<vmem>>, vector<16xf32>,
        %get3A_1653 = arith.constant 97 : i32
        %get3A_1654 = arith.index_cast %rem3A_35 : i32 to index
        %get3A_1655 = arith.index_cast %get3A_1653 : i32 to index
        %get3A_1656 = arith.constant 0 : index
        %get3A_1657 = tpu.vector_load %arg11[%get3A_1654, %get3A_1655, %get3A_1656] {strides = array<i32>} : memref<2x128x16xf32, #tpu.memory_space<vmem>>, vector<16xf32>,
        %get3A_1658 = arith.constant 97 : i32
        %get3A_1659 = arith.index_cast %rem3A_35 : i32 to index
        %get3A_1660 = arith.index_cast %get3A_1658 : i32 to index
        %get3A_1661 = arith.constant 0 : index
        %get3A_1662 = tpu.vector_load %arg12[%get3A_1659, %get3A_1660, %get3A_1661] {strides = array<i32>} : memref<2x128x16xf32, #tpu.memory_space<vmem>>, vector<16xf32>,
        %add3A_1663 = arith.addf %get3A_1657, %get3A_1662 : vector<16xf32>
        %swap3A_1664 = arith.constant 12 : i32
        %swap3A_1665 = arith.index_cast %rem3A_35 : i32 to index
        %swap3A_1666 = arith.index_cast %swap3A_1664 : i32 to index
        %swap3A_1667 = arith.constant 16 : index
        %swap3A_1668 = tpu.vector_load %arg13[%swap3A_1665, %swap3A_1666, %swap3A_1667] {strides = array<i32>} : memref<2x16x128xf32, #tpu.memory_space<vmem>>, vector<16xf32>,
        tpu.vector_store %arg13[%swap3A_1665, %swap3A_1666, %swap3A_1667], %add3A_1663 {strides = array<i32>} : memref<2x16x128xf32, #tpu.memory_space<vmem>>, vector<16xf32>,
        %get3A_1669 = arith.constant 98 : i32
        %get3A_1670 = arith.index_cast %rem3A_35 : i32 to index
        %get3A_1671 = arith.index_cast %get3A_1669 : i32 to index
        %get3A_1672 = arith.constant 0 : index
        %get3A_1673 = tpu.vector_load %arg11[%get3A_1670, %get3A_1671, %get3A_1672] {strides = array<i32>} : memref<2x128x16xf32, #tpu.memory_space<vmem>>, vector<16xf32>,
        %get3A_1674 = arith.constant 98 : i32
        %get3A_1675 = arith.index_cast %rem3A_35 : i32 to index
        %get3A_1676 = arith.index_cast %get3A_1674 : i32 to index
        %get3A_1677 = arith.constant 0 : index
        %get3A_1678 = tpu.vector_load %arg12[%get3A_1675, %get3A_1676, %get3A_1677] {strides = array<i32>} : memref<2x128x16xf32, #tpu.memory_space<vmem>>, vector<16xf32>,
        %add3A_1679 = arith.addf %get3A_1673, %get3A_1678 : vector<16xf32>
        %swap3A_1680 = arith.constant 12 : i32
        %swap3A_1681 = arith.index_cast %rem3A_35 : i32 to index
        %swap3A_1682 = arith.index_cast %swap3A_1680 : i32 to index
        %swap3A_1683 = arith.constant 32 : index
        %swap3A_1684 = tpu.vector_load %arg13[%swap3A_1681, %swap3A_1682, %swap3A_1683] {strides = array<i32>} : memref<2x16x128xf32, #tpu.memory_space<vmem>>, vector<16xf32>,
        tpu.vector_store %arg13[%swap3A_1681, %swap3A_1682, %swap3A_1683], %add3A_1679 {strides = array<i32>} : memref<2x16x128xf32, #tpu.memory_space<vmem>>, vector<16xf32>,
        %get3A_1685 = arith.constant 99 : i32
        %get3A_1686 = arith.index_cast %rem3A_35 : i32 to index
        %get3A_1687 = arith.index_cast %get3A_1685 : i32 to index
        %get3A_1688 = arith.constant 0 : index
        %get3A_1689 = tpu.vector_load %arg11[%get3A_1686, %get3A_1687, %get3A_1688] {strides = array<i32>} : memref<2x128x16xf32, #tpu.memory_space<vmem>>, vector<16xf32>,
        %get3A_1690 = arith.constant 99 : i32
        %get3A_1691 = arith.index_cast %rem3A_35 : i32 to index
        %get3A_1692 = arith.index_cast %get3A_1690 : i32 to index
        %get3A_1693 = arith.constant 0 : index
        %get3A_1694 = tpu.vector_load %arg12[%get3A_1691, %get3A_1692, %get3A_1693] {strides = array<i32>} : memref<2x128x16xf32, #tpu.memory_space<vmem>>, vector<16xf32>,
        %add3A_1695 = arith.addf %get3A_1689, %get3A_1694 : vector<16xf32>
        %swap3A_1696 = arith.constant 12 : i32
        %swap3A_1697 = arith.index_cast %rem3A_35 : i32 to index
        %swap3A_1698 = arith.index_cast %swap3A_1696 : i32 to index
        %swap3A_1699 = arith.constant 48 : index
        %swap3A_1700 = tpu.vector_load %arg13[%swap3A_1697, %swap3A_1698, %swap3A_1699] {strides = array<i32>} : memref<2x16x128xf32, #tpu.memory_space<vmem>>, vector<16xf32>,
        tpu.vector_store %arg13[%swap3A_1697, %swap3A_1698, %swap3A_1699], %add3A_1695 {strides = array<i32>} : memref<2x16x128xf32, #tpu.memory_space<vmem>>, vector<16xf32>,
        %get3A_1701 = arith.constant 100 : i32
        %get3A_1702 = arith.index_cast %rem3A_35 : i32 to index
        %get3A_1703 = arith.index_cast %get3A_1701 : i32 to index
        %get3A_1704 = arith.constant 0 : index
        %get3A_1705 = tpu.vector_load %arg11[%get3A_1702, %get3A_1703, %get3A_1704] {strides = array<i32>} : memref<2x128x16xf32, #tpu.memory_space<vmem>>, vector<16xf32>,
        %get3A_1706 = arith.constant 100 : i32
        %get3A_1707 = arith.index_cast %rem3A_35 : i32 to index
        %get3A_1708 = arith.index_cast %get3A_1706 : i32 to index
        %get3A_1709 = arith.constant 0 : index
        %get3A_1710 = tpu.vector_load %arg12[%get3A_1707, %get3A_1708, %get3A_1709] {strides = array<i32>} : memref<2x128x16xf32, #tpu.memory_space<vmem>>, vector<16xf32>,
        %add3A_1711 = arith.addf %get3A_1705, %get3A_1710 : vector<16xf32>
        %swap3A_1712 = arith.constant 12 : i32
        %swap3A_1713 = arith.index_cast %rem3A_35 : i32 to index
        %swap3A_1714 = arith.index_cast %swap3A_1712 : i32 to index
        %swap3A_1715 = arith.constant 64 : index
        %swap3A_1716 = tpu.vector_load %arg13[%swap3A_1713, %swap3A_1714, %swap3A_1715] {strides = array<i32>} : memref<2x16x128xf32, #tpu.memory_space<vmem>>, vector<16xf32>,
        tpu.vector_store %arg13[%swap3A_1713, %swap3A_1714, %swap3A_1715], %add3A_1711 {strides = array<i32>} : memref<2x16x128xf32, #tpu.memory_space<vmem>>, vector<16xf32>,
        %get3A_1717 = arith.constant 101 : i32
        %get3A_1718 = arith.index_cast %rem3A_35 : i32 to index
        %get3A_1719 = arith.index_cast %get3A_1717 : i32 to index
        %get3A_1720 = arith.constant 0 : index
        %get3A_1721 = tpu.vector_load %arg11[%get3A_1718, %get3A_1719, %get3A_1720] {strides = array<i32>} : memref<2x128x16xf32, #tpu.memory_space<vmem>>, vector<16xf32>,
        %get3A_1722 = arith.constant 101 : i32
        %get3A_1723 = arith.index_cast %rem3A_35 : i32 to index
        %get3A_1724 = arith.index_cast %get3A_1722 : i32 to index
        %get3A_1725 = arith.constant 0 : index
        %get3A_1726 = tpu.vector_load %arg12[%get3A_1723, %get3A_1724, %get3A_1725] {strides = array<i32>} : memref<2x128x16xf32, #tpu.memory_space<vmem>>, vector<16xf32>,
        %add3A_1727 = arith.addf %get3A_1721, %get3A_1726 : vector<16xf32>
        %swap3A_1728 = arith.constant 12 : i32
        %swap3A_1729 = arith.index_cast %rem3A_35 : i32 to index
        %swap3A_1730 = arith.index_cast %swap3A_1728 : i32 to index
        %swap3A_1731 = arith.constant 80 : index
        %swap3A_1732 = tpu.vector_load %arg13[%swap3A_1729, %swap3A_1730, %swap3A_1731] {strides = array<i32>} : memref<2x16x128xf32, #tpu.memory_space<vmem>>, vector<16xf32>,
        tpu.vector_store %arg13[%swap3A_1729, %swap3A_1730, %swap3A_1731], %add3A_1727 {strides = array<i32>} : memref<2x16x128xf32, #tpu.memory_space<vmem>>, vector<16xf32>,
        %get3A_1733 = arith.constant 102 : i32
        %get3A_1734 = arith.index_cast %rem3A_35 : i32 to index
        %get3A_1735 = arith.index_cast %get3A_1733 : i32 to index
        %get3A_1736 = arith.constant 0 : index
        %get3A_1737 = tpu.vector_load %arg11[%get3A_1734, %get3A_1735, %get3A_1736] {strides = array<i32>} : memref<2x128x16xf32, #tpu.memory_space<vmem>>, vector<16xf32>,
        %get3A_1738 = arith.constant 102 : i32
        %get3A_1739 = arith.index_cast %rem3A_35 : i32 to index
        %get3A_1740 = arith.index_cast %get3A_1738 : i32 to index
        %get3A_1741 = arith.constant 0 : index
        %get3A_1742 = tpu.vector_load %arg12[%get3A_1739, %get3A_1740, %get3A_1741] {strides = array<i32>} : memref<2x128x16xf32, #tpu.memory_space<vmem>>, vector<16xf32>,
        %add3A_1743 = arith.addf %get3A_1737, %get3A_1742 : vector<16xf32>
        %swap3A_1744 = arith.constant 12 : i32
        %swap3A_1745 = arith.index_cast %rem3A_35 : i32 to index
        %swap3A_1746 = arith.index_cast %swap3A_1744 : i32 to index
        %swap3A_1747 = arith.constant 96 : index
        %swap3A_1748 = tpu.vector_load %arg13[%swap3A_1745, %swap3A_1746, %swap3A_1747] {strides = array<i32>} : memref<2x16x128xf32, #tpu.memory_space<vmem>>, vector<16xf32>,
        tpu.vector_store %arg13[%swap3A_1745, %swap3A_1746, %swap3A_1747], %add3A_1743 {strides = array<i32>} : memref<2x16x128xf32, #tpu.memory_space<vmem>>, vector<16xf32>,
        %get3A_1749 = arith.constant 103 : i32
        %get3A_1750 = arith.index_cast %rem3A_35 : i32 to index
        %get3A_1751 = arith.index_cast %get3A_1749 : i32 to index
        %get3A_1752 = arith.constant 0 : index
        %get3A_1753 = tpu.vector_load %arg11[%get3A_1750, %get3A_1751, %get3A_1752] {strides = array<i32>} : memref<2x128x16xf32, #tpu.memory_space<vmem>>, vector<16xf32>,
        %get3A_1754 = arith.constant 103 : i32
        %get3A_1755 = arith.index_cast %rem3A_35 : i32 to index
        %get3A_1756 = arith.index_cast %get3A_1754 : i32 to index
        %get3A_1757 = arith.constant 0 : index
        %get3A_1758 = tpu.vector_load %arg12[%get3A_1755, %get3A_1756, %get3A_1757] {strides = array<i32>} : memref<2x128x16xf32, #tpu.memory_space<vmem>>, vector<16xf32>,
        %add3A_1759 = arith.addf %get3A_1753, %get3A_1758 : vector<16xf32>
        %swap3A_1760 = arith.constant 12 : i32
        %swap3A_1761 = arith.index_cast %rem3A_35 : i32 to index
        %swap3A_1762 = arith.index_cast %swap3A_1760 : i32 to index
        %swap3A_1763 = arith.constant 112 : index
        %swap3A_1764 = tpu.vector_load %arg13[%swap3A_1761, %swap3A_1762, %swap3A_1763] {strides = array<i32>} : memref<2x16x128xf32, #tpu.memory_space<vmem>>, vector<16xf32>,
        tpu.vector_store %arg13[%swap3A_1761, %swap3A_1762, %swap3A_1763], %add3A_1759 {strides = array<i32>} : memref<2x16x128xf32, #tpu.memory_space<vmem>>, vector<16xf32>,
        %get3A_1765 = arith.constant 104 : i32
        %get3A_1766 = arith.index_cast %rem3A_35 : i32 to index
        %get3A_1767 = arith.index_cast %get3A_1765 : i32 to index
        %get3A_1768 = arith.constant 0 : index
        %get3A_1769 = tpu.vector_load %arg11[%get3A_1766, %get3A_1767, %get3A_1768] {strides = array<i32>} : memref<2x128x16xf32, #tpu.memory_space<vmem>>, vector<16xf32>,
        %get3A_1770 = arith.constant 104 : i32
        %get3A_1771 = arith.index_cast %rem3A_35 : i32 to index
        %get3A_1772 = arith.index_cast %get3A_1770 : i32 to index
        %get3A_1773 = arith.constant 0 : index
        %get3A_1774 = tpu.vector_load %arg12[%get3A_1771, %get3A_1772, %get3A_1773] {strides = array<i32>} : memref<2x128x16xf32, #tpu.memory_space<vmem>>, vector<16xf32>,
        %add3A_1775 = arith.addf %get3A_1769, %get3A_1774 : vector<16xf32>
        %swap3A_1776 = arith.constant 13 : i32
        %swap3A_1777 = arith.index_cast %rem3A_35 : i32 to index
        %swap3A_1778 = arith.index_cast %swap3A_1776 : i32 to index
        %swap3A_1779 = arith.constant 0 : index
        %swap3A_1780 = tpu.vector_load %arg13[%swap3A_1777, %swap3A_1778, %swap3A_1779] {strides = array<i32>} : memref<2x16x128xf32, #tpu.memory_space<vmem>>, vector<16xf32>,
        tpu.vector_store %arg13[%swap3A_1777, %swap3A_1778, %swap3A_1779], %add3A_1775 {strides = array<i32>} : memref<2x16x128xf32, #tpu.memory_space<vmem>>, vector<16xf32>,
        %get3A_1781 = arith.constant 105 : i32
        %get3A_1782 = arith.index_cast %rem3A_35 : i32 to index
        %get3A_1783 = arith.index_cast %get3A_1781 : i32 to index
        %get3A_1784 = arith.constant 0 : index
        %get3A_1785 = tpu.vector_load %arg11[%get3A_1782, %get3A_1783, %get3A_1784] {strides = array<i32>} : memref<2x128x16xf32, #tpu.memory_space<vmem>>, vector<16xf32>,
        %get3A_1786 = arith.constant 105 : i32
        %get3A_1787 = arith.index_cast %rem3A_35 : i32 to index
        %get3A_1788 = arith.index_cast %get3A_1786 : i32 to index
        %get3A_1789 = arith.constant 0 : index
        %get3A_1790 = tpu.vector_load %arg12[%get3A_1787, %get3A_1788, %get3A_1789] {strides = array<i32>} : memref<2x128x16xf32, #tpu.memory_space<vmem>>, vector<16xf32>,
        %add3A_1791 = arith.addf %get3A_1785, %get3A_1790 : vector<16xf32>
        %swap3A_1792 = arith.constant 13 : i32
        %swap3A_1793 = arith.index_cast %rem3A_35 : i32 to index
        %swap3A_1794 = arith.index_cast %swap3A_1792 : i32 to index
        %swap3A_1795 = arith.constant 16 : index
        %swap3A_1796 = tpu.vector_load %arg13[%swap3A_1793, %swap3A_1794, %swap3A_1795] {strides = array<i32>} : memref<2x16x128xf32, #tpu.memory_space<vmem>>, vector<16xf32>,
        tpu.vector_store %arg13[%swap3A_1793, %swap3A_1794, %swap3A_1795], %add3A_1791 {strides = array<i32>} : memref<2x16x128xf32, #tpu.memory_space<vmem>>, vector<16xf32>,
        %get3A_1797 = arith.constant 106 : i32
        %get3A_1798 = arith.index_cast %rem3A_35 : i32 to index
        %get3A_1799 = arith.index_cast %get3A_1797 : i32 to index
        %get3A_1800 = arith.constant 0 : index
        %get3A_1801 = tpu.vector_load %arg11[%get3A_1798, %get3A_1799, %get3A_1800] {strides = array<i32>} : memref<2x128x16xf32, #tpu.memory_space<vmem>>, vector<16xf32>,
        %get3A_1802 = arith.constant 106 : i32
        %get3A_1803 = arith.index_cast %rem3A_35 : i32 to index
        %get3A_1804 = arith.index_cast %get3A_1802 : i32 to index
        %get3A_1805 = arith.constant 0 : index
        %get3A_1806 = tpu.vector_load %arg12[%get3A_1803, %get3A_1804, %get3A_1805] {strides = array<i32>} : memref<2x128x16xf32, #tpu.memory_space<vmem>>, vector<16xf32>,
        %add3A_1807 = arith.addf %get3A_1801, %get3A_1806 : vector<16xf32>
        %swap3A_1808 = arith.constant 13 : i32
        %swap3A_1809 = arith.index_cast %rem3A_35 : i32 to index
        %swap3A_1810 = arith.index_cast %swap3A_1808 : i32 to index
        %swap3A_1811 = arith.constant 32 : index
        %swap3A_1812 = tpu.vector_load %arg13[%swap3A_1809, %swap3A_1810, %swap3A_1811] {strides = array<i32>} : memref<2x16x128xf32, #tpu.memory_space<vmem>>, vector<16xf32>,
        tpu.vector_store %arg13[%swap3A_1809, %swap3A_1810, %swap3A_1811], %add3A_1807 {strides = array<i32>} : memref<2x16x128xf32, #tpu.memory_space<vmem>>, vector<16xf32>,
        %get3A_1813 = arith.constant 107 : i32
        %get3A_1814 = arith.index_cast %rem3A_35 : i32 to index
        %get3A_1815 = arith.index_cast %get3A_1813 : i32 to index
        %get3A_1816 = arith.constant 0 : index
        %get3A_1817 = tpu.vector_load %arg11[%get3A_1814, %get3A_1815, %get3A_1816] {strides = array<i32>} : memref<2x128x16xf32, #tpu.memory_space<vmem>>, vector<16xf32>,
        %get3A_1818 = arith.constant 107 : i32
        %get3A_1819 = arith.index_cast %rem3A_35 : i32 to index
        %get3A_1820 = arith.index_cast %get3A_1818 : i32 to index
        %get3A_1821 = arith.constant 0 : index
        %get3A_1822 = tpu.vector_load %arg12[%get3A_1819, %get3A_1820, %get3A_1821] {strides = array<i32>} : memref<2x128x16xf32, #tpu.memory_space<vmem>>, vector<16xf32>,
        %add3A_1823 = arith.addf %get3A_1817, %get3A_1822 : vector<16xf32>
        %swap3A_1824 = arith.constant 13 : i32
        %swap3A_1825 = arith.index_cast %rem3A_35 : i32 to index
        %swap3A_1826 = arith.index_cast %swap3A_1824 : i32 to index
        %swap3A_1827 = arith.constant 48 : index
        %swap3A_1828 = tpu.vector_load %arg13[%swap3A_1825, %swap3A_1826, %swap3A_1827] {strides = array<i32>} : memref<2x16x128xf32, #tpu.memory_space<vmem>>, vector<16xf32>,
        tpu.vector_store %arg13[%swap3A_1825, %swap3A_1826, %swap3A_1827], %add3A_1823 {strides = array<i32>} : memref<2x16x128xf32, #tpu.memory_space<vmem>>, vector<16xf32>,
        %get3A_1829 = arith.constant 108 : i32
        %get3A_1830 = arith.index_cast %rem3A_35 : i32 to index
        %get3A_1831 = arith.index_cast %get3A_1829 : i32 to index
        %get3A_1832 = arith.constant 0 : index
        %get3A_1833 = tpu.vector_load %arg11[%get3A_1830, %get3A_1831, %get3A_1832] {strides = array<i32>} : memref<2x128x16xf32, #tpu.memory_space<vmem>>, vector<16xf32>,
        %get3A_1834 = arith.constant 108 : i32
        %get3A_1835 = arith.index_cast %rem3A_35 : i32 to index
        %get3A_1836 = arith.index_cast %get3A_1834 : i32 to index
        %get3A_1837 = arith.constant 0 : index
        %get3A_1838 = tpu.vector_load %arg12[%get3A_1835, %get3A_1836, %get3A_1837] {strides = array<i32>} : memref<2x128x16xf32, #tpu.memory_space<vmem>>, vector<16xf32>,
        %add3A_1839 = arith.addf %get3A_1833, %get3A_1838 : vector<16xf32>
        %swap3A_1840 = arith.constant 13 : i32
        %swap3A_1841 = arith.index_cast %rem3A_35 : i32 to index
        %swap3A_1842 = arith.index_cast %swap3A_1840 : i32 to index
        %swap3A_1843 = arith.constant 64 : index
        %swap3A_1844 = tpu.vector_load %arg13[%swap3A_1841, %swap3A_1842, %swap3A_1843] {strides = array<i32>} : memref<2x16x128xf32, #tpu.memory_space<vmem>>, vector<16xf32>,
        tpu.vector_store %arg13[%swap3A_1841, %swap3A_1842, %swap3A_1843], %add3A_1839 {strides = array<i32>} : memref<2x16x128xf32, #tpu.memory_space<vmem>>, vector<16xf32>,
        %get3A_1845 = arith.constant 109 : i32
        %get3A_1846 = arith.index_cast %rem3A_35 : i32 to index
        %get3A_1847 = arith.index_cast %get3A_1845 : i32 to index
        %get3A_1848 = arith.constant 0 : index
        %get3A_1849 = tpu.vector_load %arg11[%get3A_1846, %get3A_1847, %get3A_1848] {strides = array<i32>} : memref<2x128x16xf32, #tpu.memory_space<vmem>>, vector<16xf32>,
        %get3A_1850 = arith.constant 109 : i32
        %get3A_1851 = arith.index_cast %rem3A_35 : i32 to index
        %get3A_1852 = arith.index_cast %get3A_1850 : i32 to index
        %get3A_1853 = arith.constant 0 : index
        %get3A_1854 = tpu.vector_load %arg12[%get3A_1851, %get3A_1852, %get3A_1853] {strides = array<i32>} : memref<2x128x16xf32, #tpu.memory_space<vmem>>, vector<16xf32>,
        %add3A_1855 = arith.addf %get3A_1849, %get3A_1854 : vector<16xf32>
        %swap3A_1856 = arith.constant 13 : i32
        %swap3A_1857 = arith.index_cast %rem3A_35 : i32 to index
        %swap3A_1858 = arith.index_cast %swap3A_1856 : i32 to index
        %swap3A_1859 = arith.constant 80 : index
        %swap3A_1860 = tpu.vector_load %arg13[%swap3A_1857, %swap3A_1858, %swap3A_1859] {strides = array<i32>} : memref<2x16x128xf32, #tpu.memory_space<vmem>>, vector<16xf32>,
        tpu.vector_store %arg13[%swap3A_1857, %swap3A_1858, %swap3A_1859], %add3A_1855 {strides = array<i32>} : memref<2x16x128xf32, #tpu.memory_space<vmem>>, vector<16xf32>,
        %get3A_1861 = arith.constant 110 : i32
        %get3A_1862 = arith.index_cast %rem3A_35 : i32 to index
        %get3A_1863 = arith.index_cast %get3A_1861 : i32 to index
        %get3A_1864 = arith.constant 0 : index
        %get3A_1865 = tpu.vector_load %arg11[%get3A_1862, %get3A_1863, %get3A_1864] {strides = array<i32>} : memref<2x128x16xf32, #tpu.memory_space<vmem>>, vector<16xf32>,
        %get3A_1866 = arith.constant 110 : i32
        %get3A_1867 = arith.index_cast %rem3A_35 : i32 to index
        %get3A_1868 = arith.index_cast %get3A_1866 : i32 to index
        %get3A_1869 = arith.constant 0 : index
        %get3A_1870 = tpu.vector_load %arg12[%get3A_1867, %get3A_1868, %get3A_1869] {strides = array<i32>} : memref<2x128x16xf32, #tpu.memory_space<vmem>>, vector<16xf32>,
        %add3A_1871 = arith.addf %get3A_1865, %get3A_1870 : vector<16xf32>
        %swap3A_1872 = arith.constant 13 : i32
        %swap3A_1873 = arith.index_cast %rem3A_35 : i32 to index
        %swap3A_1874 = arith.index_cast %swap3A_1872 : i32 to index
        %swap3A_1875 = arith.constant 96 : index
        %swap3A_1876 = tpu.vector_load %arg13[%swap3A_1873, %swap3A_1874, %swap3A_1875] {strides = array<i32>} : memref<2x16x128xf32, #tpu.memory_space<vmem>>, vector<16xf32>,
        tpu.vector_store %arg13[%swap3A_1873, %swap3A_1874, %swap3A_1875], %add3A_1871 {strides = array<i32>} : memref<2x16x128xf32, #tpu.memory_space<vmem>>, vector<16xf32>,
        %get3A_1877 = arith.constant 111 : i32
        %get3A_1878 = arith.index_cast %rem3A_35 : i32 to index
        %get3A_1879 = arith.index_cast %get3A_1877 : i32 to index
        %get3A_1880 = arith.constant 0 : index
        %get3A_1881 = tpu.vector_load %arg11[%get3A_1878, %get3A_1879, %get3A_1880] {strides = array<i32>} : memref<2x128x16xf32, #tpu.memory_space<vmem>>, vector<16xf32>,
        %get3A_1882 = arith.constant 111 : i32
        %get3A_1883 = arith.index_cast %rem3A_35 : i32 to index
        %get3A_1884 = arith.index_cast %get3A_1882 : i32 to index
        %get3A_1885 = arith.constant 0 : index
        %get3A_1886 = tpu.vector_load %arg12[%get3A_1883, %get3A_1884, %get3A_1885] {strides = array<i32>} : memref<2x128x16xf32, #tpu.memory_space<vmem>>, vector<16xf32>,
        %add3A_1887 = arith.addf %get3A_1881, %get3A_1886 : vector<16xf32>
        %swap3A_1888 = arith.constant 13 : i32
        %swap3A_1889 = arith.index_cast %rem3A_35 : i32 to index
        %swap3A_1890 = arith.index_cast %swap3A_1888 : i32 to index
        %swap3A_1891 = arith.constant 112 : index
        %swap3A_1892 = tpu.vector_load %arg13[%swap3A_1889, %swap3A_1890, %swap3A_1891] {strides = array<i32>} : memref<2x16x128xf32, #tpu.memory_space<vmem>>, vector<16xf32>,
        tpu.vector_store %arg13[%swap3A_1889, %swap3A_1890, %swap3A_1891], %add3A_1887 {strides = array<i32>} : memref<2x16x128xf32, #tpu.memory_space<vmem>>, vector<16xf32>,
        %get3A_1893 = arith.constant 112 : i32
        %get3A_1894 = arith.index_cast %rem3A_35 : i32 to index
        %get3A_1895 = arith.index_cast %get3A_1893 : i32 to index
        %get3A_1896 = arith.constant 0 : index
        %get3A_1897 = tpu.vector_load %arg11[%get3A_1894, %get3A_1895, %get3A_1896] {strides = array<i32>} : memref<2x128x16xf32, #tpu.memory_space<vmem>>, vector<16xf32>,
        %get3A_1898 = arith.constant 112 : i32
        %get3A_1899 = arith.index_cast %rem3A_35 : i32 to index
        %get3A_1900 = arith.index_cast %get3A_1898 : i32 to index
        %get3A_1901 = arith.constant 0 : index
        %get3A_1902 = tpu.vector_load %arg12[%get3A_1899, %get3A_1900, %get3A_1901] {strides = array<i32>} : memref<2x128x16xf32, #tpu.memory_space<vmem>>, vector<16xf32>,
        %add3A_1903 = arith.addf %get3A_1897, %get3A_1902 : vector<16xf32>
        %swap3A_1904 = arith.constant 14 : i32
        %swap3A_1905 = arith.index_cast %rem3A_35 : i32 to index
        %swap3A_1906 = arith.index_cast %swap3A_1904 : i32 to index
        %swap3A_1907 = arith.constant 0 : index
        %swap3A_1908 = tpu.vector_load %arg13[%swap3A_1905, %swap3A_1906, %swap3A_1907] {strides = array<i32>} : memref<2x16x128xf32, #tpu.memory_space<vmem>>, vector<16xf32>,
        tpu.vector_store %arg13[%swap3A_1905, %swap3A_1906, %swap3A_1907], %add3A_1903 {strides = array<i32>} : memref<2x16x128xf32, #tpu.memory_space<vmem>>, vector<16xf32>,
        %get3A_1909 = arith.constant 113 : i32
        %get3A_1910 = arith.index_cast %rem3A_35 : i32 to index
        %get3A_1911 = arith.index_cast %get3A_1909 : i32 to index
        %get3A_1912 = arith.constant 0 : index
        %get3A_1913 = tpu.vector_load %arg11[%get3A_1910, %get3A_1911, %get3A_1912] {strides = array<i32>} : memref<2x128x16xf32, #tpu.memory_space<vmem>>, vector<16xf32>,
        %get3A_1914 = arith.constant 113 : i32
        %get3A_1915 = arith.index_cast %rem3A_35 : i32 to index
        %get3A_1916 = arith.index_cast %get3A_1914 : i32 to index
        %get3A_1917 = arith.constant 0 : index
        %get3A_1918 = tpu.vector_load %arg12[%get3A_1915, %get3A_1916, %get3A_1917] {strides = array<i32>} : memref<2x128x16xf32, #tpu.memory_space<vmem>>, vector<16xf32>,
        %add3A_1919 = arith.addf %get3A_1913, %get3A_1918 : vector<16xf32>
        %swap3A_1920 = arith.constant 14 : i32
        %swap3A_1921 = arith.index_cast %rem3A_35 : i32 to index
        %swap3A_1922 = arith.index_cast %swap3A_1920 : i32 to index
        %swap3A_1923 = arith.constant 16 : index
        %swap3A_1924 = tpu.vector_load %arg13[%swap3A_1921, %swap3A_1922, %swap3A_1923] {strides = array<i32>} : memref<2x16x128xf32, #tpu.memory_space<vmem>>, vector<16xf32>,
        tpu.vector_store %arg13[%swap3A_1921, %swap3A_1922, %swap3A_1923], %add3A_1919 {strides = array<i32>} : memref<2x16x128xf32, #tpu.memory_space<vmem>>, vector<16xf32>,
        %get3A_1925 = arith.constant 114 : i32
        %get3A_1926 = arith.index_cast %rem3A_35 : i32 to index
        %get3A_1927 = arith.index_cast %get3A_1925 : i32 to index
        %get3A_1928 = arith.constant 0 : index
        %get3A_1929 = tpu.vector_load %arg11[%get3A_1926, %get3A_1927, %get3A_1928] {strides = array<i32>} : memref<2x128x16xf32, #tpu.memory_space<vmem>>, vector<16xf32>,
        %get3A_1930 = arith.constant 114 : i32
        %get3A_1931 = arith.index_cast %rem3A_35 : i32 to index
        %get3A_1932 = arith.index_cast %get3A_1930 : i32 to index
        %get3A_1933 = arith.constant 0 : index
        %get3A_1934 = tpu.vector_load %arg12[%get3A_1931, %get3A_1932, %get3A_1933] {strides = array<i32>} : memref<2x128x16xf32, #tpu.memory_space<vmem>>, vector<16xf32>,
        %add3A_1935 = arith.addf %get3A_1929, %get3A_1934 : vector<16xf32>
        %swap3A_1936 = arith.constant 14 : i32
        %swap3A_1937 = arith.index_cast %rem3A_35 : i32 to index
        %swap3A_1938 = arith.index_cast %swap3A_1936 : i32 to index
        %swap3A_1939 = arith.constant 32 : index
        %swap3A_1940 = tpu.vector_load %arg13[%swap3A_1937, %swap3A_1938, %swap3A_1939] {strides = array<i32>} : memref<2x16x128xf32, #tpu.memory_space<vmem>>, vector<16xf32>,
        tpu.vector_store %arg13[%swap3A_1937, %swap3A_1938, %swap3A_1939], %add3A_1935 {strides = array<i32>} : memref<2x16x128xf32, #tpu.memory_space<vmem>>, vector<16xf32>,
        %get3A_1941 = arith.constant 115 : i32
        %get3A_1942 = arith.index_cast %rem3A_35 : i32 to index
        %get3A_1943 = arith.index_cast %get3A_1941 : i32 to index
        %get3A_1944 = arith.constant 0 : index
        %get3A_1945 = tpu.vector_load %arg11[%get3A_1942, %get3A_1943, %get3A_1944] {strides = array<i32>} : memref<2x128x16xf32, #tpu.memory_space<vmem>>, vector<16xf32>,
        %get3A_1946 = arith.constant 115 : i32
        %get3A_1947 = arith.index_cast %rem3A_35 : i32 to index
        %get3A_1948 = arith.index_cast %get3A_1946 : i32 to index
        %get3A_1949 = arith.constant 0 : index
        %get3A_1950 = tpu.vector_load %arg12[%get3A_1947, %get3A_1948, %get3A_1949] {strides = array<i32>} : memref<2x128x16xf32, #tpu.memory_space<vmem>>, vector<16xf32>,
        %add3A_1951 = arith.addf %get3A_1945, %get3A_1950 : vector<16xf32>
        %swap3A_1952 = arith.constant 14 : i32
        %swap3A_1953 = arith.index_cast %rem3A_35 : i32 to index
        %swap3A_1954 = arith.index_cast %swap3A_1952 : i32 to index
        %swap3A_1955 = arith.constant 48 : index
        %swap3A_1956 = tpu.vector_load %arg13[%swap3A_1953, %swap3A_1954, %swap3A_1955] {strides = array<i32>} : memref<2x16x128xf32, #tpu.memory_space<vmem>>, vector<16xf32>,
        tpu.vector_store %arg13[%swap3A_1953, %swap3A_1954, %swap3A_1955], %add3A_1951 {strides = array<i32>} : memref<2x16x128xf32, #tpu.memory_space<vmem>>, vector<16xf32>,
        %get3A_1957 = arith.constant 116 : i32
        %get3A_1958 = arith.index_cast %rem3A_35 : i32 to index
        %get3A_1959 = arith.index_cast %get3A_1957 : i32 to index
        %get3A_1960 = arith.constant 0 : index
        %get3A_1961 = tpu.vector_load %arg11[%get3A_1958, %get3A_1959, %get3A_1960] {strides = array<i32>} : memref<2x128x16xf32, #tpu.memory_space<vmem>>, vector<16xf32>,
        %get3A_1962 = arith.constant 116 : i32
        %get3A_1963 = arith.index_cast %rem3A_35 : i32 to index
        %get3A_1964 = arith.index_cast %get3A_1962 : i32 to index
        %get3A_1965 = arith.constant 0 : index
        %get3A_1966 = tpu.vector_load %arg12[%get3A_1963, %get3A_1964, %get3A_1965] {strides = array<i32>} : memref<2x128x16xf32, #tpu.memory_space<vmem>>, vector<16xf32>,
        %add3A_1967 = arith.addf %get3A_1961, %get3A_1966 : vector<16xf32>
        %swap3A_1968 = arith.constant 14 : i32
        %swap3A_1969 = arith.index_cast %rem3A_35 : i32 to index
        %swap3A_1970 = arith.index_cast %swap3A_1968 : i32 to index
        %swap3A_1971 = arith.constant 64 : index
        %swap3A_1972 = tpu.vector_load %arg13[%swap3A_1969, %swap3A_1970, %swap3A_1971] {strides = array<i32>} : memref<2x16x128xf32, #tpu.memory_space<vmem>>, vector<16xf32>,
        tpu.vector_store %arg13[%swap3A_1969, %swap3A_1970, %swap3A_1971], %add3A_1967 {strides = array<i32>} : memref<2x16x128xf32, #tpu.memory_space<vmem>>, vector<16xf32>,
        %get3A_1973 = arith.constant 117 : i32
        %get3A_1974 = arith.index_cast %rem3A_35 : i32 to index
        %get3A_1975 = arith.index_cast %get3A_1973 : i32 to index
        %get3A_1976 = arith.constant 0 : index
        %get3A_1977 = tpu.vector_load %arg11[%get3A_1974, %get3A_1975, %get3A_1976] {strides = array<i32>} : memref<2x128x16xf32, #tpu.memory_space<vmem>>, vector<16xf32>,
        %get3A_1978 = arith.constant 117 : i32
        %get3A_1979 = arith.index_cast %rem3A_35 : i32 to index
        %get3A_1980 = arith.index_cast %get3A_1978 : i32 to index
        %get3A_1981 = arith.constant 0 : index
        %get3A_1982 = tpu.vector_load %arg12[%get3A_1979, %get3A_1980, %get3A_1981] {strides = array<i32>} : memref<2x128x16xf32, #tpu.memory_space<vmem>>, vector<16xf32>,
        %add3A_1983 = arith.addf %get3A_1977, %get3A_1982 : vector<16xf32>
        %swap3A_1984 = arith.constant 14 : i32
        %swap3A_1985 = arith.index_cast %rem3A_35 : i32 to index
        %swap3A_1986 = arith.index_cast %swap3A_1984 : i32 to index
        %swap3A_1987 = arith.constant 80 : index
        %swap3A_1988 = tpu.vector_load %arg13[%swap3A_1985, %swap3A_1986, %swap3A_1987] {strides = array<i32>} : memref<2x16x128xf32, #tpu.memory_space<vmem>>, vector<16xf32>,
        tpu.vector_store %arg13[%swap3A_1985, %swap3A_1986, %swap3A_1987], %add3A_1983 {strides = array<i32>} : memref<2x16x128xf32, #tpu.memory_space<vmem>>, vector<16xf32>,
        %get3A_1989 = arith.constant 118 : i32
        %get3A_1990 = arith.index_cast %rem3A_35 : i32 to index
        %get3A_1991 = arith.index_cast %get3A_1989 : i32 to index
        %get3A_1992 = arith.constant 0 : index
        %get3A_1993 = tpu.vector_load %arg11[%get3A_1990, %get3A_1991, %get3A_1992] {strides = array<i32>} : memref<2x128x16xf32, #tpu.memory_space<vmem>>, vector<16xf32>,
        %get3A_1994 = arith.constant 118 : i32
        %get3A_1995 = arith.index_cast %rem3A_35 : i32 to index
        %get3A_1996 = arith.index_cast %get3A_1994 : i32 to index
        %get3A_1997 = arith.constant 0 : index
        %get3A_1998 = tpu.vector_load %arg12[%get3A_1995, %get3A_1996, %get3A_1997] {strides = array<i32>} : memref<2x128x16xf32, #tpu.memory_space<vmem>>, vector<16xf32>,
        %add3A_1999 = arith.addf %get3A_1993, %get3A_1998 : vector<16xf32>
        %swap3A_2000 = arith.constant 14 : i32
        %swap3A_2001 = arith.index_cast %rem3A_35 : i32 to index
        %swap3A_2002 = arith.index_cast %swap3A_2000 : i32 to index
        %swap3A_2003 = arith.constant 96 : index
        %swap3A_2004 = tpu.vector_load %arg13[%swap3A_2001, %swap3A_2002, %swap3A_2003] {strides = array<i32>} : memref<2x16x128xf32, #tpu.memory_space<vmem>>, vector<16xf32>,
        tpu.vector_store %arg13[%swap3A_2001, %swap3A_2002, %swap3A_2003], %add3A_1999 {strides = array<i32>} : memref<2x16x128xf32, #tpu.memory_space<vmem>>, vector<16xf32>,
        %get3A_2005 = arith.constant 119 : i32
        %get3A_2006 = arith.index_cast %rem3A_35 : i32 to index
        %get3A_2007 = arith.index_cast %get3A_2005 : i32 to index
        %get3A_2008 = arith.constant 0 : index
        %get3A_2009 = tpu.vector_load %arg11[%get3A_2006, %get3A_2007, %get3A_2008] {strides = array<i32>} : memref<2x128x16xf32, #tpu.memory_space<vmem>>, vector<16xf32>,
        %get3A_2010 = arith.constant 119 : i32
        %get3A_2011 = arith.index_cast %rem3A_35 : i32 to index
        %get3A_2012 = arith.index_cast %get3A_2010 : i32 to index
        %get3A_2013 = arith.constant 0 : index
        %get3A_2014 = tpu.vector_load %arg12[%get3A_2011, %get3A_2012, %get3A_2013] {strides = array<i32>} : memref<2x128x16xf32, #tpu.memory_space<vmem>>, vector<16xf32>,
        %add3A_2015 = arith.addf %get3A_2009, %get3A_2014 : vector<16xf32>
        %swap3A_2016 = arith.constant 14 : i32
        %swap3A_2017 = arith.index_cast %rem3A_35 : i32 to index
        %swap3A_2018 = arith.index_cast %swap3A_2016 : i32 to index
        %swap3A_2019 = arith.constant 112 : index
        %swap3A_2020 = tpu.vector_load %arg13[%swap3A_2017, %swap3A_2018, %swap3A_2019] {strides = array<i32>} : memref<2x16x128xf32, #tpu.memory_space<vmem>>, vector<16xf32>,
        tpu.vector_store %arg13[%swap3A_2017, %swap3A_2018, %swap3A_2019], %add3A_2015 {strides = array<i32>} : memref<2x16x128xf32, #tpu.memory_space<vmem>>, vector<16xf32>,
        %get3A_2021 = arith.constant 120 : i32
        %get3A_2022 = arith.index_cast %rem3A_35 : i32 to index
        %get3A_2023 = arith.index_cast %get3A_2021 : i32 to index
        %get3A_2024 = arith.constant 0 : index
        %get3A_2025 = tpu.vector_load %arg11[%get3A_2022, %get3A_2023, %get3A_2024] {strides = array<i32>} : memref<2x128x16xf32, #tpu.memory_space<vmem>>, vector<16xf32>,
        %get3A_2026 = arith.constant 120 : i32
        %get3A_2027 = arith.index_cast %rem3A_35 : i32 to index
        %get3A_2028 = arith.index_cast %get3A_2026 : i32 to index
        %get3A_2029 = arith.constant 0 : index
        %get3A_2030 = tpu.vector_load %arg12[%get3A_2027, %get3A_2028, %get3A_2029] {strides = array<i32>} : memref<2x128x16xf32, #tpu.memory_space<vmem>>, vector<16xf32>,
        %add3A_2031 = arith.addf %get3A_2025, %get3A_2030 : vector<16xf32>
        %swap3A_2032 = arith.constant 15 : i32
        %swap3A_2033 = arith.index_cast %rem3A_35 : i32 to index
        %swap3A_2034 = arith.index_cast %swap3A_2032 : i32 to index
        %swap3A_2035 = arith.constant 0 : index
        %swap3A_2036 = tpu.vector_load %arg13[%swap3A_2033, %swap3A_2034, %swap3A_2035] {strides = array<i32>} : memref<2x16x128xf32, #tpu.memory_space<vmem>>, vector<16xf32>,
        tpu.vector_store %arg13[%swap3A_2033, %swap3A_2034, %swap3A_2035], %add3A_2031 {strides = array<i32>} : memref<2x16x128xf32, #tpu.memory_space<vmem>>, vector<16xf32>,
        %get3A_2037 = arith.constant 121 : i32
        %get3A_2038 = arith.index_cast %rem3A_35 : i32 to index
        %get3A_2039 = arith.index_cast %get3A_2037 : i32 to index
        %get3A_2040 = arith.constant 0 : index
        %get3A_2041 = tpu.vector_load %arg11[%get3A_2038, %get3A_2039, %get3A_2040] {strides = array<i32>} : memref<2x128x16xf32, #tpu.memory_space<vmem>>, vector<16xf32>,
        %get3A_2042 = arith.constant 121 : i32
        %get3A_2043 = arith.index_cast %rem3A_35 : i32 to index
        %get3A_2044 = arith.index_cast %get3A_2042 : i32 to index
        %get3A_2045 = arith.constant 0 : index
        %get3A_2046 = tpu.vector_load %arg12[%get3A_2043, %get3A_2044, %get3A_2045] {strides = array<i32>} : memref<2x128x16xf32, #tpu.memory_space<vmem>>, vector<16xf32>,
        %add3A_2047 = arith.addf %get3A_2041, %get3A_2046 : vector<16xf32>
        %swap3A_2048 = arith.constant 15 : i32
        %swap3A_2049 = arith.index_cast %rem3A_35 : i32 to index
        %swap3A_2050 = arith.index_cast %swap3A_2048 : i32 to index
        %swap3A_2051 = arith.constant 16 : index
        %swap3A_2052 = tpu.vector_load %arg13[%swap3A_2049, %swap3A_2050, %swap3A_2051] {strides = array<i32>} : memref<2x16x128xf32, #tpu.memory_space<vmem>>, vector<16xf32>,
        tpu.vector_store %arg13[%swap3A_2049, %swap3A_2050, %swap3A_2051], %add3A_2047 {strides = array<i32>} : memref<2x16x128xf32, #tpu.memory_space<vmem>>, vector<16xf32>,
        %get3A_2053 = arith.constant 122 : i32
        %get3A_2054 = arith.index_cast %rem3A_35 : i32 to index
        %get3A_2055 = arith.index_cast %get3A_2053 : i32 to index
        %get3A_2056 = arith.constant 0 : index
        %get3A_2057 = tpu.vector_load %arg11[%get3A_2054, %get3A_2055, %get3A_2056] {strides = array<i32>} : memref<2x128x16xf32, #tpu.memory_space<vmem>>, vector<16xf32>,
        %get3A_2058 = arith.constant 122 : i32
        %get3A_2059 = arith.index_cast %rem3A_35 : i32 to index
        %get3A_2060 = arith.index_cast %get3A_2058 : i32 to index
        %get3A_2061 = arith.constant 0 : index
        %get3A_2062 = tpu.vector_load %arg12[%get3A_2059, %get3A_2060, %get3A_2061] {strides = array<i32>} : memref<2x128x16xf32, #tpu.memory_space<vmem>>, vector<16xf32>,
        %add3A_2063 = arith.addf %get3A_2057, %get3A_2062 : vector<16xf32>
        %swap3A_2064 = arith.constant 15 : i32
        %swap3A_2065 = arith.index_cast %rem3A_35 : i32 to index
        %swap3A_2066 = arith.index_cast %swap3A_2064 : i32 to index
        %swap3A_2067 = arith.constant 32 : index
        %swap3A_2068 = tpu.vector_load %arg13[%swap3A_2065, %swap3A_2066, %swap3A_2067] {strides = array<i32>} : memref<2x16x128xf32, #tpu.memory_space<vmem>>, vector<16xf32>,
        tpu.vector_store %arg13[%swap3A_2065, %swap3A_2066, %swap3A_2067], %add3A_2063 {strides = array<i32>} : memref<2x16x128xf32, #tpu.memory_space<vmem>>, vector<16xf32>,
        %get3A_2069 = arith.constant 123 : i32
        %get3A_2070 = arith.index_cast %rem3A_35 : i32 to index
        %get3A_2071 = arith.index_cast %get3A_2069 : i32 to index
        %get3A_2072 = arith.constant 0 : index
        %get3A_2073 = tpu.vector_load %arg11[%get3A_2070, %get3A_2071, %get3A_2072] {strides = array<i32>} : memref<2x128x16xf32, #tpu.memory_space<vmem>>, vector<16xf32>,
        %get3A_2074 = arith.constant 123 : i32
        %get3A_2075 = arith.index_cast %rem3A_35 : i32 to index
        %get3A_2076 = arith.index_cast %get3A_2074 : i32 to index
        %get3A_2077 = arith.constant 0 : index
        %get3A_2078 = tpu.vector_load %arg12[%get3A_2075, %get3A_2076, %get3A_2077] {strides = array<i32>} : memref<2x128x16xf32, #tpu.memory_space<vmem>>, vector<16xf32>,
        %add3A_2079 = arith.addf %get3A_2073, %get3A_2078 : vector<16xf32>
        %swap3A_2080 = arith.constant 15 : i32
        %swap3A_2081 = arith.index_cast %rem3A_35 : i32 to index
        %swap3A_2082 = arith.index_cast %swap3A_2080 : i32 to index
        %swap3A_2083 = arith.constant 48 : index
        %swap3A_2084 = tpu.vector_load %arg13[%swap3A_2081, %swap3A_2082, %swap3A_2083] {strides = array<i32>} : memref<2x16x128xf32, #tpu.memory_space<vmem>>, vector<16xf32>,
        tpu.vector_store %arg13[%swap3A_2081, %swap3A_2082, %swap3A_2083], %add3A_2079 {strides = array<i32>} : memref<2x16x128xf32, #tpu.memory_space<vmem>>, vector<16xf32>,
        %get3A_2085 = arith.constant 124 : i32
        %get3A_2086 = arith.index_cast %rem3A_35 : i32 to index
        %get3A_2087 = arith.index_cast %get3A_2085 : i32 to index
        %get3A_2088 = arith.constant 0 : index
        %get3A_2089 = tpu.vector_load %arg11[%get3A_2086, %get3A_2087, %get3A_2088] {strides = array<i32>} : memref<2x128x16xf32, #tpu.memory_space<vmem>>, vector<16xf32>,
        %get3A_2090 = arith.constant 124 : i32
        %get3A_2091 = arith.index_cast %rem3A_35 : i32 to index
        %get3A_2092 = arith.index_cast %get3A_2090 : i32 to index
        %get3A_2093 = arith.constant 0 : index
        %get3A_2094 = tpu.vector_load %arg12[%get3A_2091, %get3A_2092, %get3A_2093] {strides = array<i32>} : memref<2x128x16xf32, #tpu.memory_space<vmem>>, vector<16xf32>,
        %add3A_2095 = arith.addf %get3A_2089, %get3A_2094 : vector<16xf32>
        %swap3A_2096 = arith.constant 15 : i32
        %swap3A_2097 = arith.index_cast %rem3A_35 : i32 to index
        %swap3A_2098 = arith.index_cast %swap3A_2096 : i32 to index
        %swap3A_2099 = arith.constant 64 : index
        %swap3A_2100 = tpu.vector_load %arg13[%swap3A_2097, %swap3A_2098, %swap3A_2099] {strides = array<i32>} : memref<2x16x128xf32, #tpu.memory_space<vmem>>, vector<16xf32>,
        tpu.vector_store %arg13[%swap3A_2097, %swap3A_2098, %swap3A_2099], %add3A_2095 {strides = array<i32>} : memref<2x16x128xf32, #tpu.memory_space<vmem>>, vector<16xf32>,
        %get3A_2101 = arith.constant 125 : i32
        %get3A_2102 = arith.index_cast %rem3A_35 : i32 to index
        %get3A_2103 = arith.index_cast %get3A_2101 : i32 to index
        %get3A_2104 = arith.constant 0 : index
        %get3A_2105 = tpu.vector_load %arg11[%get3A_2102, %get3A_2103, %get3A_2104] {strides = array<i32>} : memref<2x128x16xf32, #tpu.memory_space<vmem>>, vector<16xf32>,
        %get3A_2106 = arith.constant 125 : i32
        %get3A_2107 = arith.index_cast %rem3A_35 : i32 to index
        %get3A_2108 = arith.index_cast %get3A_2106 : i32 to index
        %get3A_2109 = arith.constant 0 : index
        %get3A_2110 = tpu.vector_load %arg12[%get3A_2107, %get3A_2108, %get3A_2109] {strides = array<i32>} : memref<2x128x16xf32, #tpu.memory_space<vmem>>, vector<16xf32>,
        %add3A_2111 = arith.addf %get3A_2105, %get3A_2110 : vector<16xf32>
        %swap3A_2112 = arith.constant 15 : i32
        %swap3A_2113 = arith.index_cast %rem3A_35 : i32 to index
        %swap3A_2114 = arith.index_cast %swap3A_2112 : i32 to index
        %swap3A_2115 = arith.constant 80 : index
        %swap3A_2116 = tpu.vector_load %arg13[%swap3A_2113, %swap3A_2114, %swap3A_2115] {strides = array<i32>} : memref<2x16x128xf32, #tpu.memory_space<vmem>>, vector<16xf32>,
        tpu.vector_store %arg13[%swap3A_2113, %swap3A_2114, %swap3A_2115], %add3A_2111 {strides = array<i32>} : memref<2x16x128xf32, #tpu.memory_space<vmem>>, vector<16xf32>,
        %get3A_2117 = arith.constant 126 : i32
        %get3A_2118 = arith.index_cast %rem3A_35 : i32 to index
        %get3A_2119 = arith.index_cast %get3A_2117 : i32 to index
        %get3A_2120 = arith.constant 0 : index
        %get3A_2121 = tpu.vector_load %arg11[%get3A_2118, %get3A_2119, %get3A_2120] {strides = array<i32>} : memref<2x128x16xf32, #tpu.memory_space<vmem>>, vector<16xf32>,
        %get3A_2122 = arith.constant 126 : i32
        %get3A_2123 = arith.index_cast %rem3A_35 : i32 to index
        %get3A_2124 = arith.index_cast %get3A_2122 : i32 to index
        %get3A_2125 = arith.constant 0 : index
        %get3A_2126 = tpu.vector_load %arg12[%get3A_2123, %get3A_2124, %get3A_2125] {strides = array<i32>} : memref<2x128x16xf32, #tpu.memory_space<vmem>>, vector<16xf32>,
        %add3A_2127 = arith.addf %get3A_2121, %get3A_2126 : vector<16xf32>
        %swap3A_2128 = arith.constant 15 : i32
        %swap3A_2129 = arith.index_cast %rem3A_35 : i32 to index
        %swap3A_2130 = arith.index_cast %swap3A_2128 : i32 to index
        %swap3A_2131 = arith.constant 96 : index
        %swap3A_2132 = tpu.vector_load %arg13[%swap3A_2129, %swap3A_2130, %swap3A_2131] {strides = array<i32>} : memref<2x16x128xf32, #tpu.memory_space<vmem>>, vector<16xf32>,
        tpu.vector_store %arg13[%swap3A_2129, %swap3A_2130, %swap3A_2131], %add3A_2127 {strides = array<i32>} : memref<2x16x128xf32, #tpu.memory_space<vmem>>, vector<16xf32>,
        %get3A_2133 = arith.constant 127 : i32
        %get3A_2134 = arith.index_cast %rem3A_35 : i32 to index
        %get3A_2135 = arith.index_cast %get3A_2133 : i32 to index
        %get3A_2136 = arith.constant 0 : index
        %get3A_2137 = tpu.vector_load %arg11[%get3A_2134, %get3A_2135, %get3A_2136] {strides = array<i32>} : memref<2x128x16xf32, #tpu.memory_space<vmem>>, vector<16xf32>,
        %get3A_2138 = arith.constant 127 : i32
        %get3A_2139 = arith.index_cast %rem3A_35 : i32 to index
        %get3A_2140 = arith.index_cast %get3A_2138 : i32 to index
        %get3A_2141 = arith.constant 0 : index
        %get3A_2142 = tpu.vector_load %arg12[%get3A_2139, %get3A_2140, %get3A_2141] {strides = array<i32>} : memref<2x128x16xf32, #tpu.memory_space<vmem>>, vector<16xf32>,
        %add3A_2143 = arith.addf %get3A_2137, %get3A_2142 : vector<16xf32>
        %swap3A_2144 = arith.constant 15 : i32
        %swap3A_2145 = arith.index_cast %rem3A_35 : i32 to index
        %swap3A_2146 = arith.index_cast %swap3A_2144 : i32 to index
        %swap3A_2147 = arith.constant 112 : index
        %swap3A_2148 = tpu.vector_load %arg13[%swap3A_2145, %swap3A_2146, %swap3A_2147] {strides = array<i32>} : memref<2x16x128xf32, #tpu.memory_space<vmem>>, vector<16xf32>,
        tpu.vector_store %arg13[%swap3A_2145, %swap3A_2146, %swap3A_2147], %add3A_2143 {strides = array<i32>} : memref<2x16x128xf32, #tpu.memory_space<vmem>>, vector<16xf32>,
        %dma_wait3A_2149 = arith.constant 0 : i32
        %dma_wait3A_2150 = arith.constant 0 : i32
        %dma_wait3A_2151 = tpu.memref_slice %arg14[%rem3A_35, %dma_wait3A_2149, %dma_wait3A_2150] : memref<2x128x128xf32, #tpu.memory_space<vmem>> -> memref<1x128x128xf32, #tpu.memory_space<vmem>>
        %dma_wait3A_2152 = tpu.memref_squeeze %dma_wait3A_2151 : memref<1x128x128xf32, #tpu.memory_space<vmem>> -> memref<128x128xf32, #tpu.memory_space<vmem>>
        %dma_wait3A_2153 = arith.constant 0 : i32
        %dma_wait3A_2154 = tpu.memref_slice %arg9[%rem3A_35, %dma_wait3A_2153] : memref<2x128xi32, #tpu.memory_space<vmem>> -> memref<1x128xi32, #tpu.memory_space<vmem>>
        %dma_wait3A_2155 = tpu.memref_squeeze %dma_wait3A_2154 : memref<1x128xi32, #tpu.memory_space<vmem>> -> memref<128xi32, #tpu.memory_space<vmem>>
        %dma_wait3A_2156 = arith.constant 0 : i32
        %dma_wait3A_2157 = arith.constant 0 : i32
        %dma_wait3A_2158 = tpu.memref_slice %arg4[%dma_wait3A_2156, %dma_wait3A_2157] : memref<10000x128xf32, #tpu.memory_space<hbm>> -> memref<10000x128xf32, #tpu.memory_space<hbm>>
        tpu.wait_indirect_dma semaphore(%arg17 : memref<!tpu.dma_semaphore, #tpu.memory_space<semaphore_mem>>) src(%dma_wait3A_2158 : memref<10000x128xf32, #tpu.memory_space<hbm>>) dst(%dma_wait3A_2152 : memref<128x128xf32, #tpu.memory_space<vmem>>)
        %mul3A_2159 = arith.constant 32 : i32
        %mul3A_2160 = arith.muli %mul3A_2159, %add3A_34 : i32
        %add3A_2161 = arith.addi %add3A, %mul3A_2160 : i32
        %mul3A_2162 = arith.constant 16 : i32
        %mul3A_2163 = arith.muli %add3A_2161, %mul3A_2162 : i32
        %dma_start3A = arith.constant 0 : i32
        %dma_start3A_2164 = arith.constant 0 : i32
        %dma_start3A_2165 = tpu.memref_slice %arg13[%rem3A_35, %dma_start3A, %dma_start3A_2164] : memref<2x16x128xf32, #tpu.memory_space<vmem>> -> memref<1x16x128xf32, #tpu.memory_space<vmem>>
        %dma_start3A_2166 = tpu.memref_squeeze %dma_start3A_2165 : memref<1x16x128xf32, #tpu.memory_space<vmem>> -> memref<16x128xf32, #tpu.memory_space<vmem>>
        %dma_start3A_2167 = arith.constant 0 : i32
        %dma_start3A_2168 = tpu.memref_slice %arg7[%mul3A_2163, %dma_start3A_2167] : memref<40000x128xf32, #tpu.memory_space<hbm>> -> memref<16x128xf32, #tpu.memory_space<hbm>>
        %dma_start3A_2169 = arith.constant 0 : i32
        %dma_start3A_2170 = tpu.memref_slice %arg7[%mul3A_2163, %dma_start3A_2169] : memref<40000x128xf32, #tpu.memory_space<hbm>> -> memref<16x128xf32, #tpu.memory_space<hbm>>
        %dma_start3A_2171 = arith.constant 0 : i32
        %dma_start3A_2172 = arith.constant 0 : i32
        %dma_start3A_2173 = tpu.memref_slice %arg13[%rem3A_35, %dma_start3A_2171, %dma_start3A_2172] : memref<2x16x128xf32, #tpu.memory_space<vmem>> -> memref<1x16x128xf32, #tpu.memory_space<vmem>>
        %dma_start3A_2174 = tpu.memref_squeeze %dma_start3A_2173 : memref<1x16x128xf32, #tpu.memory_space<vmem>> -> memref<16x128xf32, #tpu.memory_space<vmem>>
        tpu.enqueue_dma source(%dma_start3A_2174 : memref<16x128xf32, #tpu.memory_space<vmem>>) target(%dma_start3A_2170 : memref<16x128xf32, #tpu.memory_space<hbm>>) target_semaphore(%arg18 : memref<!tpu.dma_semaphore, #tpu.memory_space<semaphore_mem>>)
        %dma_start3A_2175 = arith.constant 0 : i32
        %dma_start3A_2176 = arith.constant 0 : i32
        %dma_start3A_2177 = tpu.memref_slice %arg14[%rem3A_35, %dma_start3A_2175, %dma_start3A_2176] : memref<2x128x128xf32, #tpu.memory_space<vmem>> -> memref<1x128x128xf32, #tpu.memory_space<vmem>>
        %dma_start3A_2178 = tpu.memref_squeeze %dma_start3A_2177 : memref<1x128x128xf32, #tpu.memory_space<vmem>> -> memref<128x128xf32, #tpu.memory_space<vmem>>
        %dma_start3A_2179 = arith.constant 0 : i32
        %dma_start3A_2180 = tpu.memref_slice %arg8[%mul3A_83, %dma_start3A_2179] : memref<320000x128xf32, #tpu.memory_space<hbm>> -> memref<128x128xf32, #tpu.memory_space<hbm>>
        %dma_start3A_2181 = arith.constant 0 : i32
        %dma_start3A_2182 = tpu.memref_slice %arg8[%mul3A_83, %dma_start3A_2181] : memref<320000x128xf32, #tpu.memory_space<hbm>> -> memref<128x128xf32, #tpu.memory_space<hbm>>
        %dma_start3A_2183 = arith.constant 0 : i32
        %dma_start3A_2184 = arith.constant 0 : i32
        %dma_start3A_2185 = tpu.memref_slice %arg14[%rem3A_35, %dma_start3A_2183, %dma_start3A_2184] : memref<2x128x128xf32, #tpu.memory_space<vmem>> -> memref<1x128x128xf32, #tpu.memory_space<vmem>>
        %dma_start3A_2186 = tpu.memref_squeeze %dma_start3A_2185 : memref<1x128x128xf32, #tpu.memory_space<vmem>> -> memref<128x128xf32, #tpu.memory_space<vmem>>
        tpu.enqueue_dma source(%dma_start3A_2186 : memref<128x128xf32, #tpu.memory_space<vmem>>) target(%dma_start3A_2182 : memref<128x128xf32, #tpu.memory_space<hbm>>) target_semaphore(%arg18 : memref<!tpu.dma_semaphore, #tpu.memory_space<semaphore_mem>>)
      } else {
      }
    }
    %scan3A_22 = arith.constant 79 : i32
    %add3A_23 = arith.constant 2496 : i32
    %add3A_24 = arith.addi %add3A, %add3A_23 : i32
    %lt3A_25 = arith.constant 2500 : i32
    %lt3A_26 = arith.cmpi slt, %add3A_24, %lt3A_25 : i32
    %convert_element_type3A_27 = arith.extui %lt3A_26 : i1 to i32
    %cond3A_28 = arith.constant 0 : i32
    %cond3A_29 = arith.cmpi ne, %convert_element_type3A_27, %cond3A_28 : i32
    scf.if %cond3A_29 {
      %dma_wait3A = arith.constant 0 : i32
      %dma_wait3A_30 = arith.constant 0 : i32
      %dma_wait3A_31 = arith.constant 0 : i32
      %dma_wait3A_32 = tpu.memref_slice %arg13[%dma_wait3A, %dma_wait3A_30, %dma_wait3A_31] : memref<2x16x128xf32, #tpu.memory_space<vmem>> -> memref<1x16x128xf32, #tpu.memory_space<vmem>>
      %dma_wait3A_33 = tpu.memref_squeeze %dma_wait3A_32 : memref<1x16x128xf32, #tpu.memory_space<vmem>> -> memref<16x128xf32, #tpu.memory_space<vmem>>
      %dma_wait3A_34 = arith.constant 0 : i32
      %dma_wait3A_35 = arith.constant 0 : i32
      %dma_wait3A_36 = tpu.memref_slice %arg7[%dma_wait3A_34, %dma_wait3A_35] : memref<40000x128xf32, #tpu.memory_space<hbm>> -> memref<16x128xf32, #tpu.memory_space<hbm>>
      %dma_wait3A_37 = arith.constant 0 : i32
      %dma_wait3A_38 = arith.constant 0 : i32
      %dma_wait3A_39 = tpu.memref_slice %arg7[%dma_wait3A_37, %dma_wait3A_38] : memref<40000x128xf32, #tpu.memory_space<hbm>> -> memref<16x128xf32, #tpu.memory_space<hbm>>
      %dma_wait3A_40 = arith.constant 0 : i32
      %dma_wait3A_41 = arith.constant 0 : i32
      %dma_wait3A_42 = tpu.memref_slice %arg13[%dma_wait3A, %dma_wait3A_40, %dma_wait3A_41] : memref<2x16x128xf32, #tpu.memory_space<vmem>> -> memref<1x16x128xf32, #tpu.memory_space<vmem>>
      %dma_wait3A_43 = tpu.memref_squeeze %dma_wait3A_42 : memref<1x16x128xf32, #tpu.memory_space<vmem>> -> memref<16x128xf32, #tpu.memory_space<vmem>>
      tpu.wait_dma2 semaphore(%arg18 : memref<!tpu.dma_semaphore, #tpu.memory_space<semaphore_mem>>) src(%dma_wait3A_43 : memref<16x128xf32, #tpu.memory_space<vmem>>) dst(%dma_wait3A_39 : memref<16x128xf32, #tpu.memory_space<hbm>>)
      %dma_wait3A_44 = arith.constant 0 : i32
      %dma_wait3A_45 = arith.constant 0 : i32
      %dma_wait3A_46 = arith.constant 0 : i32
      %dma_wait3A_47 = tpu.memref_slice %arg14[%dma_wait3A_44, %dma_wait3A_45, %dma_wait3A_46] : memref<2x128x128xf32, #tpu.memory_space<vmem>> -> memref<1x128x128xf32, #tpu.memory_space<vmem>>
      %dma_wait3A_48 = tpu.memref_squeeze %dma_wait3A_47 : memref<1x128x128xf32, #tpu.memory_space<vmem>> -> memref<128x128xf32, #tpu.memory_space<vmem>>
      %dma_wait3A_49 = arith.constant 0 : i32
      %dma_wait3A_50 = arith.constant 0 : i32
      %dma_wait3A_51 = tpu.memref_slice %arg8[%dma_wait3A_49, %dma_wait3A_50] : memref<320000x128xf32, #tpu.memory_space<hbm>> -> memref<128x128xf32, #tpu.memory_space<hbm>>
      %dma_wait3A_52 = arith.constant 0 : i32
      %dma_wait3A_53 = arith.constant 0 : i32
      %dma_wait3A_54 = tpu.memref_slice %arg8[%dma_wait3A_52, %dma_wait3A_53] : memref<320000x128xf32, #tpu.memory_space<hbm>> -> memref<128x128xf32, #tpu.memory_space<hbm>>
      %dma_wait3A_55 = arith.constant 0 : i32
      %dma_wait3A_56 = arith.constant 0 : i32
      %dma_wait3A_57 = tpu.memref_slice %arg14[%dma_wait3A_44, %dma_wait3A_55, %dma_wait3A_56] : memref<2x128x128xf32, #tpu.memory_space<vmem>> -> memref<1x128x128xf32, #tpu.memory_space<vmem>>
      %dma_wait3A_58 = tpu.memref_squeeze %dma_wait3A_57 : memref<1x128x128xf32, #tpu.memory_space<vmem>> -> memref<128x128xf32, #tpu.memory_space<vmem>>
      tpu.wait_dma2 semaphore(%arg18 : memref<!tpu.dma_semaphore, #tpu.memory_space<semaphore_mem>>) src(%dma_wait3A_58 : memref<128x128xf32, #tpu.memory_space<vmem>>) dst(%dma_wait3A_54 : memref<128x128xf32, #tpu.memory_space<hbm>>)
    } else {
    }
    return
  }
}

#map = affine_map<(d0, d1) -> (0, 0)>
#map1 = affine_map<(d0, d1) -> (0)>
module attributes {stable_mosaic.version = 14 : i64} {
  func.func @scatter(%arg0: i32, %arg1: i32, %arg2: memref<320000x128xf32, #tpu.memory_space<hbm>>, %arg3: memref<320000xi32, #tpu.memory_space<hbm>>, %arg4: memref<10000x128xf32, #tpu.memory_space<hbm>>, %arg5: memref<32x10000xf32, #tpu.memory_space<hbm>>, %arg6: memref<2x128xi32, #tpu.memory_space<vmem>>, %arg7: memref<2x128x64xf32, #tpu.memory_space<vmem>>, %arg8: memref<10000xf32, #tpu.memory_space<vmem>>, %arg9: memref<125x64xf32, #tpu.memory_space<vmem>>, %arg10: memref<10000x64xf32, #tpu.memory_space<vmem_shared>>, %arg11: memref<!tpu.dma_semaphore, #tpu.memory_space<semaphore_mem>>, %arg12: memref<!tpu.dma_semaphore, #tpu.memory_space<semaphore_mem>>) attributes {dimension_semantics = [#tpu.dimension_semantics<core_parallel>, #tpu.dimension_semantics<subcore_parallel>], iteration_bounds = array<i64: 2, 16>, scalar_prefetch = 0 : i64, scratch_operands = 7 : i64, tpu.core_type = #tpu.core_type<sc_vector_subcore>, window_params = [{transform_indices = #map}, {transform_indices = #map1}, {transform_indices = #map}, {transform_indices = #map}]} {
    %mul3A = arith.constant 2 : i32
    %mul3A_0 = arith.muli %arg1, %mul3A : i32
    %add3A = arith.addi %mul3A_0, %arg0 : i32
    %mul3A_1 = arith.constant 64 : i32
    %mul3A_2 = arith.muli %arg0, %mul3A_1 : i32
    %broadcast_in_dim3A = arith.constant 0.000000e+00 : f32
    %broadcast_in_dim3A_3 = vector.broadcast %broadcast_in_dim3A : f32 to vector<16xf32>
    %broadcast_in_dim3A_4 = arith.constant 1.000000e+00 : f32
    %broadcast_in_dim3A_5 = vector.broadcast %broadcast_in_dim3A_4 : f32 to vector<16xf32>
    %scan3A = arith.constant 0 : i32
    %scan3A_6 = arith.constant 125 : i32
    %scan3A_7 = arith.addi %scan3A, %scan3A_6 : i32
    %scan3A_8 = arith.constant 1 : i32
    scf.for %scan3A_37 = %scan3A to %scan3A_7 step %scan3A_8  : i32 {
      %mul3A_38 = arith.constant 1 : i32
      %mul3A_39 = arith.muli %scan3A_37, %mul3A_38 : i32
      %add3A_40 = arith.constant 0 : i32
      %add3A_41 = arith.addi %add3A_40, %mul3A_39 : i32
      %swap3A = arith.index_cast %add3A_41 : i32 to index
      %swap3A_42 = arith.constant 0 : index
      %swap3A_43 = tpu.vector_load %arg9[%swap3A, %swap3A_42] {strides = array<i32>} : memref<125x64xf32, #tpu.memory_space<vmem>>, vector<16xf32>,
      tpu.vector_store %arg9[%swap3A, %swap3A_42], %broadcast_in_dim3A_3 {strides = array<i32>} : memref<125x64xf32, #tpu.memory_space<vmem>>, vector<16xf32>,
      %swap3A_44 = arith.index_cast %add3A_41 : i32 to index
      %swap3A_45 = arith.constant 16 : index
      %swap3A_46 = tpu.vector_load %arg9[%swap3A_44, %swap3A_45] {strides = array<i32>} : memref<125x64xf32, #tpu.memory_space<vmem>>, vector<16xf32>,
      tpu.vector_store %arg9[%swap3A_44, %swap3A_45], %broadcast_in_dim3A_3 {strides = array<i32>} : memref<125x64xf32, #tpu.memory_space<vmem>>, vector<16xf32>,
      %swap3A_47 = arith.index_cast %add3A_41 : i32 to index
      %swap3A_48 = arith.constant 32 : index
      %swap3A_49 = tpu.vector_load %arg9[%swap3A_47, %swap3A_48] {strides = array<i32>} : memref<125x64xf32, #tpu.memory_space<vmem>>, vector<16xf32>,
      tpu.vector_store %arg9[%swap3A_47, %swap3A_48], %broadcast_in_dim3A_3 {strides = array<i32>} : memref<125x64xf32, #tpu.memory_space<vmem>>, vector<16xf32>,
      %swap3A_50 = arith.index_cast %add3A_41 : i32 to index
      %swap3A_51 = arith.constant 48 : index
      %swap3A_52 = tpu.vector_load %arg9[%swap3A_50, %swap3A_51] {strides = array<i32>} : memref<125x64xf32, #tpu.memory_space<vmem>>, vector<16xf32>,
      tpu.vector_store %arg9[%swap3A_50, %swap3A_51], %broadcast_in_dim3A_3 {strides = array<i32>} : memref<125x64xf32, #tpu.memory_space<vmem>>, vector<16xf32>,
    }
    %scan3A_9 = arith.constant 125 : i32
    %scan3A_10 = arith.constant 0 : i32
    %scan3A_11 = arith.constant 625 : i32
    %scan3A_12 = arith.addi %scan3A_10, %scan3A_11 : i32
    %scan3A_13 = arith.constant 1 : i32
    scf.for %scan3A_37 = %scan3A_10 to %scan3A_12 step %scan3A_13  : i32 {
      %mul3A_38 = arith.constant 1 : i32
      %mul3A_39 = arith.muli %scan3A_37, %mul3A_38 : i32
      %add3A_40 = arith.constant 0 : i32
      %add3A_41 = arith.addi %add3A_40, %mul3A_39 : i32
      %mul3A_42 = arith.constant 16 : i32
      %mul3A_43 = arith.muli %add3A_41, %mul3A_42 : i32
      %swap3A = arith.index_cast %mul3A_43 : i32 to index
      %swap3A_44 = tpu.vector_load %arg8[%swap3A] {strides = array<i32>} : memref<10000xf32, #tpu.memory_space<vmem>>, vector<16xf32>,
      tpu.vector_store %arg8[%swap3A], %broadcast_in_dim3A_3 {strides = array<i32>} : memref<10000xf32, #tpu.memory_space<vmem>>, vector<16xf32>,
    }
    %scan3A_14 = arith.constant 625 : i32
    %mul3A_15 = arith.constant 625 : i32
    %mul3A_16 = arith.muli %arg1, %mul3A_15 : i32
    %scan3A_17 = arith.constant 0 : i32
    %scan3A_18 = arith.constant 5 : i32
    %scan3A_19 = arith.addi %scan3A_17, %scan3A_18 : i32
    %scan3A_20 = arith.constant 1 : i32
    scf.for %scan3A_37 = %scan3A_17 to %scan3A_19 step %scan3A_20  : i32 {
      %mul3A_38 = arith.constant 1 : i32
      %mul3A_39 = arith.muli %scan3A_37, %mul3A_38 : i32
      %add3A_40 = arith.constant 0 : i32
      %add3A_41 = arith.addi %add3A_40, %mul3A_39 : i32
      %mul3A_42 = arith.constant 125 : i32
      %mul3A_43 = arith.muli %add3A_41, %mul3A_42 : i32
      %add3A_44 = arith.addi %mul3A_16, %mul3A_43 : i32
      "tpu.region"() ({
        %run_scoped3A = tpu.sem_alloc : memref<!tpu.dma_semaphore, #tpu.memory_space<semaphore_mem>>
        %dma_start3A = arith.constant 0 : i32
        %dma_start3A_45 = tpu.memref_slice %arg10[%add3A_44, %dma_start3A] : memref<10000x64xf32, #tpu.memory_space<vmem_shared>> -> memref<125x64xf32, #tpu.memory_space<vmem_shared>>
        %dma_start3A_46 = arith.constant 0 : i32
        %dma_start3A_47 = tpu.memref_slice %arg10[%add3A_44, %dma_start3A_46] : memref<10000x64xf32, #tpu.memory_space<vmem_shared>> -> memref<125x64xf32, #tpu.memory_space<vmem_shared>>
        tpu.enqueue_dma source(%arg9 : memref<125x64xf32, #tpu.memory_space<vmem>>) target(%dma_start3A_47 : memref<125x64xf32, #tpu.memory_space<vmem_shared>>) target_semaphore(%run_scoped3A : memref<!tpu.dma_semaphore, #tpu.memory_space<semaphore_mem>>)
        %dma_wait3A = arith.constant 0 : i32
        %dma_wait3A_48 = tpu.memref_slice %arg10[%add3A_44, %dma_wait3A] : memref<10000x64xf32, #tpu.memory_space<vmem_shared>> -> memref<125x64xf32, #tpu.memory_space<vmem_shared>>
        %dma_wait3A_49 = arith.constant 0 : i32
        %dma_wait3A_50 = tpu.memref_slice %arg10[%add3A_44, %dma_wait3A_49] : memref<10000x64xf32, #tpu.memory_space<vmem_shared>> -> memref<125x64xf32, #tpu.memory_space<vmem_shared>>
        tpu.wait_dma2 semaphore(%run_scoped3A : memref<!tpu.dma_semaphore, #tpu.memory_space<semaphore_mem>>) src(%arg9 : memref<125x64xf32, #tpu.memory_space<vmem>>) dst(%dma_wait3A_50 : memref<125x64xf32, #tpu.memory_space<vmem_shared>>)
        tpu.yield
      }) : () -> ()
    }
    %scan3A_21 = arith.constant 5 : i32
    %barrier3A = arith.constant 0 : index
    tpu.barrier barrier_id(%barrier3A)
    %add3A_22 = arith.constant 0 : i32
    %add3A_23 = arith.addi %arg1, %add3A_22 : i32
    %lt3A = arith.constant 2500 : i32
    %lt3A_24 = arith.cmpi slt, %add3A_23, %lt3A : i32
    %convert_element_type3A = arith.extui %lt3A_24 : i1 to i32
    %cond3A = arith.constant 0 : i32
    %cond3A_25 = arith.cmpi ne, %convert_element_type3A, %cond3A : i32
    scf.if %cond3A_25 {
      %mul3A_37 = arith.constant 128 : i32
      %mul3A_38 = arith.muli %add3A_23, %mul3A_37 : i32
      %dma_start3A = arith.constant 0 : i32
      %dma_start3A_39 = arith.constant 0 : i32
      %dma_start3A_40 = tpu.memref_slice %arg6[%dma_start3A, %dma_start3A_39] : memref<2x128xi32, #tpu.memory_space<vmem>> -> memref<1x128xi32, #tpu.memory_space<vmem>>
      %dma_start3A_41 = tpu.memref_squeeze %dma_start3A_40 : memref<1x128xi32, #tpu.memory_space<vmem>> -> memref<128xi32, #tpu.memory_space<vmem>>
      %dma_start3A_42 = tpu.memref_slice %arg3[%mul3A_38] : memref<320000xi32, #tpu.memory_space<hbm>> -> memref<128xi32, #tpu.memory_space<hbm>>
      %dma_start3A_43 = arith.constant 0 : i32
      %dma_start3A_44 = tpu.memref_slice %arg6[%dma_start3A, %dma_start3A_43] : memref<2x128xi32, #tpu.memory_space<vmem>> -> memref<1x128xi32, #tpu.memory_space<vmem>>
      %dma_start3A_45 = tpu.memref_squeeze %dma_start3A_44 : memref<1x128xi32, #tpu.memory_space<vmem>> -> memref<128xi32, #tpu.memory_space<vmem>>
      %dma_start3A_46 = tpu.memref_slice %arg3[%mul3A_38] : memref<320000xi32, #tpu.memory_space<hbm>> -> memref<128xi32, #tpu.memory_space<hbm>>
      tpu.enqueue_dma source(%dma_start3A_46 : memref<128xi32, #tpu.memory_space<hbm>>) target(%dma_start3A_45 : memref<128xi32, #tpu.memory_space<vmem>>) target_semaphore(%arg11 : memref<!tpu.dma_semaphore, #tpu.memory_space<semaphore_mem>>)
      %dma_start3A_47 = arith.constant 0 : i32
      %dma_start3A_48 = arith.constant 0 : i32
      %dma_start3A_49 = arith.constant 0 : i32
      %dma_start3A_50 = tpu.memref_slice %arg7[%dma_start3A_47, %dma_start3A_48, %dma_start3A_49] : memref<2x128x64xf32, #tpu.memory_space<vmem>> -> memref<1x128x64xf32, #tpu.memory_space<vmem>>
      %dma_start3A_51 = tpu.memref_squeeze %dma_start3A_50 : memref<1x128x64xf32, #tpu.memory_space<vmem>> -> memref<128x64xf32, #tpu.memory_space<vmem>>
      %dma_start3A_52 = tpu.memref_slice %arg2[%mul3A_38, %mul3A_2] : memref<320000x128xf32, #tpu.memory_space<hbm>> -> memref<128x64xf32, #tpu.memory_space<hbm>>
      %dma_start3A_53 = arith.constant 0 : i32
      %dma_start3A_54 = arith.constant 0 : i32
      %dma_start3A_55 = tpu.memref_slice %arg7[%dma_start3A_47, %dma_start3A_53, %dma_start3A_54] : memref<2x128x64xf32, #tpu.memory_space<vmem>> -> memref<1x128x64xf32, #tpu.memory_space<vmem>>
      %dma_start3A_56 = tpu.memref_squeeze %dma_start3A_55 : memref<1x128x64xf32, #tpu.memory_space<vmem>> -> memref<128x64xf32, #tpu.memory_space<vmem>>
      %dma_start3A_57 = tpu.memref_slice %arg2[%mul3A_38, %mul3A_2] : memref<320000x128xf32, #tpu.memory_space<hbm>> -> memref<128x64xf32, #tpu.memory_space<hbm>>
      tpu.enqueue_dma source(%dma_start3A_57 : memref<128x64xf32, #tpu.memory_space<hbm>>) target(%dma_start3A_56 : memref<128x64xf32, #tpu.memory_space<vmem>>) target_semaphore(%arg12 : memref<!tpu.dma_semaphore, #tpu.memory_space<semaphore_mem>>)
    } else {
    }
    %scan3A_26 = arith.constant 0 : i32
    %scan3A_27 = arith.constant 157 : i32
    %scan3A_28 = arith.addi %scan3A_26, %scan3A_27 : i32
    %scan3A_29 = arith.constant 1 : i32
    scf.for %scan3A_37 = %scan3A_26 to %scan3A_28 step %scan3A_29  : i32 {
      %mul3A_38 = arith.constant 1 : i32
      %mul3A_39 = arith.muli %scan3A_37, %mul3A_38 : i32
      %add3A_40 = arith.constant 0 : i32
      %add3A_41 = arith.addi %add3A_40, %mul3A_39 : i32
      %rem3A = arith.constant 2 : i32
      %rem3A_42 = arith.remsi %add3A_41, %rem3A : i32
      %mul3A_43 = arith.constant 16 : i32
      %mul3A_44 = arith.muli %mul3A_43, %add3A_41 : i32
      %add3A_45 = arith.addi %arg1, %mul3A_44 : i32
      %add3A_46 = arith.constant 1 : i32
      %add3A_47 = arith.addi %add3A_41, %add3A_46 : i32
      %sub3A = arith.constant 1 : i32
      %sub3A_48 = arith.subi %sub3A, %rem3A_42 : i32
      %mul3A_49 = arith.constant 16 : i32
      %mul3A_50 = arith.muli %mul3A_49, %add3A_47 : i32
      %add3A_51 = arith.addi %arg1, %mul3A_50 : i32
      %lt3A_52 = arith.constant 2500 : i32
      %lt3A_53 = arith.cmpi slt, %add3A_51, %lt3A_52 : i32
      %convert_element_type3A_54 = arith.extui %lt3A_53 : i1 to i32
      %cond3A_55 = arith.constant 0 : i32
      %cond3A_56 = arith.cmpi ne, %convert_element_type3A_54, %cond3A_55 : i32
      scf.if %cond3A_56 {
        %mul3A_62 = arith.constant 128 : i32
        %mul3A_63 = arith.muli %add3A_51, %mul3A_62 : i32
        %dma_start3A = arith.constant 0 : i32
        %dma_start3A_64 = tpu.memref_slice %arg6[%sub3A_48, %dma_start3A] : memref<2x128xi32, #tpu.memory_space<vmem>> -> memref<1x128xi32, #tpu.memory_space<vmem>>
        %dma_start3A_65 = tpu.memref_squeeze %dma_start3A_64 : memref<1x128xi32, #tpu.memory_space<vmem>> -> memref<128xi32, #tpu.memory_space<vmem>>
        %dma_start3A_66 = tpu.memref_slice %arg3[%mul3A_63] : memref<320000xi32, #tpu.memory_space<hbm>> -> memref<128xi32, #tpu.memory_space<hbm>>
        %dma_start3A_67 = arith.constant 0 : i32
        %dma_start3A_68 = tpu.memref_slice %arg6[%sub3A_48, %dma_start3A_67] : memref<2x128xi32, #tpu.memory_space<vmem>> -> memref<1x128xi32, #tpu.memory_space<vmem>>
        %dma_start3A_69 = tpu.memref_squeeze %dma_start3A_68 : memref<1x128xi32, #tpu.memory_space<vmem>> -> memref<128xi32, #tpu.memory_space<vmem>>
        %dma_start3A_70 = tpu.memref_slice %arg3[%mul3A_63] : memref<320000xi32, #tpu.memory_space<hbm>> -> memref<128xi32, #tpu.memory_space<hbm>>
        tpu.enqueue_dma source(%dma_start3A_70 : memref<128xi32, #tpu.memory_space<hbm>>) target(%dma_start3A_69 : memref<128xi32, #tpu.memory_space<vmem>>) target_semaphore(%arg11 : memref<!tpu.dma_semaphore, #tpu.memory_space<semaphore_mem>>)
        %dma_start3A_71 = arith.constant 0 : i32
        %dma_start3A_72 = arith.constant 0 : i32
        %dma_start3A_73 = tpu.memref_slice %arg7[%sub3A_48, %dma_start3A_71, %dma_start3A_72] : memref<2x128x64xf32, #tpu.memory_space<vmem>> -> memref<1x128x64xf32, #tpu.memory_space<vmem>>
        %dma_start3A_74 = tpu.memref_squeeze %dma_start3A_73 : memref<1x128x64xf32, #tpu.memory_space<vmem>> -> memref<128x64xf32, #tpu.memory_space<vmem>>
        %dma_start3A_75 = tpu.memref_slice %arg2[%mul3A_63, %mul3A_2] : memref<320000x128xf32, #tpu.memory_space<hbm>> -> memref<128x64xf32, #tpu.memory_space<hbm>>
        %dma_start3A_76 = arith.constant 0 : i32
        %dma_start3A_77 = arith.constant 0 : i32
        %dma_start3A_78 = tpu.memref_slice %arg7[%sub3A_48, %dma_start3A_76, %dma_start3A_77] : memref<2x128x64xf32, #tpu.memory_space<vmem>> -> memref<1x128x64xf32, #tpu.memory_space<vmem>>
        %dma_start3A_79 = tpu.memref_squeeze %dma_start3A_78 : memref<1x128x64xf32, #tpu.memory_space<vmem>> -> memref<128x64xf32, #tpu.memory_space<vmem>>
        %dma_start3A_80 = tpu.memref_slice %arg2[%mul3A_63, %mul3A_2] : memref<320000x128xf32, #tpu.memory_space<hbm>> -> memref<128x64xf32, #tpu.memory_space<hbm>>
        tpu.enqueue_dma source(%dma_start3A_80 : memref<128x64xf32, #tpu.memory_space<hbm>>) target(%dma_start3A_79 : memref<128x64xf32, #tpu.memory_space<vmem>>) target_semaphore(%arg12 : memref<!tpu.dma_semaphore, #tpu.memory_space<semaphore_mem>>)
      } else {
      }
      %lt3A_57 = arith.constant 2500 : i32
      %lt3A_58 = arith.cmpi slt, %add3A_45, %lt3A_57 : i32
      %convert_element_type3A_59 = arith.extui %lt3A_58 : i1 to i32
      %cond3A_60 = arith.constant 0 : i32
      %cond3A_61 = arith.cmpi ne, %convert_element_type3A_59, %cond3A_60 : i32
      scf.if %cond3A_61 {
        %mul3A_62 = arith.constant 128 : i32
        %mul3A_63 = arith.muli %add3A_45, %mul3A_62 : i32
        %dma_wait3A = arith.constant 0 : i32
        %dma_wait3A_64 = tpu.memref_slice %arg6[%rem3A_42, %dma_wait3A] : memref<2x128xi32, #tpu.memory_space<vmem>> -> memref<1x128xi32, #tpu.memory_space<vmem>>
        %dma_wait3A_65 = tpu.memref_squeeze %dma_wait3A_64 : memref<1x128xi32, #tpu.memory_space<vmem>> -> memref<128xi32, #tpu.memory_space<vmem>>
        %dma_wait3A_66 = tpu.memref_slice %arg3[%mul3A_63] : memref<320000xi32, #tpu.memory_space<hbm>> -> memref<128xi32, #tpu.memory_space<hbm>>
        %dma_wait3A_67 = arith.constant 0 : i32
        %dma_wait3A_68 = tpu.memref_slice %arg6[%rem3A_42, %dma_wait3A_67] : memref<2x128xi32, #tpu.memory_space<vmem>> -> memref<1x128xi32, #tpu.memory_space<vmem>>
        %dma_wait3A_69 = tpu.memref_squeeze %dma_wait3A_68 : memref<1x128xi32, #tpu.memory_space<vmem>> -> memref<128xi32, #tpu.memory_space<vmem>>
        %dma_wait3A_70 = tpu.memref_slice %arg3[%mul3A_63] : memref<320000xi32, #tpu.memory_space<hbm>> -> memref<128xi32, #tpu.memory_space<hbm>>
        tpu.wait_dma2 semaphore(%arg11 : memref<!tpu.dma_semaphore, #tpu.memory_space<semaphore_mem>>) src(%dma_wait3A_70 : memref<128xi32, #tpu.memory_space<hbm>>) dst(%dma_wait3A_69 : memref<128xi32, #tpu.memory_space<vmem>>)
        %dma_wait3A_71 = arith.constant 0 : i32
        %dma_wait3A_72 = arith.constant 0 : i32
        %dma_wait3A_73 = tpu.memref_slice %arg7[%rem3A_42, %dma_wait3A_71, %dma_wait3A_72] : memref<2x128x64xf32, #tpu.memory_space<vmem>> -> memref<1x128x64xf32, #tpu.memory_space<vmem>>
        %dma_wait3A_74 = tpu.memref_squeeze %dma_wait3A_73 : memref<1x128x64xf32, #tpu.memory_space<vmem>> -> memref<128x64xf32, #tpu.memory_space<vmem>>
        %dma_wait3A_75 = tpu.memref_slice %arg2[%mul3A_63, %mul3A_2] : memref<320000x128xf32, #tpu.memory_space<hbm>> -> memref<128x64xf32, #tpu.memory_space<hbm>>
        %dma_wait3A_76 = arith.constant 0 : i32
        %dma_wait3A_77 = arith.constant 0 : i32
        %dma_wait3A_78 = tpu.memref_slice %arg7[%rem3A_42, %dma_wait3A_76, %dma_wait3A_77] : memref<2x128x64xf32, #tpu.memory_space<vmem>> -> memref<1x128x64xf32, #tpu.memory_space<vmem>>
        %dma_wait3A_79 = tpu.memref_squeeze %dma_wait3A_78 : memref<1x128x64xf32, #tpu.memory_space<vmem>> -> memref<128x64xf32, #tpu.memory_space<vmem>>
        %dma_wait3A_80 = tpu.memref_slice %arg2[%mul3A_63, %mul3A_2] : memref<320000x128xf32, #tpu.memory_space<hbm>> -> memref<128x64xf32, #tpu.memory_space<hbm>>
        tpu.wait_dma2 semaphore(%arg12 : memref<!tpu.dma_semaphore, #tpu.memory_space<semaphore_mem>>) src(%dma_wait3A_80 : memref<128x64xf32, #tpu.memory_space<hbm>>) dst(%dma_wait3A_79 : memref<128x64xf32, #tpu.memory_space<vmem>>)
        "tpu.region"() ({
          %run_scoped3A = tpu.sem_alloc : memref<!tpu.dma_semaphore, #tpu.memory_space<semaphore_mem>>
          %dma_start3A = arith.constant 0 : i32
          %dma_start3A_85 = arith.constant 0 : i32
          %dma_start3A_86 = tpu.memref_slice %arg7[%rem3A_42, %dma_start3A, %dma_start3A_85] : memref<2x128x64xf32, #tpu.memory_space<vmem>> -> memref<1x128x64xf32, #tpu.memory_space<vmem>>
          %dma_start3A_87 = tpu.memref_squeeze %dma_start3A_86 : memref<1x128x64xf32, #tpu.memory_space<vmem>> -> memref<128x64xf32, #tpu.memory_space<vmem>>
          %dma_start3A_88 = arith.constant 0 : i32
          %dma_start3A_89 = tpu.memref_slice %arg6[%rem3A_42, %dma_start3A_88] : memref<2x128xi32, #tpu.memory_space<vmem>> -> memref<1x128xi32, #tpu.memory_space<vmem>>
          %dma_start3A_90 = tpu.memref_squeeze %dma_start3A_89 : memref<1x128xi32, #tpu.memory_space<vmem>> -> memref<128xi32, #tpu.memory_space<vmem>>
          %dma_start3A_91 = arith.constant 0 : i32
          %dma_start3A_92 = arith.constant 0 : i32
          %dma_start3A_93 = tpu.memref_slice %arg10[%dma_start3A_91, %dma_start3A_92] : memref<10000x64xf32, #tpu.memory_space<vmem_shared>> -> memref<10000x64xf32, #tpu.memory_space<vmem_shared>>
          tpu.enqueue_indirect_dma source(%dma_start3A_87 : memref<128x64xf32, #tpu.memory_space<vmem>>) target(%dma_start3A_93 : memref<10000x64xf32, #tpu.memory_space<vmem_shared>>) offsets(%dma_start3A_90 : memref<128xi32, #tpu.memory_space<vmem>>) semaphore(%run_scoped3A : memref<!tpu.dma_semaphore, #tpu.memory_space<semaphore_mem>>) {add = true}
          %dma_wait3A_94 = arith.constant 0 : i32
          %dma_wait3A_95 = arith.constant 0 : i32
          %dma_wait3A_96 = tpu.memref_slice %arg7[%rem3A_42, %dma_wait3A_94, %dma_wait3A_95] : memref<2x128x64xf32, #tpu.memory_space<vmem>> -> memref<1x128x64xf32, #tpu.memory_space<vmem>>
          %dma_wait3A_97 = tpu.memref_squeeze %dma_wait3A_96 : memref<1x128x64xf32, #tpu.memory_space<vmem>> -> memref<128x64xf32, #tpu.memory_space<vmem>>
          %dma_wait3A_98 = arith.constant 0 : i32
          %dma_wait3A_99 = tpu.memref_slice %arg6[%rem3A_42, %dma_wait3A_98] : memref<2x128xi32, #tpu.memory_space<vmem>> -> memref<1x128xi32, #tpu.memory_space<vmem>>
          %dma_wait3A_100 = tpu.memref_squeeze %dma_wait3A_99 : memref<1x128xi32, #tpu.memory_space<vmem>> -> memref<128xi32, #tpu.memory_space<vmem>>
          %dma_wait3A_101 = arith.constant 0 : i32
          %dma_wait3A_102 = arith.constant 0 : i32
          %dma_wait3A_103 = tpu.memref_slice %arg10[%dma_wait3A_101, %dma_wait3A_102] : memref<10000x64xf32, #tpu.memory_space<vmem_shared>> -> memref<10000x64xf32, #tpu.memory_space<vmem_shared>>
          tpu.wait_indirect_dma semaphore(%run_scoped3A : memref<!tpu.dma_semaphore, #tpu.memory_space<semaphore_mem>>) src(%dma_wait3A_97 : memref<128x64xf32, #tpu.memory_space<vmem>>) dst(%dma_wait3A_103 : memref<10000x64xf32, #tpu.memory_space<vmem_shared>>)
          tpu.yield
        }) : () -> ()
        %eq3A = arith.constant 0 : i32
        %eq3A_81 = arith.cmpi eq, %arg0, %eq3A : i32
        %convert_element_type3A_82 = arith.extui %eq3A_81 : i1 to i32
        %cond3A_83 = arith.constant 0 : i32
        %cond3A_84 = arith.cmpi ne, %convert_element_type3A_82, %cond3A_83 : i32
        scf.if %cond3A_84 {
          %get3A = arith.index_cast %rem3A_42 : i32 to index
          %get3A_85 = arith.constant 0 : index
          %get3A_86 = tpu.vector_load %arg6[%get3A, %get3A_85] {strides = array<i32>} : memref<2x128xi32, #tpu.memory_space<vmem>>, vector<16xi32>,
          tpu.vector_store_idx %arg8[%get3A_86], %broadcast_in_dim3A_5 {add = true} : memref<10000xf32, #tpu.memory_space<vmem>>[vector<16xi32>], vector<16xf32>,
          %get3A_87 = arith.index_cast %rem3A_42 : i32 to index
          %get3A_88 = arith.constant 16 : index
          %get3A_89 = tpu.vector_load %arg6[%get3A_87, %get3A_88] {strides = array<i32>} : memref<2x128xi32, #tpu.memory_space<vmem>>, vector<16xi32>,
          tpu.vector_store_idx %arg8[%get3A_89], %broadcast_in_dim3A_5 {add = true} : memref<10000xf32, #tpu.memory_space<vmem>>[vector<16xi32>], vector<16xf32>,
          %get3A_90 = arith.index_cast %rem3A_42 : i32 to index
          %get3A_91 = arith.constant 32 : index
          %get3A_92 = tpu.vector_load %arg6[%get3A_90, %get3A_91] {strides = array<i32>} : memref<2x128xi32, #tpu.memory_space<vmem>>, vector<16xi32>,
          tpu.vector_store_idx %arg8[%get3A_92], %broadcast_in_dim3A_5 {add = true} : memref<10000xf32, #tpu.memory_space<vmem>>[vector<16xi32>], vector<16xf32>,
          %get3A_93 = arith.index_cast %rem3A_42 : i32 to index
          %get3A_94 = arith.constant 48 : index
          %get3A_95 = tpu.vector_load %arg6[%get3A_93, %get3A_94] {strides = array<i32>} : memref<2x128xi32, #tpu.memory_space<vmem>>, vector<16xi32>,
          tpu.vector_store_idx %arg8[%get3A_95], %broadcast_in_dim3A_5 {add = true} : memref<10000xf32, #tpu.memory_space<vmem>>[vector<16xi32>], vector<16xf32>,
          %get3A_96 = arith.index_cast %rem3A_42 : i32 to index
          %get3A_97 = arith.constant 64 : index
          %get3A_98 = tpu.vector_load %arg6[%get3A_96, %get3A_97] {strides = array<i32>} : memref<2x128xi32, #tpu.memory_space<vmem>>, vector<16xi32>,
          tpu.vector_store_idx %arg8[%get3A_98], %broadcast_in_dim3A_5 {add = true} : memref<10000xf32, #tpu.memory_space<vmem>>[vector<16xi32>], vector<16xf32>,
          %get3A_99 = arith.index_cast %rem3A_42 : i32 to index
          %get3A_100 = arith.constant 80 : index
          %get3A_101 = tpu.vector_load %arg6[%get3A_99, %get3A_100] {strides = array<i32>} : memref<2x128xi32, #tpu.memory_space<vmem>>, vector<16xi32>,
          tpu.vector_store_idx %arg8[%get3A_101], %broadcast_in_dim3A_5 {add = true} : memref<10000xf32, #tpu.memory_space<vmem>>[vector<16xi32>], vector<16xf32>,
          %get3A_102 = arith.index_cast %rem3A_42 : i32 to index
          %get3A_103 = arith.constant 96 : index
          %get3A_104 = tpu.vector_load %arg6[%get3A_102, %get3A_103] {strides = array<i32>} : memref<2x128xi32, #tpu.memory_space<vmem>>, vector<16xi32>,
          tpu.vector_store_idx %arg8[%get3A_104], %broadcast_in_dim3A_5 {add = true} : memref<10000xf32, #tpu.memory_space<vmem>>[vector<16xi32>], vector<16xf32>,
          %get3A_105 = arith.index_cast %rem3A_42 : i32 to index
          %get3A_106 = arith.constant 112 : index
          %get3A_107 = tpu.vector_load %arg6[%get3A_105, %get3A_106] {strides = array<i32>} : memref<2x128xi32, #tpu.memory_space<vmem>>, vector<16xi32>,
          tpu.vector_store_idx %arg8[%get3A_107], %broadcast_in_dim3A_5 {add = true} : memref<10000xf32, #tpu.memory_space<vmem>>[vector<16xi32>], vector<16xf32>,
        } else {
        }
      } else {
      }
    }
    %scan3A_30 = arith.constant 157 : i32
    %barrier3A_31 = arith.constant 0 : index
    tpu.barrier barrier_id(%barrier3A_31)
    %scan3A_32 = arith.constant 0 : i32
    %scan3A_33 = arith.constant 5 : i32
    %scan3A_34 = arith.addi %scan3A_32, %scan3A_33 : i32
    %scan3A_35 = arith.constant 1 : i32
    scf.for %scan3A_37 = %scan3A_32 to %scan3A_34 step %scan3A_35  : i32 {
      %mul3A_38 = arith.constant 1 : i32
      %mul3A_39 = arith.muli %scan3A_37, %mul3A_38 : i32
      %add3A_40 = arith.constant 0 : i32
      %add3A_41 = arith.addi %add3A_40, %mul3A_39 : i32
      %mul3A_42 = arith.constant 125 : i32
      %mul3A_43 = arith.muli %add3A_41, %mul3A_42 : i32
      %add3A_44 = arith.addi %mul3A_16, %mul3A_43 : i32
      "tpu.region"() ({
        %run_scoped3A = tpu.sem_alloc : memref<!tpu.dma_semaphore, #tpu.memory_space<semaphore_mem>>
        %dma_start3A = arith.constant 0 : i32
        %dma_start3A_45 = tpu.memref_slice %arg10[%add3A_44, %dma_start3A] : memref<10000x64xf32, #tpu.memory_space<vmem_shared>> -> memref<125x64xf32, #tpu.memory_space<vmem_shared>>
        %dma_start3A_46 = arith.constant 0 : i32
        %dma_start3A_47 = tpu.memref_slice %arg10[%add3A_44, %dma_start3A_46] : memref<10000x64xf32, #tpu.memory_space<vmem_shared>> -> memref<125x64xf32, #tpu.memory_space<vmem_shared>>
        tpu.enqueue_dma source(%dma_start3A_47 : memref<125x64xf32, #tpu.memory_space<vmem_shared>>) target(%arg9 : memref<125x64xf32, #tpu.memory_space<vmem>>) target_semaphore(%run_scoped3A : memref<!tpu.dma_semaphore, #tpu.memory_space<semaphore_mem>>)
        %dma_wait3A = arith.constant 0 : i32
        %dma_wait3A_48 = tpu.memref_slice %arg10[%add3A_44, %dma_wait3A] : memref<10000x64xf32, #tpu.memory_space<vmem_shared>> -> memref<125x64xf32, #tpu.memory_space<vmem_shared>>
        %dma_wait3A_49 = arith.constant 0 : i32
        %dma_wait3A_50 = tpu.memref_slice %arg10[%add3A_44, %dma_wait3A_49] : memref<10000x64xf32, #tpu.memory_space<vmem_shared>> -> memref<125x64xf32, #tpu.memory_space<vmem_shared>>
        tpu.wait_dma2 semaphore(%run_scoped3A : memref<!tpu.dma_semaphore, #tpu.memory_space<semaphore_mem>>) src(%dma_wait3A_50 : memref<125x64xf32, #tpu.memory_space<vmem_shared>>) dst(%arg9 : memref<125x64xf32, #tpu.memory_space<vmem>>)
        tpu.yield
      }) : () -> ()
      "tpu.region"() ({
        %run_scoped3A = tpu.sem_alloc : memref<!tpu.dma_semaphore, #tpu.memory_space<semaphore_mem>>
        %dma_start3A = tpu.memref_slice %arg4[%add3A_44, %mul3A_2] : memref<10000x128xf32, #tpu.memory_space<hbm>> -> memref<125x64xf32, #tpu.memory_space<hbm>>
        %dma_start3A_45 = tpu.memref_slice %arg4[%add3A_44, %mul3A_2] : memref<10000x128xf32, #tpu.memory_space<hbm>> -> memref<125x64xf32, #tpu.memory_space<hbm>>
        tpu.enqueue_dma source(%arg9 : memref<125x64xf32, #tpu.memory_space<vmem>>) target(%dma_start3A_45 : memref<125x64xf32, #tpu.memory_space<hbm>>) target_semaphore(%run_scoped3A : memref<!tpu.dma_semaphore, #tpu.memory_space<semaphore_mem>>)
        %dma_wait3A = tpu.memref_slice %arg4[%add3A_44, %mul3A_2] : memref<10000x128xf32, #tpu.memory_space<hbm>> -> memref<125x64xf32, #tpu.memory_space<hbm>>
        %dma_wait3A_46 = tpu.memref_slice %arg4[%add3A_44, %mul3A_2] : memref<10000x128xf32, #tpu.memory_space<hbm>> -> memref<125x64xf32, #tpu.memory_space<hbm>>
        tpu.wait_dma2 semaphore(%run_scoped3A : memref<!tpu.dma_semaphore, #tpu.memory_space<semaphore_mem>>) src(%arg9 : memref<125x64xf32, #tpu.memory_space<vmem>>) dst(%dma_wait3A_46 : memref<125x64xf32, #tpu.memory_space<hbm>>)
        tpu.yield
      }) : () -> ()
    }
    %scan3A_36 = arith.constant 5 : i32
    "tpu.region"() ({
      %run_scoped3A = tpu.sem_alloc : memref<!tpu.dma_semaphore, #tpu.memory_space<semaphore_mem>>
      %dma_start3A = arith.constant 0 : i32
      %dma_start3A_37 = tpu.memref_slice %arg5[%add3A, %dma_start3A] : memref<32x10000xf32, #tpu.memory_space<hbm>> -> memref<1x10000xf32, #tpu.memory_space<hbm>>
      %dma_start3A_38 = tpu.memref_squeeze %dma_start3A_37 : memref<1x10000xf32, #tpu.memory_space<hbm>> -> memref<10000xf32, #tpu.memory_space<hbm>>
      %dma_start3A_39 = arith.constant 0 : i32
      %dma_start3A_40 = tpu.memref_slice %arg5[%add3A, %dma_start3A_39] : memref<32x10000xf32, #tpu.memory_space<hbm>> -> memref<1x10000xf32, #tpu.memory_space<hbm>>
      %dma_start3A_41 = tpu.memref_squeeze %dma_start3A_40 : memref<1x10000xf32, #tpu.memory_space<hbm>> -> memref<10000xf32, #tpu.memory_space<hbm>>
      tpu.enqueue_dma source(%arg8 : memref<10000xf32, #tpu.memory_space<vmem>>) target(%dma_start3A_41 : memref<10000xf32, #tpu.memory_space<hbm>>) target_semaphore(%run_scoped3A : memref<!tpu.dma_semaphore, #tpu.memory_space<semaphore_mem>>)
      %dma_wait3A = arith.constant 0 : i32
      %dma_wait3A_42 = tpu.memref_slice %arg5[%add3A, %dma_wait3A] : memref<32x10000xf32, #tpu.memory_space<hbm>> -> memref<1x10000xf32, #tpu.memory_space<hbm>>
      %dma_wait3A_43 = tpu.memref_squeeze %dma_wait3A_42 : memref<1x10000xf32, #tpu.memory_space<hbm>> -> memref<10000xf32, #tpu.memory_space<hbm>>
      %dma_wait3A_44 = arith.constant 0 : i32
      %dma_wait3A_45 = tpu.memref_slice %arg5[%add3A, %dma_wait3A_44] : memref<32x10000xf32, #tpu.memory_space<hbm>> -> memref<1x10000xf32, #tpu.memory_space<hbm>>
      %dma_wait3A_46 = tpu.memref_squeeze %dma_wait3A_45 : memref<1x10000xf32, #tpu.memory_space<hbm>> -> memref<10000xf32, #tpu.memory_space<hbm>>
      tpu.wait_dma2 semaphore(%run_scoped3A : memref<!tpu.dma_semaphore, #tpu.memory_space<semaphore_mem>>) src(%arg8 : memref<10000xf32, #tpu.memory_space<vmem>>) dst(%dma_wait3A_46 : memref<10000xf32, #tpu.memory_space<hbm>>)
      tpu.yield
    }) : () -> ()
    return
  }
}

module attributes {stable_mosaic.version = 14 : i64} {
  func.func @_prep_body(%arg0: i32, %arg1: memref<2000x128xf32, #tpu.memory_space<vmem>>, %arg2: memref<128x16xf32, #tpu.memory_space<vmem>>, %arg3: memref<128x16xf32, #tpu.memory_space<vmem>>, %arg4: memref<1x16xf32, #tpu.memory_space<vmem>>, %arg5: memref<128x128xf32, #tpu.memory_space<vmem>>, %arg6: memref<1x128xf32, #tpu.memory_space<vmem>>, %arg7: memref<2000x16xf32, #tpu.memory_space<vmem>>, %arg8: memref<2000x16xf32, #tpu.memory_space<vmem>>, %arg9: memref<2000x128xf32, #tpu.memory_space<vmem>>) attributes {dimension_semantics = [#tpu.dimension_semantics<arbitrary>], iteration_bounds = array<i64: 5>, scalar_prefetch = 0 : i64, scratch_operands = 0 : i64, tpu.core_type = #tpu.core_type<tc>, window_params = [{transform_indices = @transform_0, window_bounds = array<i64: 2000, 128>}, {pipeline_mode = #tpu.pipeline_mode<synchronous>, transform_indices = @transform_1, window_bounds = array<i64: 128, 16>}, {pipeline_mode = #tpu.pipeline_mode<synchronous>, transform_indices = @transform_2, window_bounds = array<i64: 128, 16>}, {pipeline_mode = #tpu.pipeline_mode<synchronous>, transform_indices = @transform_3, window_bounds = array<i64: 1, 16>}, {pipeline_mode = #tpu.pipeline_mode<synchronous>, transform_indices = @transform_4, window_bounds = array<i64: 128, 128>}, {pipeline_mode = #tpu.pipeline_mode<synchronous>, transform_indices = @transform_5, window_bounds = array<i64: 1, 128>}, {transform_indices = @transform_6, window_bounds = array<i64: 2000, 16>}, {transform_indices = @transform_7, window_bounds = array<i64: 2000, 16>}, {transform_indices = @transform_8, window_bounds = array<i64: 2000, 128>}]} {
    %get3A = arith.constant 0 : index
    %get3A_0 = arith.constant 0 : index
    %get3A_1 = vector.load %arg1[%get3A, %get3A_0] : memref<2000x128xf32, #tpu.memory_space<vmem>>, vector<2000x128xf32>
    %get3A_2 = arith.constant 0 : index
    %get3A_3 = arith.constant 0 : index
    %get3A_4 = vector.load %arg2[%get3A_2, %get3A_3] : memref<128x16xf32, #tpu.memory_space<vmem>>, vector<128x16xf32>
    %dot_general3A = arith.constant dense<0.000000e+00> : vector<2000x16xf32>
    %dot_general3A_5 = tpu.matmul %get3A_1, %get3A_4, %dot_general3A {dimension_numbers = #tpu.dot_dimension_numbers<[1], [0], [0], [1], [0, 0, 1, 1], [], []>, transpose_lhs_hint = false} : vector<2000x128xf32>, vector<128x16xf32>, vector<2000x16xf32> -> vector<2000x16xf32>
    %get3A_6 = arith.constant 0 : index
    %get3A_7 = arith.constant 0 : index
    %get3A_8 = vector.load %arg4[%get3A_6, %get3A_7] : memref<1x16xf32, #tpu.memory_space<vmem>>, vector<1x16xf32>
    %add3A = vector.broadcast %get3A_8 : vector<1x16xf32> to vector<2000x16xf32>
    %add3A_9 = arith.addf %dot_general3A_5, %add3A : vector<2000x16xf32>
    %swap3A = arith.constant 0 : index
    %swap3A_10 = arith.constant 0 : index
    %swap3A_11 = vector.load %arg7[%swap3A, %swap3A_10] : memref<2000x16xf32, #tpu.memory_space<vmem>>, vector<2000x16xf32>
    tpu.vector_store %arg7[%swap3A, %swap3A_10], %add3A_9 {strides = array<i32>} : memref<2000x16xf32, #tpu.memory_space<vmem>>, vector<2000x16xf32>,
    %get3A_12 = arith.constant 0 : index
    %get3A_13 = arith.constant 0 : index
    %get3A_14 = vector.load %arg3[%get3A_12, %get3A_13] : memref<128x16xf32, #tpu.memory_space<vmem>>, vector<128x16xf32>
    %dot_general3A_15 = arith.constant dense<0.000000e+00> : vector<2000x16xf32>
    %dot_general3A_16 = tpu.matmul %get3A_1, %get3A_14, %dot_general3A_15 {dimension_numbers = #tpu.dot_dimension_numbers<[1], [0], [0], [1], [0, 0, 1, 1], [], []>, transpose_lhs_hint = false} : vector<2000x128xf32>, vector<128x16xf32>, vector<2000x16xf32> -> vector<2000x16xf32>
    %swap3A_17 = arith.constant 0 : index
    %swap3A_18 = arith.constant 0 : index
    %swap3A_19 = vector.load %arg8[%swap3A_17, %swap3A_18] : memref<2000x16xf32, #tpu.memory_space<vmem>>, vector<2000x16xf32>
    tpu.vector_store %arg8[%swap3A_17, %swap3A_18], %dot_general3A_16 {strides = array<i32>} : memref<2000x16xf32, #tpu.memory_space<vmem>>, vector<2000x16xf32>,
    %get3A_20 = arith.constant 0 : index
    %get3A_21 = arith.constant 0 : index
    %get3A_22 = vector.load %arg5[%get3A_20, %get3A_21] : memref<128x128xf32, #tpu.memory_space<vmem>>, vector<128x128xf32>
    %dot_general3A_23 = arith.constant dense<0.000000e+00> : vector<2000x128xf32>
    %dot_general3A_24 = tpu.matmul %get3A_1, %get3A_22, %dot_general3A_23 {dimension_numbers = #tpu.dot_dimension_numbers<[1], [0], [0], [1], [0, 0, 1, 1], [], []>, transpose_lhs_hint = false} : vector<2000x128xf32>, vector<128x128xf32>, vector<2000x128xf32> -> vector<2000x128xf32>
    %get3A_25 = arith.constant 0 : index
    %get3A_26 = arith.constant 0 : index
    %get3A_27 = vector.load %arg6[%get3A_25, %get3A_26] : memref<1x128xf32, #tpu.memory_space<vmem>>, vector<1x128xf32>
    %add3A_28 = vector.broadcast %get3A_27 : vector<1x128xf32> to vector<2000x128xf32>
    %add3A_29 = arith.addf %dot_general3A_24, %add3A_28 : vector<2000x128xf32>
    %swap3A_30 = arith.constant 0 : index
    %swap3A_31 = arith.constant 0 : index
    %swap3A_32 = vector.load %arg9[%swap3A_30, %swap3A_31] : memref<2000x128xf32, #tpu.memory_space<vmem>>, vector<2000x128xf32>
    tpu.vector_store %arg9[%swap3A_30, %swap3A_31], %add3A_29 {strides = array<i32>} : memref<2000x128xf32, #tpu.memory_space<vmem>>, vector<2000x128xf32>,
    return
  }
  func.func @transform_0(%arg0: i32) -> (i32, i32) {
    %c0_i32 = arith.constant 0 : i32
    %c0_i32_0 = arith.constant 0 : i32
    return %arg0, %c0_i32 : i32, i32
  }
  func.func @transform_1(%arg0: i32) -> (i32, i32) {
    %c0_i32 = arith.constant 0 : i32
    %c0_i32_0 = arith.constant 0 : i32
    %c0_i32_1 = arith.constant 0 : i32
    return %c0_i32, %c0_i32_0 : i32, i32
  }
  func.func @transform_2(%arg0: i32) -> (i32, i32) {
    %c0_i32 = arith.constant 0 : i32
    %c0_i32_0 = arith.constant 0 : i32
    %c0_i32_1 = arith.constant 0 : i32
    return %c0_i32, %c0_i32_0 : i32, i32
  }
  func.func @transform_3(%arg0: i32) -> (i32, i32) {
    %c0_i32 = arith.constant 0 : i32
    %c0_i32_0 = arith.constant 0 : i32
    %c0_i32_1 = arith.constant 0 : i32
    return %c0_i32, %c0_i32_0 : i32, i32
  }
  func.func @transform_4(%arg0: i32) -> (i32, i32) {
    %c0_i32 = arith.constant 0 : i32
    %c0_i32_0 = arith.constant 0 : i32
    %c0_i32_1 = arith.constant 0 : i32
    return %c0_i32, %c0_i32_0 : i32, i32
  }
  func.func @transform_5(%arg0: i32) -> (i32, i32) {
    %c0_i32 = arith.constant 0 : i32
    %c0_i32_0 = arith.constant 0 : i32
    %c0_i32_1 = arith.constant 0 : i32
    return %c0_i32, %c0_i32_0 : i32, i32
  }
  func.func @transform_6(%arg0: i32) -> (i32, i32) {
    %c0_i32 = arith.constant 0 : i32
    %c0_i32_0 = arith.constant 0 : i32
    return %arg0, %c0_i32 : i32, i32
  }
  func.func @transform_7(%arg0: i32) -> (i32, i32) {
    %c0_i32 = arith.constant 0 : i32
    %c0_i32_0 = arith.constant 0 : i32
    return %arg0, %c0_i32 : i32, i32
  }
  func.func @transform_8(%arg0: i32) -> (i32, i32) {
    %c0_i32 = arith.constant 0 : i32
    %c0_i32_0 = arith.constant 0 : i32
    return %arg0, %c0_i32 : i32, i32
  }
}

module attributes {stable_mosaic.version = 14 : i64} {
  func.func @_edge_body(%arg0: i32, %arg1: memref<320x128xf32, #tpu.memory_space<vmem>>, %arg2: memref<320x128xf32, #tpu.memory_space<vmem>>, %arg3: memref<320000x128xf32, #tpu.memory_space<any>>, %arg4: memref<128x128xf32, #tpu.memory_space<vmem>>, %arg5: memref<128x128xf32, #tpu.memory_space<vmem>>, %arg6: memref<1x128xf32, #tpu.memory_space<vmem>>, %arg7: memref<128x1024xf32, #tpu.memory_space<vmem>>, %arg8: memref<320x128xf32, #tpu.memory_space<vmem>>, %arg9: memref<2560x128xf32, #tpu.memory_space<vmem>>, %arg10: memref<2x2560x128xf32, #tpu.memory_space<vmem>>, %arg11: memref<!tpu.dma_semaphore, #tpu.memory_space<semaphore_mem>>) attributes {dimension_semantics = [#tpu.dimension_semantics<arbitrary>], iteration_bounds = array<i64: 125>, scalar_prefetch = 0 : i64, scratch_operands = 2 : i64, tpu.core_type = #tpu.core_type<tc>, window_params = [{transform_indices = @transform_0, window_bounds = array<i64: 320, 128>}, {transform_indices = @transform_1, window_bounds = array<i64: 320, 128>}, {}, {pipeline_mode = #tpu.pipeline_mode<synchronous>, transform_indices = @transform_3, window_bounds = array<i64: 128, 128>}, {pipeline_mode = #tpu.pipeline_mode<synchronous>, transform_indices = @transform_4, window_bounds = array<i64: 128, 128>}, {pipeline_mode = #tpu.pipeline_mode<synchronous>, transform_indices = @transform_5, window_bounds = array<i64: 1, 128>}, {pipeline_mode = #tpu.pipeline_mode<synchronous>, transform_indices = @transform_6, window_bounds = array<i64: 128, 1024>}, {transform_indices = @transform_7, window_bounds = array<i64: 320, 128>}, {transform_indices = @transform_8, window_bounds = array<i64: 2560, 128>}]} {
    %rem3A = arith.constant 2 : i32
    %rem3A_0 = arith.remsi %arg0, %rem3A : i32
    %eq3A = arith.constant 0 : i32
    %eq3A_1 = arith.cmpi eq, %arg0, %eq3A : i32
    %convert_element_type3A = arith.extui %eq3A_1 : i1 to i32
    %cond3A = arith.constant 0 : i32
    %cond3A_2 = arith.cmpi ne, %convert_element_type3A, %cond3A : i32
    scf.if %cond3A_2 {
      %dma_start3A = arith.constant 0 : i32
      %dma_start3A_73 = arith.constant 0 : i32
      %dma_start3A_74 = arith.constant 0 : i32
      %dma_start3A_75 = tpu.memref_slice %arg10[%dma_start3A, %dma_start3A_73, %dma_start3A_74] : memref<2x2560x128xf32, #tpu.memory_space<vmem>> -> memref<1x2560x128xf32, #tpu.memory_space<vmem>>
      %dma_start3A_76 = tpu.memref_squeeze %dma_start3A_75 : memref<1x2560x128xf32, #tpu.memory_space<vmem>> -> memref<2560x128xf32, #tpu.memory_space<vmem>>
      %dma_start3A_77 = arith.constant 0 : i32
      %dma_start3A_78 = arith.constant 0 : i32
      %dma_start3A_79 = tpu.memref_slice %arg3[%dma_start3A_77, %dma_start3A_78] : memref<320000x128xf32, #tpu.memory_space<any>> -> memref<2560x128xf32, #tpu.memory_space<any>>
      tpu.enqueue_dma source(%dma_start3A_79 : memref<2560x128xf32, #tpu.memory_space<any>>) target(%dma_start3A_76 : memref<2560x128xf32, #tpu.memory_space<vmem>>) target_semaphore(%arg11 : memref<!tpu.dma_semaphore, #tpu.memory_space<semaphore_mem>>)
    } else {
    }
    %add3A = arith.constant 1 : i32
    %add3A_3 = arith.addi %arg0, %add3A : i32
    %lt3A = arith.constant 125 : i32
    %lt3A_4 = arith.cmpi slt, %add3A_3, %lt3A : i32
    %convert_element_type3A_5 = arith.extui %lt3A_4 : i1 to i32
    %cond3A_6 = arith.constant 0 : i32
    %cond3A_7 = arith.cmpi ne, %convert_element_type3A_5, %cond3A_6 : i32
    scf.if %cond3A_7 {
      %add3A_73 = arith.constant 1 : i32
      %add3A_74 = arith.addi %arg0, %add3A_73 : i32
      %sub3A_75 = arith.constant 1 : i32
      %sub3A_76 = arith.subi %sub3A_75, %rem3A_0 : i32
      %mul3A_77 = arith.constant 2560 : i32
      %mul3A_78 = arith.muli %add3A_74, %mul3A_77 : i32
      %dma_start3A = arith.constant 0 : i32
      %dma_start3A_79 = arith.constant 0 : i32
      %dma_start3A_80 = tpu.memref_slice %arg10[%sub3A_76, %dma_start3A, %dma_start3A_79] : memref<2x2560x128xf32, #tpu.memory_space<vmem>> -> memref<1x2560x128xf32, #tpu.memory_space<vmem>>
      %dma_start3A_81 = tpu.memref_squeeze %dma_start3A_80 : memref<1x2560x128xf32, #tpu.memory_space<vmem>> -> memref<2560x128xf32, #tpu.memory_space<vmem>>
      %dma_start3A_82 = arith.constant 0 : i32
      %dma_start3A_83 = tpu.memref_slice %arg3[%mul3A_78, %dma_start3A_82] : memref<320000x128xf32, #tpu.memory_space<any>> -> memref<2560x128xf32, #tpu.memory_space<any>>
      tpu.enqueue_dma source(%dma_start3A_83 : memref<2560x128xf32, #tpu.memory_space<any>>) target(%dma_start3A_81 : memref<2560x128xf32, #tpu.memory_space<vmem>>) target_semaphore(%arg11 : memref<!tpu.dma_semaphore, #tpu.memory_space<semaphore_mem>>)
    } else {
    }
    %mul3A = arith.constant 2560 : i32
    %mul3A_8 = arith.muli %arg0, %mul3A : i32
    %dma_wait3A = arith.constant 0 : i32
    %dma_wait3A_9 = arith.constant 0 : i32
    %dma_wait3A_10 = tpu.memref_slice %arg10[%rem3A_0, %dma_wait3A, %dma_wait3A_9] : memref<2x2560x128xf32, #tpu.memory_space<vmem>> -> memref<1x2560x128xf32, #tpu.memory_space<vmem>>
    %dma_wait3A_11 = tpu.memref_squeeze %dma_wait3A_10 : memref<1x2560x128xf32, #tpu.memory_space<vmem>> -> memref<2560x128xf32, #tpu.memory_space<vmem>>
    %dma_wait3A_12 = arith.constant 0 : i32
    %dma_wait3A_13 = tpu.memref_slice %arg3[%mul3A_8, %dma_wait3A_12] : memref<320000x128xf32, #tpu.memory_space<any>> -> memref<2560x128xf32, #tpu.memory_space<any>>
    tpu.wait_dma2 semaphore(%arg11 : memref<!tpu.dma_semaphore, #tpu.memory_space<semaphore_mem>>) src(%dma_wait3A_13 : memref<2560x128xf32, #tpu.memory_space<any>>) dst(%dma_wait3A_11 : memref<2560x128xf32, #tpu.memory_space<vmem>>)
    %get3A = arith.constant 0 : index
    %get3A_14 = arith.constant 0 : index
    %get3A_15 = vector.load %arg1[%get3A, %get3A_14] : memref<320x128xf32, #tpu.memory_space<vmem>>, vector<320x128xf32>
    %get3A_16 = arith.constant 0 : index
    %get3A_17 = arith.constant 0 : index
    %get3A_18 = vector.load %arg2[%get3A_16, %get3A_17] : memref<320x128xf32, #tpu.memory_space<vmem>>, vector<320x128xf32>
    %get3A_19 = arith.constant 0 : index
    %get3A_20 = arith.constant 0 : index
    %get3A_21 = vector.load %arg4[%get3A_19, %get3A_20] : memref<128x128xf32, #tpu.memory_space<vmem>>, vector<128x128xf32>
    %dot_general3A = arith.constant dense<0.000000e+00> : vector<320x128xf32>
    %dot_general3A_22 = tpu.matmul %get3A_18, %get3A_21, %dot_general3A {dimension_numbers = #tpu.dot_dimension_numbers<[1], [0], [0], [1], [0, 0, 1, 1], [], []>, transpose_lhs_hint = false} : vector<320x128xf32>, vector<128x128xf32>, vector<320x128xf32> -> vector<320x128xf32>
    %add3A_23 = arith.addf %get3A_15, %dot_general3A_22 : vector<320x128xf32>
    %custom_jvp_call3A = arith.constant 0.000000e+00 : f32
    %max3A = vector.broadcast %custom_jvp_call3A : f32 to vector<320x128xf32>
    %max3A_24 = arith.maximumf %add3A_23, %max3A : vector<320x128xf32>
    %sub3A = vector.broadcast %custom_jvp_call3A : f32 to vector<320x128xf32>
    %sub3A_25 = arith.subf %add3A_23, %sub3A : vector<320x128xf32>
    %ne3A = arith.cmpf one, %sub3A_25, %sub3A_25 : vector<320x128xf32>
    %add3A_26 = vector.broadcast %custom_jvp_call3A : f32 to vector<320x128xf32>
    %add3A_27 = arith.addf %add3A_23, %add3A_26 : vector<320x128xf32>
    %abs3A = math.absf %sub3A_25 : vector<320x128xf32>
    %neg3A = arith.constant 0.000000e+00 : f32
    %neg3A_28 = vector.broadcast %neg3A : f32 to vector<320x128xf32>
    %neg3A_29 = arith.subf %neg3A_28, %abs3A : vector<320x128xf32>
    %exp3A = math.exp %neg3A_29 : vector<320x128xf32>
    %log1p3A = math.log1p %exp3A : vector<320x128xf32>
    %add3A_30 = arith.addf %max3A_24, %log1p3A : vector<320x128xf32>
    %select_n3A = arith.select %ne3A, %add3A_27, %add3A_30 : vector<320x128xi1>, vector<320x128xf32>
    %get3A_31 = arith.constant 0 : index
    %get3A_32 = arith.constant 0 : index
    %get3A_33 = vector.load %arg5[%get3A_31, %get3A_32] : memref<128x128xf32, #tpu.memory_space<vmem>>, vector<128x128xf32>
    %dot_general3A_34 = arith.constant dense<0.000000e+00> : vector<320x128xf32>
    %dot_general3A_35 = tpu.matmul %select_n3A, %get3A_33, %dot_general3A_34 {dimension_numbers = #tpu.dot_dimension_numbers<[1], [0], [0], [1], [0, 0, 1, 1], [], []>, transpose_lhs_hint = false} : vector<320x128xf32>, vector<128x128xf32>, vector<320x128xf32> -> vector<320x128xf32>
    %get3A_36 = arith.constant 0 : index
    %get3A_37 = arith.constant 0 : index
    %get3A_38 = vector.load %arg6[%get3A_36, %get3A_37] : memref<1x128xf32, #tpu.memory_space<vmem>>, vector<1x128xf32>
    %add3A_39 = vector.broadcast %get3A_38 : vector<1x128xf32> to vector<320x128xf32>
    %add3A_40 = arith.addf %dot_general3A_35, %add3A_39 : vector<320x128xf32>
    %swap3A = arith.constant 0 : index
    %swap3A_41 = arith.constant 0 : index
    %swap3A_42 = vector.load %arg8[%swap3A, %swap3A_41] : memref<320x128xf32, #tpu.memory_space<vmem>>, vector<320x128xf32>
    tpu.vector_store %arg8[%swap3A, %swap3A_41], %add3A_40 {strides = array<i32>} : memref<320x128xf32, #tpu.memory_space<vmem>>, vector<320x128xf32>,
    %get3A_43 = arith.constant 0 : index
    %get3A_44 = arith.constant 0 : index
    %get3A_45 = vector.load %arg7[%get3A_43, %get3A_44] : memref<128x1024xf32, #tpu.memory_space<vmem>>, vector<128x1024xf32>
    %dot_general3A_46 = arith.constant dense<0.000000e+00> : vector<320x1024xf32>
    %dot_general3A_47 = tpu.matmul %add3A_40, %get3A_45, %dot_general3A_46 {dimension_numbers = #tpu.dot_dimension_numbers<[1], [0], [0], [1], [0, 0, 1, 1], [], []>, transpose_lhs_hint = false} : vector<320x128xf32>, vector<128x1024xf32>, vector<320x1024xf32> -> vector<320x1024xf32>
    %reshape3A = vector.shape_cast %dot_general3A_47 : vector<320x1024xf32> to vector<2560x128xf32>
    %get3A_48 = arith.index_cast %rem3A_0 : i32 to index
    %get3A_49 = arith.constant 0 : index
    %get3A_50 = arith.constant 0 : index
    %get3A_51 = vector.load %arg10[%get3A_48, %get3A_49, %get3A_50] : memref<2x2560x128xf32, #tpu.memory_space<vmem>>, vector<1x2560x128xf32>
    %get3A_52 = vector.shape_cast %get3A_51 : vector<1x2560x128xf32> to vector<2560x128xf32>
    %add3A_53 = arith.addf %get3A_52, %reshape3A : vector<2560x128xf32>
    %custom_jvp_call3A_54 = arith.constant 0.000000e+00 : f32
    %max3A_55 = vector.broadcast %custom_jvp_call3A_54 : f32 to vector<2560x128xf32>
    %max3A_56 = arith.maximumf %add3A_53, %max3A_55 : vector<2560x128xf32>
    %sub3A_57 = vector.broadcast %custom_jvp_call3A_54 : f32 to vector<2560x128xf32>
    %sub3A_58 = arith.subf %add3A_53, %sub3A_57 : vector<2560x128xf32>
    %ne3A_59 = arith.cmpf one, %sub3A_58, %sub3A_58 : vector<2560x128xf32>
    %add3A_60 = vector.broadcast %custom_jvp_call3A_54 : f32 to vector<2560x128xf32>
    %add3A_61 = arith.addf %add3A_53, %add3A_60 : vector<2560x128xf32>
    %abs3A_62 = math.absf %sub3A_58 : vector<2560x128xf32>
    %neg3A_63 = arith.constant 0.000000e+00 : f32
    %neg3A_64 = vector.broadcast %neg3A_63 : f32 to vector<2560x128xf32>
    %neg3A_65 = arith.subf %neg3A_64, %abs3A_62 : vector<2560x128xf32>
    %exp3A_66 = math.exp %neg3A_65 : vector<2560x128xf32>
    %log1p3A_67 = math.log1p %exp3A_66 : vector<2560x128xf32>
    %add3A_68 = arith.addf %max3A_56, %log1p3A_67 : vector<2560x128xf32>
    %select_n3A_69 = arith.select %ne3A_59, %add3A_61, %add3A_68 : vector<2560x128xi1>, vector<2560x128xf32>
    %swap3A_70 = arith.constant 0 : index
    %swap3A_71 = arith.constant 0 : index
    %swap3A_72 = vector.load %arg9[%swap3A_70, %swap3A_71] : memref<2560x128xf32, #tpu.memory_space<vmem>>, vector<2560x128xf32>
    tpu.vector_store %arg9[%swap3A_70, %swap3A_71], %select_n3A_69 {strides = array<i32>} : memref<2560x128xf32, #tpu.memory_space<vmem>>, vector<2560x128xf32>,
    return
  }
  func.func @transform_0(%arg0: i32) -> (i32, i32) {
    %c0_i32 = arith.constant 0 : i32
    %c0_i32_0 = arith.constant 0 : i32
    return %arg0, %c0_i32 : i32, i32
  }
  func.func @transform_1(%arg0: i32) -> (i32, i32) {
    %c0_i32 = arith.constant 0 : i32
    %c0_i32_0 = arith.constant 0 : i32
    return %arg0, %c0_i32 : i32, i32
  }
  func.func @transform_3(%arg0: i32) -> (i32, i32) {
    %c0_i32 = arith.constant 0 : i32
    %c0_i32_0 = arith.constant 0 : i32
    %c0_i32_1 = arith.constant 0 : i32
    return %c0_i32, %c0_i32_0 : i32, i32
  }
  func.func @transform_4(%arg0: i32) -> (i32, i32) {
    %c0_i32 = arith.constant 0 : i32
    %c0_i32_0 = arith.constant 0 : i32
    %c0_i32_1 = arith.constant 0 : i32
    return %c0_i32, %c0_i32_0 : i32, i32
  }
  func.func @transform_5(%arg0: i32) -> (i32, i32) {
    %c0_i32 = arith.constant 0 : i32
    %c0_i32_0 = arith.constant 0 : i32
    %c0_i32_1 = arith.constant 0 : i32
    return %c0_i32, %c0_i32_0 : i32, i32
  }
  func.func @transform_6(%arg0: i32) -> (i32, i32) {
    %c0_i32 = arith.constant 0 : i32
    %c0_i32_0 = arith.constant 0 : i32
    %c0_i32_1 = arith.constant 0 : i32
    return %c0_i32, %c0_i32_0 : i32, i32
  }
  func.func @transform_7(%arg0: i32) -> (i32, i32) {
    %c0_i32 = arith.constant 0 : i32
    %c0_i32_0 = arith.constant 0 : i32
    return %arg0, %c0_i32 : i32, i32
  }
  func.func @transform_8(%arg0: i32) -> (i32, i32) {
    %c0_i32 = arith.constant 0 : i32
    %c0_i32_0 = arith.constant 0 : i32
    return %arg0, %c0_i32 : i32, i32
  }
}

module attributes {stable_mosaic.version = 14 : i64} {
  func.func @_final_body(%arg0: memref<10000x128xf32, #tpu.memory_space<vmem>>, %arg1: memref<32x10000xf32, #tpu.memory_space<vmem>>, %arg2: memref<128x128xf32, #tpu.memory_space<vmem>>, %arg3: memref<32x128xf32, #tpu.memory_space<vmem>>, %arg4: memref<10000x128xf32, #tpu.memory_space<vmem>>) attributes {dimension_semantics = [], scalar_prefetch = 0 : i64, scratch_operands = 0 : i64, tpu.core_type = #tpu.core_type<tc>} {
    %get3A = arith.constant 0 : index
    %get3A_0 = arith.constant 0 : index
    %get3A_1 = vector.load %arg0[%get3A, %get3A_0] : memref<10000x128xf32, #tpu.memory_space<vmem>>, vector<10000x128xf32>
    %get3A_2 = arith.constant 0 : index
    %get3A_3 = arith.constant 0 : index
    %get3A_4 = vector.load %arg1[%get3A_2, %get3A_3] : memref<32x10000xf32, #tpu.memory_space<vmem>>, vector<32x10000xf32>
    %get3A_5 = arith.constant 0 : index
    %get3A_6 = arith.constant 0 : index
    %get3A_7 = vector.load %arg3[%get3A_5, %get3A_6] : memref<32x128xf32, #tpu.memory_space<vmem>>, vector<32x128xf32>
    %dot_general3A = arith.constant dense<0.000000e+00> : vector<10000x128xf32>
    %dot_general3A_8 = tpu.matmul %get3A_4, %get3A_7, %dot_general3A {dimension_numbers = #tpu.dot_dimension_numbers<[0], [0], [1], [1], [0, 1, 1, 1], [], []>, transpose_lhs_hint = false} : vector<32x10000xf32>, vector<32x128xf32>, vector<10000x128xf32> -> vector<10000x128xf32>
    %get3A_9 = arith.constant 0 : index
    %get3A_10 = arith.constant 0 : index
    %get3A_11 = vector.load %arg2[%get3A_9, %get3A_10] : memref<128x128xf32, #tpu.memory_space<vmem>>, vector<128x128xf32>
    %dot_general3A_12 = arith.constant dense<0.000000e+00> : vector<10000x128xf32>
    %dot_general3A_13 = tpu.matmul %get3A_1, %get3A_11, %dot_general3A_12 {dimension_numbers = #tpu.dot_dimension_numbers<[1], [0], [0], [1], [0, 0, 1, 1], [], []>, transpose_lhs_hint = false} : vector<10000x128xf32>, vector<128x128xf32>, vector<10000x128xf32> -> vector<10000x128xf32>
    %add3A = arith.addf %dot_general3A_13, %dot_general3A_8 : vector<10000x128xf32>
    %swap3A = arith.constant 0 : index
    %swap3A_14 = arith.constant 0 : index
    %swap3A_15 = vector.load %arg4[%swap3A, %swap3A_14] : memref<10000x128xf32, #tpu.memory_space<vmem>>, vector<10000x128xf32>
    tpu.vector_store %arg4[%swap3A, %swap3A_14], %add3A {strides = array<i32>} : memref<10000x128xf32, #tpu.memory_space<vmem>>, vector<10000x128xf32>,
    return
  }
}

</mosaic_0001>

<sc_bundles>
// kernel: kernel.10.cloned.1.call-start
scs
__scs_entry_jumppad:
0x0: {  	(pc) =	sbr.rel $0x88, $3  }
0x1: {  	(tag) =	ssettag $0x0;
	lr =	simm.s32 $0x1  }
0x2: {  	[smem:$0x3F96] =	sst lr;
	_ =	strace $0xD0000000  }
0x3: {  	_ = 	snop  }
0x4: {  	_ = 	snop  }
0x5: {  	_ = 	snop  }
0x6: {  	_ = 	snop  }
0x7: {  	_ = 	snop  }
__scs_overlays_trampoline_lowered:
0x8: {  	[smem:$0x3FA5] =	sst s0  }
0x9: {  	[smem:$0x3FA6] =	sst s1  }
0xa: {  	[smem:$0x3FA7] =	sst s2  }
0xb: {  	[smem:$0x3FA8] =	sst s3  }
0xc: {  	[smem:$0x3FA9] =	sst s4  }
0xd: {  	[smem:$0x3FAA] =	sst s5  }
0xe: {  	[smem:$0x3FAB] =	sst s6  }
0xf: {  	[smem:$0x3FAC] =	sst s7  }
0x10: {  	[smem:$0x3FAD] =	sst s8  }
0x11: {  	[smem:$0x3FAE] =	sst s9;
	s0 =	simm.s32 @!p0 $0x0  }
0x12: {  	s1 =	sld [smem:$0x3F94];
	s0 =	simm.s32 @p0 $0x1  }
0x13: {  	[smem:$0x3FAF] =	sst s0;
	s0 =	simm.s32 @!p1 $0x0  }
0x14: {  	s2 =	sld [smem:$0x3F93];
	s0 =	simm.s32 @p1 $0x1  }
0x15: {  	[smem:$0x3FB0] =	sst s0;
	s0 =	simm.s32 @!p2 $0x0  }
0x16: {  	s3 =	sld [smem:$0x3FDB];
	s0 =	simm.s32 @p2 $0x1  }
0x17: {  	s4 =	simm.s32 $0x1BF5;
	[smem:$0x3FB2] =	sst s0  }
0x18: {  	s0 =	sld [smem:$0x3F95];
	_ =	swait.ge [sflag:s4], $0x0  }
0x19: {  	s7 =	sld [smem:$0x3F96]  }
0x1a: {  	s8 =	sadd.s32 $0xFFFFE003, lr  }
0x1b: {  	s9 =	sadd.s32 $0xFFFFFEF7, lr;
	s5 =	simm.s32 $0xFFFFFFFF;
	p2 =	slt.u32 s8, $0xFFFFF086  }
0x1c: {  	p1 =	slt.u32 s9, $0xF7A;
	s5 =	simm.s32 @!p2 $0x0  }
0x1d: {  	s5 =	simm.s32 @p1 $0x1;
	p0 =	seq.s32 s7, s2  }
0x1e: {  	s7 =	smul.u32 @!p0 $0xF7A, s2;
	p2 =	seq.s32 @!p0 s5, $0x0  }
0x1f: {  	s9 =	smul.u32 $0xF7A, s1;
	s8 =	simm.s32 @!p0 $0x1BF5;
	p2 =	por !p2, p0  }
0x20: {  	[sflag:s8] =	ssyncset.s32 @!p0 $0xFFFFF086;
	s6 =	sadd.s32 @!p0 s3, s7;
	s7 =	simm.s32 @!p0 $0x108  }
0x21: {  	s3 =	sadd.s32 s3, s9;
	s6 =	sadd.s32 @!p0 $0x88, s6;
	s7 =	simm.s32 @p2 $0x1082  }
0x22: {  	[simem:s7], [sflag:s8] =	dma.local @!p0 [hbm:s6], $0xF7A  }
0x23: {  	s9 =	sor.u32 $0xD0000000, s2;
	s6 =	simm.s32 $0x108;
	_ =	swait.ge @!p0 [sflag:s8], $0x0  }
0x24: {  	s3 =	sadd.s32 $0x88, s3;
	s6 =	simm.s32 @!p1 $0x1082;
	[sflag:s4] =	ssyncset.s32 $0xFFFFF086  }
0x25: {  	[simem:s6], [sflag:s4] =	dma.local [hbm:s3], $0xF7A  }
0x26: {  	[smem:$0x3F96] =	sst s1;
	(tag) =	ssettag s2;
	_ =	strace s9  }
0x27: {  	s1 =	sld [smem:$0x3FA6]  }
0x28: {  	s2 =	sld [smem:$0x3FA7]  }
0x29: {  	s4 =	sld [smem:$0x3FA9]  }
0x2a: {  	p0 =	seq.s32 s5, $0x0;
	s5 =	sld [smem:$0x3FAA]  }
0x2b: {  	s6 =	sld [smem:$0x3FAB]  }
0x2c: {  	s7 =	sld [smem:$0x3FAC]  }
0x2d: {  	s3 =	simm.s32 $0x108;
	s8 =	sld [smem:$0x3FAD]  }
0x2e: {  	s3 =	simm.s32 @!p0 $0x1082;
	s9 =	sld [smem:$0x3FAE]  }
0x2f: {  	lr =	sadd.s32 s0, s3;
	s0 =	sld [smem:$0x3FA5]  }
0x30: {  	s3 =	sld [smem:$0x3FA8]  }
0x31: {  	[smem:$0x3FB1] =	sst s10  }
0x32: {  	s10 =	sld [smem:$0x3FAF];
	_ =	sdelay $0x3  }
0x33: {  	p0 =	seq.s32 s10, $0x1;
	s10 =	sld [smem:$0x3FB1];
	_ =	sdelay $0x3  }
0x34: {  	[smem:$0x3FB1] =	sst s10  }
0x35: {  	s10 =	sld [smem:$0x3FB0];
	_ =	sdelay $0x3  }
0x36: {  	p1 =	seq.s32 s10, $0x1;
	s10 =	sld [smem:$0x3FB1];
	_ =	sdelay $0x3  }
0x37: {  	[smem:$0x3FB1] =	sst s10  }
0x38: {  	s10 =	sld [smem:$0x3FB2]  }
0x39: {  	_ = 	snop;
	(pc) =	sbr.ind lr, $3  }
0x3a: {  	_ = 	snop  }
0x3b: {  	_ = 	snop  }
0x3c: {  	p2 =	seq.s32 s10, $0x1;
	s10 =	sld [smem:$0x3FB1]  }
0x3d: {  	_ =	shalt  }
0x3e: {  	_ =	shalt  }
0x3f: {  	_ =	shalt  }
0x40: {  	_ =	shalt  }
0x41: {  	_ =	shalt  }
0x42: {  	_ =	shalt  }
0x43: {  	_ =	shalt  }
0x44: {  	_ =	shalt  }
0x45: {  	_ =	shalt  }
0x46: {  	_ =	shalt  }
0x47: {  	_ =	shalt  }
0x48: {  	_ =	shalt  }
0x49: {  	_ =	shalt  }
0x4a: {  	_ =	shalt  }
0x4b: {  	_ =	shalt  }
0x4c: {  	_ =	shalt  }
0x4d: {  	_ =	shalt  }
0x4e: {  	_ =	shalt  }
0x4f: {  	_ =	shalt  }
0x50: {  	_ =	shalt  }
0x51: {  	_ =	shalt  }
0x52: {  	_ =	shalt  }
0x53: {  	_ =	shalt  }
0x54: {  	_ =	shalt  }
0x55: {  	_ =	shalt  }
0x56: {  	_ =	shalt  }
0x57: {  	_ =	shalt  }
0x58: {  	_ =	shalt  }
0x59: {  	_ =	shalt  }
0x5a: {  	_ =	shalt  }
0x5b: {  	_ =	shalt  }
0x5c: {  	_ =	shalt  }
0x5d: {  	_ =	shalt  }
0x5e: {  	_ =	shalt  }
0x5f: {  	_ =	shalt  }
0x60: {  	_ =	shalt  }
0x61: {  	_ =	shalt  }
0x62: {  	_ =	shalt  }
0x63: {  	_ =	shalt  }
0x64: {  	_ =	shalt  }
0x65: {  	_ =	shalt  }
0x66: {  	_ =	shalt  }
0x67: {  	_ =	shalt  }
0x68: {  	_ =	shalt  }
0x69: {  	_ =	shalt  }
0x6a: {  	_ =	shalt  }
0x6b: {  	_ =	shalt  }
0x6c: {  	_ =	shalt  }
0x6d: {  	_ =	shalt  }
0x6e: {  	_ =	shalt  }
0x6f: {  	_ =	shalt  }
0x70: {  	_ =	shalt  }
0x71: {  	_ =	shalt  }
0x72: {  	_ =	shalt  }
0x73: {  	_ =	shalt  }
0x74: {  	_ =	shalt  }
0x75: {  	_ =	shalt  }
0x76: {  	_ =	shalt  }
0x77: {  	_ =	shalt  }
0x78: {  	_ =	shalt  }
0x79: {  	_ =	shalt  }
0x7a: {  	_ =	shalt  }
0x7b: {  	_ =	shalt  }
0x7c: {  	_ =	shalt  }
0x7d: {  	_ =	shalt  }
0x7e: {  	_ =	shalt  }
0x7f: {  	_ =	shalt  }
0x80: {  	_ =	shalt  }
0x81: {  	_ =	shalt  }
0x82: {  	_ =	shalt  }
0x83: {  	_ =	shalt  }
0x84: {  	_ =	shalt  }
0x85: {  	_ =	shalt  }
0x86: {  	_ =	shalt  }
0x87: {  	_ =	shalt  }
.Lfunc_end0:
.L_simem_size_0:
called_computation.1_lowered:
.L_overlay_start_0:
0x88: {  	s2 =	sld [smem:$0x3FD9]  }
0x89: {  	s3 =	sld [smem:$0x3FFE];
	_ =	sdelay $0x1  }
0x8a: {  	s1 =	srdreg.scid  }
0x8b: {  	s0 =	sand.u32 $0x1, s1  }
0x8c: {  	s14 =	sshll.u32 s0, $0xA;
	s2 =	sadd.s32 s3, s2  }
0x8d: {  	s2 =	sadd.s32 s2, s14  }
0x8e: {  	[smem:$0x3FBD] =	sst s2  }
0x8f: {  	_ = 	snop  }
0x90: {  	s2 =	sld [smem:$0x3FD0];
	_ =	sdelay $0x2  }
0x91: {  	s15 =	simm.s32 $0xA;
	s4 =	simm.s32 $0x10  }
0x92: {  	[smem:s4], [sflag:s15] =	dma.local [hbm:s2], $0x1  }
0x93: {  	_ =	swait.eq [sflag:s15], $0x1  }
0x94: {  	[sflag:s15] =	ssyncset.done $0x0  }
0x95: {  	[sflag:s15] =	ssyncadd.s32 $0xFFFFFFFF  }
0x96: {  	s16 =	sld [smem:$0x10];
	(tm) =	ssettm $0x1  }
0x97: {  	s17 =	sld [smem:$0x3FFB];
	_ =	sdelay $0x3  }
0x98: {  	_ =	strace s17  }
0x99: {  	s3 =	sld [smem:$0x3FFC];
	_ =	sdelay $0x3  }
0x9a: {  	_ =	strace s3  }
0x9b: {  	s3 =	sld [smem:$0x3FFD];
	_ =	sdelay $0x3  }
0x9c: {  	_ =	strace s3  }
0x9d: {  	_ =	strace $0x8FFFFFFF  }
0x9e: {  	s18 =	sld [smem:$0x3FDB];
	_ =	sdelay $0x1  }
0x9f: {  	s19 =	simm.s32 $_scs_section_size  }
0xa0: {  	s5 =	simm.s32 $_size__tile_overlayer_lowered;
	s6 =	simm.s32 $_tile_overlayer_lowered  }
0xa1: {  	s22 =	simm.s32 $0x1BFF;
	s21 =	sshll.u32 s6, $0x1;
	s3 =	sadd.s32 s19, s18  }
0xa2: {  	s7 =	simm.s32 $0x0;
	s20 =	sshll.u32 s5, $0x1;
	s5 =	sadd.s32 s21, s3  }
0xa3: {  	[timem:s7], [sflag:s22] =	dma.local [hbm:s5], s20  }
0xa4: {  	_ =	swait.ge [sflag:s22], s20  }
0xa5: {  	s4 =	ssub.s32 $0x0, s20;
	[sflag:s22] =	ssyncset.done $0x0  }
0xa6: {  	[sflag:s22] =	ssyncadd.s32 s4;
	_ =	sdelay $0x1  }
0xa7: {  	s23 =	simm.s32 $0x1B8B  }
0xa8: {  	_ =	swait.ge [sflag:s23], $0x1  }
0xa9: {  	[sflag:s23] =	ssyncset.done $0x0  }
0xaa: {  	s25 =	simm.s32 $0x1B8E;
	s24 =	sld [smem:$0x3FFE];
	[sflag:s23] =	ssyncadd.s32 $0xFFFFFFFF  }
0xab: {  	s26 =	simm.s32 $execute0_lowered;
	[smem:$0x3FD2] =	sst s25  }
0xac: {  	s5 =	sshll.u32 s26, $0x1;
	_ =	strace $0x80000049;
	[dreg:$0x1] =	wrdreg $0xFFFFFFFF  }
0xad: {  	s28 =	simm.s32 $_size_execute0_lowered;
	s3 =	sadd.s32 s3, s5;
	[dreg:$0x0] =	wrdreg $0x0  }
0xae: {  	s5 =	sshll.u32 s28, $0x1;
	[dreg:$0x2] =	wrdreg s3  }
0xaf: {  	[dreg:$0x3] =	wrdreg s5  }
0xb0: {  	[dreg:$0x4] =	wrdreg $0xC0  }
0xb1: {  	_ =	task [dreg:s7], $0x5FFFF  }
0xb2: {  	[dreg:$0x1] =	wrdreg $0xFFFFFFFF  }
0xb3: {  	[dreg:$0x0] =	wrdreg $0x60  }
0xb4: {  	[dreg:$0x2] =	wrdreg s24  }
0xb5: {  	[dreg:$0x3] =	wrdreg s16  }
0xb6: {  	[dreg:$0x4] =	wrdreg $0x87500  }
0xb7: {  	[dreg:$0x5] =	wrdreg $0x9  }
0xb8: {  	_ =	task.clear_ibuf [dreg:s7], $0x6FFFF;
	_ =	strace $0x90000049  }
0xb9: {  	s29 =	simm.s32 $0x9;
	_ =	strace $0x8000004B  }
0xba: {  	_ =	swait.ge [sflag:s29], $0x1  }
0xbb: {  	[sflag:s29] =	ssyncadd.s32 $0xFFFFFFFF  }
0xbc: {  	_ =	strace $0x9000004B  }
0xbd: {  	_ =	sfence  }
0xbe: {  	s30 =	sld [smem:$0x0];
	_ =	sdelay $0x2  }
0xbf: {  	s31 =	sshll.u32 s1, $0xD;
	s1 =	sshrl.u32 s1, $0x2  }
0xc0: {  	s3 =	sand.u32 $0x4000, s31;
	s1 =	sadd.s32 s1, s30  }
0xc1: {  	s0 =	sor.u32 s3, s0;
	s1 =	sshll.u32 s1, $0x11  }
0xc2: {  	s0 =	sor.u32 s1, s0  }
0xc3: {  	s0 =	sadd.s32 $0x8F2B, s0  }
0xc4: {  	[sflag:s0] =	ssyncadd.remote.s32 $0x1  }
0xc5: {  	_ =	sfence.sel $0xFFFF  }
0xc6: {  	[dreg:$0x0] =	wrdreg $0xFFFFFFFF;
	(pc) =	sbr.abs _section_cstart, $3  }
0xc7: {  	[dreg:$0x1] =	wrdreg $0xFFFFFFFF  }
0xc8: {  	_ =	task.clear_ibuf [dreg:s7], $0x2FFFF;
	_ =	strace $0x9FFFFFFF  }
0xc9: {  	(tm) =	ssettm $0x7FFFFFFF  }
tec
execute0_lowered:
.L_overlay_start_1:
0x0: {  	(tag) =	ssettag $0x1  }
0x1: {  	s0 =	rddreg [dreg:$0x0]  }
0x2: {  	s1 =	rddreg [dreg:$0x1]  }
0x3: {  	s11 =	stileid.u32;
	s3 =	srdreg.scid  }
0x4: {  	s2 =	rddreg [dreg:$0x2];
	s5 =	simm.s32 $0x0;
	s28 =	simm.s32 $0x80  }
0x5: {  	s31 =	simm.s32 $0x0;
	s3 =	sand.u32 $0x1, s3;
	s4 =	sshll.u32 s11, $0x1  }
0x6: {  	[smem:$0x7FF] =	sst s5;
	s5 =	sadd.s32 $0x5A0000, s0;
	s9 =	smul.u32 $0x27100, s11  }
0x7: {  	s6 =	sshll.u32 s11, $0x4;
	s7 =	sshll.u32 s11, $0xE;
	s15 =	smul.u32 $0x271, s11  }
0x8: {  	s8 =	ssub.s32 $0x9C4, s11;
	s4 =	sor.u32 s3, s4;
	_ =	strace $0x8000004A  }
0x9: {  	s21 =	sadd.s32 s6, s0;
	s12 =	ssub.s32 $0x2, s3;
	s18 =	sshll.u32 s3, $0x6  }
0xa: {  	s4 =	smul.u32 $0x4E2, s4;
	s13 =	sshrl.u32 s12, $0x1;
	s22 =	sor.u32 s18, s7  }
0xb: {  	s14 =	sadd.s32 $0x17E00, s21;
	s10 =	sshrl.u32 s9, $0x2;
	s17 =	sadd.s32 $0x7D, s15  }
0xc: {  	s19 =	sadd.s32 $0xFA, s15;
	s25 =	sadd.s32 $0x1F4, s15;
	[dreg:$0x4] =	wrdreg s14  }
0xd: {  	s7 =	sshrl.u32 s22, $0x3;
	s10 =	sadd.s32 s10, s2;
	s20 =	sshll.u32 s17, $0x6  }
0xe: {  	s23 =	sshll.u32 s19, $0x6;
	s26 =	sshll.u32 s19, $0x7;
	s0 =	sadd.s32 s4, s0  }
0xf: {  	s4 =	ssub.s32 s12, s13;
	s16 =	sadd.s32 s5, s7;
	s12 =	sadd.s32 s20, s2  }
0x10: {  	s20 =	sadd.s32 $0x177, s15;
	s13 =	sadd.s32 s23, s2;
	s15 =	sshll.u32 s25, $0x6  }
0x11: {  	s23 =	sor.u32 $0x10, s11;
	[dreg:$0x5] =	wrdreg s16;
	s0 =	sadd.s32 $0x4000, s0  }
0x12: {  	s4 =	smax.u32 s4, $0x1;
	s24 =	sshll.u32 s20, $0x6;
	s16 =	smul.u32 $0x13880, s11  }
0x13: {  	s15 =	sadd.s32 s15, s2;
	s29 =	sshll.u32 s20, $0x7;
	[dreg:$0x6] =	wrdreg s0  }
0x14: {  	[dreg:$0x7] =	wrdreg s4;
	s14 =	sadd.s32 s24, s2;
	s0 =	sshll.u32 s17, $0x7  }
0x15: {  	s4 =	sshll.u32 s25, $0x7;
	s19 =	sor.u32 s18, s29;
	s24 =	simm.s32 $0x6810  }
0x16: {  	s25 =	simm.s32 $0x3;
	s16 =	sor.u32 s18, s16;
	s0 =	sor.u32 s18, s0  }
0x17: {  	s4 =	sor.u32 s18, s4;
	s30 =	sshrl.u32 s19, $0x3;
	s16 =	sshrl.u32 s16, $0x3  }
0x18: {  	s0 =	sshrl.u32 s0, $0x3;
	s4 =	sshrl.u32 s4, $0x3;
	s19 =	sadd.s32 s1, s30  }
0x19: {  	s16 =	sadd.s32 s1, s16;
	s17 =	sadd.s32 s1, s0;
	s0 =	sor.u32 s18, s26  }
0x1a: {  	s20 =	sadd.s32 s1, s4;
	s4 =	sadd.s32 $0x17F00, s21;
	s0 =	sshrl.u32 s0, $0x3  }
0x1b: {  	v0 =	vimm.f32 $0.0e+00;
	s26 =	simm.s32 $0x40;
	s18 =	sadd.s32 s1, s0;
	s0 =	sor.u32 $0x40000, s22  }
.LBB2_1:
0x1c: {  	s1 =	simm.s32 $0x0  }
.LBB2_2:
0x1d: {  	p0 =	sne.s32 s1, $0x7C00  }
.Ltmp0:
0x1e: {  	s21 =	sshra.s32 s1, $0x2;
	(pc) =	sbr.rel @p0 .LBB2_2-.Ltmp0, $4  }
0x1f: {  	[tilespmem:s21+$0x6810] =	vst v0  }
0x20: {  	[tilespmem:s21+$0x6820] =	vst v0  }
0x21: {  	[tilespmem:s21+$0x6830] =	vst v0  }
0x22: {  	s1 =	sadd.s32 $0x100, s1;
	[tilespmem:s21+$0x6840] =	vst v0  }
0x23: {  	s1 =	simm.s32 $0x40;
	s21 =	simm.s32 $0x0  }
.LBB2_4:
0x24: {  	p0 =	sne.s32 s1, $0x9C00;
	[tilespmem:s21+$0x4100] =	vst v0;
	s21 =	smov.u32 s1;
	s1 =	sadd.s32 $0x40, s1  }
.Ltmp1:
0x25: {  	(pc) =	sbr.rel @p0 .LBB2_4-.Ltmp1, $2  }
0x26: {  	_ =	sdelay $0x2  }
0x27: {  	s21 =	sshra.s32 s21, $0x2  }
0x28: {  	[tilespmem:s21+$0x4100] =	vst v0  }
0x29: {  	[spmem:s10] =	stream.linear.scatter [tilespmem:s24], [sflag:$0x3], $0x1F40, $0x38;
	[tilespmem:$0x12390] =	vst v63  }
0x2a: {  	_ =	swait.ge [sflag:s25], $0x1F40  }
0x2b: {  	[sflag:s25] =	ssyncset.done $0x0  }
0x2c: {  	[sflag:s25] =	ssyncadd.s32 $0xFFFFE0C0  }
0x2d: {  	[spmem:s12] =	stream.linear.scatter [tilespmem:s24], [sflag:$0x3], $0x1F40, $0x38;
	[tilespmem:$0x12390] =	vst v63  }
0x2e: {  	_ =	swait.ge [sflag:s25], $0x1F40  }
0x2f: {  	[sflag:s25] =	ssyncset.done $0x0  }
0x30: {  	[sflag:s25] =	ssyncadd.s32 $0xFFFFE0C0  }
0x31: {  	[spmem:s13] =	stream.linear.scatter [tilespmem:s24], [sflag:$0x3], $0x1F40, $0x38;
	[tilespmem:$0x12390] =	vst v63  }
0x32: {  	_ =	swait.ge [sflag:s25], $0x1F40  }
0x33: {  	[sflag:s25] =	ssyncset.done $0x0  }
0x34: {  	[sflag:s25] =	ssyncadd.s32 $0xFFFFE0C0  }
0x35: {  	[spmem:s14] =	stream.linear.scatter [tilespmem:s24], [sflag:$0x3], $0x1F40, $0x38;
	[tilespmem:$0x12390] =	vst v63  }
0x36: {  	_ =	swait.ge [sflag:s25], $0x1F40  }
0x37: {  	[sflag:s25] =	ssyncset.done $0x0  }
0x38: {  	[sflag:s25] =	ssyncadd.s32 $0xFFFFE0C0  }
0x39: {  	[spmem:s15] =	stream.linear.scatter [tilespmem:s24], [sflag:$0x3], $0x1F40, $0x38;
	[tilespmem:$0x12390] =	vst v63  }
0x3a: {  	_ =	swait.ge [sflag:s25], $0x1F40  }
0x3b: {  	[sflag:s25] =	ssyncset.done $0x0  }
0x3c: {  	[sflag:s25] =	ssyncadd.s32 $0xFFFFE0C0  }
0x3d: {  	s1 =	simm.s32 $0x0;
	[bflag:$0x0] =	sbarrier.arrive $0xFFFF  }
0x3e: {  	s7 =	simm.s32 $0x100;
	s22 =	smov.u32 s0;
	s6 =	rddreg [dreg:$0x4]  }
0x3f: {  	[tilespmem:s1], [sflag:$0x1] =	stream.linear.gather [hbm4b:s6+s1], $0x80, $0x38;
	[tilespmem:$0x12390] =	vst v63  }
0x40: {  	s21 =	smov.u32 s4;
	s29 =	simm.s32 $0x0;
	s30 =	rddreg [dreg:$0x5]  }
0x41: {  	[tilespmem:s7], [sflag:$0x2] =	stream.strided.gather [hbm4b:s30+s26], $0x2000, s28, s26, $0x38;
	[tilespmem:$0x12390] =	vst v63  }
.LBB2_6:
0x42: {  	s30 =	sadd.s32 s1, s23  }
0x43: {  	s6 =	sand.u32 $0x1, s29;
	p0 =	sgt.u32 s30, $0x9C3  }
0x44: {  	s30 =	sxor.u32 @!p0 $0x1, s6  }
0x45: {  	s9 =	simm.s32 @!p0 $0x0;
	s7 =	sshll.u32 @!p0 s30, $0x7  }
0x46: {  	[tilespmem:s7], [sflag:$0x1] =	stream.linear.gather @!p0 [hbm4b:s21+s9], $0x80, $0x38;
	[tilespmem:$0x12390] =	vst v63  }
0x47: {  	s11 =	simm.s32 @!p0 $0x80;
	s7 =	sshll.u32 @!p0 s30, $0xD;
	s9 =	sshrl.u32 @!p0 s22, $0x3  }
0x48: {  	s30 =	simm.s32 @!p0 $0x40;
	s7 =	sor.u32 @!p0 $0x100, s7;
	s9 =	sadd.s32 @!p0 s5, s9  }
0x49: {  	[tilespmem:s7], [sflag:$0x2] =	stream.strided.gather @!p0 [hbm4b:s9+s30], $0x2000, s11, s30, $0x38;
	[tilespmem:$0x12390] =	vst v63  }
0x4a: {  	p0 =	sge.u32 s1, s8  }
0x4b: {  	s7 =	simm.s32 @!p0 $0x1  }
0x4c: {  	_ =	swait.ge @!p0 [sflag:s7], $0x80  }
0x4d: {  	[sflag:s7] =	ssyncset.done @!p0 $0x0  }
0x4e: {  	[sflag:s7] =	ssyncadd.s32 @!p0 $0xFFFFFF80;
	s7 =	simm.s32 @!p0 $0x2  }
0x4f: {  	_ =	swait.ge @!p0 [sflag:s7], $0x2000  }
0x50: {  	s9 =	sshll.u32 @!p0 s6, $0x7;
	s6 =	sshll.u32 @!p0 s6, $0xD;
	[sflag:s7] =	ssyncset.done @!p0 $0x0  }
0x51: {  	s6 =	sor.u32 @!p0 $0x100, s6;
	[sflag:s7] =	ssyncadd.s32 @!p0 $0xFFFFE000;
	s7 =	simm.s32 @!p0 $0x80  }
0x52: {  	[spmem:s2] =	stream.indirect.scatter.add.f32 @!p0 [tilespmem:s6], [sflag:$0x3], $0x40, s9, s7, $0xb8;
	[tilespmem:$0x12390] =	vst v63  }
0x53: {  	s6 =	simm.s32 @!p0 $0x3  }
0x54: {  	_ =	swait.ge @!p0 [sflag:s6], $0x2000  }
0x55: {  	p1 =	sne.s32 @!p0 s3, $0x0;
	[sflag:s6] =	ssyncset.done @!p0 $0x0  }
0x56: {  	[sflag:s6] =	ssyncadd.s32 @!p0 $0xFFFFE000;
	p0 =	por p1, p0  }
0x57: {  	v1 =	vld @!p0 [tilespmem:s9+$0x0];
	_ =	sdelay $0x6  }
0x58: {  	v2 =	vimm.f32 @!p0 $1.000000000e+00;
	s6 =	simm.s32 @!p0 $0x4100  }
0x59: {  	[tilespmem:v1+s6+$0x0] =	vst.idx.add.f32.msk @!p0 $0xffff, v2  }
0x5a: {  	v1 =	vld @!p0 [tilespmem:s9+$0x10];
	_ =	sdelay $0x7  }
0x5b: {  	[tilespmem:v1+s6+$0x0] =	vst.idx.add.f32.msk @!p0 $0xffff, v2  }
0x5c: {  	v1 =	vld @!p0 [tilespmem:s9+$0x20];
	_ =	sdelay $0x7  }
0x5d: {  	[tilespmem:v1+s6+$0x0] =	vst.idx.add.f32.msk @!p0 $0xffff, v2  }
0x5e: {  	v1 =	vld @!p0 [tilespmem:s9+$0x30];
	_ =	sdelay $0x7  }
0x5f: {  	[tilespmem:v1+s6+$0x0] =	vst.idx.add.f32.msk @!p0 $0xffff, v2  }
0x60: {  	v1 =	vld @!p0 [tilespmem:s9+$0x40];
	_ =	sdelay $0x7  }
0x61: {  	[tilespmem:v1+s6+$0x0] =	vst.idx.add.f32.msk @!p0 $0xffff, v2  }
0x62: {  	v1 =	vld @!p0 [tilespmem:s9+$0x50];
	_ =	sdelay $0x7  }
0x63: {  	[tilespmem:v1+s6+$0x0] =	vst.idx.add.f32.msk @!p0 $0xffff, v2  }
0x64: {  	v1 =	vld @!p0 [tilespmem:s9+$0x60];
	_ =	sdelay $0x7  }
0x65: {  	[tilespmem:v1+s6+$0x0] =	vst.idx.add.f32.msk @!p0 $0xffff, v2  }
0x66: {  	v1 =	vld @!p0 [tilespmem:s9+$0x70];
	_ =	sdelay $0x1  }
0x67: {  	s29 =	sadd.s32 $0x1, s29  }
0x68: {  	p1 =	sne.s32 s29, $0x9D  }
.Ltmp2:
0x69: {  	_ = 	snop;
	(pc) =	sbr.rel @p1 .LBB2_6-.Ltmp2, $2  }
0x6a: {  	_ =	sdelay $0x2  }
0x6b: {  	s21 =	sadd.s32 $0x100, s21;
	s22 =	sadd.s32 $0x40000, s22;
	s1 =	sadd.s32 $0x10, s1;
	[tilespmem:v1+s6+$0x0] =	vst.idx.add.f32.msk @!p0 $0xffff, v2  }
0x6c: {  	[bflag:$0x0] =	sbarrier.arrive $0xFFFF  }
0x6d: {  	[tilespmem:s24], [sflag:$0x3] =	stream.linear.gather [spmem:s10], $0x1F40, $0x38;
	[tilespmem:$0x12390] =	vst v63  }
0x6e: {  	_ =	swait.ge [sflag:s25], $0x1F40  }
0x6f: {  	[sflag:s25] =	ssyncset.done $0x0  }
0x70: {  	[sflag:s25] =	ssyncadd.s32 $0xFFFFE0C0  }
0x71: {  	[hbm4b:s16+s26] =	stream.strided.scatter [tilespmem:s24], [sflag:$0x3], $0x1F40, s28, s26, $0x38;
	[tilespmem:$0x12390] =	vst v63  }
0x72: {  	_ =	swait.ge [sflag:s25], $0x1F40  }
0x73: {  	[sflag:s25] =	ssyncset.done $0x0  }
0x74: {  	[sflag:s25] =	ssyncadd.s32 $0xFFFFE0C0  }
0x75: {  	[tilespmem:s24], [sflag:$0x3] =	stream.linear.gather [spmem:s12], $0x1F40, $0x38;
	[tilespmem:$0x12390] =	vst v63  }
0x76: {  	_ =	swait.ge [sflag:s25], $0x1F40  }
0x77: {  	[sflag:s25] =	ssyncset.done $0x0  }
0x78: {  	[sflag:s25] =	ssyncadd.s32 $0xFFFFE0C0  }
0x79: {  	[hbm4b:s17+s26] =	stream.strided.scatter [tilespmem:s24], [sflag:$0x3], $0x1F40, s28, s26, $0x38;
	[tilespmem:$0x12390] =	vst v63  }
0x7a: {  	_ =	swait.ge [sflag:s25], $0x1F40  }
0x7b: {  	[sflag:s25] =	ssyncset.done $0x0  }
0x7c: {  	[sflag:s25] =	ssyncadd.s32 $0xFFFFE0C0  }
0x7d: {  	[tilespmem:s24], [sflag:$0x3] =	stream.linear.gather [spmem:s13], $0x1F40, $0x38;
	[tilespmem:$0x12390] =	vst v63  }
0x7e: {  	_ =	swait.ge [sflag:s25], $0x1F40  }
0x7f: {  	[sflag:s25] =	ssyncset.done $0x0  }
0x80: {  	[sflag:s25] =	ssyncadd.s32 $0xFFFFE0C0  }
0x81: {  	[hbm4b:s18+s26] =	stream.strided.scatter [tilespmem:s24], [sflag:$0x3], $0x1F40, s28, s26, $0x38;
	[tilespmem:$0x12390] =	vst v63  }
0x82: {  	_ =	swait.ge [sflag:s25], $0x1F40  }
0x83: {  	[sflag:s25] =	ssyncset.done $0x0  }
0x84: {  	[sflag:s25] =	ssyncadd.s32 $0xFFFFE0C0  }
0x85: {  	[tilespmem:s24], [sflag:$0x3] =	stream.linear.gather [spmem:s14], $0x1F40, $0x38;
	[tilespmem:$0x12390] =	vst v63  }
0x86: {  	_ =	swait.ge [sflag:s25], $0x1F40  }
0x87: {  	[sflag:s25] =	ssyncset.done $0x0  }
0x88: {  	[sflag:s25] =	ssyncadd.s32 $0xFFFFE0C0  }
0x89: {  	[hbm4b:s19+s26] =	stream.strided.scatter [tilespmem:s24], [sflag:$0x3], $0x1F40, s28, s26, $0x38;
	[tilespmem:$0x12390] =	vst v63  }
0x8a: {  	_ =	swait.ge [sflag:s25], $0x1F40  }
0x8b: {  	[sflag:s25] =	ssyncset.done $0x0  }
0x8c: {  	[sflag:s25] =	ssyncadd.s32 $0xFFFFE0C0  }
0x8d: {  	[tilespmem:s24], [sflag:$0x3] =	stream.linear.gather [spmem:s15], $0x1F40, $0x38;
	[tilespmem:$0x12390] =	vst v63  }
0x8e: {  	_ =	swait.ge [sflag:s25], $0x1F40  }
0x8f: {  	[sflag:s25] =	ssyncset.done $0x0  }
0x90: {  	[sflag:s25] =	ssyncadd.s32 $0xFFFFE0C0  }
0x91: {  	[hbm4b:s20+s26] =	stream.strided.scatter [tilespmem:s24], [sflag:$0x3], $0x1F40, s28, s26, $0x38;
	[tilespmem:$0x12390] =	vst v63  }
0x92: {  	_ =	swait.ge [sflag:s25], $0x1F40  }
0x93: {  	s1 =	simm.s32 $0x0;
	[sflag:s25] =	ssyncset.done $0x0  }
0x94: {  	s7 =	simm.s32 $0x4100;
	s6 =	rddreg [dreg:$0x6];
	[sflag:s25] =	ssyncadd.s32 $0xFFFFE0C0  }
0x95: {  	[hbm4b:s6+s1] =	stream.linear.scatter [tilespmem:s7], [sflag:$0x3], $0x2710, $0x38;
	[tilespmem:$0x12390] =	vst v63  }
0x96: {  	_ =	swait.ge [sflag:s25], $0x2710  }
0x97: {  	s31 =	sadd.s32 $0x1, s31;
	s30 =	rddreg [dreg:$0x7]  }
0x98: {  	p0 =	sne.s32 s31, s30  }
.Ltmp3:
0x99: {  	_ = 	snop;
	(pc) =	sbr.rel @p0 .LBB2_1-.Ltmp3, $3  }
0x9a: {  	_ =	sdelay $0x1  }
0x9b: {  	[sflag:s25] =	ssyncset.done $0x0  }
0x9c: {  	[sflag:s25] =	ssyncadd.s32 $0xFFFFD8F0  }
0x9d: {  	_ =	sfence.sel $0x180000  }
0x9e: {  	[bflag:$0x0] =	sbarrier.arrive $0xFFFF  }
0x9f: {  	_ =	strace $0x9000004A  }
0xa0: {  	s0 =	stileid.u32;
	[bflag:$0x2] =	sbarrier.arrive $0xFFFF  }
0xa1: {  	p0 =	sne.s32 s0, $0x0;
	s0 =	rddreg [dreg:$0x3]  }
0xa2: {  	s0 =	sadd.s32 @!p0 $0x100000, s0  }
0xa3: {  	[sflag:s0] =	ssyncadd.tile.s32 @!p0 $0x1;
	_ =	shalt  }
.Lfunc_end2:
_tile_overlayer_lowered:
.L_overlay_start_2:
0xa4: {  	(tag) =	ssettag $0x2  }
0xa5: {  	s0 =	rddreg [dreg:$0x0];
	s2 =	stileid.u32  }
0xa6: {  	s1 =	rddreg [dreg:$0x1];
	p0 =	sne.s32 s2, $0x0  }
0xa7: {  	s3 =	rddreg [dreg:$0x2];
	[bflag:$0x3] =	sbarrier.arrive $0xFFFF;
	s2 =	simm.s32 @!p0 $0x1C03  }
0xa8: {  	[timem:s3], [sflag:s2] =	dma.local @!p0 [hbm:s0], s1  }
0xa9: {  	s0 =	simm.s32 @!p0 $0x3  }
0xaa: {  	_ =	swait.ge @!p0 [sflag:s0], s1  }
0xab: {  	s1 =	ssub.s32 @!p0 $0x0, s1;
	[sflag:s0] =	ssyncset.done @!p0 $0x0  }
0xac: {  	[sflag:s0] =	ssyncadd.s32 @!p0 s1  }
0xad: {  	[bflag:$0x3] =	sbarrier.arrive $0xFFFF  }
0xae: {  	_ =	shalt  }

// kernel: kernel.7.cloned.1.call-start
scs
__scs_entry_jumppad:
0x0: {  	(pc) =	sbr.rel $0x88, $3  }
0x1: {  	(tag) =	ssettag $0x0;
	lr =	simm.s32 $0x1  }
0x2: {  	[smem:$0x3F96] =	sst lr;
	_ =	strace $0xD0000000  }
0x3: {  	_ = 	snop  }
0x4: {  	_ = 	snop  }
0x5: {  	_ = 	snop  }
0x6: {  	_ = 	snop  }
0x7: {  	_ = 	snop  }
__scs_overlays_trampoline_lowered:
0x8: {  	[smem:$0x3FA5] =	sst s0  }
0x9: {  	[smem:$0x3FA6] =	sst s1  }
0xa: {  	[smem:$0x3FA7] =	sst s2  }
0xb: {  	[smem:$0x3FA8] =	sst s3  }
0xc: {  	[smem:$0x3FA9] =	sst s4  }
0xd: {  	[smem:$0x3FAA] =	sst s5  }
0xe: {  	[smem:$0x3FAB] =	sst s6  }
0xf: {  	[smem:$0x3FAC] =	sst s7  }
0x10: {  	[smem:$0x3FAD] =	sst s8  }
0x11: {  	[smem:$0x3FAE] =	sst s9;
	s0 =	simm.s32 @!p0 $0x0  }
0x12: {  	s1 =	sld [smem:$0x3F94];
	s0 =	simm.s32 @p0 $0x1  }
0x13: {  	[smem:$0x3FAF] =	sst s0;
	s0 =	simm.s32 @!p1 $0x0  }
0x14: {  	s2 =	sld [smem:$0x3F93];
	s0 =	simm.s32 @p1 $0x1  }
0x15: {  	[smem:$0x3FB0] =	sst s0;
	s0 =	simm.s32 @!p2 $0x0  }
0x16: {  	s3 =	sld [smem:$0x3FDB];
	s0 =	simm.s32 @p2 $0x1  }
0x17: {  	s4 =	simm.s32 $0x1BF5;
	[smem:$0x3FB2] =	sst s0  }
0x18: {  	s0 =	sld [smem:$0x3F95];
	_ =	swait.ge [sflag:s4], $0x0  }
0x19: {  	s7 =	sld [smem:$0x3F96]  }
0x1a: {  	s8 =	sadd.s32 $0xFFFFE003, lr  }
0x1b: {  	s9 =	sadd.s32 $0xFFFFFEF7, lr;
	s5 =	simm.s32 $0xFFFFFFFF;
	p2 =	slt.u32 s8, $0xFFFFF086  }
0x1c: {  	p1 =	slt.u32 s9, $0xF7A;
	s5 =	simm.s32 @!p2 $0x0  }
0x1d: {  	s5 =	simm.s32 @p1 $0x1;
	p0 =	seq.s32 s7, s2  }
0x1e: {  	s7 =	smul.u32 @!p0 $0xF7A, s2;
	p2 =	seq.s32 @!p0 s5, $0x0  }
0x1f: {  	s9 =	smul.u32 $0xF7A, s1;
	s8 =	simm.s32 @!p0 $0x1BF5;
	p2 =	por !p2, p0  }
0x20: {  	[sflag:s8] =	ssyncset.s32 @!p0 $0xFFFFF086;
	s6 =	sadd.s32 @!p0 s3, s7;
	s7 =	simm.s32 @!p0 $0x108  }
0x21: {  	s3 =	sadd.s32 s3, s9;
	s6 =	sadd.s32 @!p0 $0x88, s6;
	s7 =	simm.s32 @p2 $0x1082  }
0x22: {  	[simem:s7], [sflag:s8] =	dma.local @!p0 [hbm:s6], $0xF7A  }
0x23: {  	s9 =	sor.u32 $0xD0000000, s2;
	s6 =	simm.s32 $0x108;
	_ =	swait.ge @!p0 [sflag:s8], $0x0  }
0x24: {  	s3 =	sadd.s32 $0x88, s3;
	s6 =	simm.s32 @!p1 $0x1082;
	[sflag:s4] =	ssyncset.s32 $0xFFFFF086  }
0x25: {  	[simem:s6], [sflag:s4] =	dma.local [hbm:s3], $0xF7A  }
0x26: {  	[smem:$0x3F96] =	sst s1;
	(tag) =	ssettag s2;
	_ =	strace s9  }
0x27: {  	s1 =	sld [smem:$0x3FA6]  }
0x28: {  	s2 =	sld [smem:$0x3FA7]  }
0x29: {  	s4 =	sld [smem:$0x3FA9]  }
0x2a: {  	p0 =	seq.s32 s5, $0x0;
	s5 =	sld [smem:$0x3FAA]  }
0x2b: {  	s6 =	sld [smem:$0x3FAB]  }
0x2c: {  	s7 =	sld [smem:$0x3FAC]  }
0x2d: {  	s3 =	simm.s32 $0x108;
	s8 =	sld [smem:$0x3FAD]  }
0x2e: {  	s3 =	simm.s32 @!p0 $0x1082;
	s9 =	sld [smem:$0x3FAE]  }
0x2f: {  	lr =	sadd.s32 s0, s3;
	s0 =	sld [smem:$0x3FA5]  }
0x30: {  	s3 =	sld [smem:$0x3FA8]  }
0x31: {  	[smem:$0x3FB1] =	sst s10  }
0x32: {  	s10 =	sld [smem:$0x3FAF];
	_ =	sdelay $0x3  }
0x33: {  	p0 =	seq.s32 s10, $0x1;
	s10 =	sld [smem:$0x3FB1];
	_ =	sdelay $0x3  }
0x34: {  	[smem:$0x3FB1] =	sst s10  }
0x35: {  	s10 =	sld [smem:$0x3FB0];
	_ =	sdelay $0x3  }
0x36: {  	p1 =	seq.s32 s10, $0x1;
	s10 =	sld [smem:$0x3FB1];
	_ =	sdelay $0x3  }
0x37: {  	[smem:$0x3FB1] =	sst s10  }
0x38: {  	s10 =	sld [smem:$0x3FB2]  }
0x39: {  	_ = 	snop;
	(pc) =	sbr.ind lr, $3  }
0x3a: {  	_ = 	snop  }
0x3b: {  	_ = 	snop  }
0x3c: {  	p2 =	seq.s32 s10, $0x1;
	s10 =	sld [smem:$0x3FB1]  }
0x3d: {  	_ =	shalt  }
0x3e: {  	_ =	shalt  }
0x3f: {  	_ =	shalt  }
0x40: {  	_ =	shalt  }
0x41: {  	_ =	shalt  }
0x42: {  	_ =	shalt  }
0x43: {  	_ =	shalt  }
0x44: {  	_ =	shalt  }
0x45: {  	_ =	shalt  }
0x46: {  	_ =	shalt  }
0x47: {  	_ =	shalt  }
0x48: {  	_ =	shalt  }
0x49: {  	_ =	shalt  }
0x4a: {  	_ =	shalt  }
0x4b: {  	_ =	shalt  }
0x4c: {  	_ =	shalt  }
0x4d: {  	_ =	shalt  }
0x4e: {  	_ =	shalt  }
0x4f: {  	_ =	shalt  }
0x50: {  	_ =	shalt  }
0x51: {  	_ =	shalt  }
0x52: {  	_ =	shalt  }
0x53: {  	_ =	shalt  }
0x54: {  	_ =	shalt  }
0x55: {  	_ =	shalt  }
0x56: {  	_ =	shalt  }
0x57: {  	_ =	shalt  }
0x58: {  	_ =	shalt  }
0x59: {  	_ =	shalt  }
0x5a: {  	_ =	shalt  }
0x5b: {  	_ =	shalt  }
0x5c: {  	_ =	shalt  }
0x5d: {  	_ =	shalt  }
0x5e: {  	_ =	shalt  }
0x5f: {  	_ =	shalt  }
0x60: {  	_ =	shalt  }
0x61: {  	_ =	shalt  }
0x62: {  	_ =	shalt  }
0x63: {  	_ =	shalt  }
0x64: {  	_ =	shalt  }
0x65: {  	_ =	shalt  }
0x66: {  	_ =	shalt  }
0x67: {  	_ =	shalt  }
0x68: {  	_ =	shalt  }
0x69: {  	_ =	shalt  }
0x6a: {  	_ =	shalt  }
0x6b: {  	_ =	shalt  }
0x6c: {  	_ =	shalt  }
0x6d: {  	_ =	shalt  }
0x6e: {  	_ =	shalt  }
0x6f: {  	_ =	shalt  }
0x70: {  	_ =	shalt  }
0x71: {  	_ =	shalt  }
0x72: {  	_ =	shalt  }
0x73: {  	_ =	shalt  }
0x74: {  	_ =	shalt  }
0x75: {  	_ =	shalt  }
0x76: {  	_ =	shalt  }
0x77: {  	_ =	shalt  }
0x78: {  	_ =	shalt  }
0x79: {  	_ =	shalt  }
0x7a: {  	_ =	shalt  }
0x7b: {  	_ =	shalt  }
0x7c: {  	_ =	shalt  }
0x7d: {  	_ =	shalt  }
0x7e: {  	_ =	shalt  }
0x7f: {  	_ =	shalt  }
0x80: {  	_ =	shalt  }
0x81: {  	_ =	shalt  }
0x82: {  	_ =	shalt  }
0x83: {  	_ =	shalt  }
0x84: {  	_ =	shalt  }
0x85: {  	_ =	shalt  }
0x86: {  	_ =	shalt  }
0x87: {  	_ =	shalt  }
.Lfunc_end0:
.L_simem_size_0:
called_computation_lowered:
.L_overlay_start_0:
0x88: {  	s2 =	sld [smem:$0x3FD9]  }
0x89: {  	s3 =	sld [smem:$0x3FFE];
	_ =	sdelay $0x1  }
0x8a: {  	s1 =	srdreg.scid  }
0x8b: {  	s0 =	sand.u32 $0x1, s1  }
0x8c: {  	s14 =	sshll.u32 s0, $0xA;
	s2 =	sadd.s32 s3, s2  }
0x8d: {  	s2 =	sadd.s32 s2, s14  }
0x8e: {  	[smem:$0x3FBD] =	sst s2  }
0x8f: {  	_ = 	snop  }
0x90: {  	s2 =	sld [smem:$0x3FD0];
	_ =	sdelay $0x2  }
0x91: {  	s15 =	simm.s32 $0xA;
	s4 =	simm.s32 $0x10  }
0x92: {  	[smem:s4], [sflag:s15] =	dma.local [hbm:s2], $0x1  }
0x93: {  	_ =	swait.eq [sflag:s15], $0x1  }
0x94: {  	[sflag:s15] =	ssyncset.done $0x0  }
0x95: {  	[sflag:s15] =	ssyncadd.s32 $0xFFFFFFFF  }
0x96: {  	s16 =	sld [smem:$0x10];
	(tm) =	ssettm $0x1  }
0x97: {  	s17 =	sld [smem:$0x3FFB];
	_ =	sdelay $0x3  }
0x98: {  	_ =	strace s17  }
0x99: {  	s3 =	sld [smem:$0x3FFC];
	_ =	sdelay $0x3  }
0x9a: {  	_ =	strace s3  }
0x9b: {  	s3 =	sld [smem:$0x3FFD];
	_ =	sdelay $0x3  }
0x9c: {  	_ =	strace s3  }
0x9d: {  	_ =	strace $0x8FFFFFFF  }
0x9e: {  	s18 =	sld [smem:$0x3FDB];
	_ =	sdelay $0x1  }
0x9f: {  	s19 =	simm.s32 $_scs_section_size  }
0xa0: {  	s5 =	simm.s32 $_size__tile_overlayer_lowered;
	s6 =	simm.s32 $_tile_overlayer_lowered  }
0xa1: {  	s22 =	simm.s32 $0x1BFF;
	s21 =	sshll.u32 s6, $0x1;
	s3 =	sadd.s32 s19, s18  }
0xa2: {  	s7 =	simm.s32 $0x0;
	s20 =	sshll.u32 s5, $0x1;
	s5 =	sadd.s32 s21, s3  }
0xa3: {  	[timem:s7], [sflag:s22] =	dma.local [hbm:s5], s20  }
0xa4: {  	_ =	swait.ge [sflag:s22], s20  }
0xa5: {  	s4 =	ssub.s32 $0x0, s20;
	[sflag:s22] =	ssyncset.done $0x0  }
0xa6: {  	[sflag:s22] =	ssyncadd.s32 s4;
	_ =	sdelay $0x1  }
0xa7: {  	s23 =	simm.s32 $0x1B8B  }
0xa8: {  	_ =	swait.ge [sflag:s23], $0x1  }
0xa9: {  	[sflag:s23] =	ssyncset.done $0x0  }
0xaa: {  	s25 =	simm.s32 $0x1B8E;
	s24 =	sld [smem:$0x3FFE];
	[sflag:s23] =	ssyncadd.s32 $0xFFFFFFFF  }
0xab: {  	s26 =	simm.s32 $execute0_lowered;
	[smem:$0x3FD2] =	sst s25  }
0xac: {  	s5 =	sshll.u32 s26, $0x1;
	_ =	strace $0x80000046;
	[dreg:$0x1] =	wrdreg $0xFFFFFFFF  }
0xad: {  	s28 =	simm.s32 $_size_execute0_lowered;
	s3 =	sadd.s32 s3, s5;
	[dreg:$0x0] =	wrdreg $0x0  }
0xae: {  	s5 =	sshll.u32 s28, $0x1;
	[dreg:$0x2] =	wrdreg s3  }
0xaf: {  	[dreg:$0x3] =	wrdreg s5  }
0xb0: {  	[dreg:$0x4] =	wrdreg $0xC0  }
0xb1: {  	_ =	task [dreg:s7], $0x5FFFF  }
0xb2: {  	[dreg:$0x1] =	wrdreg $0xFFFFFFFF  }
0xb3: {  	[dreg:$0x0] =	wrdreg $0x60  }
0xb4: {  	[dreg:$0x2] =	wrdreg s24  }
0xb5: {  	[dreg:$0x3] =	wrdreg s16  }
0xb6: {  	[dreg:$0x4] =	wrdreg $0x9  }
0xb7: {  	_ =	task.clear_ibuf [dreg:s7], $0x5FFFF;
	_ =	strace $0x90000046  }
0xb8: {  	s29 =	simm.s32 $0x9;
	_ =	strace $0x80000048  }
0xb9: {  	_ =	swait.ge [sflag:s29], $0x1  }
0xba: {  	[sflag:s29] =	ssyncadd.s32 $0xFFFFFFFF  }
0xbb: {  	_ =	strace $0x90000048  }
0xbc: {  	_ =	sfence  }
0xbd: {  	s30 =	sld [smem:$0x0];
	_ =	sdelay $0x2  }
0xbe: {  	s31 =	sshll.u32 s1, $0xD;
	s1 =	sshrl.u32 s1, $0x2  }
0xbf: {  	s3 =	sand.u32 $0x4000, s31;
	s1 =	sadd.s32 s1, s30  }
0xc0: {  	s0 =	sor.u32 s3, s0;
	s1 =	sshll.u32 s1, $0x11  }
0xc1: {  	s0 =	sor.u32 s1, s0  }
0xc2: {  	s0 =	sadd.s32 $0x8F2B, s0  }
0xc3: {  	[sflag:s0] =	ssyncadd.remote.s32 $0x1  }
0xc4: {  	_ =	sfence.sel $0xFFFF  }
0xc5: {  	[dreg:$0x0] =	wrdreg $0xFFFFFFFF;
	(pc) =	sbr.abs _section_cstart, $3  }
0xc6: {  	[dreg:$0x1] =	wrdreg $0xFFFFFFFF  }
0xc7: {  	_ =	task.clear_ibuf [dreg:s7], $0x2FFFF;
	_ =	strace $0x9FFFFFFF  }
0xc8: {  	(tm) =	ssettm $0x7FFFFFFF  }
0xc9: {  	_ =	shalt  }
tec
execute0_lowered:
.L_overlay_start_1:
0x0: {  	(tag) =	ssettag $0x1  }
0x1: {  	s7 =	rddreg [dreg:$0x0]  }
0x2: {  	s1 =	rddreg [dreg:$0x1];
	s2 =	simm.s32 $0x0  }
0x3: {  	s0 =	stileid.u32;
	s6 =	srdreg.scid;
	s16 =	simm.s32 $0x80  }
0x4: {  	s20 =	simm.s32 $0x2;
	s21 =	simm.s32 $0x3;
	s22 =	simm.s32 $0x0  }
0x5: {  	[smem:$0x7FF] =	sst s2;
	s4 =	sadd.s32 $0x4000, s7;
	s5 =	sadd.s32 $0x9000, s7  }
0x6: {  	s11 =	sadd.s32 $0xE000, s7;
	s12 =	sadd.s32 $0x17E00, s7;
	s8 =	sshll.u32 s0, $0x9  }
0x7: {  	s13 =	sand.u32 $0x1, s6;
	s25 =	sshll.u32 s0, $0x1;
	s9 =	sshll.u32 s0, $0xC  }
0x8: {  	s31 =	sshll.u32 s0, $0x5;
	p0 =	sgt.u32 s0, $0x1;
	_ =	strace $0x80000047  }
0x9: {  	s10 =	sadd.s32 s8, s7;
	s24 =	ssub.s32 $0x2, s13;
	s6 =	sor.u32 s13, s25  }
0xa: {  	s15 =	sadd.s32 s9, s7;
	s29 =	sshll.u32 s13, $0x8;
	s30 =	sshll.u32 s13, $0xB  }
0xb: {  	s13 =	sshll.u32 s13, $0x4;
	s14 =	sshrl.u32 s24, $0x1;
	s28 =	sshll.u32 s6, $0x4  }
0xc: {  	s10 =	sadd.s32 s29, s10;
	s26 =	ssub.s32 s24, s14;
	s3 =	sadd.s32 s11, s28  }
.Ltmp0:
0xd: {  	s8 =	sadd.s32 s12, s28;
	s10 =	sadd.s32 $0x21C00, s10;
	(pc) =	sbr.rel .LBB2_1-.Ltmp0, $4  }
0xe: {  	s14 =	sadd.s32 s30, s15;
	s12 =	sadd.s32 s31, s12;
	s15 =	sadd.s32 s31, s11  }
0xf: {  	[dreg:$0x3] =	wrdreg s3;
	s9 =	smax.u32 s26, $0x1;
	s11 =	sadd.s32 $0xBE000, s14  }
0x10: {  	s12 =	sadd.s32 s13, s12;
	s13 =	sadd.s32 s13, s15;
	s14 =	simm.s32 $0x100  }
0x11: {  	s15 =	simm.s32 $0x1;
	s12 =	sadd.s32 $0x200, s12;
	s13 =	sadd.s32 $0x200, s13  }
.LBB2_5:
0x12: {  	s0 =	simm.s32 @!p0 $0x4;
	s22 =	sadd.s32 $0x1, s22  }
0x13: {  	_ =	swait.ge @!p0 [sflag:s0], $0x800;
	p1 =	sne.s32 s22, s9  }
.Ltmp1:
0x14: {  	[sflag:s0] =	ssyncset.done @!p0 $0x0;
	(pc) =	sbr.rel @!p1 .LBB2_6-.Ltmp1, $4  }
0x15: {  	[sflag:s0] =	ssyncadd.s32 @!p0 $0xFFFFF800  }
0x16: {  	_ =	swait.ge @!p0 [sflag:s0], $0x4000  }
0x17: {  	[sflag:s0] =	ssyncset.done @!p0 $0x0  }
0x18: {  	[sflag:s0] =	ssyncadd.s32 @!p0 $0xFFFFC000  }
.LBB2_1:
0x19: {  	s0 =	rddreg [dreg:$0x3]  }
0x1a: {  	[tilespmem:s2], [sflag:$0x1] =	stream.linear.gather [hbm4b:s0+s2], $0x80, $0x38;
	[tilespmem:$0xB200] =	vst v63  }
0x1b: {  	_ = 	snop  }
0x1c: {  	[tilespmem:s14], [sflag:$0x1] =	stream.linear.gather [hbm4b:s8+s2], $0x80, $0x38;
	[tilespmem:$0xB200] =	vst v63  }
0x1d: {  	_ =	swait.ge [sflag:s15], $0x80  }
0x1e: {  	[sflag:s15] =	ssyncset.done $0x0  }
0x1f: {  	[sflag:s15] =	ssyncadd.s32 $0xFFFFFF80  }
0x20: {  	_ =	swait.ge [sflag:s15], $0x80  }
0x21: {  	[sflag:s15] =	ssyncset.done $0x0  }
0x22: {  	s26 =	simm.s32 $0x200;
	[sflag:s15] =	ssyncadd.s32 $0xFFFFFF80  }
0x23: {  	[tilespmem:s26], [sflag:$0x2] =	stream.indirect.gather [hbm4b:s4+s16], $0x10, s2, s16, $0xb8;
	[tilespmem:$0xB200] =	vst v63  }
.Ltmp2:
0x24: {  	s30 =	simm.s32 $0x1200;
	s31 =	simm.s32 $0x3200;
	(pc) =	sbr.rel .LBB2_2-.Ltmp2, $4  }
0x25: {  	s23 =	smov.u32 s13;
	s24 =	smov.u32 s12;
	s25 =	simm.s32 $0x0  }
0x26: {  	[tilespmem:s30], [sflag:$0x2] =	stream.indirect.gather [hbm4b:s5+s16], $0x10, s14, s16, $0xb8;
	[tilespmem:$0xB200] =	vst v63  }
0x27: {  	s28 =	smov.u32 s10;
	s29 =	simm.s32 $0x0;
	s26 =	smov.u32 s11  }
0x28: {  	[tilespmem:s31], [sflag:$0x3] =	stream.indirect.gather [hbm4b:s1+s16], $0x80, s2, s16, $0xb8;
	[tilespmem:$0xB200] =	vst v63  }
.LBB2_4:
0x29: {  	s25 =	sadd.s32 $0x20, s25  }
0x2a: {  	p1 =	sne.s32 s25, $0x9E0  }
.Ltmp3:
0x2b: {  	_ = 	snop;
	(pc) =	sbr.rel @!p1 .LBB2_5-.Ltmp3, $3  }
0x2c: {  	_ =	sdelay $0x1  }
0x2d: {  	s28 =	sadd.s32 $0x2000, s28;
	s26 =	sadd.s32 $0x10000, s26  }
0x2e: {  	s24 =	sadd.s32 $0x200, s24;
	s23 =	sadd.s32 $0x200, s23;
	s29 =	sadd.s32 $0x1, s29  }
.LBB2_2:
0x2f: {  	s31 =	sadd.s32 s25, s6  }
0x30: {  	s30 =	sand.u32 $0x1, s29;
	s0 =	sadd.s32 $0x20, s31  }
0x31: {  	s3 =	sxor.u32 $0x1, s30;
	p1 =	sgt.u32 s0, $0x9C3  }
0x32: {  	s0 =	sshll.u32 @!p1 s3, $0x7;
	s17 =	simm.s32 @!p1 $0x0  }
0x33: {  	[tilespmem:s0], [sflag:$0x1] =	stream.linear.gather @!p1 [hbm4b:s23+s17], $0x80, $0x38;
	[tilespmem:$0xB200] =	vst v63  }
0x34: {  	p2 =	seq.s32 s25, $0x0;
	s18 =	sor.u32 @!p1 $0x100, s0  }
0x35: {  	[tilespmem:s18], [sflag:$0x1] =	stream.linear.gather @!p1 [hbm4b:s24+s17], $0x80, $0x38;
	[tilespmem:$0xB200] =	vst v63  }
0x36: {  	s17 =	simm.s32 @!p2 $0x4  }
0x37: {  	_ =	swait.ge @!p2 [sflag:s17], $0x800  }
0x38: {  	[sflag:s17] =	ssyncset.done @!p2 $0x0  }
0x39: {  	[sflag:s17] =	ssyncadd.s32 @!p2 $0xFFFFF800  }
0x3a: {  	_ =	swait.ge @!p2 [sflag:s17], $0x4000  }
0x3b: {  	[sflag:s17] =	ssyncset.done @!p2 $0x0  }
0x3c: {  	[sflag:s17] =	ssyncadd.s32 @!p2 $0xFFFFC000;
	s17 =	simm.s32 @!p1 $0x1  }
0x3d: {  	_ =	swait.ge @!p1 [sflag:s17], $0x80  }
0x3e: {  	[sflag:s17] =	ssyncset.done @!p1 $0x0  }
0x3f: {  	[sflag:s17] =	ssyncadd.s32 @!p1 $0xFFFFFF80  }
0x40: {  	_ =	swait.ge @!p1 [sflag:s17], $0x80  }
0x41: {  	s19 =	sshll.u32 @!p1 s3, $0xB;
	[sflag:s17] =	ssyncset.done @!p1 $0x0  }
0x42: {  	s7 =	simm.s32 @!p1 $0x80;
	[sflag:s17] =	ssyncadd.s32 @!p1 $0xFFFFFF80;
	s17 =	sor.u32 @!p1 $0x200, s19  }
0x43: {  	[tilespmem:s17], [sflag:$0x2] =	stream.indirect.gather @!p1 [hbm4b:s4+s7], $0x10, s0, s7, $0xb8;
	[tilespmem:$0xB200] =	vst v63  }
0x44: {  	s3 =	sshll.u32 @!p1 s3, $0xE;
	s17 =	sor.u32 @!p1 $0x1200, s19  }
0x45: {  	[tilespmem:s17], [sflag:$0x2] =	stream.indirect.gather @!p1 [hbm4b:s5+s7], $0x10, s18, s7, $0xb8;
	[tilespmem:$0xB200] =	vst v63  }
0x46: {  	s3 =	sor.u32 @!p1 $0x3200, s3  }
0x47: {  	[tilespmem:s3], [sflag:$0x3] =	stream.indirect.gather @!p1 [hbm4b:s1+s7], $0x80, s0, s7, $0xb8;
	[tilespmem:$0xB200] =	vst v63  }
0x48: {  	p1 =	sgt.u32 s31, $0x9C3  }
.Ltmp4:
0x49: {  	_ = 	snop;
	(pc) =	sbr.rel @p1 .LBB2_4-.Ltmp4, $1  }
0x4a: {  	_ =	sdelay $0x3  }
0x4b: {  	_ =	swait.ge [sflag:s20], $0x800  }
0x4c: {  	[sflag:s20] =	ssyncset.done $0x0  }
0x4d: {  	[sflag:s20] =	ssyncadd.s32 $0xFFFFF800  }
0x4e: {  	_ =	swait.ge [sflag:s20], $0x800  }
0x4f: {  	[sflag:s20] =	ssyncset.done $0x0  }
0x50: {  	s31 =	sshll.u32 s30, $0xB;
	[sflag:s20] =	ssyncadd.s32 $0xFFFFF800  }
0x51: {  	v3 =	vld [tilespmem:s31+$0x200]  }
0x52: {  	v0 =	vld [tilespmem:s31+$0x1200]  }
0x53: {  	v4 =	vld [tilespmem:s31+$0x210]  }
0x54: {  	v1 =	vld [tilespmem:s31+$0x1210]  }
0x55: {  	v6 =	vld [tilespmem:s31+$0x220]  }
0x56: {  	v2 =	vld [tilespmem:s31+$0x1220]  }
0x57: {  	v8 =	vld [tilespmem:s31+$0x230]  }
0x58: {  	v5 =	vld [tilespmem:s31+$0x1230]  }
0x59: {  	v10 =	vld [tilespmem:s31+$0x240]  }
0x5a: {  	v7 =	vld [tilespmem:s31+$0x1240]  }
0x5b: {  	v12 =	vld [tilespmem:s31+$0x250]  }
0x5c: {  	v9 =	vld [tilespmem:s31+$0x1250]  }
0x5d: {  	v14 =	vld [tilespmem:s31+$0x260]  }
0x5e: {  	v11 =	vld [tilespmem:s31+$0x1260]  }
0x5f: {  	v16 =	vld [tilespmem:s31+$0x270]  }
0x60: {  	v13 =	vld [tilespmem:s31+$0x1270]  }
0x61: {  	v18 =	vld [tilespmem:s31+$0x280]  }
0x62: {  	v15 =	vld [tilespmem:s31+$0x1280]  }
0x63: {  	v20 =	vld [tilespmem:s31+$0x290]  }
0x64: {  	v17 =	vld [tilespmem:s31+$0x1290]  }
0x65: {  	v22 =	vld [tilespmem:s31+$0x2A0]  }
0x66: {  	v19 =	vld [tilespmem:s31+$0x12A0]  }
0x67: {  	v24 =	vld [tilespmem:s31+$0x2B0]  }
0x68: {  	v21 =	vld [tilespmem:s31+$0x12B0]  }
0x69: {  	v26 =	vld [tilespmem:s31+$0x2C0]  }
0x6a: {  	v23 =	vld [tilespmem:s31+$0x12C0]  }
0x6b: {  	v28 =	vld [tilespmem:s31+$0x2D0]  }
0x6c: {  	v25 =	vld [tilespmem:s31+$0x12D0]  }
0x6d: {  	v58 =	vld [tilespmem:s31+$0x2E0]  }
0x6e: {  	v27 =	vld [tilespmem:s31+$0x12E0]  }
0x6f: {  	v59 =	vld [tilespmem:s31+$0x2F0]  }
0x70: {  	v29 =	vld [tilespmem:s31+$0x12F0]  }
0x71: {  	v50 =	vld [tilespmem:s31+$0x300]  }
0x72: {  	v30 =	vld [tilespmem:s31+$0x1300]  }
0x73: {  	v47 =	vld [tilespmem:s31+$0x310]  }
0x74: {  	v31 =	vld [tilespmem:s31+$0x1310]  }
0x75: {  	v38 =	vld [tilespmem:s31+$0x320]  }
0x76: {  	v32 =	vld [tilespmem:s31+$0x1320]  }
0x77: {  	v39 =	vld [tilespmem:s31+$0x330]  }
0x78: {  	v33 =	vld [tilespmem:s31+$0x1330]  }
0x79: {  	v36 =	vld [tilespmem:s31+$0x340]  }
0x7a: {  	v34 =	vld [tilespmem:s31+$0x1340]  }
0x7b: {  	v40 =	vld [tilespmem:s31+$0x350]  }
0x7c: {  	v35 =	vld [tilespmem:s31+$0x1350]  }
0x7d: {  	v42 =	vld [tilespmem:s31+$0x360]  }
0x7e: {  	v37 =	vld [tilespmem:s31+$0x1360]  }
0x7f: {  	v43 =	vld [tilespmem:s31+$0x370]  }
0x80: {  	v41 =	vld [tilespmem:s31+$0x1370]  }
0x81: {  	v46 =	vld [tilespmem:s31+$0x380]  }
0x82: {  	v44 =	vld [tilespmem:s31+$0x1380]  }
0x83: {  	v49 =	vld [tilespmem:s31+$0x390]  }
0x84: {  	v45 =	vld [tilespmem:s31+$0x1390]  }
0x85: {  	v52 =	vld [tilespmem:s31+$0x3A0]  }
0x86: {  	v48 =	vld [tilespmem:s31+$0x13A0]  }
0x87: {  	v54 =	vld [tilespmem:s31+$0x3B0]  }
0x88: {  	v63 =	vld [tilespmem:s31+$0x400];
	_ =	sdelay $0x4  }
0x89: {  	[tilespmem:$0x1FAE0] =	vst v63;
	v63 =	vld [tilespmem:s31+$0x1400];
	_ =	sdelay $0x4  }
0x8a: {  	[tilespmem:$0x1FAF0] =	vst v63;
	v63 =	vld [tilespmem:s31+$0x410];
	_ =	sdelay $0x4  }
0x8b: {  	[tilespmem:$0x1FB00] =	vst v63;
	v63 =	vld [tilespmem:s31+$0x1410];
	_ =	sdelay $0x4  }
0x8c: {  	[tilespmem:$0x1FB10] =	vst v63;
	v63 =	vld [tilespmem:s31+$0x420];
	_ =	sdelay $0x4  }
0x8d: {  	[tilespmem:$0x1FB20] =	vst v63;
	v63 =	vld [tilespmem:s31+$0x1420];
	_ =	sdelay $0x4  }
0x8e: {  	[tilespmem:$0x1FB30] =	vst v63;
	v63 =	vld [tilespmem:s31+$0x430];
	_ =	sdelay $0x4  }
0x8f: {  	[tilespmem:$0x1FB40] =	vst v63;
	v63 =	vld [tilespmem:s31+$0x1430];
	_ =	sdelay $0x4  }
0x90: {  	[tilespmem:$0x1FB50] =	vst v63;
	v63 =	vld [tilespmem:s31+$0x440];
	_ =	sdelay $0x4  }
0x91: {  	[tilespmem:$0x1FB60] =	vst v63;
	v63 =	vld [tilespmem:s31+$0x1440];
	_ =	sdelay $0x4  }
0x92: {  	[tilespmem:$0x1FB70] =	vst v63;
	v63 =	vld [tilespmem:s31+$0x450];
	_ =	sdelay $0x4  }
0x93: {  	[tilespmem:$0x1FB80] =	vst v63;
	v63 =	vld [tilespmem:s31+$0x1450];
	_ =	sdelay $0x4  }
0x94: {  	[tilespmem:$0x1FB90] =	vst v63;
	v63 =	vld [tilespmem:s31+$0x460];
	_ =	sdelay $0x4  }
0x95: {  	[tilespmem:$0x1FBA0] =	vst v63;
	v63 =	vld [tilespmem:s31+$0x1460];
	_ =	sdelay $0x4  }
0x96: {  	[tilespmem:$0x1FBB0] =	vst v63;
	v63 =	vld [tilespmem:s31+$0x470];
	_ =	sdelay $0x4  }
0x97: {  	[tilespmem:$0x1FBC0] =	vst v63;
	v63 =	vld [tilespmem:s31+$0x1470];
	_ =	sdelay $0x4  }
0x98: {  	[tilespmem:$0x1FBD0] =	vst v63;
	v63 =	vld [tilespmem:s31+$0x480];
	_ =	sdelay $0x4  }
0x99: {  	[tilespmem:$0x1FBE0] =	vst v63;
	v63 =	vld [tilespmem:s31+$0x1480];
	_ =	sdelay $0x4  }
0x9a: {  	[tilespmem:$0x1FBF0] =	vst v63;
	v63 =	vld [tilespmem:s31+$0x490];
	_ =	sdelay $0x4  }
0x9b: {  	[tilespmem:$0x1FC00] =	vst v63;
	v63 =	vld [tilespmem:s31+$0x1490];
	_ =	sdelay $0x4  }
0x9c: {  	[tilespmem:$0x1FC10] =	vst v63;
	v63 =	vld [tilespmem:s31+$0x4A0];
	_ =	sdelay $0x4  }
0x9d: {  	[tilespmem:$0x1FC20] =	vst v63;
	v63 =	vld [tilespmem:s31+$0x14A0];
	_ =	sdelay $0x4  }
0x9e: {  	[tilespmem:$0x1FC30] =	vst v63;
	v63 =	vld [tilespmem:s31+$0x4B0];
	_ =	sdelay $0x4  }
0x9f: {  	[tilespmem:$0x1FC40] =	vst v63;
	v63 =	vld [tilespmem:s31+$0x14B0];
	_ =	sdelay $0x4  }
0xa0: {  	[tilespmem:$0x1FC50] =	vst v63;
	v63 =	vld [tilespmem:s31+$0x4C0];
	_ =	sdelay $0x4  }
0xa1: {  	[tilespmem:$0x1FC60] =	vst v63;
	v63 =	vld [tilespmem:s31+$0x14C0];
	_ =	sdelay $0x4  }
0xa2: {  	[tilespmem:$0x1FC70] =	vst v63;
	v63 =	vld [tilespmem:s31+$0x4D0];
	_ =	sdelay $0x4  }
0xa3: {  	[tilespmem:$0x1FC80] =	vst v63;
	v63 =	vld [tilespmem:s31+$0x14D0];
	_ =	sdelay $0x4  }
0xa4: {  	[tilespmem:$0x1FC90] =	vst v63;
	v63 =	vld [tilespmem:s31+$0x4E0];
	_ =	sdelay $0x4  }
0xa5: {  	[tilespmem:$0x1FCA0] =	vst v63;
	v63 =	vld [tilespmem:s31+$0x14E0];
	_ =	sdelay $0x4  }
0xa6: {  	[tilespmem:$0x1FCB0] =	vst v63;
	v63 =	vld [tilespmem:s31+$0x4F0];
	_ =	sdelay $0x4  }
0xa7: {  	[tilespmem:$0x1FCC0] =	vst v63;
	v63 =	vld [tilespmem:s31+$0x14F0];
	_ =	sdelay $0x4  }
0xa8: {  	[tilespmem:$0x1FCD0] =	vst v63;
	v63 =	vld [tilespmem:s31+$0x500];
	_ =	sdelay $0x1  }
0xa9: {  	v51 =	vld [tilespmem:s31+$0x13B0]  }
0xaa: {  	v56 =	vld [tilespmem:s31+$0x3C0]  }
0xab: {  	v53 =	vld [tilespmem:s31+$0x13C0]  }
0xac: {  	[tilespmem:$0x1FCE0] =	vst v63;
	v63 =	vld [tilespmem:s31+$0x1500]  }
0xad: {  	v57 =	vld [tilespmem:s31+$0x3D0]  }
0xae: {  	v61 =	vld [tilespmem:s31+$0x3F0]  }
0xaf: {  	v55 =	vld [tilespmem:s31+$0x13D0]  }
0xb0: {  	v62 =	vld [tilespmem:s31+$0x3E0]  }
0xb1: {  	[tilespmem:$0x1FCF0] =	vst v63;
	v63 =	vld [tilespmem:s31+$0x510]  }
0xb2: {  	v60 =	vld [tilespmem:s31+$0x13E0]  }
0xb3: {  	[tilespmem:$0x1FAD0] =	vst v61;
	v61 =	vld [tilespmem:s31+$0x13F0]  }
0xb4: {  	v1 =	vadd.f32 v1, v4;
	v4 =	vld [tilespmem:s31+$0x1630]  }
0xb5: {  	v5 =	vadd.f32 v5, v8;
	v8 =	vld [tilespmem:s31+$0x1640]  }
0xb6: {  	[tilespmem:$0x1FD00] =	vst v63;
	v63 =	vld [tilespmem:s31+$0x1510]  }
0xb7: {  	v7 =	vadd.f32 v7, v10;
	v10 =	vld [tilespmem:s31+$0x650]  }
0xb8: {  	v9 =	vadd.f32 v9, v12;
	v12 =	vld [tilespmem:s31+$0x1650]  }
0xb9: {  	v11 =	vadd.f32 v11, v14;
	v14 =	vld [tilespmem:s31+$0x660]  }
0xba: {  	v13 =	vadd.f32 v13, v16;
	v16 =	vld [tilespmem:s31+$0x1660]  }
0xbb: {  	v0 =	vadd.f32 v0, v3;
	[tilespmem:$0x1FD10] =	vst v63;
	v63 =	vld [tilespmem:s31+$0x520]  }
0xbc: {  	v15 =	vadd.f32 v15, v18;
	v18 =	vld [tilespmem:s31+$0x670]  }
0xbd: {  	v17 =	vadd.f32 v17, v20;
	v20 =	vld [tilespmem:s31+$0x1670];
	[tilespmem:s31+$0x2200] =	vst v0  }
0xbe: {  	v19 =	vadd.f32 v19, v22;
	v22 =	vld [tilespmem:s31+$0x680];
	[tilespmem:s31+$0x2210] =	vst v1  }
0xbf: {  	v21 =	vadd.f32 v21, v24;
	v24 =	vld [tilespmem:s31+$0x1680];
	[tilespmem:s31+$0x2230] =	vst v5  }
0xc0: {  	[tilespmem:$0x1FD20] =	vst v63;
	v63 =	vld [tilespmem:s31+$0x1520]  }
0xc1: {  	v23 =	vadd.f32 v23, v26;
	v26 =	vld [tilespmem:s31+$0x690];
	[tilespmem:s31+$0x2240] =	vst v7  }
0xc2: {  	v25 =	vadd.f32 v25, v28;
	v28 =	vadd.f32 v27, v58;
	v58 =	vld [tilespmem:s31+$0x1690];
	[tilespmem:s31+$0x2250] =	vst v9  }
0xc3: {  	v29 =	vadd.f32 v29, v59;
	v59 =	vld [tilespmem:s31+$0x6A0];
	[tilespmem:s31+$0x2260] =	vst v11  }
0xc4: {  	v30 =	vadd.f32 v30, v50;
	v50 =	vld [tilespmem:s31+$0x16A0];
	[tilespmem:s31+$0x2270] =	vst v13  }
0xc5: {  	[tilespmem:$0x1FD30] =	vst v63;
	v63 =	vld [tilespmem:s31+$0x530]  }
0xc6: {  	v31 =	vadd.f32 v31, v47;
	v47 =	vld [tilespmem:s31+$0x6B0];
	[tilespmem:s31+$0x2280] =	vst v15  }
0xc7: {  	v32 =	vadd.f32 v32, v38;
	v38 =	vld [tilespmem:s31+$0x16B0];
	[tilespmem:s31+$0x2290] =	vst v17  }
0xc8: {  	v33 =	vadd.f32 v33, v39;
	v39 =	vld [tilespmem:s31+$0x6C0];
	[tilespmem:s31+$0x22A0] =	vst v19  }
0xc9: {  	v27 =	vld [tilespmem:s31+$0x6D0];
	[tilespmem:s31+$0x22B0] =	vst v21  }
0xca: {  	[tilespmem:$0x1FD40] =	vst v63;
	v63 =	vld [tilespmem:s31+$0x1530]  }
0xcb: {  	v44 =	vadd.f32 v44, v46;
	v3 =	vld [tilespmem:s31+$0x710];
	[tilespmem:s31+$0x22C0] =	vst v23  }
0xcc: {  	v46 =	vadd.f32 v45, v49;
	v49 =	vadd.f32 v51, v54;
	v54 =	vld [tilespmem:$0x1FAD0];
	[tilespmem:s31+$0x22D0] =	vst v25  }
0xcd: {  	v51 =	vadd.f32 v53, v56;
	v56 =	vld [tilespmem:$0x1FAE0];
	[tilespmem:s31+$0x22E0] =	vst v28  }
0xce: {  	v0 =	vadd.f32 v2, v6;
	v6 =	vld [tilespmem:s31+$0x640];
	[tilespmem:s31+$0x22F0] =	vst v29  }
0xcf: {  	[tilespmem:$0x1FD50] =	vst v63;
	v63 =	vld [tilespmem:s31+$0x540]  }
0xd0: {  	[tilespmem:s31+$0x2300] =	vst v30;
	v30 =	vld [tilespmem:s31+$0x16C0]  }
0xd1: {  	[tilespmem:s31+$0x2310] =	vst v31;
	v19 =	vld [tilespmem:s31+$0x6E0]  }
0xd2: {  	[tilespmem:s31+$0x2320] =	vst v32;
	v7 =	vld [tilespmem:s31+$0x6F0]  }
0xd3: {  	v36 =	vadd.f32 v34, v36;
	[tilespmem:s31+$0x2330] =	vst v33;
	v1 =	vld [tilespmem:s31+$0x700]  }
0xd4: {  	v40 =	vadd.f32 v35, v40;
	[tilespmem:$0x1FD60] =	vst v63;
	v63 =	vld [tilespmem:s31+$0x1540]  }
0xd5: {  	[tilespmem:s31+$0x2340] =	vst v36;
	v2 =	vld [tilespmem:s31+$0x1700]  }
0xd6: {  	[tilespmem:s31+$0x2350] =	vst v40;
	v5 =	vld [tilespmem:s31+$0x720]  }
0xd7: {  	[tilespmem:s31+$0x2220] =	vst v0;
	v0 =	vld [tilespmem:s31+$0x16F0]  }
0xd8: {  	[tilespmem:$0x1FFB0] =	vst v18;
	v18 =	vld [tilespmem:s31+$0x16D0]  }
0xd9: {  	[tilespmem:$0x1FD70] =	vst v63;
	v63 =	vld [tilespmem:s31+$0x550]  }
0xda: {  	[tilespmem:$0x1FF70] =	vst v10;
	v10 =	vld [tilespmem:s31+$0x16E0]  }
0xdb: {  	v42 =	vadd.f32 v37, v42;
	[tilespmem:$0x1FF40] =	vst v4;
	v4 =	vld [tilespmem:s31+$0x1710]  }
0xdc: {  	[tilespmem:$0x1FF60] =	vst v8;
	v8 =	vld [tilespmem:s31+$0x730]  }
0xdd: {  	v48 =	vadd.f32 v48, v52;
	v52 =	vadd.f32 v55, v57;
	[tilespmem:s31+$0x2360] =	vst v42;
	v57 =	vld [tilespmem:$0x1FAF0]  }
0xde: {  	v43 =	vadd.f32 v41, v43;
	[tilespmem:$0x1FD80] =	vst v63;
	v63 =	vld [tilespmem:s31+$0x1550]  }
0xdf: {  	[tilespmem:$0x1FF50] =	vst v6;
	v6 =	vld [tilespmem:s31+$0x1720]  }
0xe0: {  	[tilespmem:s31+$0x2370] =	vst v43;
	v1 =	vadd.f32 v2, v1;
	v2 =	vld [tilespmem:s31+$0x18A0]  }
0xe1: {  	[tilespmem:s31+$0x2380] =	vst v44;
	v0 =	vadd.f32 v0, v7;
	v7 =	vld [tilespmem:s31+$0x8A0]  }
0xe2: {  	v53 =	vadd.f32 v60, v62;
	[tilespmem:s31+$0x2390] =	vst v46;
	v60 =	vld [tilespmem:$0x1FB00]  }
0xe3: {  	[tilespmem:$0x1FD90] =	vst v63;
	v63 =	vld [tilespmem:s31+$0x560]  }
0xe4: {  	[tilespmem:s31+$0x23A0] =	vst v48;
	v55 =	vadd.f32 v61, v54;
	v61 =	vld [tilespmem:$0x1FB10]  }
0xe5: {  	[tilespmem:s31+$0x23B0] =	vst v49;
	v62 =	vld [tilespmem:$0x1FB20]  }
0xe6: {  	[tilespmem:$0x1FFA0] =	vst v16;
	v16 =	vld [tilespmem:$0x1FB30]  }
0xe7: {  	[tilespmem:s31+$0x23C0] =	vst v51;
	v17 =	vld [tilespmem:$0x1FB40]  }
0xe8: {  	v9 =	vadd.f32 v57, v56;
	[tilespmem:$0x1FDA0] =	vst v63;
	v63 =	vld [tilespmem:s31+$0x1560]  }
0xe9: {  	[tilespmem:$0x1FFC0] =	vst v20;
	v20 =	vld [tilespmem:$0x1FB50]  }
0xea: {  	[tilespmem:s31+$0x2400] =	vst v9;
	v9 =	vld [tilespmem:s31+$0x1730]  }
0xeb: {  	[tilespmem:$0x1FF80] =	vst v12;
	v21 =	vld [tilespmem:$0x1FB60]  }
0xec: {  	[tilespmem:$0x1FFD0] =	vst v22;
	v11 =	vadd.f32 v61, v60;
	v22 =	vld [tilespmem:$0x1FB70]  }
0xed: {  	v12 =	vadd.f32 v16, v62;
	[tilespmem:$0x1FDB0] =	vst v63;
	v63 =	vld [tilespmem:s31+$0x570]  }
0xee: {  	[tilespmem:s31+$0x2410] =	vst v11;
	v11 =	vld [tilespmem:s31+$0x740];
	v13 =	vadd.f32 v20, v17  }
0xef: {  	[tilespmem:s31+$0x2420] =	vst v12;
	v12 =	vld [tilespmem:s31+$0x1740]  }
0xf0: {  	[tilespmem:s31+$0x2430] =	vst v13;
	v13 =	vld [tilespmem:s31+$0x750]  }
0xf1: {  	[tilespmem:$0x1FF90] =	vst v14;
	v23 =	vld [tilespmem:$0x1FB80]  }
0xf2: {  	v14 =	vadd.f32 v22, v21;
	[tilespmem:$0x1FDC0] =	vst v63;
	v63 =	vld [tilespmem:s31+$0x1570]  }
0xf3: {  	[tilespmem:$0x1FFE0] =	vst v24;
	v24 =	vld [tilespmem:$0x1FB90]  }
0xf4: {  	[tilespmem:s31+$0x2440] =	vst v14;
	v14 =	vld [tilespmem:s31+$0x1750]  }
0xf5: {  	[tilespmem:s31+$0x23D0] =	vst v52;
	v12 =	vadd.f32 v12, v11;
	v11 =	vld [tilespmem:s31+$0x18E0]  }
0xf6: {  	[tilespmem:s31+$0x23E0] =	vst v53;
	v25 =	vld [tilespmem:$0x1FBA0]  }
0xf7: {  	[tilespmem:$0x1FDD0] =	vst v63;
	v63 =	vld [tilespmem:s31+$0x580]  }
0xf8: {  	[tilespmem:$0x1FFF0] =	vst v26;
	v15 =	vadd.f32 v24, v23;
	v26 =	vld [tilespmem:$0x1FBB0]  }
0xf9: {  	v14 =	vadd.f32 v14, v13;
	v13 =	vld [tilespmem:s31+$0x18F0]  }
0xfa: {  	[tilespmem:s31+$0x2450] =	vst v15;
	v15 =	vld [tilespmem:s31+$0x760]  }
0xfb: {  	v28 =	vld [tilespmem:$0x1FBC0]  }
0xfc: {  	[tilespmem:$0x1FDE0] =	vst v63;
	v63 =	vld [tilespmem:s31+$0x1580]  }
0xfd: {  	v16 =	vadd.f32 v26, v25;
	v26 =	vld [tilespmem:s31+$0x1790]  }
0xfe: {  	v29 =	vld [tilespmem:$0x1FBD0]  }
0xff: {  	v31 =	vld [tilespmem:$0x1FBE0]  }
0x100: {  	v32 =	vld [tilespmem:$0x1FBF0]  }
0x101: {  	[tilespmem:$0x1FDF0] =	vst v63;
	v63 =	vld [tilespmem:s31+$0x590]  }
0x102: {  	[tilespmem:s31+$0x2460] =	vst v16;
	v16 =	vld [tilespmem:s31+$0x1760]  }
0x103: {  	v17 =	vadd.f32 v29, v28;
	v28 =	vld [tilespmem:s31+$0x7A0]  }
0x104: {  	v29 =	vld [tilespmem:s31+$0x17A0]  }
0x105: {  	[tilespmem:s31+$0x2470] =	vst v17;
	v17 =	vld [tilespmem:s31+$0x770]  }
0x106: {  	v20 =	vadd.f32 v32, v31;
	[tilespmem:$0x1FE00] =	vst v63;
	v63 =	vld [tilespmem:s31+$0x1590]  }
0x107: {  	v33 =	vld [tilespmem:$0x1FC00]  }
0x108: {  	[tilespmem:s31+$0x2480] =	vst v20;
	v20 =	vld [tilespmem:s31+$0x1770]  }
0x109: {  	v31 =	vld [tilespmem:s31+$0x7B0]  }
0x10a: {  	v34 =	vld [tilespmem:$0x1FC10]  }
0x10b: {  	[tilespmem:$0x1FE10] =	vst v63;
	v63 =	vld [tilespmem:s31+$0x5A0]  }
0x10c: {  	[tilespmem:s31+$0x23F0] =	vst v55;
	v32 =	vld [tilespmem:s31+$0x17B0]  }
0x10d: {  	v20 =	vadd.f32 v20, v17;
	v17 =	vld [tilespmem:s31+$0x1910]  }
0x10e: {  	v35 =	vld [tilespmem:$0x1FC20]  }
0x10f: {  	v21 =	vadd.f32 v34, v33;
	v33 =	vld [tilespmem:s31+$0x7C0]  }
0x110: {  	[tilespmem:$0x1FE20] =	vst v63;
	v63 =	vld [tilespmem:s31+$0x15A0]  }
0x111: {  	v36 =	vld [tilespmem:$0x1FC30]  }
0x112: {  	v34 =	vld [tilespmem:s31+$0x17C0]  }
0x113: {  	v37 =	vld [tilespmem:$0x1FC40]  }
0x114: {  	v40 =	vld [tilespmem:$0x1FC50]  }
0x115: {  	[tilespmem:$0x1FE30] =	vst v63;
	v63 =	vld [tilespmem:s31+$0x5B0]  }
0x116: {  	[tilespmem:s31+$0x2490] =	vst v21;
	v21 =	vld [tilespmem:s31+$0x780];
	v22 =	vadd.f32 v36, v35  }
0x117: {  	v35 =	vld [tilespmem:s31+$0x7D0]  }
0x118: {  	[tilespmem:s31+$0x24A0] =	vst v22;
	v22 =	vld [tilespmem:s31+$0x1780]  }
0x119: {  	v41 =	vld [tilespmem:$0x1FC60]  }
0x11a: {  	v23 =	vadd.f32 v40, v37;
	[tilespmem:$0x1FE40] =	vst v63;
	v63 =	vld [tilespmem:s31+$0x15B0]  }
0x11b: {  	v42 =	vld [tilespmem:$0x1FC70]  }
0x11c: {  	[tilespmem:s31+$0x24B0] =	vst v23;
	v23 =	vld [tilespmem:s31+$0x790]  }
0x11d: {  	v43 =	vld [tilespmem:$0x1FC80]  }
0x11e: {  	v44 =	vld [tilespmem:$0x1FC90]  }
0x11f: {  	[tilespmem:$0x1FE50] =	vst v63;
	v63 =	vld [tilespmem:s31+$0x5C0]  }
0x120: {  	v45 =	vld [tilespmem:$0x1FCA0]  }
0x121: {  	v46 =	vld [tilespmem:$0x1FCB0]  }
0x122: {  	v48 =	vld [tilespmem:$0x1FCC0]  }
0x123: {  	v49 =	vld [tilespmem:$0x1FCD0]  }
0x124: {  	[tilespmem:$0x1FE60] =	vst v63;
	v63 =	vld [tilespmem:s31+$0x15C0]  }
0x125: {  	v51 =	vld [tilespmem:$0x1FCE0]  }
0x126: {  	v52 =	vld [tilespmem:$0x1FCF0]  }
0x127: {  	v53 =	vld [tilespmem:$0x1FD00]  }
0x128: {  	v54 =	vld [tilespmem:$0x1FD10]  }
0x129: {  	[tilespmem:$0x1FE70] =	vst v63;
	v63 =	vld [tilespmem:s31+$0x5D0]  }
0x12a: {  	v55 =	vld [tilespmem:$0x1FD20]  }
0x12b: {  	v56 =	vld [tilespmem:$0x1FD30]  }
0x12c: {  	v57 =	vld [tilespmem:$0x1FD40]  }
0x12d: {  	v60 =	vld [tilespmem:$0x1FD50]  }
0x12e: {  	v25 =	vadd.f32 v44, v43;
	[tilespmem:$0x1FE80] =	vst v63;
	v63 =	vld [tilespmem:s31+$0x15D0]  }
0x12f: {  	v24 =	vadd.f32 v42, v41;
	v61 =	vld [tilespmem:$0x1FD60]  }
0x130: {  	[tilespmem:s31+$0x24D0] =	vst v25;
	v25 =	vadd.f32 v49, v48;
	v36 =	vld [tilespmem:$0x1FD80]  }
0x131: {  	[tilespmem:s31+$0x24C0] =	vst v24;
	v37 =	vld [tilespmem:$0x1FD90]  }
0x132: {  	[tilespmem:s31+$0x24F0] =	vst v25;
	v25 =	vadd.f32 v54, v53;
	v62 =	vld [tilespmem:$0x1FD70]  }
0x133: {  	v24 =	vadd.f32 v46, v45;
	[tilespmem:$0x1FE90] =	vst v63;
	v63 =	vld [tilespmem:s31+$0x5E0]  }
0x134: {  	[tilespmem:s31+$0x2510] =	vst v25;
	v25 =	vadd.f32 v60, v57;
	v40 =	vld [tilespmem:$0x1FDA0]  }
0x135: {  	[tilespmem:s31+$0x24E0] =	vst v24;
	v24 =	vadd.f32 v52, v51;
	v41 =	vld [tilespmem:$0x1FDB0]  }
0x136: {  	[tilespmem:s31+$0x2530] =	vst v25;
	v25 =	vadd.f32 v37, v36;
	v36 =	vld [tilespmem:s31+$0x17D0]  }
0x137: {  	[tilespmem:s31+$0x2500] =	vst v24;
	v24 =	vadd.f32 v56, v55;
	v37 =	vld [tilespmem:s31+$0x7E0]  }
0x138: {  	[tilespmem:$0x1FEA0] =	vst v63;
	v63 =	vld [tilespmem:s31+$0x15E0]  }
0x139: {  	[tilespmem:s31+$0x2520] =	vst v24;
	v24 =	vadd.f32 v62, v61;
	v42 =	vld [tilespmem:$0x1FDC0]  }
0x13a: {  	v43 =	vld [tilespmem:$0x1FDD0]  }
0x13b: {  	[tilespmem:s31+$0x2540] =	vst v24;
	v24 =	vadd.f32 v41, v40;
	v40 =	vld [tilespmem:s31+$0x17E0]  }
0x13c: {  	v41 =	vld [tilespmem:s31+$0x7F0]  }
0x13d: {  	[tilespmem:$0x1FEB0] =	vst v63;
	v63 =	vld [tilespmem:s31+$0x5F0]  }
0x13e: {  	v44 =	vld [tilespmem:$0x1FDE0]  }
0x13f: {  	v45 =	vld [tilespmem:$0x1FDF0]  }
0x140: {  	v46 =	vld [tilespmem:$0x1FE00]  }
0x141: {  	[tilespmem:s31+$0x2550] =	vst v25;
	v25 =	vadd.f32 v43, v42;
	v42 =	vld [tilespmem:s31+$0x17F0]  }
0x142: {  	[tilespmem:$0x1FEC0] =	vst v63;
	v63 =	vld [tilespmem:s31+$0x15F0]  }
0x143: {  	v43 =	vld [tilespmem:s31+$0x800]  }
0x144: {  	v48 =	vld [tilespmem:$0x1FE10]  }
0x145: {  	[tilespmem:s31+$0x2560] =	vst v24;
	v24 =	vadd.f32 v45, v44;
	v44 =	vld [tilespmem:s31+$0x1800]  }
0x146: {  	v49 =	vld [tilespmem:$0x1FE20]  }
0x147: {  	[tilespmem:$0x1FED0] =	vst v63;
	v63 =	vld [tilespmem:s31+$0x600]  }
0x148: {  	v45 =	vld [tilespmem:s31+$0x810]  }
0x149: {  	v51 =	vld [tilespmem:$0x1FE30]  }
0x14a: {  	v37 =	vadd.f32 v40, v37;
	v40 =	vadd.f32 v44, v43;
	v44 =	vld [tilespmem:s31+$0x1930]  }
0x14b: {  	v52 =	vld [tilespmem:$0x1FE40]  }
0x14c: {  	[tilespmem:$0x1FEE0] =	vst v63;
	v63 =	vld [tilespmem:s31+$0x1600]  }
0x14d: {  	v53 =	vld [tilespmem:$0x1FE50]  }
0x14e: {  	[tilespmem:s31+$0x2570] =	vst v25;
	v25 =	vadd.f32 v48, v46;
	v46 =	vld [tilespmem:s31+$0x1810]  }
0x14f: {  	v48 =	vld [tilespmem:s31+$0x820]  }
0x150: {  	v54 =	vld [tilespmem:$0x1FE60]  }
0x151: {  	[tilespmem:$0x1FEF0] =	vst v63;
	v63 =	vld [tilespmem:s31+$0x610]  }
0x152: {  	[tilespmem:s31+$0x2580] =	vst v24;
	v24 =	vadd.f32 v51, v49;
	v49 =	vld [tilespmem:s31+$0x1820]  }
0x153: {  	v55 =	vld [tilespmem:$0x1FE70]  }
0x154: {  	v51 =	vld [tilespmem:s31+$0x830]  }
0x155: {  	v56 =	vld [tilespmem:$0x1FE80]  }
0x156: {  	[tilespmem:$0x1FF00] =	vst v63;
	v63 =	vld [tilespmem:s31+$0x1610]  }
0x157: {  	v43 =	vadd.f32 v49, v48;
	v48 =	vld [tilespmem:s31+$0x1940]  }
0x158: {  	v57 =	vld [tilespmem:$0x1FE90]  }
0x159: {  	v60 =	vld [tilespmem:$0x1FEA0]  }
0x15a: {  	v61 =	vld [tilespmem:$0x1FEB0]  }
0x15b: {  	[tilespmem:$0x1FF10] =	vst v63;
	v63 =	vld [tilespmem:s31+$0x620]  }
0x15c: {  	v62 =	vld [tilespmem:$0x1FEC0]  }
0x15d: {  	[tilespmem:s31+$0x2590] =	vst v25;
	v25 =	vadd.f32 v53, v52;
	v52 =	vld [tilespmem:$0x1FED0]  }
0x15e: {  	v53 =	vld [tilespmem:$0x1FEE0]  }
0x15f: {  	[tilespmem:s31+$0x25A0] =	vst v24;
	v24 =	vadd.f32 v55, v54;
	v54 =	vld [tilespmem:$0x1FEF0]  }
0x160: {  	[tilespmem:$0x1FF20] =	vst v63;
	v63 =	vld [tilespmem:s31+$0x1620]  }
0x161: {  	v55 =	vld [tilespmem:$0x1FF00]  }
0x162: {  	[tilespmem:s31+$0x25B0] =	vst v25;
	v25 =	vadd.f32 v57, v56;
	v56 =	vld [tilespmem:$0x1FF10]  }
0x163: {  	[tilespmem:s31+$0x25C0] =	vst v24;
	v24 =	vadd.f32 v61, v60;
	v61 =	vld [tilespmem:$0x1FF40]  }
0x164: {  	v57 =	vld [tilespmem:$0x1FF20]  }
0x165: {  	[tilespmem:$0x1FF30] =	vst v63;
	v63 =	vld [tilespmem:s31+$0x630]  }
0x166: {  	[tilespmem:s31+$0x25D0] =	vst v25;
	v25 =	vadd.f32 v52, v62;
	v52 =	vld [tilespmem:s31+$0x1830]  }
0x167: {  	[tilespmem:s31+$0x25E0] =	vst v24;
	v24 =	vadd.f32 v54, v53;
	v53 =	vld [tilespmem:s31+$0x840]  }
0x168: {  	v10 =	vadd.f32 v10, v19;
	v62 =	vld [tilespmem:$0x1FF50]  }
0x169: {  	v18 =	vadd.f32 v18, v27;
	v54 =	vld [tilespmem:s31+$0x1840]  }
0x16a: {  	[tilespmem:s31+$0x26E0] =	vst v10;
	v10 =	vadd.f32 v9, v8;
	v8 =	vld [tilespmem:s31+$0x8D0]  }
0x16b: {  	[tilespmem:s31+$0x26D0] =	vst v18;
	v9 =	vld [tilespmem:s31+$0x18D0]  }
0x16c: {  	[tilespmem:s31+$0x2740] =	vst v12;
	v12 =	vld [tilespmem:s31+$0x8F0]  }
0x16d: {  	[tilespmem:s31+$0x2750] =	vst v14;
	v14 =	vld [tilespmem:s31+$0x900]  }
0x16e: {  	v32 =	vadd.f32 v32, v31;
	[tilespmem:s31+$0x26F0] =	vst v0;
	v18 =	vadd.f32 v16, v15;
	v15 =	vld [tilespmem:s31+$0x1900]  }
0x16f: {  	v34 =	vadd.f32 v34, v33;
	[tilespmem:s31+$0x2700] =	vst v1;
	v16 =	vld [tilespmem:s31+$0x910]  }
0x170: {  	v36 =	vadd.f32 v36, v35;
	[tilespmem:s31+$0x27B0] =	vst v32;
	v32 =	vld [tilespmem:s31+$0x990]  }
0x171: {  	[tilespmem:s31+$0x27C0] =	vst v34;
	v34 =	vld [tilespmem:s31+$0x1990]  }
0x172: {  	[tilespmem:s31+$0x27D0] =	vst v36;
	v36 =	vld [tilespmem:s31+$0x9A0]  }
0x173: {  	[tilespmem:s31+$0x2800] =	vst v40;
	v40 =	vld [tilespmem:s31+$0x9B0]  }
0x174: {  	v27 =	vadd.f32 v26, v23;
	[tilespmem:s31+$0x2770] =	vst v20;
	v60 =	vld [tilespmem:$0x1FF30]  }
0x175: {  	[tilespmem:s31+$0x25F0] =	vst v25;
	v25 =	vadd.f32 v56, v55;
	v55 =	vld [tilespmem:s31+$0x850]  }
0x176: {  	[tilespmem:s31+$0x2790] =	vst v27;
	v56 =	vld [tilespmem:s31+$0x1850]  }
0x177: {  	[tilespmem:s31+$0x2730] =	vst v10;
	v10 =	vld [tilespmem:s31+$0x8E0]  }
0x178: {  	[tilespmem:s31+$0x2610] =	vst v25;
	v25 =	vadd.f32 v61, v63;
	v63 =	vld [tilespmem:$0x1FF60]  }
0x179: {  	v29 =	vadd.f32 v29, v28;
	[tilespmem:s31+$0x2760] =	vst v18;
	v18 =	vld [tilespmem:s31+$0x920]  }
0x17a: {  	[tilespmem:s31+$0x2600] =	vst v24;
	v24 =	vadd.f32 v60, v57;
	v57 =	vld [tilespmem:$0x1FF70]  }
0x17b: {  	[tilespmem:s31+$0x27A0] =	vst v29;
	v60 =	vld [tilespmem:$0x1FF80]  }
0x17c: {  	[tilespmem:s31+$0x27E0] =	vst v37;
	v61 =	vld [tilespmem:$0x1FF90]  }
0x17d: {  	[tilespmem:s31+$0x2620] =	vst v24;
	v24 =	vadd.f32 v63, v62;
	v62 =	vld [tilespmem:$0x1FFA0]  }
0x17e: {  	[tilespmem:s31+$0x2820] =	vst v43;
	v31 =	vadd.f32 v9, v8;
	v49 =	vadd.f32 v56, v55;
	v55 =	vld [tilespmem:s31+$0x960]  }
0x17f: {  	v35 =	vadd.f32 v13, v12;
	[tilespmem:s31+$0x2630] =	vst v25;
	v63 =	vld [tilespmem:$0x1FFB0]  }
0x180: {  	[tilespmem:s31+$0x28D0] =	vst v31;
	v25 =	vadd.f32 v60, v57;
	v60 =	vld [tilespmem:$0x1FFC0]  }
0x181: {  	v37 =	vadd.f32 v15, v14;
	[tilespmem:s31+$0x28F0] =	vst v35;
	v57 =	vld [tilespmem:s31+$0x860]  }
0x182: {  	[tilespmem:s31+$0x2640] =	vst v24;
	v24 =	vadd.f32 v62, v61;
	v61 =	vld [tilespmem:$0x1FFF0]  }
0x183: {  	[tilespmem:s31+$0x2900] =	vst v37;
	v62 =	vadd.f32 v50, v59;
	v50 =	vld [tilespmem:s31+$0x1870]  }
0x184: {  	v33 =	vadd.f32 v11, v10;
	[tilespmem:s31+$0x2850] =	vst v49;
	v59 =	vld [tilespmem:s31+$0x1890]  }
0x185: {  	[tilespmem:s31+$0x2650] =	vst v25;
	v25 =	vadd.f32 v60, v63;
	v60 =	vld [tilespmem:$0x1FFE0]  }
0x186: {  	[tilespmem:s31+$0x28E0] =	vst v33;
	v63 =	vadd.f32 v38, v47;
	v38 =	vld [tilespmem:s31+$0x880]  }
0x187: {  	v47 =	vadd.f32 v30, v39;
	v30 =	vld [tilespmem:s31+$0x1880];
	[tilespmem:s31+$0x2660] =	vst v24  }
0x188: {  	v39 =	vadd.f32 v42, v41;
	v41 =	vld [tilespmem:s31+$0x1920];
	[tilespmem:s31+$0x26A0] =	vst v62  }
0x189: {  	v42 =	vadd.f32 v46, v45;
	v46 =	vld [tilespmem:s31+$0x940];
	[tilespmem:s31+$0x2670] =	vst v25  }
0x18a: {  	v45 =	vadd.f32 v52, v51;
	v51 =	vld [tilespmem:s31+$0x950];
	[tilespmem:s31+$0x26B0] =	vst v63  }
0x18b: {  	v24 =	vld [tilespmem:$0x1FFD0];
	[tilespmem:s31+$0x26C0] =	vst v47  }
0x18c: {  	v62 =	vadd.f32 v6, v5;
	v5 =	vld [tilespmem:s31+$0x8C0];
	[tilespmem:s31+$0x27F0] =	vst v39  }
0x18d: {  	v6 =	vld [tilespmem:s31+$0x18C0];
	[tilespmem:s31+$0x2810] =	vst v42  }
0x18e: {  	v63 =	vld [tilespmem:s31+$0x18B0];
	v47 =	vadd.f32 v54, v53;
	[tilespmem:s31+$0x2830] =	vst v45  }
0x18f: {  	v53 =	vld [tilespmem:s31+$0x1950];
	v39 =	vadd.f32 v17, v16;
	[tilespmem:s31+$0x2720] =	vst v62  }
0x190: {  	v42 =	vld [tilespmem:s31+$0x19B0];
	v25 =	vadd.f32 v58, v61;
	[tilespmem:s31+$0x2840] =	vst v47  }
0x191: {  	v58 =	vld [tilespmem:s31+$0x870];
	v61 =	vadd.f32 v4, v3;
	[tilespmem:s31+$0x2910] =	vst v39  }
0x192: {  	v3 =	vld [tilespmem:s31+$0x8B0];
	v56 =	vadd.f32 v30, v38;
	[tilespmem:s31+$0x2690] =	vst v25  }
0x193: {  	v30 =	vld [tilespmem:s31+$0x1980];
	v41 =	vadd.f32 v41, v18;
	[tilespmem:s31+$0x2710] =	vst v61  }
0x194: {  	v38 =	vld [tilespmem:s31+$0x19A0];
	v45 =	vadd.f32 v48, v46;
	[tilespmem:s31+$0x2880] =	vst v56  }
0x195: {  	v24 =	vadd.f32 v60, v24;
	v60 =	vld [tilespmem:s31+$0x1860];
	[tilespmem:s31+$0x2920] =	vst v41  }
0x196: {  	v25 =	vld [tilespmem:s31+$0x890];
	v47 =	vadd.f32 v53, v51;
	[tilespmem:s31+$0x2940] =	vst v45  }
0x197: {  	v46 =	vld [tilespmem:s31+$0x19C0];
	[tilespmem:s31+$0x2680] =	vst v24;
	v24 =	vadd.f32 v22, v21  }
0x198: {  	v61 =	vld [tilespmem:s31+$0x1970];
	v54 =	vadd.f32 v50, v58;
	[tilespmem:s31+$0x2950] =	vst v47  }
0x199: {  	v21 =	vld [tilespmem:s31+$0x930];
	v62 =	vadd.f32 v63, v3;
	[tilespmem:s31+$0x2780] =	vst v24  }
0x19a: {  	v63 =	vld [tilespmem:s31+$0x980];
	v52 =	vadd.f32 v60, v57;
	[tilespmem:s31+$0x2870] =	vst v54  }
0x19b: {  	v57 =	vld [tilespmem:s31+$0x1960];
	v58 =	vadd.f32 v59, v25;
	[tilespmem:s31+$0x28B0] =	vst v62  }
0x19c: {  	v59 =	vld [tilespmem:s31+$0x970];
	v60 =	vadd.f32 v2, v7;
	[tilespmem:s31+$0x2860] =	vst v52  }
0x19d: {  	v48 =	vld [tilespmem:s31+$0x9D0];
	v25 =	vadd.f32 v6, v5;
	[tilespmem:s31+$0x2890] =	vst v58  }
0x19e: {  	v56 =	vld [tilespmem:s31+$0x9F0];
	[tilespmem:s31+$0x28A0] =	vst v60;
	v43 =	vadd.f32 v44, v21  }
0x19f: {  	v50 =	vld [tilespmem:s31+$0x19D0];
	[tilespmem:s31+$0x28C0] =	vst v25;
	v53 =	vadd.f32 v30, v63  }
0x1a0: {  	v54 =	vld [tilespmem:s31+$0x19E0];
	[tilespmem:s31+$0x2930] =	vst v43;
	v49 =	vadd.f32 v57, v55  }
0x1a1: {  	v44 =	vld [tilespmem:s31+$0x9C0];
	v51 =	vadd.f32 v61, v59;
	[tilespmem:s31+$0x2980] =	vst v53  }
0x1a2: {  	v52 =	vld [tilespmem:s31+$0x9E0];
	v55 =	vadd.f32 v34, v32;
	[tilespmem:s31+$0x2960] =	vst v49  }
0x1a3: {  	v58 =	vld [tilespmem:s31+$0x19F0];
	v57 =	vadd.f32 v38, v36;
	[tilespmem:s31+$0x2970] =	vst v51  }
0x1a4: {  	v59 =	vadd.f32 v42, v40;
	[tilespmem:s31+$0x2990] =	vst v55  }
0x1a5: {  	v61 =	vadd.f32 v50, v48;
	[tilespmem:s31+$0x29A0] =	vst v57  }
0x1a6: {  	v60 =	vadd.f32 v46, v44;
	[tilespmem:s31+$0x29B0] =	vst v59  }
0x1a7: {  	v62 =	vadd.f32 v54, v52;
	[tilespmem:s31+$0x29D0] =	vst v61  }
0x1a8: {  	v63 =	vadd.f32 v58, v56;
	[tilespmem:s31+$0x29C0] =	vst v60  }
0x1a9: {  	[tilespmem:s31+$0x29E0] =	vst v62  }
0x1aa: {  	[tilespmem:s31+$0x29F0] =	vst v63  }
0x1ab: {  	_ =	swait.ge [sflag:s21], $0x4000  }
.Ltmp5:
0x1ac: {  	[sflag:s21] =	ssyncset.done $0x0;
	(pc) =	sbr.rel .LBB2_4-.Ltmp5, $4  }
0x1ad: {  	s0 =	sor.u32 $0x2200, s31;
	s31 =	sshll.u32 s30, $0xE;
	[sflag:s21] =	ssyncadd.s32 $0xFFFFC000  }
0x1ae: {  	[hbm4b:s28+s2] =	stream.linear.scatter [tilespmem:s0], [sflag:$0x4], $0x800, $0x38;
	[tilespmem:$0xB200] =	vst v63  }
0x1af: {  	s0 =	sor.u32 $0x3200, s31  }
0x1b0: {  	[hbm4b:s26+s2] =	stream.linear.scatter [tilespmem:s0], [sflag:$0x4], $0x4000, $0x38;
	[tilespmem:$0xB200] =	vst v63  }
.LBB2_6:
0x1b1: {  	_ =	sfence.sel $0x180000  }
0x1b2: {  	[bflag:$0x0] =	sbarrier.arrive $0xFFFF  }
0x1b3: {  	_ =	strace $0x90000047  }
0x1b4: {  	s0 =	stileid.u32;
	[bflag:$0x2] =	sbarrier.arrive $0xFFFF  }
0x1b5: {  	p0 =	sne.s32 s0, $0x0;
	s0 =	rddreg [dreg:$0x2]  }
0x1b6: {  	s0 =	sadd.s32 @!p0 $0x100000, s0  }
0x1b7: {  	[sflag:s0] =	ssyncadd.tile.s32 @!p0 $0x1;
	_ =	shalt  }
.Lfunc_end2:
_tile_overlayer_lowered:
.L_overlay_start_2:
0x1b8: {  	(tag) =	ssettag $0x2  }
0x1b9: {  	s0 =	rddreg [dreg:$0x0];
	s2 =	stileid.u32  }
0x1ba: {  	s1 =	rddreg [dreg:$0x1];
	p0 =	sne.s32 s2, $0x0  }
0x1bb: {  	s3 =	rddreg [dreg:$0x2];
	[bflag:$0x3] =	sbarrier.arrive $0xFFFF;
	s2 =	simm.s32 @!p0 $0x1C05  }
0x1bc: {  	[timem:s3], [sflag:s2] =	dma.local @!p0 [hbm:s0], s1  }
0x1bd: {  	s0 =	simm.s32 @!p0 $0x5  }
0x1be: {  	_ =	swait.ge @!p0 [sflag:s0], s1  }
0x1bf: {  	s1 =	ssub.s32 @!p0 $0x0, s1;
	[sflag:s0] =	ssyncset.done @!p0 $0x0  }
0x1c0: {  	[sflag:s0] =	ssyncadd.s32 @!p0 s1  }
0x1c1: {  	[bflag:$0x3] =	sbarrier.arrive $0xFFFF  }
0x1c2: {  	_ =	shalt  }

</sc_bundles>
